<compile_context>
chip_gen: v7x
topology: tpu7x:2x2x1
jax: 0.10.2.dev20260603
libtpu: 0.0.44.dev20260713+nightly
codegen_flags: <defaults>
</compile_context>

<pallas_src>
import functools

import jax
import jax.numpy as jnp
from jax import lax
from jax.experimental import pallas as pl
from jax.experimental.pallas import tpu as pltpu
from jax.experimental.pallas import tpu_sc as plsc

N = 100000
E = 1600000
DIM = 32
H = 16
NC = 2
NS = 16
CH = 128
NCH = 784
TPW = NCH * CH
E_PAD = NS * TPW
N_ACC = 100352
ZPT = N_ACC // NS
NB = 4
Q = 2 * NB


def _mp_body(edge_split, xt, ept, srcoff, dstp, zrows, out, sd, xg, ev, ms,
             acc, sem_sd, sem_g, sem_e, sem_sc):
    c = lax.axis_index("c")
    s = lax.axis_index("s")
    pltpu.sync_copy(zrows, acc.at[pl.ds(s * ZPT, ZPT)])
    plsc.subcore_barrier()
    if edge_split:
        tbase = (c * NS + s) * (TPW // NC)
        nch = NCH // NC
    else:
        tbase = s * TPW
        nch = NCH

    def sd_copies(j, q):
        ebase = tbase + j * CH
        if edge_split:
            src_sl = srcoff.at[pl.ds(ebase, CH)]
        else:
            src_sl = srcoff.at[c, pl.ds(ebase, CH)]
        return (pltpu.make_async_copy(src_sl, sd.at[q, 0], sem_sd.at[q]),
                pltpu.make_async_copy(dstp.at[pl.ds(ebase, CH)], sd.at[q, 1],
                                      sem_sd.at[q]))

    def ev_copy(j, b):
        rbase = (tbase + j * CH) // 8
        if edge_split:
            src_sl = ept.at[pl.ds(rbase, CH // 8)]
        else:
            src_sl = ept.at[c, pl.ds(rbase, CH // 8)]
        return pltpu.make_async_copy(src_sl, ev.at[b], sem_e.at[b])

    def gather_copy(q, b):
        return pltpu.make_async_copy(xt.at[sd.at[q, 0]], xg.at[b],
                                     sem_g.at[b])

    def scatter_copy(q, b):
        return pltpu.make_async_copy(ms.at[b], acc.at[sd.at[q, 1]],
                                     sem_sc.at[b])

    for k in range(NB):
        for d in sd_copies(k, k):
            d.start()
        ev_copy(k, k).start()
    for d in sd_copies(0, 0):
        d.wait()
    gather_copy(0, 0).start()

    @pl.loop(0, nch, step=Q)
    def _outer(j0):
        for b2 in range(Q):
            j = j0 + b2
            b = b2 % NB
            q = b2

            @pl.when(j >= NB)
            def _():
                scatter_copy((b2 - NB) % Q, b).wait()

            gather_copy(q, b).wait()
            ev_copy(j, b).wait()

            @plsc.parallel_loop(0, CH, 1, unroll=8)
            def _row(i):
                ef = ev[b, i // 8, pl.ds((i % 8) * H, H)]
                ms[b, i, :] = jnp.maximum(xg[b, i, :] + ef, 0.0)

            scatter_copy(q, b).start(add=True)

            @pl.when(j + NB < nch)
            def _():
                for d in sd_copies(j + NB, (b2 + NB) % Q):
                    d.start()
                ev_copy(j + NB, b).start()

            @pl.when(j + 1 < nch)
            def _():
                for d in sd_copies(j + 1, (b2 + 1) % Q):
                    d.wait()
                gather_copy((b2 + 1) % Q, (b2 + 1) % NB).start()

    for b2 in range(NB, Q):
        scatter_copy(b2, b2 - NB).wait()

    plsc.subcore_barrier()
    pltpu.sync_copy(acc.at[pl.ds(s * ZPT, ZPT)], out.at[c, pl.ds(s * ZPT, ZPT)])


def _mp_call(edge_split, xt, ept, srcoff, dstp, zrows):
    mesh = plsc.VectorSubcoreMesh(
        core_axis_name="c", subcore_axis_name="s", num_cores=NC, num_subcores=NS)
    f = functools.partial(
        pl.kernel,
        out_type=jax.ShapeDtypeStruct((NC, N_ACC, H), jnp.float32),
        mesh=mesh,
        scratch_types=[
            pltpu.VMEM((Q, 2, CH), jnp.int32),
            pltpu.VMEM((NB, CH, H), jnp.float32),
            pltpu.VMEM((NB, CH // 8, 8 * H), jnp.float32),
            pltpu.VMEM((NB, CH, H), jnp.float32),
            pltpu.VMEM_SHARED((N_ACC, H), jnp.float32),
            pltpu.SemaphoreType.DMA((Q,)),
            pltpu.SemaphoreType.DMA((NB,)),
            pltpu.SemaphoreType.DMA((NB,)),
            pltpu.SemaphoreType.DMA((NB,)),
        ],
        compiler_params=pltpu.CompilerParams(use_tc_tiling_on_sc=False),
        name="gin_message_passing",
    )(functools.partial(_mp_body, edge_split))
    return f(xt, ept, srcoff, dstp, zrows)


_mp = jax.jit(functools.partial(_mp_call, False))
_mp_es = jax.jit(functools.partial(_mp_call, True))

BR = 4096


def _dot(a, b):
    bf = jnp.bfloat16
    a_hi = a.astype(bf)
    b_hi = b.astype(bf)
    a_lo = (a - a_hi.astype(jnp.float32)).astype(bf)
    b_lo = (b - b_hi.astype(jnp.float32)).astype(bf)
    f32 = jnp.float32
    return (jnp.dot(a_hi, b_hi, preferred_element_type=f32)
            + jnp.dot(a_hi, b_lo, preferred_element_type=f32)
            + jnp.dot(a_lo, b_hi, preferred_element_type=f32))


def _emlp_body2(a_ref, w1_ref, b1_ref, w2_ref, b2_ref, o_ref):
    e1 = jnp.maximum(_dot(a_ref[...], w1_ref[...]) + b1_ref[...], 0.0)
    o_ref[0] = _dot(e1, w2_ref[0]) + b2_ref[0]
    o_ref[1] = _dot(e1, w2_ref[1]) + b2_ref[1]


def _emlp_body1(a_ref, w1_ref, b1_ref, w2_ref, b2_ref, o_ref):
    e1 = jnp.maximum(_dot(a_ref[...], w1_ref[...]) + b1_ref[...], 0.0)
    o_ref[...] = _dot(e1, w2_ref[...]) + b2_ref[...]


def _edge_mlp(nout, eaP, w1b, b1b, w2b, b2b):
    R = E_PAD // 8
    if nout == 2:
        out_shape = jax.ShapeDtypeStruct((NC, R, 8 * H), jnp.float32)
        o_spec = pl.BlockSpec((NC, BR, 8 * H), lambda i: (0, i, 0))
        w2_spec = pl.BlockSpec(w2b.shape, lambda i: (0, 0, 0))
        b2_spec = pl.BlockSpec(b2b.shape, lambda i: (0, 0, 0))
        body = _emlp_body2
    else:
        out_shape = jax.ShapeDtypeStruct((R, 8 * H), jnp.float32)
        o_spec = pl.BlockSpec((BR, 8 * H), lambda i: (i, 0))
        w2_spec = pl.BlockSpec(w2b.shape, lambda i: (0, 0))
        b2_spec = pl.BlockSpec(b2b.shape, lambda i: (0, 0))
        body = _emlp_body1
    return pl.pallas_call(
        body,
        grid=(R // BR,),
        in_specs=[
            pl.BlockSpec((BR, 32), lambda i: (i, 0)),
            pl.BlockSpec(w1b.shape, lambda i: (0, 0)),
            pl.BlockSpec(b1b.shape, lambda i: (0, 0)),
            w2_spec,
            b2_spec,
        ],
        out_specs=o_spec,
        out_shape=out_shape,
        name="edge_mlp",
    )(eaP, w1b, b1b, w2b, b2b)


def _blockdiag8(m):
    a, b = m.shape
    out = jnp.zeros((8, a, 8, b), m.dtype)
    out = out.at[jnp.arange(8), :, jnp.arange(8), :].set(m)
    return out.reshape(8 * a, 8 * b)


def _set2set(x, batch, p, num_graphs, steps=6):
    Hd = x.shape[1]
    ohb = batch[:, None] == jnp.arange(num_graphs, dtype=batch.dtype)[None, :]
    oh = ohb.astype(x.dtype)
    q_star = jnp.zeros((num_graphs, 2 * Hd), dtype=x.dtype)
    h = jnp.zeros((num_graphs, Hd), dtype=x.dtype)
    c = jnp.zeros((num_graphs, Hd), dtype=x.dtype)
    for _ in range(steps):
        gates = q_star @ p['w_ih'].T + p['b_ih'] + h @ p['w_hh'].T + p['b_hh']
        i, f, g, o = jnp.split(gates, 4, axis=1)
        i = jax.nn.sigmoid(i); f = jax.nn.sigmoid(f)
        g = jnp.tanh(g); o = jax.nn.sigmoid(o)
        c = f * c + i * g
        h = o * jnp.tanh(c)
        q = h
        e = jnp.sum(x * (oh @ q), axis=-1)
        emax = jnp.max(jnp.where(ohb, e[:, None], -1e30), axis=0)
        ee = jnp.exp(e - oh @ emax)
        denom = ee @ oh
        a = ee / (oh @ denom + 1e-16)
        r = jnp.einsum('ng,nd->gd', oh, a[:, None] * x)
        q_star = jnp.concatenate([q, r], axis=1)
    return q_star


def kernel(x, edge_index, edge_attr, batch, params):
    f32 = jnp.float32
    src = edge_index[0]
    dst = edge_index[1]
    npad = E_PAD - E
    srcp = jnp.concatenate([src, (jnp.arange(npad, dtype=jnp.int32) * 997) % N])
    dstp = jnp.concatenate([dst, N + (jnp.arange(npad, dtype=jnp.int32) % 8)])
    srcoff = srcp[None, :] + (jnp.arange(NC, dtype=jnp.int32) * N)[:, None]
    zrows = jnp.zeros((ZPT, H), f32)
    eaP = jnp.pad(edge_attr, ((0, npad), (0, 0))).reshape(E_PAD // 8, 32)

    h = x
    for p in params['convs']:
        d1 = p['mlp1']['w'].shape[0]
        w1t = jnp.pad(p['be1']['w'].T, ((0, 0), (0, DIM - d1)))
        w1b = _blockdiag8(w1t)
        b1b = jnp.tile(jnp.pad(p['be1']['b'], (0, DIM - d1)), 8)[None, :]
        w2t = p['be2']['w'].T
        if d1 == DIM:
            w2b = jnp.stack([_blockdiag8(w2t[:, :H]),
                             _blockdiag8(w2t[:, H:])])
            b2b = jnp.stack([jnp.tile(p['be2']['b'][:H], 8),
                             jnp.tile(p['be2']['b'][H:], 8)])[:, None, :]
            ept = _edge_mlp(2, eaP, w1b, b1b, w2b, b2b)
            xt = h.reshape(N, NC, H).transpose(1, 0, 2).reshape(NC * N, H)
            agg2 = _mp(xt, ept, srcoff, dstp, zrows)
            agg = jnp.concatenate([agg2[0, :N], agg2[1, :N]], axis=1)
        else:
            w2tp = jnp.pad(w2t, ((0, DIM - d1), (0, H - d1)))
            w2b = _blockdiag8(w2tp)
            b2b = jnp.tile(jnp.pad(p['be2']['b'], (0, H - d1)), 8)[None, :]
            ept = _edge_mlp(1, eaP, w1b, b1b, w2b, b2b)
            xt = jnp.pad(h, ((0, 0), (0, H - d1)))
            agg2 = _mp_es(xt, ept, srcp, dstp, zrows)
            agg = (agg2[0, :N, :d1] + agg2[1, :N, :d1])
        hh = (1.0 + p['eps']) * h + agg
        hh = jax.nn.relu(hh @ p['mlp1']['w'].T + p['mlp1']['b'])
        hh = hh @ p['mlp2']['w'].T + p['mlp2']['b']
        h = jax.nn.relu(hh)

    q = _set2set(h, batch, params['s2s'], 64, steps=6)
    out = jax.nn.relu(q @ params['fc1']['w'].T + params['fc1']['b'])
    out = out @ params['fc4']['w'].T + params['fc4']['b']
    return out

# --- scband reference (transcript-rebuilt; emitter-appended) ---
"""Pipeline reference for scband-net-gine-13340168421427 (READ-ONLY COPY).

The authoritative reference and input builder live on the scoring server;
editing this copy changes nothing except your own understanding.
"""

import jax, jax.numpy as jnp
import numpy as np

DIM = 32
NUM_GRAPHS = 64
N_NODES = 100000
N_EDGES = 1600000


def _make_params(key):
    ks = iter(jax.random.split(key, 64))
    def lin(o, i):
        return {'w': jax.random.normal(next(ks), (o, i), dtype=jnp.float32) * 0.1,
                'b': jnp.zeros((o,), dtype=jnp.float32)}
    convs = []
    dims = [(4, 6, DIM)] + [(4, DIM, DIM)] * 5
    for emb, d1, d2 in dims:
        convs.append({
            'be1': lin(d1, emb), 'be2': lin(d1, d1),
            'mlp1': lin(d1, d1), 'mlp2': lin(d2, d1),
            'eps': jnp.zeros((), dtype=jnp.float32),
        })
    s2s = {'w_ih': jax.random.normal(next(ks), (4 * DIM, 2 * DIM), dtype=jnp.float32) * 0.1,
           'w_hh': jax.random.normal(next(ks), (4 * DIM, DIM), dtype=jnp.float32) * 0.1,
           'b_ih': jnp.zeros((4 * DIM,), dtype=jnp.float32),
           'b_hh': jnp.zeros((4 * DIM,), dtype=jnp.float32)}
    return {'convs': convs, 's2s': s2s, 'fc1': lin(DIM, 2 * DIM), 'fc4': lin(12, DIM)}


def setup_inputs(seed: int = 0) -> dict:
    key = jax.random.key(seed)
    k1, k2, k3, k4, k5 = jax.random.split(key, 5)
    x = jax.random.normal(k1, (N_NODES, 6), dtype=jnp.float32)
    edge_index = jax.random.randint(k2, (2, N_EDGES), 0, N_NODES, dtype=jnp.int32)
    edge_attr = jax.random.normal(k3, (N_EDGES, 4), dtype=jnp.float32)
    batch = jnp.sort(jax.random.randint(k4, (N_NODES,), 0, NUM_GRAPHS, dtype=jnp.int32))
    params = _make_params(k5)
    return {'x': x, 'edge_index': edge_index, 'edge_attr': edge_attr, 'batch': batch, 'params': params}


def _gin_conv(x, edge_attr, src, dst, p):
    e = edge_attr @ p['be1']['w'].T + p['be1']['b']
    e = jax.nn.relu(e)
    e = e @ p['be2']['w'].T + p['be2']['b']
    msg = jax.nn.relu(x[src] + e)
    agg = jax.ops.segment_sum(msg, dst, num_segments=x.shape[0])
    h = (1.0 + p['eps']) * x + agg
    h = jax.nn.relu(h @ p['mlp1']['w'].T + p['mlp1']['b'])
    h = h @ p['mlp2']['w'].T + p['mlp2']['b']
    return h


def _set2set(x, batch, p, num_graphs, steps=6):
    H = x.shape[1]
    q_star = jnp.zeros((num_graphs, 2 * H), dtype=x.dtype)
    h = jnp.zeros((num_graphs, H), dtype=x.dtype)
    c = jnp.zeros((num_graphs, H), dtype=x.dtype)
    for _ in range(steps):
        gates = q_star @ p['w_ih'].T + p['b_ih'] + h @ p['w_hh'].T + p['b_hh']
        i, f, g, o = jnp.split(gates, 4, axis=1)
        i = jax.nn.sigmoid(i); f = jax.nn.sigmoid(f)
        g = jnp.tanh(g); o = jax.nn.sigmoid(o)
        c = f * c + i * g
        h = o * jnp.tanh(c)
        q = h
        e = jnp.sum(x * q[batch], axis=-1)
        emax = jax.lax.stop_gradient(jax.ops.segment_max(e, batch, num_segments=num_graphs))
        ee = jnp.exp(e - emax[batch])
        denom = jax.ops.segment_sum(ee, batch, num_segments=num_graphs)
        a = ee / (denom[batch] + 1e-16)
        r = jax.ops.segment_sum(a[:, None] * x, batch, num_segments=num_graphs)
        q_star = jnp.concatenate([q, r], axis=1)
    return q_star


def _forward(x, edge_attr, params, edge_index, batch):
    src = edge_index[0]
    dst = edge_index[1]
    h = x
    for p in params['convs']:
        h = jax.nn.relu(_gin_conv(h, edge_attr, src, dst, p))
    q = _set2set(h, batch, params['s2s'], NUM_GRAPHS, steps=6)
    out = jax.nn.relu(q @ params['fc1']['w'].T + params['fc1']['b'])
    out = out @ params['fc4']['w'].T + params['fc4']['b']
    return out


def reference(x, edge_index, edge_attr, batch, params):
    return _forward(x, edge_attr, params, edge_index, batch)

if __name__ == "__main__":
    import jax
    _d = setup_inputs()
    print(jax.jit(kernel)(*tuple(_d.values())))

</pallas_src>

<mosaic_0001>
#map = affine_map<(d0, d1) -> (0, 0)>
#map1 = affine_map<(d0, d1) -> (0)>
#map2 = affine_map<(d0, d1) -> (0, 0, 0)>
module attributes {stable_mosaic.version = 14 : i64} {
  func.func @gin_message_passing(%arg0: i32, %arg1: i32, %arg2: memref<100000x16xf32, #tpu.memory_space<hbm>>, %arg3: memref<200704x128xf32, #tpu.memory_space<hbm>>, %arg4: memref<1605632xi32, #tpu.memory_space<hbm>>, %arg5: memref<1605632xi32, #tpu.memory_space<hbm>>, %arg6: memref<6272x16xf32, #tpu.memory_space<hbm>>, %arg7: memref<2x100352x16xf32, #tpu.memory_space<hbm>>, %arg8: memref<8x2x128xi32, #tpu.memory_space<vmem>>, %arg9: memref<4x128x16xf32, #tpu.memory_space<vmem>>, %arg10: memref<4x16x128xf32, #tpu.memory_space<vmem>>, %arg11: memref<4x128x16xf32, #tpu.memory_space<vmem>>, %arg12: memref<100352x16xf32, #tpu.memory_space<vmem_shared>>, %arg13: memref<8x!tpu.dma_semaphore, #tpu.memory_space<semaphore_mem>>, %arg14: memref<4x!tpu.dma_semaphore, #tpu.memory_space<semaphore_mem>>, %arg15: memref<4x!tpu.dma_semaphore, #tpu.memory_space<semaphore_mem>>, %arg16: memref<4x!tpu.dma_semaphore, #tpu.memory_space<semaphore_mem>>) attributes {dimension_semantics = [#tpu.dimension_semantics<core_parallel>, #tpu.dimension_semantics<subcore_parallel>], iteration_bounds = array<i64: 2, 16>, scalar_prefetch = 0 : i64, scratch_operands = 9 : i64, tpu.core_type = #tpu.core_type<sc_vector_subcore>, window_params = [{transform_indices = #map}, {transform_indices = #map}, {transform_indices = #map1}, {transform_indices = #map1}, {transform_indices = #map}, {transform_indices = #map2}]} {
    %mul3A = arith.constant 6272 : i32
    %mul3A_0 = arith.muli %arg1, %mul3A : i32
    "tpu.region"() ({
      %run_scoped3A = tpu.sem_alloc : memref<!tpu.dma_semaphore, #tpu.memory_space<semaphore_mem>>
      %dma_start3A_392 = arith.constant 0 : i32
      %dma_start3A_393 = tpu.memref_slice %arg12[%mul3A_0, %dma_start3A_392] : memref<100352x16xf32, #tpu.memory_space<vmem_shared>> -> memref<6272x16xf32, #tpu.memory_space<vmem_shared>>
      tpu.enqueue_dma source(%arg6 : memref<6272x16xf32, #tpu.memory_space<hbm>>) target(%dma_start3A_393 : memref<6272x16xf32, #tpu.memory_space<vmem_shared>>) target_semaphore(%run_scoped3A : memref<!tpu.dma_semaphore, #tpu.memory_space<semaphore_mem>>)
      %dma_wait3A_394 = arith.constant 0 : i32
      %dma_wait3A_395 = tpu.memref_slice %arg12[%mul3A_0, %dma_wait3A_394] : memref<100352x16xf32, #tpu.memory_space<vmem_shared>> -> memref<6272x16xf32, #tpu.memory_space<vmem_shared>>
      tpu.wait_dma2 semaphore(%run_scoped3A : memref<!tpu.dma_semaphore, #tpu.memory_space<semaphore_mem>>) src(%arg6 : memref<6272x16xf32, #tpu.memory_space<hbm>>) dst(%dma_wait3A_395 : memref<6272x16xf32, #tpu.memory_space<vmem_shared>>)
      tpu.yield
    }) : () -> ()
    %barrier3A = arith.constant 0 : index
    tpu.barrier barrier_id(%barrier3A)
    %mul3A_1 = arith.constant 16 : i32
    %mul3A_2 = arith.muli %arg0, %mul3A_1 : i32
    %add3A = arith.addi %mul3A_2, %arg1 : i32
    %mul3A_3 = arith.constant 50176 : i32
    %mul3A_4 = arith.muli %add3A, %mul3A_3 : i32
    %add3A_5 = arith.constant 0 : i32
    %add3A_6 = arith.addi %mul3A_4, %add3A_5 : i32
    %dma_start3A = arith.constant 0 : i32
    %dma_start3A_7 = arith.constant 0 : i32
    %dma_start3A_8 = arith.constant 0 : i32
    %dma_start3A_9 = arith.constant 0 : i32
    %dma_start3A_10 = tpu.memref_slice %arg8[%dma_start3A, %dma_start3A_7, %dma_start3A_9] : memref<8x2x128xi32, #tpu.memory_space<vmem>> -> memref<1x1x128xi32, #tpu.memory_space<vmem>>
    %dma_start3A_11 = tpu.memref_squeeze %dma_start3A_10 : memref<1x1x128xi32, #tpu.memory_space<vmem>> -> memref<128xi32, #tpu.memory_space<vmem>>
    %dma_start3A_12 = tpu.memref_slice %arg4[%add3A_6] : memref<1605632xi32, #tpu.memory_space<hbm>> -> memref<128xi32, #tpu.memory_space<hbm>>
    %dma_start3A_13 = tpu.memref_slice %arg13[%dma_start3A_8] : memref<8x!tpu.dma_semaphore, #tpu.memory_space<semaphore_mem>> -> memref<1x!tpu.dma_semaphore, #tpu.memory_space<semaphore_mem>>
    %dma_start3A_14 = tpu.memref_squeeze %dma_start3A_13 : memref<1x!tpu.dma_semaphore, #tpu.memory_space<semaphore_mem>> -> memref<!tpu.dma_semaphore, #tpu.memory_space<semaphore_mem>>
    %dma_start3A_15 = arith.constant 0 : i32
    %dma_start3A_16 = tpu.memref_slice %arg8[%dma_start3A, %dma_start3A_7, %dma_start3A_15] : memref<8x2x128xi32, #tpu.memory_space<vmem>> -> memref<1x1x128xi32, #tpu.memory_space<vmem>>
    %dma_start3A_17 = tpu.memref_squeeze %dma_start3A_16 : memref<1x1x128xi32, #tpu.memory_space<vmem>> -> memref<128xi32, #tpu.memory_space<vmem>>
    %dma_start3A_18 = tpu.memref_slice %arg4[%add3A_6] : memref<1605632xi32, #tpu.memory_space<hbm>> -> memref<128xi32, #tpu.memory_space<hbm>>
    tpu.enqueue_dma source(%dma_start3A_18 : memref<128xi32, #tpu.memory_space<hbm>>) target(%dma_start3A_17 : memref<128xi32, #tpu.memory_space<vmem>>) target_semaphore(%dma_start3A_14 : memref<!tpu.dma_semaphore, #tpu.memory_space<semaphore_mem>>)
    %dma_start3A_19 = arith.constant 0 : i32
    %dma_start3A_20 = arith.constant 1 : i32
    %dma_start3A_21 = arith.constant 0 : i32
    %dma_start3A_22 = arith.constant 0 : i32
    %dma_start3A_23 = tpu.memref_slice %arg8[%dma_start3A_19, %dma_start3A_20, %dma_start3A_22] : memref<8x2x128xi32, #tpu.memory_space<vmem>> -> memref<1x1x128xi32, #tpu.memory_space<vmem>>
    %dma_start3A_24 = tpu.memref_squeeze %dma_start3A_23 : memref<1x1x128xi32, #tpu.memory_space<vmem>> -> memref<128xi32, #tpu.memory_space<vmem>>
    %dma_start3A_25 = tpu.memref_slice %arg5[%add3A_6] : memref<1605632xi32, #tpu.memory_space<hbm>> -> memref<128xi32, #tpu.memory_space<hbm>>
    %dma_start3A_26 = tpu.memref_slice %arg13[%dma_start3A_21] : memref<8x!tpu.dma_semaphore, #tpu.memory_space<semaphore_mem>> -> memref<1x!tpu.dma_semaphore, #tpu.memory_space<semaphore_mem>>
    %dma_start3A_27 = tpu.memref_squeeze %dma_start3A_26 : memref<1x!tpu.dma_semaphore, #tpu.memory_space<semaphore_mem>> -> memref<!tpu.dma_semaphore, #tpu.memory_space<semaphore_mem>>
    %dma_start3A_28 = arith.constant 0 : i32
    %dma_start3A_29 = tpu.memref_slice %arg8[%dma_start3A_19, %dma_start3A_20, %dma_start3A_28] : memref<8x2x128xi32, #tpu.memory_space<vmem>> -> memref<1x1x128xi32, #tpu.memory_space<vmem>>
    %dma_start3A_30 = tpu.memref_squeeze %dma_start3A_29 : memref<1x1x128xi32, #tpu.memory_space<vmem>> -> memref<128xi32, #tpu.memory_space<vmem>>
    %dma_start3A_31 = tpu.memref_slice %arg5[%add3A_6] : memref<1605632xi32, #tpu.memory_space<hbm>> -> memref<128xi32, #tpu.memory_space<hbm>>
    tpu.enqueue_dma source(%dma_start3A_31 : memref<128xi32, #tpu.memory_space<hbm>>) target(%dma_start3A_30 : memref<128xi32, #tpu.memory_space<vmem>>) target_semaphore(%dma_start3A_27 : memref<!tpu.dma_semaphore, #tpu.memory_space<semaphore_mem>>)
    %add3A_32 = arith.constant 0 : i32
    %add3A_33 = arith.addi %mul3A_4, %add3A_32 : i32
    %jit3A = arith.constant 8 : i32
    %div3A = arith.divsi %add3A_33, %jit3A : i32
    %sign3A = arith.constant 0 : i32
    %sign3A_34 = arith.cmpi sgt, %add3A_33, %sign3A : i32
    %sign3A_35 = arith.extui %sign3A_34 : i1 to i32
    %sign3A_36 = arith.constant 0 : i32
    %sign3A_37 = arith.cmpi slt, %add3A_33, %sign3A_36 : i32
    %sign3A_38 = arith.extui %sign3A_37 : i1 to i32
    %sign3A_39 = arith.subi %sign3A_35, %sign3A_38 : i32
    %sign3A_40 = arith.constant 0 : i32
    %sign3A_41 = arith.cmpi sgt, %jit3A, %sign3A_40 : i32
    %sign3A_42 = arith.extui %sign3A_41 : i1 to i32
    %sign3A_43 = arith.constant 0 : i32
    %sign3A_44 = arith.cmpi slt, %jit3A, %sign3A_43 : i32
    %sign3A_45 = arith.extui %sign3A_44 : i1 to i32
    %sign3A_46 = arith.subi %sign3A_42, %sign3A_45 : i32
    %ne3A = arith.cmpi ne, %sign3A_39, %sign3A_46 : i32
    %rem3A = arith.remsi %add3A_33, %jit3A : i32
    %ne3A_47 = arith.constant 0 : i32
    %ne3A_48 = arith.cmpi ne, %rem3A, %ne3A_47 : i32
    %and3A = arith.andi %ne3A, %ne3A_48 : i1
    %sub3A = arith.constant 1 : i32
    %sub3A_49 = arith.subi %div3A, %sub3A : i32
    %select_n3A = arith.select %and3A, %sub3A_49, %div3A : i32
    %dma_start3A_50 = arith.constant 0 : i32
    %dma_start3A_51 = arith.constant 0 : i32
    %dma_start3A_52 = arith.constant 0 : i32
    %dma_start3A_53 = arith.constant 0 : i32
    %dma_start3A_54 = tpu.memref_slice %arg10[%dma_start3A_50, %dma_start3A_52, %dma_start3A_53] : memref<4x16x128xf32, #tpu.memory_space<vmem>> -> memref<1x16x128xf32, #tpu.memory_space<vmem>>
    %dma_start3A_55 = tpu.memref_squeeze %dma_start3A_54 : memref<1x16x128xf32, #tpu.memory_space<vmem>> -> memref<16x128xf32, #tpu.memory_space<vmem>>
    %dma_start3A_56 = arith.constant 0 : i32
    %dma_start3A_57 = tpu.memref_slice %arg3[%select_n3A, %dma_start3A_56] : memref<200704x128xf32, #tpu.memory_space<hbm>> -> memref<16x128xf32, #tpu.memory_space<hbm>>
    %dma_start3A_58 = tpu.memref_slice %arg15[%dma_start3A_51] : memref<4x!tpu.dma_semaphore, #tpu.memory_space<semaphore_mem>> -> memref<1x!tpu.dma_semaphore, #tpu.memory_space<semaphore_mem>>
    %dma_start3A_59 = tpu.memref_squeeze %dma_start3A_58 : memref<1x!tpu.dma_semaphore, #tpu.memory_space<semaphore_mem>> -> memref<!tpu.dma_semaphore, #tpu.memory_space<semaphore_mem>>
    %dma_start3A_60 = arith.constant 0 : i32
    %dma_start3A_61 = arith.constant 0 : i32
    %dma_start3A_62 = tpu.memref_slice %arg10[%dma_start3A_50, %dma_start3A_60, %dma_start3A_61] : memref<4x16x128xf32, #tpu.memory_space<vmem>> -> memref<1x16x128xf32, #tpu.memory_space<vmem>>
    %dma_start3A_63 = tpu.memref_squeeze %dma_start3A_62 : memref<1x16x128xf32, #tpu.memory_space<vmem>> -> memref<16x128xf32, #tpu.memory_space<vmem>>
    %dma_start3A_64 = arith.constant 0 : i32
    %dma_start3A_65 = tpu.memref_slice %arg3[%select_n3A, %dma_start3A_64] : memref<200704x128xf32, #tpu.memory_space<hbm>> -> memref<16x128xf32, #tpu.memory_space<hbm>>
    tpu.enqueue_dma source(%dma_start3A_65 : memref<16x128xf32, #tpu.memory_space<hbm>>) target(%dma_start3A_63 : memref<16x128xf32, #tpu.memory_space<vmem>>) target_semaphore(%dma_start3A_59 : memref<!tpu.dma_semaphore, #tpu.memory_space<semaphore_mem>>)
    %add3A_66 = arith.constant 128 : i32
    %add3A_67 = arith.addi %mul3A_4, %add3A_66 : i32
    %dma_start3A_68 = arith.constant 1 : i32
    %dma_start3A_69 = arith.constant 0 : i32
    %dma_start3A_70 = arith.constant 1 : i32
    %dma_start3A_71 = arith.constant 0 : i32
    %dma_start3A_72 = tpu.memref_slice %arg8[%dma_start3A_68, %dma_start3A_69, %dma_start3A_71] : memref<8x2x128xi32, #tpu.memory_space<vmem>> -> memref<1x1x128xi32, #tpu.memory_space<vmem>>
    %dma_start3A_73 = tpu.memref_squeeze %dma_start3A_72 : memref<1x1x128xi32, #tpu.memory_space<vmem>> -> memref<128xi32, #tpu.memory_space<vmem>>
    %dma_start3A_74 = tpu.memref_slice %arg4[%add3A_67] : memref<1605632xi32, #tpu.memory_space<hbm>> -> memref<128xi32, #tpu.memory_space<hbm>>
    %dma_start3A_75 = tpu.memref_slice %arg13[%dma_start3A_70] : memref<8x!tpu.dma_semaphore, #tpu.memory_space<semaphore_mem>> -> memref<1x!tpu.dma_semaphore, #tpu.memory_space<semaphore_mem>>
    %dma_start3A_76 = tpu.memref_squeeze %dma_start3A_75 : memref<1x!tpu.dma_semaphore, #tpu.memory_space<semaphore_mem>> -> memref<!tpu.dma_semaphore, #tpu.memory_space<semaphore_mem>>
    %dma_start3A_77 = arith.constant 0 : i32
    %dma_start3A_78 = tpu.memref_slice %arg8[%dma_start3A_68, %dma_start3A_69, %dma_start3A_77] : memref<8x2x128xi32, #tpu.memory_space<vmem>> -> memref<1x1x128xi32, #tpu.memory_space<vmem>>
    %dma_start3A_79 = tpu.memref_squeeze %dma_start3A_78 : memref<1x1x128xi32, #tpu.memory_space<vmem>> -> memref<128xi32, #tpu.memory_space<vmem>>
    %dma_start3A_80 = tpu.memref_slice %arg4[%add3A_67] : memref<1605632xi32, #tpu.memory_space<hbm>> -> memref<128xi32, #tpu.memory_space<hbm>>
    tpu.enqueue_dma source(%dma_start3A_80 : memref<128xi32, #tpu.memory_space<hbm>>) target(%dma_start3A_79 : memref<128xi32, #tpu.memory_space<vmem>>) target_semaphore(%dma_start3A_76 : memref<!tpu.dma_semaphore, #tpu.memory_space<semaphore_mem>>)
    %dma_start3A_81 = arith.constant 1 : i32
    %dma_start3A_82 = arith.constant 1 : i32
    %dma_start3A_83 = arith.constant 1 : i32
    %dma_start3A_84 = arith.constant 0 : i32
    %dma_start3A_85 = tpu.memref_slice %arg8[%dma_start3A_81, %dma_start3A_82, %dma_start3A_84] : memref<8x2x128xi32, #tpu.memory_space<vmem>> -> memref<1x1x128xi32, #tpu.memory_space<vmem>>
    %dma_start3A_86 = tpu.memref_squeeze %dma_start3A_85 : memref<1x1x128xi32, #tpu.memory_space<vmem>> -> memref<128xi32, #tpu.memory_space<vmem>>
    %dma_start3A_87 = tpu.memref_slice %arg5[%add3A_67] : memref<1605632xi32, #tpu.memory_space<hbm>> -> memref<128xi32, #tpu.memory_space<hbm>>
    %dma_start3A_88 = tpu.memref_slice %arg13[%dma_start3A_83] : memref<8x!tpu.dma_semaphore, #tpu.memory_space<semaphore_mem>> -> memref<1x!tpu.dma_semaphore, #tpu.memory_space<semaphore_mem>>
    %dma_start3A_89 = tpu.memref_squeeze %dma_start3A_88 : memref<1x!tpu.dma_semaphore, #tpu.memory_space<semaphore_mem>> -> memref<!tpu.dma_semaphore, #tpu.memory_space<semaphore_mem>>
    %dma_start3A_90 = arith.constant 0 : i32
    %dma_start3A_91 = tpu.memref_slice %arg8[%dma_start3A_81, %dma_start3A_82, %dma_start3A_90] : memref<8x2x128xi32, #tpu.memory_space<vmem>> -> memref<1x1x128xi32, #tpu.memory_space<vmem>>
    %dma_start3A_92 = tpu.memref_squeeze %dma_start3A_91 : memref<1x1x128xi32, #tpu.memory_space<vmem>> -> memref<128xi32, #tpu.memory_space<vmem>>
    %dma_start3A_93 = tpu.memref_slice %arg5[%add3A_67] : memref<1605632xi32, #tpu.memory_space<hbm>> -> memref<128xi32, #tpu.memory_space<hbm>>
    tpu.enqueue_dma source(%dma_start3A_93 : memref<128xi32, #tpu.memory_space<hbm>>) target(%dma_start3A_92 : memref<128xi32, #tpu.memory_space<vmem>>) target_semaphore(%dma_start3A_89 : memref<!tpu.dma_semaphore, #tpu.memory_space<semaphore_mem>>)
    %add3A_94 = arith.constant 128 : i32
    %add3A_95 = arith.addi %mul3A_4, %add3A_94 : i32
    %jit3A_96 = arith.constant 8 : i32
    %div3A_97 = arith.divsi %add3A_95, %jit3A_96 : i32
    %sign3A_98 = arith.constant 0 : i32
    %sign3A_99 = arith.cmpi sgt, %add3A_95, %sign3A_98 : i32
    %sign3A_100 = arith.extui %sign3A_99 : i1 to i32
    %sign3A_101 = arith.constant 0 : i32
    %sign3A_102 = arith.cmpi slt, %add3A_95, %sign3A_101 : i32
    %sign3A_103 = arith.extui %sign3A_102 : i1 to i32
    %sign3A_104 = arith.subi %sign3A_100, %sign3A_103 : i32
    %sign3A_105 = arith.constant 0 : i32
    %sign3A_106 = arith.cmpi sgt, %jit3A_96, %sign3A_105 : i32
    %sign3A_107 = arith.extui %sign3A_106 : i1 to i32
    %sign3A_108 = arith.constant 0 : i32
    %sign3A_109 = arith.cmpi slt, %jit3A_96, %sign3A_108 : i32
    %sign3A_110 = arith.extui %sign3A_109 : i1 to i32
    %sign3A_111 = arith.subi %sign3A_107, %sign3A_110 : i32
    %ne3A_112 = arith.cmpi ne, %sign3A_104, %sign3A_111 : i32
    %rem3A_113 = arith.remsi %add3A_95, %jit3A_96 : i32
    %ne3A_114 = arith.constant 0 : i32
    %ne3A_115 = arith.cmpi ne, %rem3A_113, %ne3A_114 : i32
    %and3A_116 = arith.andi %ne3A_112, %ne3A_115 : i1
    %sub3A_117 = arith.constant 1 : i32
    %sub3A_118 = arith.subi %div3A_97, %sub3A_117 : i32
    %select_n3A_119 = arith.select %and3A_116, %sub3A_118, %div3A_97 : i32
    %dma_start3A_120 = arith.constant 1 : i32
    %dma_start3A_121 = arith.constant 1 : i32
    %dma_start3A_122 = arith.constant 0 : i32
    %dma_start3A_123 = arith.constant 0 : i32
    %dma_start3A_124 = tpu.memref_slice %arg10[%dma_start3A_120, %dma_start3A_122, %dma_start3A_123] : memref<4x16x128xf32, #tpu.memory_space<vmem>> -> memref<1x16x128xf32, #tpu.memory_space<vmem>>
    %dma_start3A_125 = tpu.memref_squeeze %dma_start3A_124 : memref<1x16x128xf32, #tpu.memory_space<vmem>> -> memref<16x128xf32, #tpu.memory_space<vmem>>
    %dma_start3A_126 = arith.constant 0 : i32
    %dma_start3A_127 = tpu.memref_slice %arg3[%select_n3A_119, %dma_start3A_126] : memref<200704x128xf32, #tpu.memory_space<hbm>> -> memref<16x128xf32, #tpu.memory_space<hbm>>
    %dma_start3A_128 = tpu.memref_slice %arg15[%dma_start3A_121] : memref<4x!tpu.dma_semaphore, #tpu.memory_space<semaphore_mem>> -> memref<1x!tpu.dma_semaphore, #tpu.memory_space<semaphore_mem>>
    %dma_start3A_129 = tpu.memref_squeeze %dma_start3A_128 : memref<1x!tpu.dma_semaphore, #tpu.memory_space<semaphore_mem>> -> memref<!tpu.dma_semaphore, #tpu.memory_space<semaphore_mem>>
    %dma_start3A_130 = arith.constant 0 : i32
    %dma_start3A_131 = arith.constant 0 : i32
    %dma_start3A_132 = tpu.memref_slice %arg10[%dma_start3A_120, %dma_start3A_130, %dma_start3A_131] : memref<4x16x128xf32, #tpu.memory_space<vmem>> -> memref<1x16x128xf32, #tpu.memory_space<vmem>>
    %dma_start3A_133 = tpu.memref_squeeze %dma_start3A_132 : memref<1x16x128xf32, #tpu.memory_space<vmem>> -> memref<16x128xf32, #tpu.memory_space<vmem>>
    %dma_start3A_134 = arith.constant 0 : i32
    %dma_start3A_135 = tpu.memref_slice %arg3[%select_n3A_119, %dma_start3A_134] : memref<200704x128xf32, #tpu.memory_space<hbm>> -> memref<16x128xf32, #tpu.memory_space<hbm>>
    tpu.enqueue_dma source(%dma_start3A_135 : memref<16x128xf32, #tpu.memory_space<hbm>>) target(%dma_start3A_133 : memref<16x128xf32, #tpu.memory_space<vmem>>) target_semaphore(%dma_start3A_129 : memref<!tpu.dma_semaphore, #tpu.memory_space<semaphore_mem>>)
    %add3A_136 = arith.constant 256 : i32
    %add3A_137 = arith.addi %mul3A_4, %add3A_136 : i32
    %dma_start3A_138 = arith.constant 2 : i32
    %dma_start3A_139 = arith.constant 0 : i32
    %dma_start3A_140 = arith.constant 2 : i32
    %dma_start3A_141 = arith.constant 0 : i32
    %dma_start3A_142 = tpu.memref_slice %arg8[%dma_start3A_138, %dma_start3A_139, %dma_start3A_141] : memref<8x2x128xi32, #tpu.memory_space<vmem>> -> memref<1x1x128xi32, #tpu.memory_space<vmem>>
    %dma_start3A_143 = tpu.memref_squeeze %dma_start3A_142 : memref<1x1x128xi32, #tpu.memory_space<vmem>> -> memref<128xi32, #tpu.memory_space<vmem>>
    %dma_start3A_144 = tpu.memref_slice %arg4[%add3A_137] : memref<1605632xi32, #tpu.memory_space<hbm>> -> memref<128xi32, #tpu.memory_space<hbm>>
    %dma_start3A_145 = tpu.memref_slice %arg13[%dma_start3A_140] : memref<8x!tpu.dma_semaphore, #tpu.memory_space<semaphore_mem>> -> memref<1x!tpu.dma_semaphore, #tpu.memory_space<semaphore_mem>>
    %dma_start3A_146 = tpu.memref_squeeze %dma_start3A_145 : memref<1x!tpu.dma_semaphore, #tpu.memory_space<semaphore_mem>> -> memref<!tpu.dma_semaphore, #tpu.memory_space<semaphore_mem>>
    %dma_start3A_147 = arith.constant 0 : i32
    %dma_start3A_148 = tpu.memref_slice %arg8[%dma_start3A_138, %dma_start3A_139, %dma_start3A_147] : memref<8x2x128xi32, #tpu.memory_space<vmem>> -> memref<1x1x128xi32, #tpu.memory_space<vmem>>
    %dma_start3A_149 = tpu.memref_squeeze %dma_start3A_148 : memref<1x1x128xi32, #tpu.memory_space<vmem>> -> memref<128xi32, #tpu.memory_space<vmem>>
    %dma_start3A_150 = tpu.memref_slice %arg4[%add3A_137] : memref<1605632xi32, #tpu.memory_space<hbm>> -> memref<128xi32, #tpu.memory_space<hbm>>
    tpu.enqueue_dma source(%dma_start3A_150 : memref<128xi32, #tpu.memory_space<hbm>>) target(%dma_start3A_149 : memref<128xi32, #tpu.memory_space<vmem>>) target_semaphore(%dma_start3A_146 : memref<!tpu.dma_semaphore, #tpu.memory_space<semaphore_mem>>)
    %dma_start3A_151 = arith.constant 2 : i32
    %dma_start3A_152 = arith.constant 1 : i32
    %dma_start3A_153 = arith.constant 2 : i32
    %dma_start3A_154 = arith.constant 0 : i32
    %dma_start3A_155 = tpu.memref_slice %arg8[%dma_start3A_151, %dma_start3A_152, %dma_start3A_154] : memref<8x2x128xi32, #tpu.memory_space<vmem>> -> memref<1x1x128xi32, #tpu.memory_space<vmem>>
    %dma_start3A_156 = tpu.memref_squeeze %dma_start3A_155 : memref<1x1x128xi32, #tpu.memory_space<vmem>> -> memref<128xi32, #tpu.memory_space<vmem>>
    %dma_start3A_157 = tpu.memref_slice %arg5[%add3A_137] : memref<1605632xi32, #tpu.memory_space<hbm>> -> memref<128xi32, #tpu.memory_space<hbm>>
    %dma_start3A_158 = tpu.memref_slice %arg13[%dma_start3A_153] : memref<8x!tpu.dma_semaphore, #tpu.memory_space<semaphore_mem>> -> memref<1x!tpu.dma_semaphore, #tpu.memory_space<semaphore_mem>>
    %dma_start3A_159 = tpu.memref_squeeze %dma_start3A_158 : memref<1x!tpu.dma_semaphore, #tpu.memory_space<semaphore_mem>> -> memref<!tpu.dma_semaphore, #tpu.memory_space<semaphore_mem>>
    %dma_start3A_160 = arith.constant 0 : i32
    %dma_start3A_161 = tpu.memref_slice %arg8[%dma_start3A_151, %dma_start3A_152, %dma_start3A_160] : memref<8x2x128xi32, #tpu.memory_space<vmem>> -> memref<1x1x128xi32, #tpu.memory_space<vmem>>
    %dma_start3A_162 = tpu.memref_squeeze %dma_start3A_161 : memref<1x1x128xi32, #tpu.memory_space<vmem>> -> memref<128xi32, #tpu.memory_space<vmem>>
    %dma_start3A_163 = tpu.memref_slice %arg5[%add3A_137] : memref<1605632xi32, #tpu.memory_space<hbm>> -> memref<128xi32, #tpu.memory_space<hbm>>
    tpu.enqueue_dma source(%dma_start3A_163 : memref<128xi32, #tpu.memory_space<hbm>>) target(%dma_start3A_162 : memref<128xi32, #tpu.memory_space<vmem>>) target_semaphore(%dma_start3A_159 : memref<!tpu.dma_semaphore, #tpu.memory_space<semaphore_mem>>)
    %add3A_164 = arith.constant 256 : i32
    %add3A_165 = arith.addi %mul3A_4, %add3A_164 : i32
    %jit3A_166 = arith.constant 8 : i32
    %div3A_167 = arith.divsi %add3A_165, %jit3A_166 : i32
    %sign3A_168 = arith.constant 0 : i32
    %sign3A_169 = arith.cmpi sgt, %add3A_165, %sign3A_168 : i32
    %sign3A_170 = arith.extui %sign3A_169 : i1 to i32
    %sign3A_171 = arith.constant 0 : i32
    %sign3A_172 = arith.cmpi slt, %add3A_165, %sign3A_171 : i32
    %sign3A_173 = arith.extui %sign3A_172 : i1 to i32
    %sign3A_174 = arith.subi %sign3A_170, %sign3A_173 : i32
    %sign3A_175 = arith.constant 0 : i32
    %sign3A_176 = arith.cmpi sgt, %jit3A_166, %sign3A_175 : i32
    %sign3A_177 = arith.extui %sign3A_176 : i1 to i32
    %sign3A_178 = arith.constant 0 : i32
    %sign3A_179 = arith.cmpi slt, %jit3A_166, %sign3A_178 : i32
    %sign3A_180 = arith.extui %sign3A_179 : i1 to i32
    %sign3A_181 = arith.subi %sign3A_177, %sign3A_180 : i32
    %ne3A_182 = arith.cmpi ne, %sign3A_174, %sign3A_181 : i32
    %rem3A_183 = arith.remsi %add3A_165, %jit3A_166 : i32
    %ne3A_184 = arith.constant 0 : i32
    %ne3A_185 = arith.cmpi ne, %rem3A_183, %ne3A_184 : i32
    %and3A_186 = arith.andi %ne3A_182, %ne3A_185 : i1
    %sub3A_187 = arith.constant 1 : i32
    %sub3A_188 = arith.subi %div3A_167, %sub3A_187 : i32
    %select_n3A_189 = arith.select %and3A_186, %sub3A_188, %div3A_167 : i32
    %dma_start3A_190 = arith.constant 2 : i32
    %dma_start3A_191 = arith.constant 2 : i32
    %dma_start3A_192 = arith.constant 0 : i32
    %dma_start3A_193 = arith.constant 0 : i32
    %dma_start3A_194 = tpu.memref_slice %arg10[%dma_start3A_190, %dma_start3A_192, %dma_start3A_193] : memref<4x16x128xf32, #tpu.memory_space<vmem>> -> memref<1x16x128xf32, #tpu.memory_space<vmem>>
    %dma_start3A_195 = tpu.memref_squeeze %dma_start3A_194 : memref<1x16x128xf32, #tpu.memory_space<vmem>> -> memref<16x128xf32, #tpu.memory_space<vmem>>
    %dma_start3A_196 = arith.constant 0 : i32
    %dma_start3A_197 = tpu.memref_slice %arg3[%select_n3A_189, %dma_start3A_196] : memref<200704x128xf32, #tpu.memory_space<hbm>> -> memref<16x128xf32, #tpu.memory_space<hbm>>
    %dma_start3A_198 = tpu.memref_slice %arg15[%dma_start3A_191] : memref<4x!tpu.dma_semaphore, #tpu.memory_space<semaphore_mem>> -> memref<1x!tpu.dma_semaphore, #tpu.memory_space<semaphore_mem>>
    %dma_start3A_199 = tpu.memref_squeeze %dma_start3A_198 : memref<1x!tpu.dma_semaphore, #tpu.memory_space<semaphore_mem>> -> memref<!tpu.dma_semaphore, #tpu.memory_space<semaphore_mem>>
    %dma_start3A_200 = arith.constant 0 : i32
    %dma_start3A_201 = arith.constant 0 : i32
    %dma_start3A_202 = tpu.memref_slice %arg10[%dma_start3A_190, %dma_start3A_200, %dma_start3A_201] : memref<4x16x128xf32, #tpu.memory_space<vmem>> -> memref<1x16x128xf32, #tpu.memory_space<vmem>>
    %dma_start3A_203 = tpu.memref_squeeze %dma_start3A_202 : memref<1x16x128xf32, #tpu.memory_space<vmem>> -> memref<16x128xf32, #tpu.memory_space<vmem>>
    %dma_start3A_204 = arith.constant 0 : i32
    %dma_start3A_205 = tpu.memref_slice %arg3[%select_n3A_189, %dma_start3A_204] : memref<200704x128xf32, #tpu.memory_space<hbm>> -> memref<16x128xf32, #tpu.memory_space<hbm>>
    tpu.enqueue_dma source(%dma_start3A_205 : memref<16x128xf32, #tpu.memory_space<hbm>>) target(%dma_start3A_203 : memref<16x128xf32, #tpu.memory_space<vmem>>) target_semaphore(%dma_start3A_199 : memref<!tpu.dma_semaphore, #tpu.memory_space<semaphore_mem>>)
    %add3A_206 = arith.constant 384 : i32
    %add3A_207 = arith.addi %mul3A_4, %add3A_206 : i32
    %dma_start3A_208 = arith.constant 3 : i32
    %dma_start3A_209 = arith.constant 0 : i32
    %dma_start3A_210 = arith.constant 3 : i32
    %dma_start3A_211 = arith.constant 0 : i32
    %dma_start3A_212 = tpu.memref_slice %arg8[%dma_start3A_208, %dma_start3A_209, %dma_start3A_211] : memref<8x2x128xi32, #tpu.memory_space<vmem>> -> memref<1x1x128xi32, #tpu.memory_space<vmem>>
    %dma_start3A_213 = tpu.memref_squeeze %dma_start3A_212 : memref<1x1x128xi32, #tpu.memory_space<vmem>> -> memref<128xi32, #tpu.memory_space<vmem>>
    %dma_start3A_214 = tpu.memref_slice %arg4[%add3A_207] : memref<1605632xi32, #tpu.memory_space<hbm>> -> memref<128xi32, #tpu.memory_space<hbm>>
    %dma_start3A_215 = tpu.memref_slice %arg13[%dma_start3A_210] : memref<8x!tpu.dma_semaphore, #tpu.memory_space<semaphore_mem>> -> memref<1x!tpu.dma_semaphore, #tpu.memory_space<semaphore_mem>>
    %dma_start3A_216 = tpu.memref_squeeze %dma_start3A_215 : memref<1x!tpu.dma_semaphore, #tpu.memory_space<semaphore_mem>> -> memref<!tpu.dma_semaphore, #tpu.memory_space<semaphore_mem>>
    %dma_start3A_217 = arith.constant 0 : i32
    %dma_start3A_218 = tpu.memref_slice %arg8[%dma_start3A_208, %dma_start3A_209, %dma_start3A_217] : memref<8x2x128xi32, #tpu.memory_space<vmem>> -> memref<1x1x128xi32, #tpu.memory_space<vmem>>
    %dma_start3A_219 = tpu.memref_squeeze %dma_start3A_218 : memref<1x1x128xi32, #tpu.memory_space<vmem>> -> memref<128xi32, #tpu.memory_space<vmem>>
    %dma_start3A_220 = tpu.memref_slice %arg4[%add3A_207] : memref<1605632xi32, #tpu.memory_space<hbm>> -> memref<128xi32, #tpu.memory_space<hbm>>
    tpu.enqueue_dma source(%dma_start3A_220 : memref<128xi32, #tpu.memory_space<hbm>>) target(%dma_start3A_219 : memref<128xi32, #tpu.memory_space<vmem>>) target_semaphore(%dma_start3A_216 : memref<!tpu.dma_semaphore, #tpu.memory_space<semaphore_mem>>)
    %dma_start3A_221 = arith.constant 3 : i32
    %dma_start3A_222 = arith.constant 1 : i32
    %dma_start3A_223 = arith.constant 3 : i32
    %dma_start3A_224 = arith.constant 0 : i32
    %dma_start3A_225 = tpu.memref_slice %arg8[%dma_start3A_221, %dma_start3A_222, %dma_start3A_224] : memref<8x2x128xi32, #tpu.memory_space<vmem>> -> memref<1x1x128xi32, #tpu.memory_space<vmem>>
    %dma_start3A_226 = tpu.memref_squeeze %dma_start3A_225 : memref<1x1x128xi32, #tpu.memory_space<vmem>> -> memref<128xi32, #tpu.memory_space<vmem>>
    %dma_start3A_227 = tpu.memref_slice %arg5[%add3A_207] : memref<1605632xi32, #tpu.memory_space<hbm>> -> memref<128xi32, #tpu.memory_space<hbm>>
    %dma_start3A_228 = tpu.memref_slice %arg13[%dma_start3A_223] : memref<8x!tpu.dma_semaphore, #tpu.memory_space<semaphore_mem>> -> memref<1x!tpu.dma_semaphore, #tpu.memory_space<semaphore_mem>>
    %dma_start3A_229 = tpu.memref_squeeze %dma_start3A_228 : memref<1x!tpu.dma_semaphore, #tpu.memory_space<semaphore_mem>> -> memref<!tpu.dma_semaphore, #tpu.memory_space<semaphore_mem>>
    %dma_start3A_230 = arith.constant 0 : i32
    %dma_start3A_231 = tpu.memref_slice %arg8[%dma_start3A_221, %dma_start3A_222, %dma_start3A_230] : memref<8x2x128xi32, #tpu.memory_space<vmem>> -> memref<1x1x128xi32, #tpu.memory_space<vmem>>
    %dma_start3A_232 = tpu.memref_squeeze %dma_start3A_231 : memref<1x1x128xi32, #tpu.memory_space<vmem>> -> memref<128xi32, #tpu.memory_space<vmem>>
    %dma_start3A_233 = tpu.memref_slice %arg5[%add3A_207] : memref<1605632xi32, #tpu.memory_space<hbm>> -> memref<128xi32, #tpu.memory_space<hbm>>
    tpu.enqueue_dma source(%dma_start3A_233 : memref<128xi32, #tpu.memory_space<hbm>>) target(%dma_start3A_232 : memref<128xi32, #tpu.memory_space<vmem>>) target_semaphore(%dma_start3A_229 : memref<!tpu.dma_semaphore, #tpu.memory_space<semaphore_mem>>)
    %add3A_234 = arith.constant 384 : i32
    %add3A_235 = arith.addi %mul3A_4, %add3A_234 : i32
    %jit3A_236 = arith.constant 8 : i32
    %div3A_237 = arith.divsi %add3A_235, %jit3A_236 : i32
    %sign3A_238 = arith.constant 0 : i32
    %sign3A_239 = arith.cmpi sgt, %add3A_235, %sign3A_238 : i32
    %sign3A_240 = arith.extui %sign3A_239 : i1 to i32
    %sign3A_241 = arith.constant 0 : i32
    %sign3A_242 = arith.cmpi slt, %add3A_235, %sign3A_241 : i32
    %sign3A_243 = arith.extui %sign3A_242 : i1 to i32
    %sign3A_244 = arith.subi %sign3A_240, %sign3A_243 : i32
    %sign3A_245 = arith.constant 0 : i32
    %sign3A_246 = arith.cmpi sgt, %jit3A_236, %sign3A_245 : i32
    %sign3A_247 = arith.extui %sign3A_246 : i1 to i32
    %sign3A_248 = arith.constant 0 : i32
    %sign3A_249 = arith.cmpi slt, %jit3A_236, %sign3A_248 : i32
    %sign3A_250 = arith.extui %sign3A_249 : i1 to i32
    %sign3A_251 = arith.subi %sign3A_247, %sign3A_250 : i32
    %ne3A_252 = arith.cmpi ne, %sign3A_244, %sign3A_251 : i32
    %rem3A_253 = arith.remsi %add3A_235, %jit3A_236 : i32
    %ne3A_254 = arith.constant 0 : i32
    %ne3A_255 = arith.cmpi ne, %rem3A_253, %ne3A_254 : i32
    %and3A_256 = arith.andi %ne3A_252, %ne3A_255 : i1
    %sub3A_257 = arith.constant 1 : i32
    %sub3A_258 = arith.subi %div3A_237, %sub3A_257 : i32
    %select_n3A_259 = arith.select %and3A_256, %sub3A_258, %div3A_237 : i32
    %dma_start3A_260 = arith.constant 3 : i32
    %dma_start3A_261 = arith.constant 3 : i32
    %dma_start3A_262 = arith.constant 0 : i32
    %dma_start3A_263 = arith.constant 0 : i32
    %dma_start3A_264 = tpu.memref_slice %arg10[%dma_start3A_260, %dma_start3A_262, %dma_start3A_263] : memref<4x16x128xf32, #tpu.memory_space<vmem>> -> memref<1x16x128xf32, #tpu.memory_space<vmem>>
    %dma_start3A_265 = tpu.memref_squeeze %dma_start3A_264 : memref<1x16x128xf32, #tpu.memory_space<vmem>> -> memref<16x128xf32, #tpu.memory_space<vmem>>
    %dma_start3A_266 = arith.constant 0 : i32
    %dma_start3A_267 = tpu.memref_slice %arg3[%select_n3A_259, %dma_start3A_266] : memref<200704x128xf32, #tpu.memory_space<hbm>> -> memref<16x128xf32, #tpu.memory_space<hbm>>
    %dma_start3A_268 = tpu.memref_slice %arg15[%dma_start3A_261] : memref<4x!tpu.dma_semaphore, #tpu.memory_space<semaphore_mem>> -> memref<1x!tpu.dma_semaphore, #tpu.memory_space<semaphore_mem>>
    %dma_start3A_269 = tpu.memref_squeeze %dma_start3A_268 : memref<1x!tpu.dma_semaphore, #tpu.memory_space<semaphore_mem>> -> memref<!tpu.dma_semaphore, #tpu.memory_space<semaphore_mem>>
    %dma_start3A_270 = arith.constant 0 : i32
    %dma_start3A_271 = arith.constant 0 : i32
    %dma_start3A_272 = tpu.memref_slice %arg10[%dma_start3A_260, %dma_start3A_270, %dma_start3A_271] : memref<4x16x128xf32, #tpu.memory_space<vmem>> -> memref<1x16x128xf32, #tpu.memory_space<vmem>>
    %dma_start3A_273 = tpu.memref_squeeze %dma_start3A_272 : memref<1x16x128xf32, #tpu.memory_space<vmem>> -> memref<16x128xf32, #tpu.memory_space<vmem>>
    %dma_start3A_274 = arith.constant 0 : i32
    %dma_start3A_275 = tpu.memref_slice %arg3[%select_n3A_259, %dma_start3A_274] : memref<200704x128xf32, #tpu.memory_space<hbm>> -> memref<16x128xf32, #tpu.memory_space<hbm>>
    tpu.enqueue_dma source(%dma_start3A_275 : memref<16x128xf32, #tpu.memory_space<hbm>>) target(%dma_start3A_273 : memref<16x128xf32, #tpu.memory_space<vmem>>) target_semaphore(%dma_start3A_269 : memref<!tpu.dma_semaphore, #tpu.memory_space<semaphore_mem>>)
    %add3A_276 = arith.constant 0 : i32
    %add3A_277 = arith.addi %mul3A_4, %add3A_276 : i32
    %dma_wait3A = arith.constant 0 : i32
    %dma_wait3A_278 = arith.constant 0 : i32
    %dma_wait3A_279 = arith.constant 0 : i32
    %dma_wait3A_280 = arith.constant 0 : i32
    %dma_wait3A_281 = tpu.memref_slice %arg8[%dma_wait3A, %dma_wait3A_278, %dma_wait3A_280] : memref<8x2x128xi32, #tpu.memory_space<vmem>> -> memref<1x1x128xi32, #tpu.memory_space<vmem>>
    %dma_wait3A_282 = tpu.memref_squeeze %dma_wait3A_281 : memref<1x1x128xi32, #tpu.memory_space<vmem>> -> memref<128xi32, #tpu.memory_space<vmem>>
    %dma_wait3A_283 = tpu.memref_slice %arg4[%add3A_277] : memref<1605632xi32, #tpu.memory_space<hbm>> -> memref<128xi32, #tpu.memory_space<hbm>>
    %dma_wait3A_284 = tpu.memref_slice %arg13[%dma_wait3A_279] : memref<8x!tpu.dma_semaphore, #tpu.memory_space<semaphore_mem>> -> memref<1x!tpu.dma_semaphore, #tpu.memory_space<semaphore_mem>>
    %dma_wait3A_285 = tpu.memref_squeeze %dma_wait3A_284 : memref<1x!tpu.dma_semaphore, #tpu.memory_space<semaphore_mem>> -> memref<!tpu.dma_semaphore, #tpu.memory_space<semaphore_mem>>
    %dma_wait3A_286 = arith.constant 0 : i32
    %dma_wait3A_287 = tpu.memref_slice %arg8[%dma_wait3A, %dma_wait3A_278, %dma_wait3A_286] : memref<8x2x128xi32, #tpu.memory_space<vmem>> -> memref<1x1x128xi32, #tpu.memory_space<vmem>>
    %dma_wait3A_288 = tpu.memref_squeeze %dma_wait3A_287 : memref<1x1x128xi32, #tpu.memory_space<vmem>> -> memref<128xi32, #tpu.memory_space<vmem>>
    %dma_wait3A_289 = tpu.memref_slice %arg4[%add3A_277] : memref<1605632xi32, #tpu.memory_space<hbm>> -> memref<128xi32, #tpu.memory_space<hbm>>
    tpu.wait_dma2 semaphore(%dma_wait3A_285 : memref<!tpu.dma_semaphore, #tpu.memory_space<semaphore_mem>>) src(%dma_wait3A_289 : memref<128xi32, #tpu.memory_space<hbm>>) dst(%dma_wait3A_288 : memref<128xi32, #tpu.memory_space<vmem>>)
    %dma_wait3A_290 = arith.constant 0 : i32
    %dma_wait3A_291 = arith.constant 1 : i32
    %dma_wait3A_292 = arith.constant 0 : i32
    %dma_wait3A_293 = arith.constant 0 : i32
    %dma_wait3A_294 = tpu.memref_slice %arg8[%dma_wait3A_290, %dma_wait3A_291, %dma_wait3A_293] : memref<8x2x128xi32, #tpu.memory_space<vmem>> -> memref<1x1x128xi32, #tpu.memory_space<vmem>>
    %dma_wait3A_295 = tpu.memref_squeeze %dma_wait3A_294 : memref<1x1x128xi32, #tpu.memory_space<vmem>> -> memref<128xi32, #tpu.memory_space<vmem>>
    %dma_wait3A_296 = tpu.memref_slice %arg5[%add3A_277] : memref<1605632xi32, #tpu.memory_space<hbm>> -> memref<128xi32, #tpu.memory_space<hbm>>
    %dma_wait3A_297 = tpu.memref_slice %arg13[%dma_wait3A_292] : memref<8x!tpu.dma_semaphore, #tpu.memory_space<semaphore_mem>> -> memref<1x!tpu.dma_semaphore, #tpu.memory_space<semaphore_mem>>
    %dma_wait3A_298 = tpu.memref_squeeze %dma_wait3A_297 : memref<1x!tpu.dma_semaphore, #tpu.memory_space<semaphore_mem>> -> memref<!tpu.dma_semaphore, #tpu.memory_space<semaphore_mem>>
    %dma_wait3A_299 = arith.constant 0 : i32
    %dma_wait3A_300 = tpu.memref_slice %arg8[%dma_wait3A_290, %dma_wait3A_291, %dma_wait3A_299] : memref<8x2x128xi32, #tpu.memory_space<vmem>> -> memref<1x1x128xi32, #tpu.memory_space<vmem>>
    %dma_wait3A_301 = tpu.memref_squeeze %dma_wait3A_300 : memref<1x1x128xi32, #tpu.memory_space<vmem>> -> memref<128xi32, #tpu.memory_space<vmem>>
    %dma_wait3A_302 = tpu.memref_slice %arg5[%add3A_277] : memref<1605632xi32, #tpu.memory_space<hbm>> -> memref<128xi32, #tpu.memory_space<hbm>>
    tpu.wait_dma2 semaphore(%dma_wait3A_298 : memref<!tpu.dma_semaphore, #tpu.memory_space<semaphore_mem>>) src(%dma_wait3A_302 : memref<128xi32, #tpu.memory_space<hbm>>) dst(%dma_wait3A_301 : memref<128xi32, #tpu.memory_space<vmem>>)
    %dma_start3A_303 = arith.constant 0 : i32
    %dma_start3A_304 = arith.constant 0 : i32
    %dma_start3A_305 = arith.constant 0 : i32
    %dma_start3A_306 = arith.constant 0 : i32
    %dma_start3A_307 = arith.constant 0 : i32
    %dma_start3A_308 = arith.constant 0 : i32
    %dma_start3A_309 = tpu.memref_slice %arg9[%dma_start3A_305, %dma_start3A_307, %dma_start3A_308] : memref<4x128x16xf32, #tpu.memory_space<vmem>> -> memref<1x128x16xf32, #tpu.memory_space<vmem>>
    %dma_start3A_310 = tpu.memref_squeeze %dma_start3A_309 : memref<1x128x16xf32, #tpu.memory_space<vmem>> -> memref<128x16xf32, #tpu.memory_space<vmem>>
    %dma_start3A_311 = arith.constant 0 : i32
    %dma_start3A_312 = tpu.memref_slice %arg8[%dma_start3A_303, %dma_start3A_304, %dma_start3A_311] : memref<8x2x128xi32, #tpu.memory_space<vmem>> -> memref<1x1x128xi32, #tpu.memory_space<vmem>>
    %dma_start3A_313 = tpu.memref_squeeze %dma_start3A_312 : memref<1x1x128xi32, #tpu.memory_space<vmem>> -> memref<128xi32, #tpu.memory_space<vmem>>
    %dma_start3A_314 = arith.constant 0 : i32
    %dma_start3A_315 = arith.constant 0 : i32
    %dma_start3A_316 = tpu.memref_slice %arg2[%dma_start3A_314, %dma_start3A_315] : memref<100000x16xf32, #tpu.memory_space<hbm>> -> memref<100000x16xf32, #tpu.memory_space<hbm>>
    %dma_start3A_317 = tpu.memref_slice %arg14[%dma_start3A_306] : memref<4x!tpu.dma_semaphore, #tpu.memory_space<semaphore_mem>> -> memref<1x!tpu.dma_semaphore, #tpu.memory_space<semaphore_mem>>
    %dma_start3A_318 = tpu.memref_squeeze %dma_start3A_317 : memref<1x!tpu.dma_semaphore, #tpu.memory_space<semaphore_mem>> -> memref<!tpu.dma_semaphore, #tpu.memory_space<semaphore_mem>>
    tpu.enqueue_indirect_dma source(%dma_start3A_316 : memref<100000x16xf32, #tpu.memory_space<hbm>>) target(%dma_start3A_310 : memref<128x16xf32, #tpu.memory_space<vmem>>) offsets(%dma_start3A_313 : memref<128xi32, #tpu.memory_space<vmem>>) semaphore(%dma_start3A_318 : memref<!tpu.dma_semaphore, #tpu.memory_space<semaphore_mem>>)
    %scan3A = arith.constant 0 : i32
    %scan3A_319 = arith.constant 49 : i32
    %scan3A_320 = arith.addi %scan3A, %scan3A_319 : i32
    %scan3A_321 = arith.constant 1 : i32
    scf.for %scan3A_392 = %scan3A to %scan3A_320 step %scan3A_321  : i32 {
      %mul3A_393 = arith.constant 8 : i32
      %mul3A_394 = arith.muli %scan3A_392, %mul3A_393 : i32
      %add3A_395 = arith.constant 0 : i32
      %add3A_396 = arith.addi %add3A_395, %mul3A_394 : i32
      %add3A_397 = arith.constant 0 : i32
      %add3A_398 = arith.addi %add3A_396, %add3A_397 : i32
      %ge3A = arith.constant 4 : i32
      %ge3A_399 = arith.cmpi sge, %add3A_398, %ge3A : i32
      %convert_element_type3A = arith.extui %ge3A_399 : i1 to i32
      %cond3A = arith.constant 0 : i32
      %cond3A_400 = arith.cmpi ne, %convert_element_type3A, %cond3A : i32
      scf.if %cond3A_400 {
        %dma_wait3A_1184 = arith.constant 0 : i32
        %dma_wait3A_1185 = arith.constant 4 : i32
        %dma_wait3A_1186 = arith.constant 1 : i32
        %dma_wait3A_1187 = arith.constant 0 : i32
        %dma_wait3A_1188 = arith.constant 0 : i32
        %dma_wait3A_1189 = arith.constant 0 : i32
        %dma_wait3A_1190 = tpu.memref_slice %arg11[%dma_wait3A_1184, %dma_wait3A_1188, %dma_wait3A_1189] : memref<4x128x16xf32, #tpu.memory_space<vmem>> -> memref<1x128x16xf32, #tpu.memory_space<vmem>>
        %dma_wait3A_1191 = tpu.memref_squeeze %dma_wait3A_1190 : memref<1x128x16xf32, #tpu.memory_space<vmem>> -> memref<128x16xf32, #tpu.memory_space<vmem>>
        %dma_wait3A_1192 = arith.constant 0 : i32
        %dma_wait3A_1193 = tpu.memref_slice %arg8[%dma_wait3A_1185, %dma_wait3A_1186, %dma_wait3A_1192] : memref<8x2x128xi32, #tpu.memory_space<vmem>> -> memref<1x1x128xi32, #tpu.memory_space<vmem>>
        %dma_wait3A_1194 = tpu.memref_squeeze %dma_wait3A_1193 : memref<1x1x128xi32, #tpu.memory_space<vmem>> -> memref<128xi32, #tpu.memory_space<vmem>>
        %dma_wait3A_1195 = arith.constant 0 : i32
        %dma_wait3A_1196 = arith.constant 0 : i32
        %dma_wait3A_1197 = tpu.memref_slice %arg12[%dma_wait3A_1195, %dma_wait3A_1196] : memref<100352x16xf32, #tpu.memory_space<vmem_shared>> -> memref<100352x16xf32, #tpu.memory_space<vmem_shared>>
        %dma_wait3A_1198 = tpu.memref_slice %arg16[%dma_wait3A_1187] : memref<4x!tpu.dma_semaphore, #tpu.memory_space<semaphore_mem>> -> memref<1x!tpu.dma_semaphore, #tpu.memory_space<semaphore_mem>>
        %dma_wait3A_1199 = tpu.memref_squeeze %dma_wait3A_1198 : memref<1x!tpu.dma_semaphore, #tpu.memory_space<semaphore_mem>> -> memref<!tpu.dma_semaphore, #tpu.memory_space<semaphore_mem>>
        tpu.wait_indirect_dma semaphore(%dma_wait3A_1199 : memref<!tpu.dma_semaphore, #tpu.memory_space<semaphore_mem>>) src(%dma_wait3A_1191 : memref<128x16xf32, #tpu.memory_space<vmem>>) dst(%dma_wait3A_1197 : memref<100352x16xf32, #tpu.memory_space<vmem_shared>>)
      } else {
      }
      %dma_wait3A_401 = arith.constant 0 : i32
      %dma_wait3A_402 = arith.constant 0 : i32
      %dma_wait3A_403 = arith.constant 0 : i32
      %dma_wait3A_404 = arith.constant 0 : i32
      %dma_wait3A_405 = arith.constant 0 : i32
      %dma_wait3A_406 = arith.constant 0 : i32
      %dma_wait3A_407 = tpu.memref_slice %arg9[%dma_wait3A_403, %dma_wait3A_405, %dma_wait3A_406] : memref<4x128x16xf32, #tpu.memory_space<vmem>> -> memref<1x128x16xf32, #tpu.memory_space<vmem>>
      %dma_wait3A_408 = tpu.memref_squeeze %dma_wait3A_407 : memref<1x128x16xf32, #tpu.memory_space<vmem>> -> memref<128x16xf32, #tpu.memory_space<vmem>>
      %dma_wait3A_409 = arith.constant 0 : i32
      %dma_wait3A_410 = tpu.memref_slice %arg8[%dma_wait3A_401, %dma_wait3A_402, %dma_wait3A_409] : memref<8x2x128xi32, #tpu.memory_space<vmem>> -> memref<1x1x128xi32, #tpu.memory_space<vmem>>
      %dma_wait3A_411 = tpu.memref_squeeze %dma_wait3A_410 : memref<1x1x128xi32, #tpu.memory_space<vmem>> -> memref<128xi32, #tpu.memory_space<vmem>>
      %dma_wait3A_412 = arith.constant 0 : i32
      %dma_wait3A_413 = arith.constant 0 : i32
      %dma_wait3A_414 = tpu.memref_slice %arg2[%dma_wait3A_412, %dma_wait3A_413] : memref<100000x16xf32, #tpu.memory_space<hbm>> -> memref<100000x16xf32, #tpu.memory_space<hbm>>
      %dma_wait3A_415 = tpu.memref_slice %arg14[%dma_wait3A_404] : memref<4x!tpu.dma_semaphore, #tpu.memory_space<semaphore_mem>> -> memref<1x!tpu.dma_semaphore, #tpu.memory_space<semaphore_mem>>
      %dma_wait3A_416 = tpu.memref_squeeze %dma_wait3A_415 : memref<1x!tpu.dma_semaphore, #tpu.memory_space<semaphore_mem>> -> memref<!tpu.dma_semaphore, #tpu.memory_space<semaphore_mem>>
      tpu.wait_indirect_dma semaphore(%dma_wait3A_416 : memref<!tpu.dma_semaphore, #tpu.memory_space<semaphore_mem>>) src(%dma_wait3A_414 : memref<100000x16xf32, #tpu.memory_space<hbm>>) dst(%dma_wait3A_408 : memref<128x16xf32, #tpu.memory_space<vmem>>)
      %mul3A_417 = arith.constant 128 : i32
      %mul3A_418 = arith.muli %add3A_398, %mul3A_417 : i32
      %add3A_419 = arith.addi %mul3A_4, %mul3A_418 : i32
      %jit3A_420 = arith.constant 8 : i32
      %div3A_421 = arith.divsi %add3A_419, %jit3A_420 : i32
      %sign3A_422 = arith.constant 0 : i32
      %sign3A_423 = arith.cmpi sgt, %add3A_419, %sign3A_422 : i32
      %sign3A_424 = arith.extui %sign3A_423 : i1 to i32
      %sign3A_425 = arith.constant 0 : i32
      %sign3A_426 = arith.cmpi slt, %add3A_419, %sign3A_425 : i32
      %sign3A_427 = arith.extui %sign3A_426 : i1 to i32
      %sign3A_428 = arith.subi %sign3A_424, %sign3A_427 : i32
      %sign3A_429 = arith.constant 0 : i32
      %sign3A_430 = arith.cmpi sgt, %jit3A_420, %sign3A_429 : i32
      %sign3A_431 = arith.extui %sign3A_430 : i1 to i32
      %sign3A_432 = arith.constant 0 : i32
      %sign3A_433 = arith.cmpi slt, %jit3A_420, %sign3A_432 : i32
      %sign3A_434 = arith.extui %sign3A_433 : i1 to i32
      %sign3A_435 = arith.subi %sign3A_431, %sign3A_434 : i32
      %ne3A_436 = arith.cmpi ne, %sign3A_428, %sign3A_435 : i32
      %rem3A_437 = arith.remsi %add3A_419, %jit3A_420 : i32
      %ne3A_438 = arith.constant 0 : i32
      %ne3A_439 = arith.cmpi ne, %rem3A_437, %ne3A_438 : i32
      %and3A_440 = arith.andi %ne3A_436, %ne3A_439 : i1
      %sub3A_441 = arith.constant 1 : i32
      %sub3A_442 = arith.subi %div3A_421, %sub3A_441 : i32
      %select_n3A_443 = arith.select %and3A_440, %sub3A_442, %div3A_421 : i32
      %dma_wait3A_444 = arith.constant 0 : i32
      %dma_wait3A_445 = arith.constant 0 : i32
      %dma_wait3A_446 = arith.constant 0 : i32
      %dma_wait3A_447 = arith.constant 0 : i32
      %dma_wait3A_448 = tpu.memref_slice %arg10[%dma_wait3A_444, %dma_wait3A_446, %dma_wait3A_447] : memref<4x16x128xf32, #tpu.memory_space<vmem>> -> memref<1x16x128xf32, #tpu.memory_space<vmem>>
      %dma_wait3A_449 = tpu.memref_squeeze %dma_wait3A_448 : memref<1x16x128xf32, #tpu.memory_space<vmem>> -> memref<16x128xf32, #tpu.memory_space<vmem>>
      %dma_wait3A_450 = arith.constant 0 : i32
      %dma_wait3A_451 = tpu.memref_slice %arg3[%select_n3A_443, %dma_wait3A_450] : memref<200704x128xf32, #tpu.memory_space<hbm>> -> memref<16x128xf32, #tpu.memory_space<hbm>>
      %dma_wait3A_452 = tpu.memref_slice %arg15[%dma_wait3A_445] : memref<4x!tpu.dma_semaphore, #tpu.memory_space<semaphore_mem>> -> memref<1x!tpu.dma_semaphore, #tpu.memory_space<semaphore_mem>>
      %dma_wait3A_453 = tpu.memref_squeeze %dma_wait3A_452 : memref<1x!tpu.dma_semaphore, #tpu.memory_space<semaphore_mem>> -> memref<!tpu.dma_semaphore, #tpu.memory_space<semaphore_mem>>
      %dma_wait3A_454 = arith.constant 0 : i32
      %dma_wait3A_455 = arith.constant 0 : i32
      %dma_wait3A_456 = tpu.memref_slice %arg10[%dma_wait3A_444, %dma_wait3A_454, %dma_wait3A_455] : memref<4x16x128xf32, #tpu.memory_space<vmem>> -> memref<1x16x128xf32, #tpu.memory_space<vmem>>
      %dma_wait3A_457 = tpu.memref_squeeze %dma_wait3A_456 : memref<1x16x128xf32, #tpu.memory_space<vmem>> -> memref<16x128xf32, #tpu.memory_space<vmem>>
      %dma_wait3A_458 = arith.constant 0 : i32
      %dma_wait3A_459 = tpu.memref_slice %arg3[%select_n3A_443, %dma_wait3A_458] : memref<200704x128xf32, #tpu.memory_space<hbm>> -> memref<16x128xf32, #tpu.memory_space<hbm>>
      tpu.wait_dma2 semaphore(%dma_wait3A_453 : memref<!tpu.dma_semaphore, #tpu.memory_space<semaphore_mem>>) src(%dma_wait3A_459 : memref<16x128xf32, #tpu.memory_space<hbm>>) dst(%dma_wait3A_457 : memref<16x128xf32, #tpu.memory_space<vmem>>)
      %parallel_loop3A = arith.constant 0 : i32
      %parallel_loop3A_460 = arith.constant 128 : i32
      %parallel_loop3A_461 = arith.constant 1 : i32
      scf.for %parallel_loop3A_1184 = %parallel_loop3A to %parallel_loop3A_460 step %parallel_loop3A_461  : i32 {
        %parallel_loop3A_1185 = arith.constant 8 : i32
        %parallel_loop3A_1186 = arith.divsi %parallel_loop3A_1184, %parallel_loop3A_1185 : i32
        %parallel_loop3A_1187 = arith.constant 0 : i32
        %parallel_loop3A_1188 = arith.cmpi sgt, %parallel_loop3A_1184, %parallel_loop3A_1187 : i32
        %parallel_loop3A_1189 = arith.extui %parallel_loop3A_1188 : i1 to i32
        %parallel_loop3A_1190 = arith.constant 0 : i32
        %parallel_loop3A_1191 = arith.cmpi slt, %parallel_loop3A_1184, %parallel_loop3A_1190 : i32
        %parallel_loop3A_1192 = arith.extui %parallel_loop3A_1191 : i1 to i32
        %parallel_loop3A_1193 = arith.subi %parallel_loop3A_1189, %parallel_loop3A_1192 : i32
        %parallel_loop3A_1194 = arith.constant 0 : i32
        %parallel_loop3A_1195 = arith.cmpi sgt, %parallel_loop3A_1185, %parallel_loop3A_1194 : i32
        %parallel_loop3A_1196 = arith.extui %parallel_loop3A_1195 : i1 to i32
        %parallel_loop3A_1197 = arith.constant 0 : i32
        %parallel_loop3A_1198 = arith.cmpi slt, %parallel_loop3A_1185, %parallel_loop3A_1197 : i32
        %parallel_loop3A_1199 = arith.extui %parallel_loop3A_1198 : i1 to i32
        %parallel_loop3A_1200 = arith.subi %parallel_loop3A_1196, %parallel_loop3A_1199 : i32
        %parallel_loop3A_1201 = arith.cmpi ne, %parallel_loop3A_1193, %parallel_loop3A_1200 : i32
        %parallel_loop3A_1202 = arith.remsi %parallel_loop3A_1184, %parallel_loop3A_1185 : i32
        %parallel_loop3A_1203 = arith.constant 0 : i32
        %parallel_loop3A_1204 = arith.cmpi ne, %parallel_loop3A_1202, %parallel_loop3A_1203 : i32
        %parallel_loop3A_1205 = arith.andi %parallel_loop3A_1201, %parallel_loop3A_1204 : i1
        %parallel_loop3A_1206 = arith.constant 1 : i32
        %parallel_loop3A_1207 = arith.subi %parallel_loop3A_1186, %parallel_loop3A_1206 : i32
        %parallel_loop3A_1208 = arith.select %parallel_loop3A_1205, %parallel_loop3A_1207, %parallel_loop3A_1186 : i32
        %parallel_loop3A_1209 = arith.constant 8 : i32
        %parallel_loop3A_1210 = arith.constant 0 : i32
        %parallel_loop3A_1211 = arith.cmpi eq, %parallel_loop3A_1209, %parallel_loop3A_1210 : i32
        %parallel_loop3A_1212 = arith.constant 1 : i32
        %parallel_loop3A_1213 = arith.select %parallel_loop3A_1211, %parallel_loop3A_1212, %parallel_loop3A_1209 : i32
        %parallel_loop3A_1214 = arith.remsi %parallel_loop3A_1184, %parallel_loop3A_1213 : i32
        %parallel_loop3A_1215 = arith.constant 0 : i32
        %parallel_loop3A_1216 = arith.cmpi ne, %parallel_loop3A_1214, %parallel_loop3A_1215 : i32
        %parallel_loop3A_1217 = arith.constant 0 : i32
        %parallel_loop3A_1218 = arith.cmpi slt, %parallel_loop3A_1214, %parallel_loop3A_1217 : i32
        %parallel_loop3A_1219 = arith.constant 0 : i32
        %parallel_loop3A_1220 = arith.cmpi slt, %parallel_loop3A_1213, %parallel_loop3A_1219 : i32
        %parallel_loop3A_1221 = arith.xori %parallel_loop3A_1218, %parallel_loop3A_1220 : i1
        %parallel_loop3A_1222 = arith.andi %parallel_loop3A_1221, %parallel_loop3A_1216 : i1
        %parallel_loop3A_1223 = arith.addi %parallel_loop3A_1214, %parallel_loop3A_1213 : i32
        %parallel_loop3A_1224 = arith.select %parallel_loop3A_1222, %parallel_loop3A_1223, %parallel_loop3A_1214 : i32
        %parallel_loop3A_1225 = arith.constant 16 : i32
        %parallel_loop3A_1226 = arith.muli %parallel_loop3A_1224, %parallel_loop3A_1225 : i32
        %parallel_loop3A_1227 = arith.constant 0 : i32
        %parallel_loop3A_1228 = arith.index_cast %parallel_loop3A_1227 : i32 to index
        %parallel_loop3A_1229 = arith.index_cast %parallel_loop3A_1208 : i32 to index
        %parallel_loop3A_1230 = arith.index_cast %parallel_loop3A_1226 : i32 to index
        %parallel_loop3A_1231 = tpu.vector_load %arg10[%parallel_loop3A_1228, %parallel_loop3A_1229, %parallel_loop3A_1230] {strides = array<i32>} : memref<4x16x128xf32, #tpu.memory_space<vmem>>, vector<1x1x16xf32>,
        %parallel_loop3A_1232 = vector.shape_cast %parallel_loop3A_1231 : vector<1x1x16xf32> to vector<16xf32>
        %parallel_loop3A_1233 = arith.constant 0 : i32
        %parallel_loop3A_1234 = arith.index_cast %parallel_loop3A_1233 : i32 to index
        %parallel_loop3A_1235 = arith.index_cast %parallel_loop3A_1184 : i32 to index
        %parallel_loop3A_1236 = arith.constant 0 : index
        %parallel_loop3A_1237 = tpu.vector_load %arg9[%parallel_loop3A_1234, %parallel_loop3A_1235, %parallel_loop3A_1236] {strides = array<i32>} : memref<4x128x16xf32, #tpu.memory_space<vmem>>, vector<1x1x16xf32>,
        %parallel_loop3A_1238 = vector.shape_cast %parallel_loop3A_1237 : vector<1x1x16xf32> to vector<16xf32>
        %parallel_loop3A_1239 = arith.addf %parallel_loop3A_1238, %parallel_loop3A_1232 : vector<16xf32>
        %parallel_loop3A_1240 = arith.constant 0.000000e+00 : f32
        %parallel_loop3A_1241 = vector.broadcast %parallel_loop3A_1240 : f32 to vector<16xf32>
        %parallel_loop3A_1242 = arith.maximumf %parallel_loop3A_1239, %parallel_loop3A_1241 : vector<16xf32>
        %parallel_loop3A_1243 = arith.constant 0 : i32
        %parallel_loop3A_1244 = arith.index_cast %parallel_loop3A_1243 : i32 to index
        %parallel_loop3A_1245 = arith.index_cast %parallel_loop3A_1184 : i32 to index
        %parallel_loop3A_1246 = arith.constant 0 : index
        %parallel_loop3A_1247 = tpu.vector_load %arg11[%parallel_loop3A_1244, %parallel_loop3A_1245, %parallel_loop3A_1246] {strides = array<i32>} : memref<4x128x16xf32, #tpu.memory_space<vmem>>, vector<1x1x16xf32>,
        %parallel_loop3A_1248 = vector.shape_cast %parallel_loop3A_1247 : vector<1x1x16xf32> to vector<16xf32>
        %parallel_loop3A_1249 = vector.shape_cast %parallel_loop3A_1242 : vector<16xf32> to vector<1x1x16xf32>
        tpu.vector_store %arg11[%parallel_loop3A_1244, %parallel_loop3A_1245, %parallel_loop3A_1246], %parallel_loop3A_1249 {strides = array<i32>} : memref<4x128x16xf32, #tpu.memory_space<vmem>>, vector<1x1x16xf32>,
      } {sc.loop_unroll_factor = 8 : i64, sc.parallel_access}
      %dma_start3A_462 = arith.constant 0 : i32
      %dma_start3A_463 = arith.constant 0 : i32
      %dma_start3A_464 = arith.constant 1 : i32
      %dma_start3A_465 = arith.constant 0 : i32
      %dma_start3A_466 = arith.constant 0 : i32
      %dma_start3A_467 = arith.constant 0 : i32
      %dma_start3A_468 = tpu.memref_slice %arg11[%dma_start3A_462, %dma_start3A_466, %dma_start3A_467] : memref<4x128x16xf32, #tpu.memory_space<vmem>> -> memref<1x128x16xf32, #tpu.memory_space<vmem>>
      %dma_start3A_469 = tpu.memref_squeeze %dma_start3A_468 : memref<1x128x16xf32, #tpu.memory_space<vmem>> -> memref<128x16xf32, #tpu.memory_space<vmem>>
      %dma_start3A_470 = arith.constant 0 : i32
      %dma_start3A_471 = tpu.memref_slice %arg8[%dma_start3A_463, %dma_start3A_464, %dma_start3A_470] : memref<8x2x128xi32, #tpu.memory_space<vmem>> -> memref<1x1x128xi32, #tpu.memory_space<vmem>>
      %dma_start3A_472 = tpu.memref_squeeze %dma_start3A_471 : memref<1x1x128xi32, #tpu.memory_space<vmem>> -> memref<128xi32, #tpu.memory_space<vmem>>
      %dma_start3A_473 = arith.constant 0 : i32
      %dma_start3A_474 = arith.constant 0 : i32
      %dma_start3A_475 = tpu.memref_slice %arg12[%dma_start3A_473, %dma_start3A_474] : memref<100352x16xf32, #tpu.memory_space<vmem_shared>> -> memref<100352x16xf32, #tpu.memory_space<vmem_shared>>
      %dma_start3A_476 = tpu.memref_slice %arg16[%dma_start3A_465] : memref<4x!tpu.dma_semaphore, #tpu.memory_space<semaphore_mem>> -> memref<1x!tpu.dma_semaphore, #tpu.memory_space<semaphore_mem>>
      %dma_start3A_477 = tpu.memref_squeeze %dma_start3A_476 : memref<1x!tpu.dma_semaphore, #tpu.memory_space<semaphore_mem>> -> memref<!tpu.dma_semaphore, #tpu.memory_space<semaphore_mem>>
      tpu.enqueue_indirect_dma source(%dma_start3A_469 : memref<128x16xf32, #tpu.memory_space<vmem>>) target(%dma_start3A_475 : memref<100352x16xf32, #tpu.memory_space<vmem_shared>>) offsets(%dma_start3A_472 : memref<128xi32, #tpu.memory_space<vmem>>) semaphore(%dma_start3A_477 : memref<!tpu.dma_semaphore, #tpu.memory_space<semaphore_mem>>) {add = true}
      %add3A_478 = arith.constant 4 : i32
      %add3A_479 = arith.addi %add3A_398, %add3A_478 : i32
      %lt3A = arith.constant 392 : i32
      %lt3A_480 = arith.cmpi slt, %add3A_479, %lt3A : i32
      %convert_element_type3A_481 = arith.extui %lt3A_480 : i1 to i32
      %cond3A_482 = arith.constant 0 : i32
      %cond3A_483 = arith.cmpi ne, %convert_element_type3A_481, %cond3A_482 : i32
      scf.if %cond3A_483 {
        %add3A_1184 = arith.constant 4 : i32
        %add3A_1185 = arith.addi %add3A_398, %add3A_1184 : i32
        %mul3A_1186 = arith.constant 128 : i32
        %mul3A_1187 = arith.muli %add3A_1185, %mul3A_1186 : i32
        %add3A_1188 = arith.addi %mul3A_4, %mul3A_1187 : i32
        %dma_start3A_1189 = arith.constant 4 : i32
        %dma_start3A_1190 = arith.constant 0 : i32
        %dma_start3A_1191 = arith.constant 4 : i32
        %dma_start3A_1192 = arith.constant 0 : i32
        %dma_start3A_1193 = tpu.memref_slice %arg8[%dma_start3A_1189, %dma_start3A_1190, %dma_start3A_1192] : memref<8x2x128xi32, #tpu.memory_space<vmem>> -> memref<1x1x128xi32, #tpu.memory_space<vmem>>
        %dma_start3A_1194 = tpu.memref_squeeze %dma_start3A_1193 : memref<1x1x128xi32, #tpu.memory_space<vmem>> -> memref<128xi32, #tpu.memory_space<vmem>>
        %dma_start3A_1195 = tpu.memref_slice %arg4[%add3A_1188] : memref<1605632xi32, #tpu.memory_space<hbm>> -> memref<128xi32, #tpu.memory_space<hbm>>
        %dma_start3A_1196 = tpu.memref_slice %arg13[%dma_start3A_1191] : memref<8x!tpu.dma_semaphore, #tpu.memory_space<semaphore_mem>> -> memref<1x!tpu.dma_semaphore, #tpu.memory_space<semaphore_mem>>
        %dma_start3A_1197 = tpu.memref_squeeze %dma_start3A_1196 : memref<1x!tpu.dma_semaphore, #tpu.memory_space<semaphore_mem>> -> memref<!tpu.dma_semaphore, #tpu.memory_space<semaphore_mem>>
        %dma_start3A_1198 = arith.constant 0 : i32
        %dma_start3A_1199 = tpu.memref_slice %arg8[%dma_start3A_1189, %dma_start3A_1190, %dma_start3A_1198] : memref<8x2x128xi32, #tpu.memory_space<vmem>> -> memref<1x1x128xi32, #tpu.memory_space<vmem>>
        %dma_start3A_1200 = tpu.memref_squeeze %dma_start3A_1199 : memref<1x1x128xi32, #tpu.memory_space<vmem>> -> memref<128xi32, #tpu.memory_space<vmem>>
        %dma_start3A_1201 = tpu.memref_slice %arg4[%add3A_1188] : memref<1605632xi32, #tpu.memory_space<hbm>> -> memref<128xi32, #tpu.memory_space<hbm>>
        tpu.enqueue_dma source(%dma_start3A_1201 : memref<128xi32, #tpu.memory_space<hbm>>) target(%dma_start3A_1200 : memref<128xi32, #tpu.memory_space<vmem>>) target_semaphore(%dma_start3A_1197 : memref<!tpu.dma_semaphore, #tpu.memory_space<semaphore_mem>>)
        %dma_start3A_1202 = arith.constant 4 : i32
        %dma_start3A_1203 = arith.constant 1 : i32
        %dma_start3A_1204 = arith.constant 4 : i32
        %dma_start3A_1205 = arith.constant 0 : i32
        %dma_start3A_1206 = tpu.memref_slice %arg8[%dma_start3A_1202, %dma_start3A_1203, %dma_start3A_1205] : memref<8x2x128xi32, #tpu.memory_space<vmem>> -> memref<1x1x128xi32, #tpu.memory_space<vmem>>
        %dma_start3A_1207 = tpu.memref_squeeze %dma_start3A_1206 : memref<1x1x128xi32, #tpu.memory_space<vmem>> -> memref<128xi32, #tpu.memory_space<vmem>>
        %dma_start3A_1208 = tpu.memref_slice %arg5[%add3A_1188] : memref<1605632xi32, #tpu.memory_space<hbm>> -> memref<128xi32, #tpu.memory_space<hbm>>
        %dma_start3A_1209 = tpu.memref_slice %arg13[%dma_start3A_1204] : memref<8x!tpu.dma_semaphore, #tpu.memory_space<semaphore_mem>> -> memref<1x!tpu.dma_semaphore, #tpu.memory_space<semaphore_mem>>
        %dma_start3A_1210 = tpu.memref_squeeze %dma_start3A_1209 : memref<1x!tpu.dma_semaphore, #tpu.memory_space<semaphore_mem>> -> memref<!tpu.dma_semaphore, #tpu.memory_space<semaphore_mem>>
        %dma_start3A_1211 = arith.constant 0 : i32
        %dma_start3A_1212 = tpu.memref_slice %arg8[%dma_start3A_1202, %dma_start3A_1203, %dma_start3A_1211] : memref<8x2x128xi32, #tpu.memory_space<vmem>> -> memref<1x1x128xi32, #tpu.memory_space<vmem>>
        %dma_start3A_1213 = tpu.memref_squeeze %dma_start3A_1212 : memref<1x1x128xi32, #tpu.memory_space<vmem>> -> memref<128xi32, #tpu.memory_space<vmem>>
        %dma_start3A_1214 = tpu.memref_slice %arg5[%add3A_1188] : memref<1605632xi32, #tpu.memory_space<hbm>> -> memref<128xi32, #tpu.memory_space<hbm>>
        tpu.enqueue_dma source(%dma_start3A_1214 : memref<128xi32, #tpu.memory_space<hbm>>) target(%dma_start3A_1213 : memref<128xi32, #tpu.memory_space<vmem>>) target_semaphore(%dma_start3A_1210 : memref<!tpu.dma_semaphore, #tpu.memory_space<semaphore_mem>>)
        %add3A_1215 = arith.constant 4 : i32
        %add3A_1216 = arith.addi %add3A_398, %add3A_1215 : i32
        %mul3A_1217 = arith.constant 128 : i32
        %mul3A_1218 = arith.muli %add3A_1216, %mul3A_1217 : i32
        %add3A_1219 = arith.addi %mul3A_4, %mul3A_1218 : i32
        %jit3A_1220 = arith.constant 8 : i32
        %div3A_1221 = arith.divsi %add3A_1219, %jit3A_1220 : i32
        %sign3A_1222 = arith.constant 0 : i32
        %sign3A_1223 = arith.cmpi sgt, %add3A_1219, %sign3A_1222 : i32
        %sign3A_1224 = arith.extui %sign3A_1223 : i1 to i32
        %sign3A_1225 = arith.constant 0 : i32
        %sign3A_1226 = arith.cmpi slt, %add3A_1219, %sign3A_1225 : i32
        %sign3A_1227 = arith.extui %sign3A_1226 : i1 to i32
        %sign3A_1228 = arith.subi %sign3A_1224, %sign3A_1227 : i32
        %sign3A_1229 = arith.constant 0 : i32
        %sign3A_1230 = arith.cmpi sgt, %jit3A_1220, %sign3A_1229 : i32
        %sign3A_1231 = arith.extui %sign3A_1230 : i1 to i32
        %sign3A_1232 = arith.constant 0 : i32
        %sign3A_1233 = arith.cmpi slt, %jit3A_1220, %sign3A_1232 : i32
        %sign3A_1234 = arith.extui %sign3A_1233 : i1 to i32
        %sign3A_1235 = arith.subi %sign3A_1231, %sign3A_1234 : i32
        %ne3A_1236 = arith.cmpi ne, %sign3A_1228, %sign3A_1235 : i32
        %rem3A_1237 = arith.remsi %add3A_1219, %jit3A_1220 : i32
        %ne3A_1238 = arith.constant 0 : i32
        %ne3A_1239 = arith.cmpi ne, %rem3A_1237, %ne3A_1238 : i32
        %and3A_1240 = arith.andi %ne3A_1236, %ne3A_1239 : i1
        %sub3A_1241 = arith.constant 1 : i32
        %sub3A_1242 = arith.subi %div3A_1221, %sub3A_1241 : i32
        %select_n3A_1243 = arith.select %and3A_1240, %sub3A_1242, %div3A_1221 : i32
        %dma_start3A_1244 = arith.constant 0 : i32
        %dma_start3A_1245 = arith.constant 0 : i32
        %dma_start3A_1246 = arith.constant 0 : i32
        %dma_start3A_1247 = arith.constant 0 : i32
        %dma_start3A_1248 = tpu.memref_slice %arg10[%dma_start3A_1244, %dma_start3A_1246, %dma_start3A_1247] : memref<4x16x128xf32, #tpu.memory_space<vmem>> -> memref<1x16x128xf32, #tpu.memory_space<vmem>>
        %dma_start3A_1249 = tpu.memref_squeeze %dma_start3A_1248 : memref<1x16x128xf32, #tpu.memory_space<vmem>> -> memref<16x128xf32, #tpu.memory_space<vmem>>
        %dma_start3A_1250 = arith.constant 0 : i32
        %dma_start3A_1251 = tpu.memref_slice %arg3[%select_n3A_1243, %dma_start3A_1250] : memref<200704x128xf32, #tpu.memory_space<hbm>> -> memref<16x128xf32, #tpu.memory_space<hbm>>
        %dma_start3A_1252 = tpu.memref_slice %arg15[%dma_start3A_1245] : memref<4x!tpu.dma_semaphore, #tpu.memory_space<semaphore_mem>> -> memref<1x!tpu.dma_semaphore, #tpu.memory_space<semaphore_mem>>
        %dma_start3A_1253 = tpu.memref_squeeze %dma_start3A_1252 : memref<1x!tpu.dma_semaphore, #tpu.memory_space<semaphore_mem>> -> memref<!tpu.dma_semaphore, #tpu.memory_space<semaphore_mem>>
        %dma_start3A_1254 = arith.constant 0 : i32
        %dma_start3A_1255 = arith.constant 0 : i32
        %dma_start3A_1256 = tpu.memref_slice %arg10[%dma_start3A_1244, %dma_start3A_1254, %dma_start3A_1255] : memref<4x16x128xf32, #tpu.memory_space<vmem>> -> memref<1x16x128xf32, #tpu.memory_space<vmem>>
        %dma_start3A_1257 = tpu.memref_squeeze %dma_start3A_1256 : memref<1x16x128xf32, #tpu.memory_space<vmem>> -> memref<16x128xf32, #tpu.memory_space<vmem>>
        %dma_start3A_1258 = arith.constant 0 : i32
        %dma_start3A_1259 = tpu.memref_slice %arg3[%select_n3A_1243, %dma_start3A_1258] : memref<200704x128xf32, #tpu.memory_space<hbm>> -> memref<16x128xf32, #tpu.memory_space<hbm>>
        tpu.enqueue_dma source(%dma_start3A_1259 : memref<16x128xf32, #tpu.memory_space<hbm>>) target(%dma_start3A_1257 : memref<16x128xf32, #tpu.memory_space<vmem>>) target_semaphore(%dma_start3A_1253 : memref<!tpu.dma_semaphore, #tpu.memory_space<semaphore_mem>>)
      } else {
      }
      %add3A_484 = arith.constant 1 : i32
      %add3A_485 = arith.addi %add3A_398, %add3A_484 : i32
      %lt3A_486 = arith.constant 392 : i32
      %lt3A_487 = arith.cmpi slt, %add3A_485, %lt3A_486 : i32
      %convert_element_type3A_488 = arith.extui %lt3A_487 : i1 to i32
      %cond3A_489 = arith.constant 0 : i32
      %cond3A_490 = arith.cmpi ne, %convert_element_type3A_488, %cond3A_489 : i32
      scf.if %cond3A_490 {
        %add3A_1184 = arith.constant 1 : i32
        %add3A_1185 = arith.addi %add3A_398, %add3A_1184 : i32
        %mul3A_1186 = arith.constant 128 : i32
        %mul3A_1187 = arith.muli %add3A_1185, %mul3A_1186 : i32
        %add3A_1188 = arith.addi %mul3A_4, %mul3A_1187 : i32
        %dma_wait3A_1189 = arith.constant 1 : i32
        %dma_wait3A_1190 = arith.constant 0 : i32
        %dma_wait3A_1191 = arith.constant 1 : i32
        %dma_wait3A_1192 = arith.constant 0 : i32
        %dma_wait3A_1193 = tpu.memref_slice %arg8[%dma_wait3A_1189, %dma_wait3A_1190, %dma_wait3A_1192] : memref<8x2x128xi32, #tpu.memory_space<vmem>> -> memref<1x1x128xi32, #tpu.memory_space<vmem>>
        %dma_wait3A_1194 = tpu.memref_squeeze %dma_wait3A_1193 : memref<1x1x128xi32, #tpu.memory_space<vmem>> -> memref<128xi32, #tpu.memory_space<vmem>>
        %dma_wait3A_1195 = tpu.memref_slice %arg4[%add3A_1188] : memref<1605632xi32, #tpu.memory_space<hbm>> -> memref<128xi32, #tpu.memory_space<hbm>>
        %dma_wait3A_1196 = tpu.memref_slice %arg13[%dma_wait3A_1191] : memref<8x!tpu.dma_semaphore, #tpu.memory_space<semaphore_mem>> -> memref<1x!tpu.dma_semaphore, #tpu.memory_space<semaphore_mem>>
        %dma_wait3A_1197 = tpu.memref_squeeze %dma_wait3A_1196 : memref<1x!tpu.dma_semaphore, #tpu.memory_space<semaphore_mem>> -> memref<!tpu.dma_semaphore, #tpu.memory_space<semaphore_mem>>
        %dma_wait3A_1198 = arith.constant 0 : i32
        %dma_wait3A_1199 = tpu.memref_slice %arg8[%dma_wait3A_1189, %dma_wait3A_1190, %dma_wait3A_1198] : memref<8x2x128xi32, #tpu.memory_space<vmem>> -> memref<1x1x128xi32, #tpu.memory_space<vmem>>
        %dma_wait3A_1200 = tpu.memref_squeeze %dma_wait3A_1199 : memref<1x1x128xi32, #tpu.memory_space<vmem>> -> memref<128xi32, #tpu.memory_space<vmem>>
        %dma_wait3A_1201 = tpu.memref_slice %arg4[%add3A_1188] : memref<1605632xi32, #tpu.memory_space<hbm>> -> memref<128xi32, #tpu.memory_space<hbm>>
        tpu.wait_dma2 semaphore(%dma_wait3A_1197 : memref<!tpu.dma_semaphore, #tpu.memory_space<semaphore_mem>>) src(%dma_wait3A_1201 : memref<128xi32, #tpu.memory_space<hbm>>) dst(%dma_wait3A_1200 : memref<128xi32, #tpu.memory_space<vmem>>)
        %dma_wait3A_1202 = arith.constant 1 : i32
        %dma_wait3A_1203 = arith.constant 1 : i32
        %dma_wait3A_1204 = arith.constant 1 : i32
        %dma_wait3A_1205 = arith.constant 0 : i32
        %dma_wait3A_1206 = tpu.memref_slice %arg8[%dma_wait3A_1202, %dma_wait3A_1203, %dma_wait3A_1205] : memref<8x2x128xi32, #tpu.memory_space<vmem>> -> memref<1x1x128xi32, #tpu.memory_space<vmem>>
        %dma_wait3A_1207 = tpu.memref_squeeze %dma_wait3A_1206 : memref<1x1x128xi32, #tpu.memory_space<vmem>> -> memref<128xi32, #tpu.memory_space<vmem>>
        %dma_wait3A_1208 = tpu.memref_slice %arg5[%add3A_1188] : memref<1605632xi32, #tpu.memory_space<hbm>> -> memref<128xi32, #tpu.memory_space<hbm>>
        %dma_wait3A_1209 = tpu.memref_slice %arg13[%dma_wait3A_1204] : memref<8x!tpu.dma_semaphore, #tpu.memory_space<semaphore_mem>> -> memref<1x!tpu.dma_semaphore, #tpu.memory_space<semaphore_mem>>
        %dma_wait3A_1210 = tpu.memref_squeeze %dma_wait3A_1209 : memref<1x!tpu.dma_semaphore, #tpu.memory_space<semaphore_mem>> -> memref<!tpu.dma_semaphore, #tpu.memory_space<semaphore_mem>>
        %dma_wait3A_1211 = arith.constant 0 : i32
        %dma_wait3A_1212 = tpu.memref_slice %arg8[%dma_wait3A_1202, %dma_wait3A_1203, %dma_wait3A_1211] : memref<8x2x128xi32, #tpu.memory_space<vmem>> -> memref<1x1x128xi32, #tpu.memory_space<vmem>>
        %dma_wait3A_1213 = tpu.memref_squeeze %dma_wait3A_1212 : memref<1x1x128xi32, #tpu.memory_space<vmem>> -> memref<128xi32, #tpu.memory_space<vmem>>
        %dma_wait3A_1214 = tpu.memref_slice %arg5[%add3A_1188] : memref<1605632xi32, #tpu.memory_space<hbm>> -> memref<128xi32, #tpu.memory_space<hbm>>
        tpu.wait_dma2 semaphore(%dma_wait3A_1210 : memref<!tpu.dma_semaphore, #tpu.memory_space<semaphore_mem>>) src(%dma_wait3A_1214 : memref<128xi32, #tpu.memory_space<hbm>>) dst(%dma_wait3A_1213 : memref<128xi32, #tpu.memory_space<vmem>>)
        %dma_start3A_1215 = arith.constant 1 : i32
        %dma_start3A_1216 = arith.constant 0 : i32
        %dma_start3A_1217 = arith.constant 1 : i32
        %dma_start3A_1218 = arith.constant 1 : i32
        %dma_start3A_1219 = arith.constant 0 : i32
        %dma_start3A_1220 = arith.constant 0 : i32
        %dma_start3A_1221 = tpu.memref_slice %arg9[%dma_start3A_1217, %dma_start3A_1219, %dma_start3A_1220] : memref<4x128x16xf32, #tpu.memory_space<vmem>> -> memref<1x128x16xf32, #tpu.memory_space<vmem>>
        %dma_start3A_1222 = tpu.memref_squeeze %dma_start3A_1221 : memref<1x128x16xf32, #tpu.memory_space<vmem>> -> memref<128x16xf32, #tpu.memory_space<vmem>>
        %dma_start3A_1223 = arith.constant 0 : i32
        %dma_start3A_1224 = tpu.memref_slice %arg8[%dma_start3A_1215, %dma_start3A_1216, %dma_start3A_1223] : memref<8x2x128xi32, #tpu.memory_space<vmem>> -> memref<1x1x128xi32, #tpu.memory_space<vmem>>
        %dma_start3A_1225 = tpu.memref_squeeze %dma_start3A_1224 : memref<1x1x128xi32, #tpu.memory_space<vmem>> -> memref<128xi32, #tpu.memory_space<vmem>>
        %dma_start3A_1226 = arith.constant 0 : i32
        %dma_start3A_1227 = arith.constant 0 : i32
        %dma_start3A_1228 = tpu.memref_slice %arg2[%dma_start3A_1226, %dma_start3A_1227] : memref<100000x16xf32, #tpu.memory_space<hbm>> -> memref<100000x16xf32, #tpu.memory_space<hbm>>
        %dma_start3A_1229 = tpu.memref_slice %arg14[%dma_start3A_1218] : memref<4x!tpu.dma_semaphore, #tpu.memory_space<semaphore_mem>> -> memref<1x!tpu.dma_semaphore, #tpu.memory_space<semaphore_mem>>
        %dma_start3A_1230 = tpu.memref_squeeze %dma_start3A_1229 : memref<1x!tpu.dma_semaphore, #tpu.memory_space<semaphore_mem>> -> memref<!tpu.dma_semaphore, #tpu.memory_space<semaphore_mem>>
        tpu.enqueue_indirect_dma source(%dma_start3A_1228 : memref<100000x16xf32, #tpu.memory_space<hbm>>) target(%dma_start3A_1222 : memref<128x16xf32, #tpu.memory_space<vmem>>) offsets(%dma_start3A_1225 : memref<128xi32, #tpu.memory_space<vmem>>) semaphore(%dma_start3A_1230 : memref<!tpu.dma_semaphore, #tpu.memory_space<semaphore_mem>>)
      } else {
      }
      %add3A_491 = arith.constant 1 : i32
      %add3A_492 = arith.addi %add3A_396, %add3A_491 : i32
      %ge3A_493 = arith.constant 4 : i32
      %ge3A_494 = arith.cmpi sge, %add3A_492, %ge3A_493 : i32
      %convert_element_type3A_495 = arith.extui %ge3A_494 : i1 to i32
      %cond3A_496 = arith.constant 0 : i32
      %cond3A_497 = arith.cmpi ne, %convert_element_type3A_495, %cond3A_496 : i32
      scf.if %cond3A_497 {
        %dma_wait3A_1184 = arith.constant 1 : i32
        %dma_wait3A_1185 = arith.constant 5 : i32
        %dma_wait3A_1186 = arith.constant 1 : i32
        %dma_wait3A_1187 = arith.constant 1 : i32
        %dma_wait3A_1188 = arith.constant 0 : i32
        %dma_wait3A_1189 = arith.constant 0 : i32
        %dma_wait3A_1190 = tpu.memref_slice %arg11[%dma_wait3A_1184, %dma_wait3A_1188, %dma_wait3A_1189] : memref<4x128x16xf32, #tpu.memory_space<vmem>> -> memref<1x128x16xf32, #tpu.memory_space<vmem>>
        %dma_wait3A_1191 = tpu.memref_squeeze %dma_wait3A_1190 : memref<1x128x16xf32, #tpu.memory_space<vmem>> -> memref<128x16xf32, #tpu.memory_space<vmem>>
        %dma_wait3A_1192 = arith.constant 0 : i32
        %dma_wait3A_1193 = tpu.memref_slice %arg8[%dma_wait3A_1185, %dma_wait3A_1186, %dma_wait3A_1192] : memref<8x2x128xi32, #tpu.memory_space<vmem>> -> memref<1x1x128xi32, #tpu.memory_space<vmem>>
        %dma_wait3A_1194 = tpu.memref_squeeze %dma_wait3A_1193 : memref<1x1x128xi32, #tpu.memory_space<vmem>> -> memref<128xi32, #tpu.memory_space<vmem>>
        %dma_wait3A_1195 = arith.constant 0 : i32
        %dma_wait3A_1196 = arith.constant 0 : i32
        %dma_wait3A_1197 = tpu.memref_slice %arg12[%dma_wait3A_1195, %dma_wait3A_1196] : memref<100352x16xf32, #tpu.memory_space<vmem_shared>> -> memref<100352x16xf32, #tpu.memory_space<vmem_shared>>
        %dma_wait3A_1198 = tpu.memref_slice %arg16[%dma_wait3A_1187] : memref<4x!tpu.dma_semaphore, #tpu.memory_space<semaphore_mem>> -> memref<1x!tpu.dma_semaphore, #tpu.memory_space<semaphore_mem>>
        %dma_wait3A_1199 = tpu.memref_squeeze %dma_wait3A_1198 : memref<1x!tpu.dma_semaphore, #tpu.memory_space<semaphore_mem>> -> memref<!tpu.dma_semaphore, #tpu.memory_space<semaphore_mem>>
        tpu.wait_indirect_dma semaphore(%dma_wait3A_1199 : memref<!tpu.dma_semaphore, #tpu.memory_space<semaphore_mem>>) src(%dma_wait3A_1191 : memref<128x16xf32, #tpu.memory_space<vmem>>) dst(%dma_wait3A_1197 : memref<100352x16xf32, #tpu.memory_space<vmem_shared>>)
      } else {
      }
      %dma_wait3A_498 = arith.constant 1 : i32
      %dma_wait3A_499 = arith.constant 0 : i32
      %dma_wait3A_500 = arith.constant 1 : i32
      %dma_wait3A_501 = arith.constant 1 : i32
      %dma_wait3A_502 = arith.constant 0 : i32
      %dma_wait3A_503 = arith.constant 0 : i32
      %dma_wait3A_504 = tpu.memref_slice %arg9[%dma_wait3A_500, %dma_wait3A_502, %dma_wait3A_503] : memref<4x128x16xf32, #tpu.memory_space<vmem>> -> memref<1x128x16xf32, #tpu.memory_space<vmem>>
      %dma_wait3A_505 = tpu.memref_squeeze %dma_wait3A_504 : memref<1x128x16xf32, #tpu.memory_space<vmem>> -> memref<128x16xf32, #tpu.memory_space<vmem>>
      %dma_wait3A_506 = arith.constant 0 : i32
      %dma_wait3A_507 = tpu.memref_slice %arg8[%dma_wait3A_498, %dma_wait3A_499, %dma_wait3A_506] : memref<8x2x128xi32, #tpu.memory_space<vmem>> -> memref<1x1x128xi32, #tpu.memory_space<vmem>>
      %dma_wait3A_508 = tpu.memref_squeeze %dma_wait3A_507 : memref<1x1x128xi32, #tpu.memory_space<vmem>> -> memref<128xi32, #tpu.memory_space<vmem>>
      %dma_wait3A_509 = arith.constant 0 : i32
      %dma_wait3A_510 = arith.constant 0 : i32
      %dma_wait3A_511 = tpu.memref_slice %arg2[%dma_wait3A_509, %dma_wait3A_510] : memref<100000x16xf32, #tpu.memory_space<hbm>> -> memref<100000x16xf32, #tpu.memory_space<hbm>>
      %dma_wait3A_512 = tpu.memref_slice %arg14[%dma_wait3A_501] : memref<4x!tpu.dma_semaphore, #tpu.memory_space<semaphore_mem>> -> memref<1x!tpu.dma_semaphore, #tpu.memory_space<semaphore_mem>>
      %dma_wait3A_513 = tpu.memref_squeeze %dma_wait3A_512 : memref<1x!tpu.dma_semaphore, #tpu.memory_space<semaphore_mem>> -> memref<!tpu.dma_semaphore, #tpu.memory_space<semaphore_mem>>
      tpu.wait_indirect_dma semaphore(%dma_wait3A_513 : memref<!tpu.dma_semaphore, #tpu.memory_space<semaphore_mem>>) src(%dma_wait3A_511 : memref<100000x16xf32, #tpu.memory_space<hbm>>) dst(%dma_wait3A_505 : memref<128x16xf32, #tpu.memory_space<vmem>>)
      %mul3A_514 = arith.constant 128 : i32
      %mul3A_515 = arith.muli %add3A_492, %mul3A_514 : i32
      %add3A_516 = arith.addi %mul3A_4, %mul3A_515 : i32
      %jit3A_517 = arith.constant 8 : i32
      %div3A_518 = arith.divsi %add3A_516, %jit3A_517 : i32
      %sign3A_519 = arith.constant 0 : i32
      %sign3A_520 = arith.cmpi sgt, %add3A_516, %sign3A_519 : i32
      %sign3A_521 = arith.extui %sign3A_520 : i1 to i32
      %sign3A_522 = arith.constant 0 : i32
      %sign3A_523 = arith.cmpi slt, %add3A_516, %sign3A_522 : i32
      %sign3A_524 = arith.extui %sign3A_523 : i1 to i32
      %sign3A_525 = arith.subi %sign3A_521, %sign3A_524 : i32
      %sign3A_526 = arith.constant 0 : i32
      %sign3A_527 = arith.cmpi sgt, %jit3A_517, %sign3A_526 : i32
      %sign3A_528 = arith.extui %sign3A_527 : i1 to i32
      %sign3A_529 = arith.constant 0 : i32
      %sign3A_530 = arith.cmpi slt, %jit3A_517, %sign3A_529 : i32
      %sign3A_531 = arith.extui %sign3A_530 : i1 to i32
      %sign3A_532 = arith.subi %sign3A_528, %sign3A_531 : i32
      %ne3A_533 = arith.cmpi ne, %sign3A_525, %sign3A_532 : i32
      %rem3A_534 = arith.remsi %add3A_516, %jit3A_517 : i32
      %ne3A_535 = arith.constant 0 : i32
      %ne3A_536 = arith.cmpi ne, %rem3A_534, %ne3A_535 : i32
      %and3A_537 = arith.andi %ne3A_533, %ne3A_536 : i1
      %sub3A_538 = arith.constant 1 : i32
      %sub3A_539 = arith.subi %div3A_518, %sub3A_538 : i32
      %select_n3A_540 = arith.select %and3A_537, %sub3A_539, %div3A_518 : i32
      %dma_wait3A_541 = arith.constant 1 : i32
      %dma_wait3A_542 = arith.constant 1 : i32
      %dma_wait3A_543 = arith.constant 0 : i32
      %dma_wait3A_544 = arith.constant 0 : i32
      %dma_wait3A_545 = tpu.memref_slice %arg10[%dma_wait3A_541, %dma_wait3A_543, %dma_wait3A_544] : memref<4x16x128xf32, #tpu.memory_space<vmem>> -> memref<1x16x128xf32, #tpu.memory_space<vmem>>
      %dma_wait3A_546 = tpu.memref_squeeze %dma_wait3A_545 : memref<1x16x128xf32, #tpu.memory_space<vmem>> -> memref<16x128xf32, #tpu.memory_space<vmem>>
      %dma_wait3A_547 = arith.constant 0 : i32
      %dma_wait3A_548 = tpu.memref_slice %arg3[%select_n3A_540, %dma_wait3A_547] : memref<200704x128xf32, #tpu.memory_space<hbm>> -> memref<16x128xf32, #tpu.memory_space<hbm>>
      %dma_wait3A_549 = tpu.memref_slice %arg15[%dma_wait3A_542] : memref<4x!tpu.dma_semaphore, #tpu.memory_space<semaphore_mem>> -> memref<1x!tpu.dma_semaphore, #tpu.memory_space<semaphore_mem>>
      %dma_wait3A_550 = tpu.memref_squeeze %dma_wait3A_549 : memref<1x!tpu.dma_semaphore, #tpu.memory_space<semaphore_mem>> -> memref<!tpu.dma_semaphore, #tpu.memory_space<semaphore_mem>>
      %dma_wait3A_551 = arith.constant 0 : i32
      %dma_wait3A_552 = arith.constant 0 : i32
      %dma_wait3A_553 = tpu.memref_slice %arg10[%dma_wait3A_541, %dma_wait3A_551, %dma_wait3A_552] : memref<4x16x128xf32, #tpu.memory_space<vmem>> -> memref<1x16x128xf32, #tpu.memory_space<vmem>>
      %dma_wait3A_554 = tpu.memref_squeeze %dma_wait3A_553 : memref<1x16x128xf32, #tpu.memory_space<vmem>> -> memref<16x128xf32, #tpu.memory_space<vmem>>
      %dma_wait3A_555 = arith.constant 0 : i32
      %dma_wait3A_556 = tpu.memref_slice %arg3[%select_n3A_540, %dma_wait3A_555] : memref<200704x128xf32, #tpu.memory_space<hbm>> -> memref<16x128xf32, #tpu.memory_space<hbm>>
      tpu.wait_dma2 semaphore(%dma_wait3A_550 : memref<!tpu.dma_semaphore, #tpu.memory_space<semaphore_mem>>) src(%dma_wait3A_556 : memref<16x128xf32, #tpu.memory_space<hbm>>) dst(%dma_wait3A_554 : memref<16x128xf32, #tpu.memory_space<vmem>>)
      %parallel_loop3A_557 = arith.constant 0 : i32
      %parallel_loop3A_558 = arith.constant 128 : i32
      %parallel_loop3A_559 = arith.constant 1 : i32
      scf.for %parallel_loop3A_1184 = %parallel_loop3A_557 to %parallel_loop3A_558 step %parallel_loop3A_559  : i32 {
        %parallel_loop3A_1185 = arith.constant 8 : i32
        %parallel_loop3A_1186 = arith.divsi %parallel_loop3A_1184, %parallel_loop3A_1185 : i32
        %parallel_loop3A_1187 = arith.constant 0 : i32
        %parallel_loop3A_1188 = arith.cmpi sgt, %parallel_loop3A_1184, %parallel_loop3A_1187 : i32
        %parallel_loop3A_1189 = arith.extui %parallel_loop3A_1188 : i1 to i32
        %parallel_loop3A_1190 = arith.constant 0 : i32
        %parallel_loop3A_1191 = arith.cmpi slt, %parallel_loop3A_1184, %parallel_loop3A_1190 : i32
        %parallel_loop3A_1192 = arith.extui %parallel_loop3A_1191 : i1 to i32
        %parallel_loop3A_1193 = arith.subi %parallel_loop3A_1189, %parallel_loop3A_1192 : i32
        %parallel_loop3A_1194 = arith.constant 0 : i32
        %parallel_loop3A_1195 = arith.cmpi sgt, %parallel_loop3A_1185, %parallel_loop3A_1194 : i32
        %parallel_loop3A_1196 = arith.extui %parallel_loop3A_1195 : i1 to i32
        %parallel_loop3A_1197 = arith.constant 0 : i32
        %parallel_loop3A_1198 = arith.cmpi slt, %parallel_loop3A_1185, %parallel_loop3A_1197 : i32
        %parallel_loop3A_1199 = arith.extui %parallel_loop3A_1198 : i1 to i32
        %parallel_loop3A_1200 = arith.subi %parallel_loop3A_1196, %parallel_loop3A_1199 : i32
        %parallel_loop3A_1201 = arith.cmpi ne, %parallel_loop3A_1193, %parallel_loop3A_1200 : i32
        %parallel_loop3A_1202 = arith.remsi %parallel_loop3A_1184, %parallel_loop3A_1185 : i32
        %parallel_loop3A_1203 = arith.constant 0 : i32
        %parallel_loop3A_1204 = arith.cmpi ne, %parallel_loop3A_1202, %parallel_loop3A_1203 : i32
        %parallel_loop3A_1205 = arith.andi %parallel_loop3A_1201, %parallel_loop3A_1204 : i1
        %parallel_loop3A_1206 = arith.constant 1 : i32
        %parallel_loop3A_1207 = arith.subi %parallel_loop3A_1186, %parallel_loop3A_1206 : i32
        %parallel_loop3A_1208 = arith.select %parallel_loop3A_1205, %parallel_loop3A_1207, %parallel_loop3A_1186 : i32
        %parallel_loop3A_1209 = arith.constant 8 : i32
        %parallel_loop3A_1210 = arith.constant 0 : i32
        %parallel_loop3A_1211 = arith.cmpi eq, %parallel_loop3A_1209, %parallel_loop3A_1210 : i32
        %parallel_loop3A_1212 = arith.constant 1 : i32
        %parallel_loop3A_1213 = arith.select %parallel_loop3A_1211, %parallel_loop3A_1212, %parallel_loop3A_1209 : i32
        %parallel_loop3A_1214 = arith.remsi %parallel_loop3A_1184, %parallel_loop3A_1213 : i32
        %parallel_loop3A_1215 = arith.constant 0 : i32
        %parallel_loop3A_1216 = arith.cmpi ne, %parallel_loop3A_1214, %parallel_loop3A_1215 : i32
        %parallel_loop3A_1217 = arith.constant 0 : i32
        %parallel_loop3A_1218 = arith.cmpi slt, %parallel_loop3A_1214, %parallel_loop3A_1217 : i32
        %parallel_loop3A_1219 = arith.constant 0 : i32
        %parallel_loop3A_1220 = arith.cmpi slt, %parallel_loop3A_1213, %parallel_loop3A_1219 : i32
        %parallel_loop3A_1221 = arith.xori %parallel_loop3A_1218, %parallel_loop3A_1220 : i1
        %parallel_loop3A_1222 = arith.andi %parallel_loop3A_1221, %parallel_loop3A_1216 : i1
        %parallel_loop3A_1223 = arith.addi %parallel_loop3A_1214, %parallel_loop3A_1213 : i32
        %parallel_loop3A_1224 = arith.select %parallel_loop3A_1222, %parallel_loop3A_1223, %parallel_loop3A_1214 : i32
        %parallel_loop3A_1225 = arith.constant 16 : i32
        %parallel_loop3A_1226 = arith.muli %parallel_loop3A_1224, %parallel_loop3A_1225 : i32
        %parallel_loop3A_1227 = arith.constant 1 : i32
        %parallel_loop3A_1228 = arith.index_cast %parallel_loop3A_1227 : i32 to index
        %parallel_loop3A_1229 = arith.index_cast %parallel_loop3A_1208 : i32 to index
        %parallel_loop3A_1230 = arith.index_cast %parallel_loop3A_1226 : i32 to index
        %parallel_loop3A_1231 = tpu.vector_load %arg10[%parallel_loop3A_1228, %parallel_loop3A_1229, %parallel_loop3A_1230] {strides = array<i32>} : memref<4x16x128xf32, #tpu.memory_space<vmem>>, vector<1x1x16xf32>,
        %parallel_loop3A_1232 = vector.shape_cast %parallel_loop3A_1231 : vector<1x1x16xf32> to vector<16xf32>
        %parallel_loop3A_1233 = arith.constant 1 : i32
        %parallel_loop3A_1234 = arith.index_cast %parallel_loop3A_1233 : i32 to index
        %parallel_loop3A_1235 = arith.index_cast %parallel_loop3A_1184 : i32 to index
        %parallel_loop3A_1236 = arith.constant 0 : index
        %parallel_loop3A_1237 = tpu.vector_load %arg9[%parallel_loop3A_1234, %parallel_loop3A_1235, %parallel_loop3A_1236] {strides = array<i32>} : memref<4x128x16xf32, #tpu.memory_space<vmem>>, vector<1x1x16xf32>,
        %parallel_loop3A_1238 = vector.shape_cast %parallel_loop3A_1237 : vector<1x1x16xf32> to vector<16xf32>
        %parallel_loop3A_1239 = arith.addf %parallel_loop3A_1238, %parallel_loop3A_1232 : vector<16xf32>
        %parallel_loop3A_1240 = arith.constant 0.000000e+00 : f32
        %parallel_loop3A_1241 = vector.broadcast %parallel_loop3A_1240 : f32 to vector<16xf32>
        %parallel_loop3A_1242 = arith.maximumf %parallel_loop3A_1239, %parallel_loop3A_1241 : vector<16xf32>
        %parallel_loop3A_1243 = arith.constant 1 : i32
        %parallel_loop3A_1244 = arith.index_cast %parallel_loop3A_1243 : i32 to index
        %parallel_loop3A_1245 = arith.index_cast %parallel_loop3A_1184 : i32 to index
        %parallel_loop3A_1246 = arith.constant 0 : index
        %parallel_loop3A_1247 = tpu.vector_load %arg11[%parallel_loop3A_1244, %parallel_loop3A_1245, %parallel_loop3A_1246] {strides = array<i32>} : memref<4x128x16xf32, #tpu.memory_space<vmem>>, vector<1x1x16xf32>,
        %parallel_loop3A_1248 = vector.shape_cast %parallel_loop3A_1247 : vector<1x1x16xf32> to vector<16xf32>
        %parallel_loop3A_1249 = vector.shape_cast %parallel_loop3A_1242 : vector<16xf32> to vector<1x1x16xf32>
        tpu.vector_store %arg11[%parallel_loop3A_1244, %parallel_loop3A_1245, %parallel_loop3A_1246], %parallel_loop3A_1249 {strides = array<i32>} : memref<4x128x16xf32, #tpu.memory_space<vmem>>, vector<1x1x16xf32>,
      } {sc.loop_unroll_factor = 8 : i64, sc.parallel_access}
      %dma_start3A_560 = arith.constant 1 : i32
      %dma_start3A_561 = arith.constant 1 : i32
      %dma_start3A_562 = arith.constant 1 : i32
      %dma_start3A_563 = arith.constant 1 : i32
      %dma_start3A_564 = arith.constant 0 : i32
      %dma_start3A_565 = arith.constant 0 : i32
      %dma_start3A_566 = tpu.memref_slice %arg11[%dma_start3A_560, %dma_start3A_564, %dma_start3A_565] : memref<4x128x16xf32, #tpu.memory_space<vmem>> -> memref<1x128x16xf32, #tpu.memory_space<vmem>>
      %dma_start3A_567 = tpu.memref_squeeze %dma_start3A_566 : memref<1x128x16xf32, #tpu.memory_space<vmem>> -> memref<128x16xf32, #tpu.memory_space<vmem>>
      %dma_start3A_568 = arith.constant 0 : i32
      %dma_start3A_569 = tpu.memref_slice %arg8[%dma_start3A_561, %dma_start3A_562, %dma_start3A_568] : memref<8x2x128xi32, #tpu.memory_space<vmem>> -> memref<1x1x128xi32, #tpu.memory_space<vmem>>
      %dma_start3A_570 = tpu.memref_squeeze %dma_start3A_569 : memref<1x1x128xi32, #tpu.memory_space<vmem>> -> memref<128xi32, #tpu.memory_space<vmem>>
      %dma_start3A_571 = arith.constant 0 : i32
      %dma_start3A_572 = arith.constant 0 : i32
      %dma_start3A_573 = tpu.memref_slice %arg12[%dma_start3A_571, %dma_start3A_572] : memref<100352x16xf32, #tpu.memory_space<vmem_shared>> -> memref<100352x16xf32, #tpu.memory_space<vmem_shared>>
      %dma_start3A_574 = tpu.memref_slice %arg16[%dma_start3A_563] : memref<4x!tpu.dma_semaphore, #tpu.memory_space<semaphore_mem>> -> memref<1x!tpu.dma_semaphore, #tpu.memory_space<semaphore_mem>>
      %dma_start3A_575 = tpu.memref_squeeze %dma_start3A_574 : memref<1x!tpu.dma_semaphore, #tpu.memory_space<semaphore_mem>> -> memref<!tpu.dma_semaphore, #tpu.memory_space<semaphore_mem>>
      tpu.enqueue_indirect_dma source(%dma_start3A_567 : memref<128x16xf32, #tpu.memory_space<vmem>>) target(%dma_start3A_573 : memref<100352x16xf32, #tpu.memory_space<vmem_shared>>) offsets(%dma_start3A_570 : memref<128xi32, #tpu.memory_space<vmem>>) semaphore(%dma_start3A_575 : memref<!tpu.dma_semaphore, #tpu.memory_space<semaphore_mem>>) {add = true}
      %add3A_576 = arith.constant 4 : i32
      %add3A_577 = arith.addi %add3A_492, %add3A_576 : i32
      %lt3A_578 = arith.constant 392 : i32
      %lt3A_579 = arith.cmpi slt, %add3A_577, %lt3A_578 : i32
      %convert_element_type3A_580 = arith.extui %lt3A_579 : i1 to i32
      %cond3A_581 = arith.constant 0 : i32
      %cond3A_582 = arith.cmpi ne, %convert_element_type3A_580, %cond3A_581 : i32
      scf.if %cond3A_582 {
        %add3A_1184 = arith.constant 4 : i32
        %add3A_1185 = arith.addi %add3A_492, %add3A_1184 : i32
        %mul3A_1186 = arith.constant 128 : i32
        %mul3A_1187 = arith.muli %add3A_1185, %mul3A_1186 : i32
        %add3A_1188 = arith.addi %mul3A_4, %mul3A_1187 : i32
        %dma_start3A_1189 = arith.constant 5 : i32
        %dma_start3A_1190 = arith.constant 0 : i32
        %dma_start3A_1191 = arith.constant 5 : i32
        %dma_start3A_1192 = arith.constant 0 : i32
        %dma_start3A_1193 = tpu.memref_slice %arg8[%dma_start3A_1189, %dma_start3A_1190, %dma_start3A_1192] : memref<8x2x128xi32, #tpu.memory_space<vmem>> -> memref<1x1x128xi32, #tpu.memory_space<vmem>>
        %dma_start3A_1194 = tpu.memref_squeeze %dma_start3A_1193 : memref<1x1x128xi32, #tpu.memory_space<vmem>> -> memref<128xi32, #tpu.memory_space<vmem>>
        %dma_start3A_1195 = tpu.memref_slice %arg4[%add3A_1188] : memref<1605632xi32, #tpu.memory_space<hbm>> -> memref<128xi32, #tpu.memory_space<hbm>>
        %dma_start3A_1196 = tpu.memref_slice %arg13[%dma_start3A_1191] : memref<8x!tpu.dma_semaphore, #tpu.memory_space<semaphore_mem>> -> memref<1x!tpu.dma_semaphore, #tpu.memory_space<semaphore_mem>>
        %dma_start3A_1197 = tpu.memref_squeeze %dma_start3A_1196 : memref<1x!tpu.dma_semaphore, #tpu.memory_space<semaphore_mem>> -> memref<!tpu.dma_semaphore, #tpu.memory_space<semaphore_mem>>
        %dma_start3A_1198 = arith.constant 0 : i32
        %dma_start3A_1199 = tpu.memref_slice %arg8[%dma_start3A_1189, %dma_start3A_1190, %dma_start3A_1198] : memref<8x2x128xi32, #tpu.memory_space<vmem>> -> memref<1x1x128xi32, #tpu.memory_space<vmem>>
        %dma_start3A_1200 = tpu.memref_squeeze %dma_start3A_1199 : memref<1x1x128xi32, #tpu.memory_space<vmem>> -> memref<128xi32, #tpu.memory_space<vmem>>
        %dma_start3A_1201 = tpu.memref_slice %arg4[%add3A_1188] : memref<1605632xi32, #tpu.memory_space<hbm>> -> memref<128xi32, #tpu.memory_space<hbm>>
        tpu.enqueue_dma source(%dma_start3A_1201 : memref<128xi32, #tpu.memory_space<hbm>>) target(%dma_start3A_1200 : memref<128xi32, #tpu.memory_space<vmem>>) target_semaphore(%dma_start3A_1197 : memref<!tpu.dma_semaphore, #tpu.memory_space<semaphore_mem>>)
        %dma_start3A_1202 = arith.constant 5 : i32
        %dma_start3A_1203 = arith.constant 1 : i32
        %dma_start3A_1204 = arith.constant 5 : i32
        %dma_start3A_1205 = arith.constant 0 : i32
        %dma_start3A_1206 = tpu.memref_slice %arg8[%dma_start3A_1202, %dma_start3A_1203, %dma_start3A_1205] : memref<8x2x128xi32, #tpu.memory_space<vmem>> -> memref<1x1x128xi32, #tpu.memory_space<vmem>>
        %dma_start3A_1207 = tpu.memref_squeeze %dma_start3A_1206 : memref<1x1x128xi32, #tpu.memory_space<vmem>> -> memref<128xi32, #tpu.memory_space<vmem>>
        %dma_start3A_1208 = tpu.memref_slice %arg5[%add3A_1188] : memref<1605632xi32, #tpu.memory_space<hbm>> -> memref<128xi32, #tpu.memory_space<hbm>>
        %dma_start3A_1209 = tpu.memref_slice %arg13[%dma_start3A_1204] : memref<8x!tpu.dma_semaphore, #tpu.memory_space<semaphore_mem>> -> memref<1x!tpu.dma_semaphore, #tpu.memory_space<semaphore_mem>>
        %dma_start3A_1210 = tpu.memref_squeeze %dma_start3A_1209 : memref<1x!tpu.dma_semaphore, #tpu.memory_space<semaphore_mem>> -> memref<!tpu.dma_semaphore, #tpu.memory_space<semaphore_mem>>
        %dma_start3A_1211 = arith.constant 0 : i32
        %dma_start3A_1212 = tpu.memref_slice %arg8[%dma_start3A_1202, %dma_start3A_1203, %dma_start3A_1211] : memref<8x2x128xi32, #tpu.memory_space<vmem>> -> memref<1x1x128xi32, #tpu.memory_space<vmem>>
        %dma_start3A_1213 = tpu.memref_squeeze %dma_start3A_1212 : memref<1x1x128xi32, #tpu.memory_space<vmem>> -> memref<128xi32, #tpu.memory_space<vmem>>
        %dma_start3A_1214 = tpu.memref_slice %arg5[%add3A_1188] : memref<1605632xi32, #tpu.memory_space<hbm>> -> memref<128xi32, #tpu.memory_space<hbm>>
        tpu.enqueue_dma source(%dma_start3A_1214 : memref<128xi32, #tpu.memory_space<hbm>>) target(%dma_start3A_1213 : memref<128xi32, #tpu.memory_space<vmem>>) target_semaphore(%dma_start3A_1210 : memref<!tpu.dma_semaphore, #tpu.memory_space<semaphore_mem>>)
        %add3A_1215 = arith.constant 4 : i32
        %add3A_1216 = arith.addi %add3A_492, %add3A_1215 : i32
        %mul3A_1217 = arith.constant 128 : i32
        %mul3A_1218 = arith.muli %add3A_1216, %mul3A_1217 : i32
        %add3A_1219 = arith.addi %mul3A_4, %mul3A_1218 : i32
        %jit3A_1220 = arith.constant 8 : i32
        %div3A_1221 = arith.divsi %add3A_1219, %jit3A_1220 : i32
        %sign3A_1222 = arith.constant 0 : i32
        %sign3A_1223 = arith.cmpi sgt, %add3A_1219, %sign3A_1222 : i32
        %sign3A_1224 = arith.extui %sign3A_1223 : i1 to i32
        %sign3A_1225 = arith.constant 0 : i32
        %sign3A_1226 = arith.cmpi slt, %add3A_1219, %sign3A_1225 : i32
        %sign3A_1227 = arith.extui %sign3A_1226 : i1 to i32
        %sign3A_1228 = arith.subi %sign3A_1224, %sign3A_1227 : i32
        %sign3A_1229 = arith.constant 0 : i32
        %sign3A_1230 = arith.cmpi sgt, %jit3A_1220, %sign3A_1229 : i32
        %sign3A_1231 = arith.extui %sign3A_1230 : i1 to i32
        %sign3A_1232 = arith.constant 0 : i32
        %sign3A_1233 = arith.cmpi slt, %jit3A_1220, %sign3A_1232 : i32
        %sign3A_1234 = arith.extui %sign3A_1233 : i1 to i32
        %sign3A_1235 = arith.subi %sign3A_1231, %sign3A_1234 : i32
        %ne3A_1236 = arith.cmpi ne, %sign3A_1228, %sign3A_1235 : i32
        %rem3A_1237 = arith.remsi %add3A_1219, %jit3A_1220 : i32
        %ne3A_1238 = arith.constant 0 : i32
        %ne3A_1239 = arith.cmpi ne, %rem3A_1237, %ne3A_1238 : i32
        %and3A_1240 = arith.andi %ne3A_1236, %ne3A_1239 : i1
        %sub3A_1241 = arith.constant 1 : i32
        %sub3A_1242 = arith.subi %div3A_1221, %sub3A_1241 : i32
        %select_n3A_1243 = arith.select %and3A_1240, %sub3A_1242, %div3A_1221 : i32
        %dma_start3A_1244 = arith.constant 1 : i32
        %dma_start3A_1245 = arith.constant 1 : i32
        %dma_start3A_1246 = arith.constant 0 : i32
        %dma_start3A_1247 = arith.constant 0 : i32
        %dma_start3A_1248 = tpu.memref_slice %arg10[%dma_start3A_1244, %dma_start3A_1246, %dma_start3A_1247] : memref<4x16x128xf32, #tpu.memory_space<vmem>> -> memref<1x16x128xf32, #tpu.memory_space<vmem>>
        %dma_start3A_1249 = tpu.memref_squeeze %dma_start3A_1248 : memref<1x16x128xf32, #tpu.memory_space<vmem>> -> memref<16x128xf32, #tpu.memory_space<vmem>>
        %dma_start3A_1250 = arith.constant 0 : i32
        %dma_start3A_1251 = tpu.memref_slice %arg3[%select_n3A_1243, %dma_start3A_1250] : memref<200704x128xf32, #tpu.memory_space<hbm>> -> memref<16x128xf32, #tpu.memory_space<hbm>>
        %dma_start3A_1252 = tpu.memref_slice %arg15[%dma_start3A_1245] : memref<4x!tpu.dma_semaphore, #tpu.memory_space<semaphore_mem>> -> memref<1x!tpu.dma_semaphore, #tpu.memory_space<semaphore_mem>>
        %dma_start3A_1253 = tpu.memref_squeeze %dma_start3A_1252 : memref<1x!tpu.dma_semaphore, #tpu.memory_space<semaphore_mem>> -> memref<!tpu.dma_semaphore, #tpu.memory_space<semaphore_mem>>
        %dma_start3A_1254 = arith.constant 0 : i32
        %dma_start3A_1255 = arith.constant 0 : i32
        %dma_start3A_1256 = tpu.memref_slice %arg10[%dma_start3A_1244, %dma_start3A_1254, %dma_start3A_1255] : memref<4x16x128xf32, #tpu.memory_space<vmem>> -> memref<1x16x128xf32, #tpu.memory_space<vmem>>
        %dma_start3A_1257 = tpu.memref_squeeze %dma_start3A_1256 : memref<1x16x128xf32, #tpu.memory_space<vmem>> -> memref<16x128xf32, #tpu.memory_space<vmem>>
        %dma_start3A_1258 = arith.constant 0 : i32
        %dma_start3A_1259 = tpu.memref_slice %arg3[%select_n3A_1243, %dma_start3A_1258] : memref<200704x128xf32, #tpu.memory_space<hbm>> -> memref<16x128xf32, #tpu.memory_space<hbm>>
        tpu.enqueue_dma source(%dma_start3A_1259 : memref<16x128xf32, #tpu.memory_space<hbm>>) target(%dma_start3A_1257 : memref<16x128xf32, #tpu.memory_space<vmem>>) target_semaphore(%dma_start3A_1253 : memref<!tpu.dma_semaphore, #tpu.memory_space<semaphore_mem>>)
      } else {
      }
      %add3A_583 = arith.constant 1 : i32
      %add3A_584 = arith.addi %add3A_492, %add3A_583 : i32
      %lt3A_585 = arith.constant 392 : i32
      %lt3A_586 = arith.cmpi slt, %add3A_584, %lt3A_585 : i32
      %convert_element_type3A_587 = arith.extui %lt3A_586 : i1 to i32
      %cond3A_588 = arith.constant 0 : i32
      %cond3A_589 = arith.cmpi ne, %convert_element_type3A_587, %cond3A_588 : i32
      scf.if %cond3A_589 {
        %add3A_1184 = arith.constant 1 : i32
        %add3A_1185 = arith.addi %add3A_492, %add3A_1184 : i32
        %mul3A_1186 = arith.constant 128 : i32
        %mul3A_1187 = arith.muli %add3A_1185, %mul3A_1186 : i32
        %add3A_1188 = arith.addi %mul3A_4, %mul3A_1187 : i32
        %dma_wait3A_1189 = arith.constant 2 : i32
        %dma_wait3A_1190 = arith.constant 0 : i32
        %dma_wait3A_1191 = arith.constant 2 : i32
        %dma_wait3A_1192 = arith.constant 0 : i32
        %dma_wait3A_1193 = tpu.memref_slice %arg8[%dma_wait3A_1189, %dma_wait3A_1190, %dma_wait3A_1192] : memref<8x2x128xi32, #tpu.memory_space<vmem>> -> memref<1x1x128xi32, #tpu.memory_space<vmem>>
        %dma_wait3A_1194 = tpu.memref_squeeze %dma_wait3A_1193 : memref<1x1x128xi32, #tpu.memory_space<vmem>> -> memref<128xi32, #tpu.memory_space<vmem>>
        %dma_wait3A_1195 = tpu.memref_slice %arg4[%add3A_1188] : memref<1605632xi32, #tpu.memory_space<hbm>> -> memref<128xi32, #tpu.memory_space<hbm>>
        %dma_wait3A_1196 = tpu.memref_slice %arg13[%dma_wait3A_1191] : memref<8x!tpu.dma_semaphore, #tpu.memory_space<semaphore_mem>> -> memref<1x!tpu.dma_semaphore, #tpu.memory_space<semaphore_mem>>
        %dma_wait3A_1197 = tpu.memref_squeeze %dma_wait3A_1196 : memref<1x!tpu.dma_semaphore, #tpu.memory_space<semaphore_mem>> -> memref<!tpu.dma_semaphore, #tpu.memory_space<semaphore_mem>>
        %dma_wait3A_1198 = arith.constant 0 : i32
        %dma_wait3A_1199 = tpu.memref_slice %arg8[%dma_wait3A_1189, %dma_wait3A_1190, %dma_wait3A_1198] : memref<8x2x128xi32, #tpu.memory_space<vmem>> -> memref<1x1x128xi32, #tpu.memory_space<vmem>>
        %dma_wait3A_1200 = tpu.memref_squeeze %dma_wait3A_1199 : memref<1x1x128xi32, #tpu.memory_space<vmem>> -> memref<128xi32, #tpu.memory_space<vmem>>
        %dma_wait3A_1201 = tpu.memref_slice %arg4[%add3A_1188] : memref<1605632xi32, #tpu.memory_space<hbm>> -> memref<128xi32, #tpu.memory_space<hbm>>
        tpu.wait_dma2 semaphore(%dma_wait3A_1197 : memref<!tpu.dma_semaphore, #tpu.memory_space<semaphore_mem>>) src(%dma_wait3A_1201 : memref<128xi32, #tpu.memory_space<hbm>>) dst(%dma_wait3A_1200 : memref<128xi32, #tpu.memory_space<vmem>>)
        %dma_wait3A_1202 = arith.constant 2 : i32
        %dma_wait3A_1203 = arith.constant 1 : i32
        %dma_wait3A_1204 = arith.constant 2 : i32
        %dma_wait3A_1205 = arith.constant 0 : i32
        %dma_wait3A_1206 = tpu.memref_slice %arg8[%dma_wait3A_1202, %dma_wait3A_1203, %dma_wait3A_1205] : memref<8x2x128xi32, #tpu.memory_space<vmem>> -> memref<1x1x128xi32, #tpu.memory_space<vmem>>
        %dma_wait3A_1207 = tpu.memref_squeeze %dma_wait3A_1206 : memref<1x1x128xi32, #tpu.memory_space<vmem>> -> memref<128xi32, #tpu.memory_space<vmem>>
        %dma_wait3A_1208 = tpu.memref_slice %arg5[%add3A_1188] : memref<1605632xi32, #tpu.memory_space<hbm>> -> memref<128xi32, #tpu.memory_space<hbm>>
        %dma_wait3A_1209 = tpu.memref_slice %arg13[%dma_wait3A_1204] : memref<8x!tpu.dma_semaphore, #tpu.memory_space<semaphore_mem>> -> memref<1x!tpu.dma_semaphore, #tpu.memory_space<semaphore_mem>>
        %dma_wait3A_1210 = tpu.memref_squeeze %dma_wait3A_1209 : memref<1x!tpu.dma_semaphore, #tpu.memory_space<semaphore_mem>> -> memref<!tpu.dma_semaphore, #tpu.memory_space<semaphore_mem>>
        %dma_wait3A_1211 = arith.constant 0 : i32
        %dma_wait3A_1212 = tpu.memref_slice %arg8[%dma_wait3A_1202, %dma_wait3A_1203, %dma_wait3A_1211] : memref<8x2x128xi32, #tpu.memory_space<vmem>> -> memref<1x1x128xi32, #tpu.memory_space<vmem>>
        %dma_wait3A_1213 = tpu.memref_squeeze %dma_wait3A_1212 : memref<1x1x128xi32, #tpu.memory_space<vmem>> -> memref<128xi32, #tpu.memory_space<vmem>>
        %dma_wait3A_1214 = tpu.memref_slice %arg5[%add3A_1188] : memref<1605632xi32, #tpu.memory_space<hbm>> -> memref<128xi32, #tpu.memory_space<hbm>>
        tpu.wait_dma2 semaphore(%dma_wait3A_1210 : memref<!tpu.dma_semaphore, #tpu.memory_space<semaphore_mem>>) src(%dma_wait3A_1214 : memref<128xi32, #tpu.memory_space<hbm>>) dst(%dma_wait3A_1213 : memref<128xi32, #tpu.memory_space<vmem>>)
        %dma_start3A_1215 = arith.constant 2 : i32
        %dma_start3A_1216 = arith.constant 0 : i32
        %dma_start3A_1217 = arith.constant 2 : i32
        %dma_start3A_1218 = arith.constant 2 : i32
        %dma_start3A_1219 = arith.constant 0 : i32
        %dma_start3A_1220 = arith.constant 0 : i32
        %dma_start3A_1221 = tpu.memref_slice %arg9[%dma_start3A_1217, %dma_start3A_1219, %dma_start3A_1220] : memref<4x128x16xf32, #tpu.memory_space<vmem>> -> memref<1x128x16xf32, #tpu.memory_space<vmem>>
        %dma_start3A_1222 = tpu.memref_squeeze %dma_start3A_1221 : memref<1x128x16xf32, #tpu.memory_space<vmem>> -> memref<128x16xf32, #tpu.memory_space<vmem>>
        %dma_start3A_1223 = arith.constant 0 : i32
        %dma_start3A_1224 = tpu.memref_slice %arg8[%dma_start3A_1215, %dma_start3A_1216, %dma_start3A_1223] : memref<8x2x128xi32, #tpu.memory_space<vmem>> -> memref<1x1x128xi32, #tpu.memory_space<vmem>>
        %dma_start3A_1225 = tpu.memref_squeeze %dma_start3A_1224 : memref<1x1x128xi32, #tpu.memory_space<vmem>> -> memref<128xi32, #tpu.memory_space<vmem>>
        %dma_start3A_1226 = arith.constant 0 : i32
        %dma_start3A_1227 = arith.constant 0 : i32
        %dma_start3A_1228 = tpu.memref_slice %arg2[%dma_start3A_1226, %dma_start3A_1227] : memref<100000x16xf32, #tpu.memory_space<hbm>> -> memref<100000x16xf32, #tpu.memory_space<hbm>>
        %dma_start3A_1229 = tpu.memref_slice %arg14[%dma_start3A_1218] : memref<4x!tpu.dma_semaphore, #tpu.memory_space<semaphore_mem>> -> memref<1x!tpu.dma_semaphore, #tpu.memory_space<semaphore_mem>>
        %dma_start3A_1230 = tpu.memref_squeeze %dma_start3A_1229 : memref<1x!tpu.dma_semaphore, #tpu.memory_space<semaphore_mem>> -> memref<!tpu.dma_semaphore, #tpu.memory_space<semaphore_mem>>
        tpu.enqueue_indirect_dma source(%dma_start3A_1228 : memref<100000x16xf32, #tpu.memory_space<hbm>>) target(%dma_start3A_1222 : memref<128x16xf32, #tpu.memory_space<vmem>>) offsets(%dma_start3A_1225 : memref<128xi32, #tpu.memory_space<vmem>>) semaphore(%dma_start3A_1230 : memref<!tpu.dma_semaphore, #tpu.memory_space<semaphore_mem>>)
      } else {
      }
      %add3A_590 = arith.constant 2 : i32
      %add3A_591 = arith.addi %add3A_396, %add3A_590 : i32
      %ge3A_592 = arith.constant 4 : i32
      %ge3A_593 = arith.cmpi sge, %add3A_591, %ge3A_592 : i32
      %convert_element_type3A_594 = arith.extui %ge3A_593 : i1 to i32
      %cond3A_595 = arith.constant 0 : i32
      %cond3A_596 = arith.cmpi ne, %convert_element_type3A_594, %cond3A_595 : i32
      scf.if %cond3A_596 {
        %dma_wait3A_1184 = arith.constant 2 : i32
        %dma_wait3A_1185 = arith.constant 6 : i32
        %dma_wait3A_1186 = arith.constant 1 : i32
        %dma_wait3A_1187 = arith.constant 2 : i32
        %dma_wait3A_1188 = arith.constant 0 : i32
        %dma_wait3A_1189 = arith.constant 0 : i32
        %dma_wait3A_1190 = tpu.memref_slice %arg11[%dma_wait3A_1184, %dma_wait3A_1188, %dma_wait3A_1189] : memref<4x128x16xf32, #tpu.memory_space<vmem>> -> memref<1x128x16xf32, #tpu.memory_space<vmem>>
        %dma_wait3A_1191 = tpu.memref_squeeze %dma_wait3A_1190 : memref<1x128x16xf32, #tpu.memory_space<vmem>> -> memref<128x16xf32, #tpu.memory_space<vmem>>
        %dma_wait3A_1192 = arith.constant 0 : i32
        %dma_wait3A_1193 = tpu.memref_slice %arg8[%dma_wait3A_1185, %dma_wait3A_1186, %dma_wait3A_1192] : memref<8x2x128xi32, #tpu.memory_space<vmem>> -> memref<1x1x128xi32, #tpu.memory_space<vmem>>
        %dma_wait3A_1194 = tpu.memref_squeeze %dma_wait3A_1193 : memref<1x1x128xi32, #tpu.memory_space<vmem>> -> memref<128xi32, #tpu.memory_space<vmem>>
        %dma_wait3A_1195 = arith.constant 0 : i32
        %dma_wait3A_1196 = arith.constant 0 : i32
        %dma_wait3A_1197 = tpu.memref_slice %arg12[%dma_wait3A_1195, %dma_wait3A_1196] : memref<100352x16xf32, #tpu.memory_space<vmem_shared>> -> memref<100352x16xf32, #tpu.memory_space<vmem_shared>>
        %dma_wait3A_1198 = tpu.memref_slice %arg16[%dma_wait3A_1187] : memref<4x!tpu.dma_semaphore, #tpu.memory_space<semaphore_mem>> -> memref<1x!tpu.dma_semaphore, #tpu.memory_space<semaphore_mem>>
        %dma_wait3A_1199 = tpu.memref_squeeze %dma_wait3A_1198 : memref<1x!tpu.dma_semaphore, #tpu.memory_space<semaphore_mem>> -> memref<!tpu.dma_semaphore, #tpu.memory_space<semaphore_mem>>
        tpu.wait_indirect_dma semaphore(%dma_wait3A_1199 : memref<!tpu.dma_semaphore, #tpu.memory_space<semaphore_mem>>) src(%dma_wait3A_1191 : memref<128x16xf32, #tpu.memory_space<vmem>>) dst(%dma_wait3A_1197 : memref<100352x16xf32, #tpu.memory_space<vmem_shared>>)
      } else {
      }
      %dma_wait3A_597 = arith.constant 2 : i32
      %dma_wait3A_598 = arith.constant 0 : i32
      %dma_wait3A_599 = arith.constant 2 : i32
      %dma_wait3A_600 = arith.constant 2 : i32
      %dma_wait3A_601 = arith.constant 0 : i32
      %dma_wait3A_602 = arith.constant 0 : i32
      %dma_wait3A_603 = tpu.memref_slice %arg9[%dma_wait3A_599, %dma_wait3A_601, %dma_wait3A_602] : memref<4x128x16xf32, #tpu.memory_space<vmem>> -> memref<1x128x16xf32, #tpu.memory_space<vmem>>
      %dma_wait3A_604 = tpu.memref_squeeze %dma_wait3A_603 : memref<1x128x16xf32, #tpu.memory_space<vmem>> -> memref<128x16xf32, #tpu.memory_space<vmem>>
      %dma_wait3A_605 = arith.constant 0 : i32
      %dma_wait3A_606 = tpu.memref_slice %arg8[%dma_wait3A_597, %dma_wait3A_598, %dma_wait3A_605] : memref<8x2x128xi32, #tpu.memory_space<vmem>> -> memref<1x1x128xi32, #tpu.memory_space<vmem>>
      %dma_wait3A_607 = tpu.memref_squeeze %dma_wait3A_606 : memref<1x1x128xi32, #tpu.memory_space<vmem>> -> memref<128xi32, #tpu.memory_space<vmem>>
      %dma_wait3A_608 = arith.constant 0 : i32
      %dma_wait3A_609 = arith.constant 0 : i32
      %dma_wait3A_610 = tpu.memref_slice %arg2[%dma_wait3A_608, %dma_wait3A_609] : memref<100000x16xf32, #tpu.memory_space<hbm>> -> memref<100000x16xf32, #tpu.memory_space<hbm>>
      %dma_wait3A_611 = tpu.memref_slice %arg14[%dma_wait3A_600] : memref<4x!tpu.dma_semaphore, #tpu.memory_space<semaphore_mem>> -> memref<1x!tpu.dma_semaphore, #tpu.memory_space<semaphore_mem>>
      %dma_wait3A_612 = tpu.memref_squeeze %dma_wait3A_611 : memref<1x!tpu.dma_semaphore, #tpu.memory_space<semaphore_mem>> -> memref<!tpu.dma_semaphore, #tpu.memory_space<semaphore_mem>>
      tpu.wait_indirect_dma semaphore(%dma_wait3A_612 : memref<!tpu.dma_semaphore, #tpu.memory_space<semaphore_mem>>) src(%dma_wait3A_610 : memref<100000x16xf32, #tpu.memory_space<hbm>>) dst(%dma_wait3A_604 : memref<128x16xf32, #tpu.memory_space<vmem>>)
      %mul3A_613 = arith.constant 128 : i32
      %mul3A_614 = arith.muli %add3A_591, %mul3A_613 : i32
      %add3A_615 = arith.addi %mul3A_4, %mul3A_614 : i32
      %jit3A_616 = arith.constant 8 : i32
      %div3A_617 = arith.divsi %add3A_615, %jit3A_616 : i32
      %sign3A_618 = arith.constant 0 : i32
      %sign3A_619 = arith.cmpi sgt, %add3A_615, %sign3A_618 : i32
      %sign3A_620 = arith.extui %sign3A_619 : i1 to i32
      %sign3A_621 = arith.constant 0 : i32
      %sign3A_622 = arith.cmpi slt, %add3A_615, %sign3A_621 : i32
      %sign3A_623 = arith.extui %sign3A_622 : i1 to i32
      %sign3A_624 = arith.subi %sign3A_620, %sign3A_623 : i32
      %sign3A_625 = arith.constant 0 : i32
      %sign3A_626 = arith.cmpi sgt, %jit3A_616, %sign3A_625 : i32
      %sign3A_627 = arith.extui %sign3A_626 : i1 to i32
      %sign3A_628 = arith.constant 0 : i32
      %sign3A_629 = arith.cmpi slt, %jit3A_616, %sign3A_628 : i32
      %sign3A_630 = arith.extui %sign3A_629 : i1 to i32
      %sign3A_631 = arith.subi %sign3A_627, %sign3A_630 : i32
      %ne3A_632 = arith.cmpi ne, %sign3A_624, %sign3A_631 : i32
      %rem3A_633 = arith.remsi %add3A_615, %jit3A_616 : i32
      %ne3A_634 = arith.constant 0 : i32
      %ne3A_635 = arith.cmpi ne, %rem3A_633, %ne3A_634 : i32
      %and3A_636 = arith.andi %ne3A_632, %ne3A_635 : i1
      %sub3A_637 = arith.constant 1 : i32
      %sub3A_638 = arith.subi %div3A_617, %sub3A_637 : i32
      %select_n3A_639 = arith.select %and3A_636, %sub3A_638, %div3A_617 : i32
      %dma_wait3A_640 = arith.constant 2 : i32
      %dma_wait3A_641 = arith.constant 2 : i32
      %dma_wait3A_642 = arith.constant 0 : i32
      %dma_wait3A_643 = arith.constant 0 : i32
      %dma_wait3A_644 = tpu.memref_slice %arg10[%dma_wait3A_640, %dma_wait3A_642, %dma_wait3A_643] : memref<4x16x128xf32, #tpu.memory_space<vmem>> -> memref<1x16x128xf32, #tpu.memory_space<vmem>>
      %dma_wait3A_645 = tpu.memref_squeeze %dma_wait3A_644 : memref<1x16x128xf32, #tpu.memory_space<vmem>> -> memref<16x128xf32, #tpu.memory_space<vmem>>
      %dma_wait3A_646 = arith.constant 0 : i32
      %dma_wait3A_647 = tpu.memref_slice %arg3[%select_n3A_639, %dma_wait3A_646] : memref<200704x128xf32, #tpu.memory_space<hbm>> -> memref<16x128xf32, #tpu.memory_space<hbm>>
      %dma_wait3A_648 = tpu.memref_slice %arg15[%dma_wait3A_641] : memref<4x!tpu.dma_semaphore, #tpu.memory_space<semaphore_mem>> -> memref<1x!tpu.dma_semaphore, #tpu.memory_space<semaphore_mem>>
      %dma_wait3A_649 = tpu.memref_squeeze %dma_wait3A_648 : memref<1x!tpu.dma_semaphore, #tpu.memory_space<semaphore_mem>> -> memref<!tpu.dma_semaphore, #tpu.memory_space<semaphore_mem>>
      %dma_wait3A_650 = arith.constant 0 : i32
      %dma_wait3A_651 = arith.constant 0 : i32
      %dma_wait3A_652 = tpu.memref_slice %arg10[%dma_wait3A_640, %dma_wait3A_650, %dma_wait3A_651] : memref<4x16x128xf32, #tpu.memory_space<vmem>> -> memref<1x16x128xf32, #tpu.memory_space<vmem>>
      %dma_wait3A_653 = tpu.memref_squeeze %dma_wait3A_652 : memref<1x16x128xf32, #tpu.memory_space<vmem>> -> memref<16x128xf32, #tpu.memory_space<vmem>>
      %dma_wait3A_654 = arith.constant 0 : i32
      %dma_wait3A_655 = tpu.memref_slice %arg3[%select_n3A_639, %dma_wait3A_654] : memref<200704x128xf32, #tpu.memory_space<hbm>> -> memref<16x128xf32, #tpu.memory_space<hbm>>
      tpu.wait_dma2 semaphore(%dma_wait3A_649 : memref<!tpu.dma_semaphore, #tpu.memory_space<semaphore_mem>>) src(%dma_wait3A_655 : memref<16x128xf32, #tpu.memory_space<hbm>>) dst(%dma_wait3A_653 : memref<16x128xf32, #tpu.memory_space<vmem>>)
      %parallel_loop3A_656 = arith.constant 0 : i32
      %parallel_loop3A_657 = arith.constant 128 : i32
      %parallel_loop3A_658 = arith.constant 1 : i32
      scf.for %parallel_loop3A_1184 = %parallel_loop3A_656 to %parallel_loop3A_657 step %parallel_loop3A_658  : i32 {
        %parallel_loop3A_1185 = arith.constant 8 : i32
        %parallel_loop3A_1186 = arith.divsi %parallel_loop3A_1184, %parallel_loop3A_1185 : i32
        %parallel_loop3A_1187 = arith.constant 0 : i32
        %parallel_loop3A_1188 = arith.cmpi sgt, %parallel_loop3A_1184, %parallel_loop3A_1187 : i32
        %parallel_loop3A_1189 = arith.extui %parallel_loop3A_1188 : i1 to i32
        %parallel_loop3A_1190 = arith.constant 0 : i32
        %parallel_loop3A_1191 = arith.cmpi slt, %parallel_loop3A_1184, %parallel_loop3A_1190 : i32
        %parallel_loop3A_1192 = arith.extui %parallel_loop3A_1191 : i1 to i32
        %parallel_loop3A_1193 = arith.subi %parallel_loop3A_1189, %parallel_loop3A_1192 : i32
        %parallel_loop3A_1194 = arith.constant 0 : i32
        %parallel_loop3A_1195 = arith.cmpi sgt, %parallel_loop3A_1185, %parallel_loop3A_1194 : i32
        %parallel_loop3A_1196 = arith.extui %parallel_loop3A_1195 : i1 to i32
        %parallel_loop3A_1197 = arith.constant 0 : i32
        %parallel_loop3A_1198 = arith.cmpi slt, %parallel_loop3A_1185, %parallel_loop3A_1197 : i32
        %parallel_loop3A_1199 = arith.extui %parallel_loop3A_1198 : i1 to i32
        %parallel_loop3A_1200 = arith.subi %parallel_loop3A_1196, %parallel_loop3A_1199 : i32
        %parallel_loop3A_1201 = arith.cmpi ne, %parallel_loop3A_1193, %parallel_loop3A_1200 : i32
        %parallel_loop3A_1202 = arith.remsi %parallel_loop3A_1184, %parallel_loop3A_1185 : i32
        %parallel_loop3A_1203 = arith.constant 0 : i32
        %parallel_loop3A_1204 = arith.cmpi ne, %parallel_loop3A_1202, %parallel_loop3A_1203 : i32
        %parallel_loop3A_1205 = arith.andi %parallel_loop3A_1201, %parallel_loop3A_1204 : i1
        %parallel_loop3A_1206 = arith.constant 1 : i32
        %parallel_loop3A_1207 = arith.subi %parallel_loop3A_1186, %parallel_loop3A_1206 : i32
        %parallel_loop3A_1208 = arith.select %parallel_loop3A_1205, %parallel_loop3A_1207, %parallel_loop3A_1186 : i32
        %parallel_loop3A_1209 = arith.constant 8 : i32
        %parallel_loop3A_1210 = arith.constant 0 : i32
        %parallel_loop3A_1211 = arith.cmpi eq, %parallel_loop3A_1209, %parallel_loop3A_1210 : i32
        %parallel_loop3A_1212 = arith.constant 1 : i32
        %parallel_loop3A_1213 = arith.select %parallel_loop3A_1211, %parallel_loop3A_1212, %parallel_loop3A_1209 : i32
        %parallel_loop3A_1214 = arith.remsi %parallel_loop3A_1184, %parallel_loop3A_1213 : i32
        %parallel_loop3A_1215 = arith.constant 0 : i32
        %parallel_loop3A_1216 = arith.cmpi ne, %parallel_loop3A_1214, %parallel_loop3A_1215 : i32
        %parallel_loop3A_1217 = arith.constant 0 : i32
        %parallel_loop3A_1218 = arith.cmpi slt, %parallel_loop3A_1214, %parallel_loop3A_1217 : i32
        %parallel_loop3A_1219 = arith.constant 0 : i32
        %parallel_loop3A_1220 = arith.cmpi slt, %parallel_loop3A_1213, %parallel_loop3A_1219 : i32
        %parallel_loop3A_1221 = arith.xori %parallel_loop3A_1218, %parallel_loop3A_1220 : i1
        %parallel_loop3A_1222 = arith.andi %parallel_loop3A_1221, %parallel_loop3A_1216 : i1
        %parallel_loop3A_1223 = arith.addi %parallel_loop3A_1214, %parallel_loop3A_1213 : i32
        %parallel_loop3A_1224 = arith.select %parallel_loop3A_1222, %parallel_loop3A_1223, %parallel_loop3A_1214 : i32
        %parallel_loop3A_1225 = arith.constant 16 : i32
        %parallel_loop3A_1226 = arith.muli %parallel_loop3A_1224, %parallel_loop3A_1225 : i32
        %parallel_loop3A_1227 = arith.constant 2 : i32
        %parallel_loop3A_1228 = arith.index_cast %parallel_loop3A_1227 : i32 to index
        %parallel_loop3A_1229 = arith.index_cast %parallel_loop3A_1208 : i32 to index
        %parallel_loop3A_1230 = arith.index_cast %parallel_loop3A_1226 : i32 to index
        %parallel_loop3A_1231 = tpu.vector_load %arg10[%parallel_loop3A_1228, %parallel_loop3A_1229, %parallel_loop3A_1230] {strides = array<i32>} : memref<4x16x128xf32, #tpu.memory_space<vmem>>, vector<1x1x16xf32>,
        %parallel_loop3A_1232 = vector.shape_cast %parallel_loop3A_1231 : vector<1x1x16xf32> to vector<16xf32>
        %parallel_loop3A_1233 = arith.constant 2 : i32
        %parallel_loop3A_1234 = arith.index_cast %parallel_loop3A_1233 : i32 to index
        %parallel_loop3A_1235 = arith.index_cast %parallel_loop3A_1184 : i32 to index
        %parallel_loop3A_1236 = arith.constant 0 : index
        %parallel_loop3A_1237 = tpu.vector_load %arg9[%parallel_loop3A_1234, %parallel_loop3A_1235, %parallel_loop3A_1236] {strides = array<i32>} : memref<4x128x16xf32, #tpu.memory_space<vmem>>, vector<1x1x16xf32>,
        %parallel_loop3A_1238 = vector.shape_cast %parallel_loop3A_1237 : vector<1x1x16xf32> to vector<16xf32>
        %parallel_loop3A_1239 = arith.addf %parallel_loop3A_1238, %parallel_loop3A_1232 : vector<16xf32>
        %parallel_loop3A_1240 = arith.constant 0.000000e+00 : f32
        %parallel_loop3A_1241 = vector.broadcast %parallel_loop3A_1240 : f32 to vector<16xf32>
        %parallel_loop3A_1242 = arith.maximumf %parallel_loop3A_1239, %parallel_loop3A_1241 : vector<16xf32>
        %parallel_loop3A_1243 = arith.constant 2 : i32
        %parallel_loop3A_1244 = arith.index_cast %parallel_loop3A_1243 : i32 to index
        %parallel_loop3A_1245 = arith.index_cast %parallel_loop3A_1184 : i32 to index
        %parallel_loop3A_1246 = arith.constant 0 : index
        %parallel_loop3A_1247 = tpu.vector_load %arg11[%parallel_loop3A_1244, %parallel_loop3A_1245, %parallel_loop3A_1246] {strides = array<i32>} : memref<4x128x16xf32, #tpu.memory_space<vmem>>, vector<1x1x16xf32>,
        %parallel_loop3A_1248 = vector.shape_cast %parallel_loop3A_1247 : vector<1x1x16xf32> to vector<16xf32>
        %parallel_loop3A_1249 = vector.shape_cast %parallel_loop3A_1242 : vector<16xf32> to vector<1x1x16xf32>
        tpu.vector_store %arg11[%parallel_loop3A_1244, %parallel_loop3A_1245, %parallel_loop3A_1246], %parallel_loop3A_1249 {strides = array<i32>} : memref<4x128x16xf32, #tpu.memory_space<vmem>>, vector<1x1x16xf32>,
      } {sc.loop_unroll_factor = 8 : i64, sc.parallel_access}
      %dma_start3A_659 = arith.constant 2 : i32
      %dma_start3A_660 = arith.constant 2 : i32
      %dma_start3A_661 = arith.constant 1 : i32
      %dma_start3A_662 = arith.constant 2 : i32
      %dma_start3A_663 = arith.constant 0 : i32
      %dma_start3A_664 = arith.constant 0 : i32
      %dma_start3A_665 = tpu.memref_slice %arg11[%dma_start3A_659, %dma_start3A_663, %dma_start3A_664] : memref<4x128x16xf32, #tpu.memory_space<vmem>> -> memref<1x128x16xf32, #tpu.memory_space<vmem>>
      %dma_start3A_666 = tpu.memref_squeeze %dma_start3A_665 : memref<1x128x16xf32, #tpu.memory_space<vmem>> -> memref<128x16xf32, #tpu.memory_space<vmem>>
      %dma_start3A_667 = arith.constant 0 : i32
      %dma_start3A_668 = tpu.memref_slice %arg8[%dma_start3A_660, %dma_start3A_661, %dma_start3A_667] : memref<8x2x128xi32, #tpu.memory_space<vmem>> -> memref<1x1x128xi32, #tpu.memory_space<vmem>>
      %dma_start3A_669 = tpu.memref_squeeze %dma_start3A_668 : memref<1x1x128xi32, #tpu.memory_space<vmem>> -> memref<128xi32, #tpu.memory_space<vmem>>
      %dma_start3A_670 = arith.constant 0 : i32
      %dma_start3A_671 = arith.constant 0 : i32
      %dma_start3A_672 = tpu.memref_slice %arg12[%dma_start3A_670, %dma_start3A_671] : memref<100352x16xf32, #tpu.memory_space<vmem_shared>> -> memref<100352x16xf32, #tpu.memory_space<vmem_shared>>
      %dma_start3A_673 = tpu.memref_slice %arg16[%dma_start3A_662] : memref<4x!tpu.dma_semaphore, #tpu.memory_space<semaphore_mem>> -> memref<1x!tpu.dma_semaphore, #tpu.memory_space<semaphore_mem>>
      %dma_start3A_674 = tpu.memref_squeeze %dma_start3A_673 : memref<1x!tpu.dma_semaphore, #tpu.memory_space<semaphore_mem>> -> memref<!tpu.dma_semaphore, #tpu.memory_space<semaphore_mem>>
      tpu.enqueue_indirect_dma source(%dma_start3A_666 : memref<128x16xf32, #tpu.memory_space<vmem>>) target(%dma_start3A_672 : memref<100352x16xf32, #tpu.memory_space<vmem_shared>>) offsets(%dma_start3A_669 : memref<128xi32, #tpu.memory_space<vmem>>) semaphore(%dma_start3A_674 : memref<!tpu.dma_semaphore, #tpu.memory_space<semaphore_mem>>) {add = true}
      %add3A_675 = arith.constant 4 : i32
      %add3A_676 = arith.addi %add3A_591, %add3A_675 : i32
      %lt3A_677 = arith.constant 392 : i32
      %lt3A_678 = arith.cmpi slt, %add3A_676, %lt3A_677 : i32
      %convert_element_type3A_679 = arith.extui %lt3A_678 : i1 to i32
      %cond3A_680 = arith.constant 0 : i32
      %cond3A_681 = arith.cmpi ne, %convert_element_type3A_679, %cond3A_680 : i32
      scf.if %cond3A_681 {
        %add3A_1184 = arith.constant 4 : i32
        %add3A_1185 = arith.addi %add3A_591, %add3A_1184 : i32
        %mul3A_1186 = arith.constant 128 : i32
        %mul3A_1187 = arith.muli %add3A_1185, %mul3A_1186 : i32
        %add3A_1188 = arith.addi %mul3A_4, %mul3A_1187 : i32
        %dma_start3A_1189 = arith.constant 6 : i32
        %dma_start3A_1190 = arith.constant 0 : i32
        %dma_start3A_1191 = arith.constant 6 : i32
        %dma_start3A_1192 = arith.constant 0 : i32
        %dma_start3A_1193 = tpu.memref_slice %arg8[%dma_start3A_1189, %dma_start3A_1190, %dma_start3A_1192] : memref<8x2x128xi32, #tpu.memory_space<vmem>> -> memref<1x1x128xi32, #tpu.memory_space<vmem>>
        %dma_start3A_1194 = tpu.memref_squeeze %dma_start3A_1193 : memref<1x1x128xi32, #tpu.memory_space<vmem>> -> memref<128xi32, #tpu.memory_space<vmem>>
        %dma_start3A_1195 = tpu.memref_slice %arg4[%add3A_1188] : memref<1605632xi32, #tpu.memory_space<hbm>> -> memref<128xi32, #tpu.memory_space<hbm>>
        %dma_start3A_1196 = tpu.memref_slice %arg13[%dma_start3A_1191] : memref<8x!tpu.dma_semaphore, #tpu.memory_space<semaphore_mem>> -> memref<1x!tpu.dma_semaphore, #tpu.memory_space<semaphore_mem>>
        %dma_start3A_1197 = tpu.memref_squeeze %dma_start3A_1196 : memref<1x!tpu.dma_semaphore, #tpu.memory_space<semaphore_mem>> -> memref<!tpu.dma_semaphore, #tpu.memory_space<semaphore_mem>>
        %dma_start3A_1198 = arith.constant 0 : i32
        %dma_start3A_1199 = tpu.memref_slice %arg8[%dma_start3A_1189, %dma_start3A_1190, %dma_start3A_1198] : memref<8x2x128xi32, #tpu.memory_space<vmem>> -> memref<1x1x128xi32, #tpu.memory_space<vmem>>
        %dma_start3A_1200 = tpu.memref_squeeze %dma_start3A_1199 : memref<1x1x128xi32, #tpu.memory_space<vmem>> -> memref<128xi32, #tpu.memory_space<vmem>>
        %dma_start3A_1201 = tpu.memref_slice %arg4[%add3A_1188] : memref<1605632xi32, #tpu.memory_space<hbm>> -> memref<128xi32, #tpu.memory_space<hbm>>
        tpu.enqueue_dma source(%dma_start3A_1201 : memref<128xi32, #tpu.memory_space<hbm>>) target(%dma_start3A_1200 : memref<128xi32, #tpu.memory_space<vmem>>) target_semaphore(%dma_start3A_1197 : memref<!tpu.dma_semaphore, #tpu.memory_space<semaphore_mem>>)
        %dma_start3A_1202 = arith.constant 6 : i32
        %dma_start3A_1203 = arith.constant 1 : i32
        %dma_start3A_1204 = arith.constant 6 : i32
        %dma_start3A_1205 = arith.constant 0 : i32
        %dma_start3A_1206 = tpu.memref_slice %arg8[%dma_start3A_1202, %dma_start3A_1203, %dma_start3A_1205] : memref<8x2x128xi32, #tpu.memory_space<vmem>> -> memref<1x1x128xi32, #tpu.memory_space<vmem>>
        %dma_start3A_1207 = tpu.memref_squeeze %dma_start3A_1206 : memref<1x1x128xi32, #tpu.memory_space<vmem>> -> memref<128xi32, #tpu.memory_space<vmem>>
        %dma_start3A_1208 = tpu.memref_slice %arg5[%add3A_1188] : memref<1605632xi32, #tpu.memory_space<hbm>> -> memref<128xi32, #tpu.memory_space<hbm>>
        %dma_start3A_1209 = tpu.memref_slice %arg13[%dma_start3A_1204] : memref<8x!tpu.dma_semaphore, #tpu.memory_space<semaphore_mem>> -> memref<1x!tpu.dma_semaphore, #tpu.memory_space<semaphore_mem>>
        %dma_start3A_1210 = tpu.memref_squeeze %dma_start3A_1209 : memref<1x!tpu.dma_semaphore, #tpu.memory_space<semaphore_mem>> -> memref<!tpu.dma_semaphore, #tpu.memory_space<semaphore_mem>>
        %dma_start3A_1211 = arith.constant 0 : i32
        %dma_start3A_1212 = tpu.memref_slice %arg8[%dma_start3A_1202, %dma_start3A_1203, %dma_start3A_1211] : memref<8x2x128xi32, #tpu.memory_space<vmem>> -> memref<1x1x128xi32, #tpu.memory_space<vmem>>
        %dma_start3A_1213 = tpu.memref_squeeze %dma_start3A_1212 : memref<1x1x128xi32, #tpu.memory_space<vmem>> -> memref<128xi32, #tpu.memory_space<vmem>>
        %dma_start3A_1214 = tpu.memref_slice %arg5[%add3A_1188] : memref<1605632xi32, #tpu.memory_space<hbm>> -> memref<128xi32, #tpu.memory_space<hbm>>
        tpu.enqueue_dma source(%dma_start3A_1214 : memref<128xi32, #tpu.memory_space<hbm>>) target(%dma_start3A_1213 : memref<128xi32, #tpu.memory_space<vmem>>) target_semaphore(%dma_start3A_1210 : memref<!tpu.dma_semaphore, #tpu.memory_space<semaphore_mem>>)
        %add3A_1215 = arith.constant 4 : i32
        %add3A_1216 = arith.addi %add3A_591, %add3A_1215 : i32
        %mul3A_1217 = arith.constant 128 : i32
        %mul3A_1218 = arith.muli %add3A_1216, %mul3A_1217 : i32
        %add3A_1219 = arith.addi %mul3A_4, %mul3A_1218 : i32
        %jit3A_1220 = arith.constant 8 : i32
        %div3A_1221 = arith.divsi %add3A_1219, %jit3A_1220 : i32
        %sign3A_1222 = arith.constant 0 : i32
        %sign3A_1223 = arith.cmpi sgt, %add3A_1219, %sign3A_1222 : i32
        %sign3A_1224 = arith.extui %sign3A_1223 : i1 to i32
        %sign3A_1225 = arith.constant 0 : i32
        %sign3A_1226 = arith.cmpi slt, %add3A_1219, %sign3A_1225 : i32
        %sign3A_1227 = arith.extui %sign3A_1226 : i1 to i32
        %sign3A_1228 = arith.subi %sign3A_1224, %sign3A_1227 : i32
        %sign3A_1229 = arith.constant 0 : i32
        %sign3A_1230 = arith.cmpi sgt, %jit3A_1220, %sign3A_1229 : i32
        %sign3A_1231 = arith.extui %sign3A_1230 : i1 to i32
        %sign3A_1232 = arith.constant 0 : i32
        %sign3A_1233 = arith.cmpi slt, %jit3A_1220, %sign3A_1232 : i32
        %sign3A_1234 = arith.extui %sign3A_1233 : i1 to i32
        %sign3A_1235 = arith.subi %sign3A_1231, %sign3A_1234 : i32
        %ne3A_1236 = arith.cmpi ne, %sign3A_1228, %sign3A_1235 : i32
        %rem3A_1237 = arith.remsi %add3A_1219, %jit3A_1220 : i32
        %ne3A_1238 = arith.constant 0 : i32
        %ne3A_1239 = arith.cmpi ne, %rem3A_1237, %ne3A_1238 : i32
        %and3A_1240 = arith.andi %ne3A_1236, %ne3A_1239 : i1
        %sub3A_1241 = arith.constant 1 : i32
        %sub3A_1242 = arith.subi %div3A_1221, %sub3A_1241 : i32
        %select_n3A_1243 = arith.select %and3A_1240, %sub3A_1242, %div3A_1221 : i32
        %dma_start3A_1244 = arith.constant 2 : i32
        %dma_start3A_1245 = arith.constant 2 : i32
        %dma_start3A_1246 = arith.constant 0 : i32
        %dma_start3A_1247 = arith.constant 0 : i32
        %dma_start3A_1248 = tpu.memref_slice %arg10[%dma_start3A_1244, %dma_start3A_1246, %dma_start3A_1247] : memref<4x16x128xf32, #tpu.memory_space<vmem>> -> memref<1x16x128xf32, #tpu.memory_space<vmem>>
        %dma_start3A_1249 = tpu.memref_squeeze %dma_start3A_1248 : memref<1x16x128xf32, #tpu.memory_space<vmem>> -> memref<16x128xf32, #tpu.memory_space<vmem>>
        %dma_start3A_1250 = arith.constant 0 : i32
        %dma_start3A_1251 = tpu.memref_slice %arg3[%select_n3A_1243, %dma_start3A_1250] : memref<200704x128xf32, #tpu.memory_space<hbm>> -> memref<16x128xf32, #tpu.memory_space<hbm>>
        %dma_start3A_1252 = tpu.memref_slice %arg15[%dma_start3A_1245] : memref<4x!tpu.dma_semaphore, #tpu.memory_space<semaphore_mem>> -> memref<1x!tpu.dma_semaphore, #tpu.memory_space<semaphore_mem>>
        %dma_start3A_1253 = tpu.memref_squeeze %dma_start3A_1252 : memref<1x!tpu.dma_semaphore, #tpu.memory_space<semaphore_mem>> -> memref<!tpu.dma_semaphore, #tpu.memory_space<semaphore_mem>>
        %dma_start3A_1254 = arith.constant 0 : i32
        %dma_start3A_1255 = arith.constant 0 : i32
        %dma_start3A_1256 = tpu.memref_slice %arg10[%dma_start3A_1244, %dma_start3A_1254, %dma_start3A_1255] : memref<4x16x128xf32, #tpu.memory_space<vmem>> -> memref<1x16x128xf32, #tpu.memory_space<vmem>>
        %dma_start3A_1257 = tpu.memref_squeeze %dma_start3A_1256 : memref<1x16x128xf32, #tpu.memory_space<vmem>> -> memref<16x128xf32, #tpu.memory_space<vmem>>
        %dma_start3A_1258 = arith.constant 0 : i32
        %dma_start3A_1259 = tpu.memref_slice %arg3[%select_n3A_1243, %dma_start3A_1258] : memref<200704x128xf32, #tpu.memory_space<hbm>> -> memref<16x128xf32, #tpu.memory_space<hbm>>
        tpu.enqueue_dma source(%dma_start3A_1259 : memref<16x128xf32, #tpu.memory_space<hbm>>) target(%dma_start3A_1257 : memref<16x128xf32, #tpu.memory_space<vmem>>) target_semaphore(%dma_start3A_1253 : memref<!tpu.dma_semaphore, #tpu.memory_space<semaphore_mem>>)
      } else {
      }
      %add3A_682 = arith.constant 1 : i32
      %add3A_683 = arith.addi %add3A_591, %add3A_682 : i32
      %lt3A_684 = arith.constant 392 : i32
      %lt3A_685 = arith.cmpi slt, %add3A_683, %lt3A_684 : i32
      %convert_element_type3A_686 = arith.extui %lt3A_685 : i1 to i32
      %cond3A_687 = arith.constant 0 : i32
      %cond3A_688 = arith.cmpi ne, %convert_element_type3A_686, %cond3A_687 : i32
      scf.if %cond3A_688 {
        %add3A_1184 = arith.constant 1 : i32
        %add3A_1185 = arith.addi %add3A_591, %add3A_1184 : i32
        %mul3A_1186 = arith.constant 128 : i32
        %mul3A_1187 = arith.muli %add3A_1185, %mul3A_1186 : i32
        %add3A_1188 = arith.addi %mul3A_4, %mul3A_1187 : i32
        %dma_wait3A_1189 = arith.constant 3 : i32
        %dma_wait3A_1190 = arith.constant 0 : i32
        %dma_wait3A_1191 = arith.constant 3 : i32
        %dma_wait3A_1192 = arith.constant 0 : i32
        %dma_wait3A_1193 = tpu.memref_slice %arg8[%dma_wait3A_1189, %dma_wait3A_1190, %dma_wait3A_1192] : memref<8x2x128xi32, #tpu.memory_space<vmem>> -> memref<1x1x128xi32, #tpu.memory_space<vmem>>
        %dma_wait3A_1194 = tpu.memref_squeeze %dma_wait3A_1193 : memref<1x1x128xi32, #tpu.memory_space<vmem>> -> memref<128xi32, #tpu.memory_space<vmem>>
        %dma_wait3A_1195 = tpu.memref_slice %arg4[%add3A_1188] : memref<1605632xi32, #tpu.memory_space<hbm>> -> memref<128xi32, #tpu.memory_space<hbm>>
        %dma_wait3A_1196 = tpu.memref_slice %arg13[%dma_wait3A_1191] : memref<8x!tpu.dma_semaphore, #tpu.memory_space<semaphore_mem>> -> memref<1x!tpu.dma_semaphore, #tpu.memory_space<semaphore_mem>>
        %dma_wait3A_1197 = tpu.memref_squeeze %dma_wait3A_1196 : memref<1x!tpu.dma_semaphore, #tpu.memory_space<semaphore_mem>> -> memref<!tpu.dma_semaphore, #tpu.memory_space<semaphore_mem>>
        %dma_wait3A_1198 = arith.constant 0 : i32
        %dma_wait3A_1199 = tpu.memref_slice %arg8[%dma_wait3A_1189, %dma_wait3A_1190, %dma_wait3A_1198] : memref<8x2x128xi32, #tpu.memory_space<vmem>> -> memref<1x1x128xi32, #tpu.memory_space<vmem>>
        %dma_wait3A_1200 = tpu.memref_squeeze %dma_wait3A_1199 : memref<1x1x128xi32, #tpu.memory_space<vmem>> -> memref<128xi32, #tpu.memory_space<vmem>>
        %dma_wait3A_1201 = tpu.memref_slice %arg4[%add3A_1188] : memref<1605632xi32, #tpu.memory_space<hbm>> -> memref<128xi32, #tpu.memory_space<hbm>>
        tpu.wait_dma2 semaphore(%dma_wait3A_1197 : memref<!tpu.dma_semaphore, #tpu.memory_space<semaphore_mem>>) src(%dma_wait3A_1201 : memref<128xi32, #tpu.memory_space<hbm>>) dst(%dma_wait3A_1200 : memref<128xi32, #tpu.memory_space<vmem>>)
        %dma_wait3A_1202 = arith.constant 3 : i32
        %dma_wait3A_1203 = arith.constant 1 : i32
        %dma_wait3A_1204 = arith.constant 3 : i32
        %dma_wait3A_1205 = arith.constant 0 : i32
        %dma_wait3A_1206 = tpu.memref_slice %arg8[%dma_wait3A_1202, %dma_wait3A_1203, %dma_wait3A_1205] : memref<8x2x128xi32, #tpu.memory_space<vmem>> -> memref<1x1x128xi32, #tpu.memory_space<vmem>>
        %dma_wait3A_1207 = tpu.memref_squeeze %dma_wait3A_1206 : memref<1x1x128xi32, #tpu.memory_space<vmem>> -> memref<128xi32, #tpu.memory_space<vmem>>
        %dma_wait3A_1208 = tpu.memref_slice %arg5[%add3A_1188] : memref<1605632xi32, #tpu.memory_space<hbm>> -> memref<128xi32, #tpu.memory_space<hbm>>
        %dma_wait3A_1209 = tpu.memref_slice %arg13[%dma_wait3A_1204] : memref<8x!tpu.dma_semaphore, #tpu.memory_space<semaphore_mem>> -> memref<1x!tpu.dma_semaphore, #tpu.memory_space<semaphore_mem>>
        %dma_wait3A_1210 = tpu.memref_squeeze %dma_wait3A_1209 : memref<1x!tpu.dma_semaphore, #tpu.memory_space<semaphore_mem>> -> memref<!tpu.dma_semaphore, #tpu.memory_space<semaphore_mem>>
        %dma_wait3A_1211 = arith.constant 0 : i32
        %dma_wait3A_1212 = tpu.memref_slice %arg8[%dma_wait3A_1202, %dma_wait3A_1203, %dma_wait3A_1211] : memref<8x2x128xi32, #tpu.memory_space<vmem>> -> memref<1x1x128xi32, #tpu.memory_space<vmem>>
        %dma_wait3A_1213 = tpu.memref_squeeze %dma_wait3A_1212 : memref<1x1x128xi32, #tpu.memory_space<vmem>> -> memref<128xi32, #tpu.memory_space<vmem>>
        %dma_wait3A_1214 = tpu.memref_slice %arg5[%add3A_1188] : memref<1605632xi32, #tpu.memory_space<hbm>> -> memref<128xi32, #tpu.memory_space<hbm>>
        tpu.wait_dma2 semaphore(%dma_wait3A_1210 : memref<!tpu.dma_semaphore, #tpu.memory_space<semaphore_mem>>) src(%dma_wait3A_1214 : memref<128xi32, #tpu.memory_space<hbm>>) dst(%dma_wait3A_1213 : memref<128xi32, #tpu.memory_space<vmem>>)
        %dma_start3A_1215 = arith.constant 3 : i32
        %dma_start3A_1216 = arith.constant 0 : i32
        %dma_start3A_1217 = arith.constant 3 : i32
        %dma_start3A_1218 = arith.constant 3 : i32
        %dma_start3A_1219 = arith.constant 0 : i32
        %dma_start3A_1220 = arith.constant 0 : i32
        %dma_start3A_1221 = tpu.memref_slice %arg9[%dma_start3A_1217, %dma_start3A_1219, %dma_start3A_1220] : memref<4x128x16xf32, #tpu.memory_space<vmem>> -> memref<1x128x16xf32, #tpu.memory_space<vmem>>
        %dma_start3A_1222 = tpu.memref_squeeze %dma_start3A_1221 : memref<1x128x16xf32, #tpu.memory_space<vmem>> -> memref<128x16xf32, #tpu.memory_space<vmem>>
        %dma_start3A_1223 = arith.constant 0 : i32
        %dma_start3A_1224 = tpu.memref_slice %arg8[%dma_start3A_1215, %dma_start3A_1216, %dma_start3A_1223] : memref<8x2x128xi32, #tpu.memory_space<vmem>> -> memref<1x1x128xi32, #tpu.memory_space<vmem>>
        %dma_start3A_1225 = tpu.memref_squeeze %dma_start3A_1224 : memref<1x1x128xi32, #tpu.memory_space<vmem>> -> memref<128xi32, #tpu.memory_space<vmem>>
        %dma_start3A_1226 = arith.constant 0 : i32
        %dma_start3A_1227 = arith.constant 0 : i32
        %dma_start3A_1228 = tpu.memref_slice %arg2[%dma_start3A_1226, %dma_start3A_1227] : memref<100000x16xf32, #tpu.memory_space<hbm>> -> memref<100000x16xf32, #tpu.memory_space<hbm>>
        %dma_start3A_1229 = tpu.memref_slice %arg14[%dma_start3A_1218] : memref<4x!tpu.dma_semaphore, #tpu.memory_space<semaphore_mem>> -> memref<1x!tpu.dma_semaphore, #tpu.memory_space<semaphore_mem>>
        %dma_start3A_1230 = tpu.memref_squeeze %dma_start3A_1229 : memref<1x!tpu.dma_semaphore, #tpu.memory_space<semaphore_mem>> -> memref<!tpu.dma_semaphore, #tpu.memory_space<semaphore_mem>>
        tpu.enqueue_indirect_dma source(%dma_start3A_1228 : memref<100000x16xf32, #tpu.memory_space<hbm>>) target(%dma_start3A_1222 : memref<128x16xf32, #tpu.memory_space<vmem>>) offsets(%dma_start3A_1225 : memref<128xi32, #tpu.memory_space<vmem>>) semaphore(%dma_start3A_1230 : memref<!tpu.dma_semaphore, #tpu.memory_space<semaphore_mem>>)
      } else {
      }
      %add3A_689 = arith.constant 3 : i32
      %add3A_690 = arith.addi %add3A_396, %add3A_689 : i32
      %ge3A_691 = arith.constant 4 : i32
      %ge3A_692 = arith.cmpi sge, %add3A_690, %ge3A_691 : i32
      %convert_element_type3A_693 = arith.extui %ge3A_692 : i1 to i32
      %cond3A_694 = arith.constant 0 : i32
      %cond3A_695 = arith.cmpi ne, %convert_element_type3A_693, %cond3A_694 : i32
      scf.if %cond3A_695 {
        %dma_wait3A_1184 = arith.constant 3 : i32
        %dma_wait3A_1185 = arith.constant 7 : i32
        %dma_wait3A_1186 = arith.constant 1 : i32
        %dma_wait3A_1187 = arith.constant 3 : i32
        %dma_wait3A_1188 = arith.constant 0 : i32
        %dma_wait3A_1189 = arith.constant 0 : i32
        %dma_wait3A_1190 = tpu.memref_slice %arg11[%dma_wait3A_1184, %dma_wait3A_1188, %dma_wait3A_1189] : memref<4x128x16xf32, #tpu.memory_space<vmem>> -> memref<1x128x16xf32, #tpu.memory_space<vmem>>
        %dma_wait3A_1191 = tpu.memref_squeeze %dma_wait3A_1190 : memref<1x128x16xf32, #tpu.memory_space<vmem>> -> memref<128x16xf32, #tpu.memory_space<vmem>>
        %dma_wait3A_1192 = arith.constant 0 : i32
        %dma_wait3A_1193 = tpu.memref_slice %arg8[%dma_wait3A_1185, %dma_wait3A_1186, %dma_wait3A_1192] : memref<8x2x128xi32, #tpu.memory_space<vmem>> -> memref<1x1x128xi32, #tpu.memory_space<vmem>>
        %dma_wait3A_1194 = tpu.memref_squeeze %dma_wait3A_1193 : memref<1x1x128xi32, #tpu.memory_space<vmem>> -> memref<128xi32, #tpu.memory_space<vmem>>
        %dma_wait3A_1195 = arith.constant 0 : i32
        %dma_wait3A_1196 = arith.constant 0 : i32
        %dma_wait3A_1197 = tpu.memref_slice %arg12[%dma_wait3A_1195, %dma_wait3A_1196] : memref<100352x16xf32, #tpu.memory_space<vmem_shared>> -> memref<100352x16xf32, #tpu.memory_space<vmem_shared>>
        %dma_wait3A_1198 = tpu.memref_slice %arg16[%dma_wait3A_1187] : memref<4x!tpu.dma_semaphore, #tpu.memory_space<semaphore_mem>> -> memref<1x!tpu.dma_semaphore, #tpu.memory_space<semaphore_mem>>
        %dma_wait3A_1199 = tpu.memref_squeeze %dma_wait3A_1198 : memref<1x!tpu.dma_semaphore, #tpu.memory_space<semaphore_mem>> -> memref<!tpu.dma_semaphore, #tpu.memory_space<semaphore_mem>>
        tpu.wait_indirect_dma semaphore(%dma_wait3A_1199 : memref<!tpu.dma_semaphore, #tpu.memory_space<semaphore_mem>>) src(%dma_wait3A_1191 : memref<128x16xf32, #tpu.memory_space<vmem>>) dst(%dma_wait3A_1197 : memref<100352x16xf32, #tpu.memory_space<vmem_shared>>)
      } else {
      }
      %dma_wait3A_696 = arith.constant 3 : i32
      %dma_wait3A_697 = arith.constant 0 : i32
      %dma_wait3A_698 = arith.constant 3 : i32
      %dma_wait3A_699 = arith.constant 3 : i32
      %dma_wait3A_700 = arith.constant 0 : i32
      %dma_wait3A_701 = arith.constant 0 : i32
      %dma_wait3A_702 = tpu.memref_slice %arg9[%dma_wait3A_698, %dma_wait3A_700, %dma_wait3A_701] : memref<4x128x16xf32, #tpu.memory_space<vmem>> -> memref<1x128x16xf32, #tpu.memory_space<vmem>>
      %dma_wait3A_703 = tpu.memref_squeeze %dma_wait3A_702 : memref<1x128x16xf32, #tpu.memory_space<vmem>> -> memref<128x16xf32, #tpu.memory_space<vmem>>
      %dma_wait3A_704 = arith.constant 0 : i32
      %dma_wait3A_705 = tpu.memref_slice %arg8[%dma_wait3A_696, %dma_wait3A_697, %dma_wait3A_704] : memref<8x2x128xi32, #tpu.memory_space<vmem>> -> memref<1x1x128xi32, #tpu.memory_space<vmem>>
      %dma_wait3A_706 = tpu.memref_squeeze %dma_wait3A_705 : memref<1x1x128xi32, #tpu.memory_space<vmem>> -> memref<128xi32, #tpu.memory_space<vmem>>
      %dma_wait3A_707 = arith.constant 0 : i32
      %dma_wait3A_708 = arith.constant 0 : i32
      %dma_wait3A_709 = tpu.memref_slice %arg2[%dma_wait3A_707, %dma_wait3A_708] : memref<100000x16xf32, #tpu.memory_space<hbm>> -> memref<100000x16xf32, #tpu.memory_space<hbm>>
      %dma_wait3A_710 = tpu.memref_slice %arg14[%dma_wait3A_699] : memref<4x!tpu.dma_semaphore, #tpu.memory_space<semaphore_mem>> -> memref<1x!tpu.dma_semaphore, #tpu.memory_space<semaphore_mem>>
      %dma_wait3A_711 = tpu.memref_squeeze %dma_wait3A_710 : memref<1x!tpu.dma_semaphore, #tpu.memory_space<semaphore_mem>> -> memref<!tpu.dma_semaphore, #tpu.memory_space<semaphore_mem>>
      tpu.wait_indirect_dma semaphore(%dma_wait3A_711 : memref<!tpu.dma_semaphore, #tpu.memory_space<semaphore_mem>>) src(%dma_wait3A_709 : memref<100000x16xf32, #tpu.memory_space<hbm>>) dst(%dma_wait3A_703 : memref<128x16xf32, #tpu.memory_space<vmem>>)
      %mul3A_712 = arith.constant 128 : i32
      %mul3A_713 = arith.muli %add3A_690, %mul3A_712 : i32
      %add3A_714 = arith.addi %mul3A_4, %mul3A_713 : i32
      %jit3A_715 = arith.constant 8 : i32
      %div3A_716 = arith.divsi %add3A_714, %jit3A_715 : i32
      %sign3A_717 = arith.constant 0 : i32
      %sign3A_718 = arith.cmpi sgt, %add3A_714, %sign3A_717 : i32
      %sign3A_719 = arith.extui %sign3A_718 : i1 to i32
      %sign3A_720 = arith.constant 0 : i32
      %sign3A_721 = arith.cmpi slt, %add3A_714, %sign3A_720 : i32
      %sign3A_722 = arith.extui %sign3A_721 : i1 to i32
      %sign3A_723 = arith.subi %sign3A_719, %sign3A_722 : i32
      %sign3A_724 = arith.constant 0 : i32
      %sign3A_725 = arith.cmpi sgt, %jit3A_715, %sign3A_724 : i32
      %sign3A_726 = arith.extui %sign3A_725 : i1 to i32
      %sign3A_727 = arith.constant 0 : i32
      %sign3A_728 = arith.cmpi slt, %jit3A_715, %sign3A_727 : i32
      %sign3A_729 = arith.extui %sign3A_728 : i1 to i32
      %sign3A_730 = arith.subi %sign3A_726, %sign3A_729 : i32
      %ne3A_731 = arith.cmpi ne, %sign3A_723, %sign3A_730 : i32
      %rem3A_732 = arith.remsi %add3A_714, %jit3A_715 : i32
      %ne3A_733 = arith.constant 0 : i32
      %ne3A_734 = arith.cmpi ne, %rem3A_732, %ne3A_733 : i32
      %and3A_735 = arith.andi %ne3A_731, %ne3A_734 : i1
      %sub3A_736 = arith.constant 1 : i32
      %sub3A_737 = arith.subi %div3A_716, %sub3A_736 : i32
      %select_n3A_738 = arith.select %and3A_735, %sub3A_737, %div3A_716 : i32
      %dma_wait3A_739 = arith.constant 3 : i32
      %dma_wait3A_740 = arith.constant 3 : i32
      %dma_wait3A_741 = arith.constant 0 : i32
      %dma_wait3A_742 = arith.constant 0 : i32
      %dma_wait3A_743 = tpu.memref_slice %arg10[%dma_wait3A_739, %dma_wait3A_741, %dma_wait3A_742] : memref<4x16x128xf32, #tpu.memory_space<vmem>> -> memref<1x16x128xf32, #tpu.memory_space<vmem>>
      %dma_wait3A_744 = tpu.memref_squeeze %dma_wait3A_743 : memref<1x16x128xf32, #tpu.memory_space<vmem>> -> memref<16x128xf32, #tpu.memory_space<vmem>>
      %dma_wait3A_745 = arith.constant 0 : i32
      %dma_wait3A_746 = tpu.memref_slice %arg3[%select_n3A_738, %dma_wait3A_745] : memref<200704x128xf32, #tpu.memory_space<hbm>> -> memref<16x128xf32, #tpu.memory_space<hbm>>
      %dma_wait3A_747 = tpu.memref_slice %arg15[%dma_wait3A_740] : memref<4x!tpu.dma_semaphore, #tpu.memory_space<semaphore_mem>> -> memref<1x!tpu.dma_semaphore, #tpu.memory_space<semaphore_mem>>
      %dma_wait3A_748 = tpu.memref_squeeze %dma_wait3A_747 : memref<1x!tpu.dma_semaphore, #tpu.memory_space<semaphore_mem>> -> memref<!tpu.dma_semaphore, #tpu.memory_space<semaphore_mem>>
      %dma_wait3A_749 = arith.constant 0 : i32
      %dma_wait3A_750 = arith.constant 0 : i32
      %dma_wait3A_751 = tpu.memref_slice %arg10[%dma_wait3A_739, %dma_wait3A_749, %dma_wait3A_750] : memref<4x16x128xf32, #tpu.memory_space<vmem>> -> memref<1x16x128xf32, #tpu.memory_space<vmem>>
      %dma_wait3A_752 = tpu.memref_squeeze %dma_wait3A_751 : memref<1x16x128xf32, #tpu.memory_space<vmem>> -> memref<16x128xf32, #tpu.memory_space<vmem>>
      %dma_wait3A_753 = arith.constant 0 : i32
      %dma_wait3A_754 = tpu.memref_slice %arg3[%select_n3A_738, %dma_wait3A_753] : memref<200704x128xf32, #tpu.memory_space<hbm>> -> memref<16x128xf32, #tpu.memory_space<hbm>>
      tpu.wait_dma2 semaphore(%dma_wait3A_748 : memref<!tpu.dma_semaphore, #tpu.memory_space<semaphore_mem>>) src(%dma_wait3A_754 : memref<16x128xf32, #tpu.memory_space<hbm>>) dst(%dma_wait3A_752 : memref<16x128xf32, #tpu.memory_space<vmem>>)
      %parallel_loop3A_755 = arith.constant 0 : i32
      %parallel_loop3A_756 = arith.constant 128 : i32
      %parallel_loop3A_757 = arith.constant 1 : i32
      scf.for %parallel_loop3A_1184 = %parallel_loop3A_755 to %parallel_loop3A_756 step %parallel_loop3A_757  : i32 {
        %parallel_loop3A_1185 = arith.constant 8 : i32
        %parallel_loop3A_1186 = arith.divsi %parallel_loop3A_1184, %parallel_loop3A_1185 : i32
        %parallel_loop3A_1187 = arith.constant 0 : i32
        %parallel_loop3A_1188 = arith.cmpi sgt, %parallel_loop3A_1184, %parallel_loop3A_1187 : i32
        %parallel_loop3A_1189 = arith.extui %parallel_loop3A_1188 : i1 to i32
        %parallel_loop3A_1190 = arith.constant 0 : i32
        %parallel_loop3A_1191 = arith.cmpi slt, %parallel_loop3A_1184, %parallel_loop3A_1190 : i32
        %parallel_loop3A_1192 = arith.extui %parallel_loop3A_1191 : i1 to i32
        %parallel_loop3A_1193 = arith.subi %parallel_loop3A_1189, %parallel_loop3A_1192 : i32
        %parallel_loop3A_1194 = arith.constant 0 : i32
        %parallel_loop3A_1195 = arith.cmpi sgt, %parallel_loop3A_1185, %parallel_loop3A_1194 : i32
        %parallel_loop3A_1196 = arith.extui %parallel_loop3A_1195 : i1 to i32
        %parallel_loop3A_1197 = arith.constant 0 : i32
        %parallel_loop3A_1198 = arith.cmpi slt, %parallel_loop3A_1185, %parallel_loop3A_1197 : i32
        %parallel_loop3A_1199 = arith.extui %parallel_loop3A_1198 : i1 to i32
        %parallel_loop3A_1200 = arith.subi %parallel_loop3A_1196, %parallel_loop3A_1199 : i32
        %parallel_loop3A_1201 = arith.cmpi ne, %parallel_loop3A_1193, %parallel_loop3A_1200 : i32
        %parallel_loop3A_1202 = arith.remsi %parallel_loop3A_1184, %parallel_loop3A_1185 : i32
        %parallel_loop3A_1203 = arith.constant 0 : i32
        %parallel_loop3A_1204 = arith.cmpi ne, %parallel_loop3A_1202, %parallel_loop3A_1203 : i32
        %parallel_loop3A_1205 = arith.andi %parallel_loop3A_1201, %parallel_loop3A_1204 : i1
        %parallel_loop3A_1206 = arith.constant 1 : i32
        %parallel_loop3A_1207 = arith.subi %parallel_loop3A_1186, %parallel_loop3A_1206 : i32
        %parallel_loop3A_1208 = arith.select %parallel_loop3A_1205, %parallel_loop3A_1207, %parallel_loop3A_1186 : i32
        %parallel_loop3A_1209 = arith.constant 8 : i32
        %parallel_loop3A_1210 = arith.constant 0 : i32
        %parallel_loop3A_1211 = arith.cmpi eq, %parallel_loop3A_1209, %parallel_loop3A_1210 : i32
        %parallel_loop3A_1212 = arith.constant 1 : i32
        %parallel_loop3A_1213 = arith.select %parallel_loop3A_1211, %parallel_loop3A_1212, %parallel_loop3A_1209 : i32
        %parallel_loop3A_1214 = arith.remsi %parallel_loop3A_1184, %parallel_loop3A_1213 : i32
        %parallel_loop3A_1215 = arith.constant 0 : i32
        %parallel_loop3A_1216 = arith.cmpi ne, %parallel_loop3A_1214, %parallel_loop3A_1215 : i32
        %parallel_loop3A_1217 = arith.constant 0 : i32
        %parallel_loop3A_1218 = arith.cmpi slt, %parallel_loop3A_1214, %parallel_loop3A_1217 : i32
        %parallel_loop3A_1219 = arith.constant 0 : i32
        %parallel_loop3A_1220 = arith.cmpi slt, %parallel_loop3A_1213, %parallel_loop3A_1219 : i32
        %parallel_loop3A_1221 = arith.xori %parallel_loop3A_1218, %parallel_loop3A_1220 : i1
        %parallel_loop3A_1222 = arith.andi %parallel_loop3A_1221, %parallel_loop3A_1216 : i1
        %parallel_loop3A_1223 = arith.addi %parallel_loop3A_1214, %parallel_loop3A_1213 : i32
        %parallel_loop3A_1224 = arith.select %parallel_loop3A_1222, %parallel_loop3A_1223, %parallel_loop3A_1214 : i32
        %parallel_loop3A_1225 = arith.constant 16 : i32
        %parallel_loop3A_1226 = arith.muli %parallel_loop3A_1224, %parallel_loop3A_1225 : i32
        %parallel_loop3A_1227 = arith.constant 3 : i32
        %parallel_loop3A_1228 = arith.index_cast %parallel_loop3A_1227 : i32 to index
        %parallel_loop3A_1229 = arith.index_cast %parallel_loop3A_1208 : i32 to index
        %parallel_loop3A_1230 = arith.index_cast %parallel_loop3A_1226 : i32 to index
        %parallel_loop3A_1231 = tpu.vector_load %arg10[%parallel_loop3A_1228, %parallel_loop3A_1229, %parallel_loop3A_1230] {strides = array<i32>} : memref<4x16x128xf32, #tpu.memory_space<vmem>>, vector<1x1x16xf32>,
        %parallel_loop3A_1232 = vector.shape_cast %parallel_loop3A_1231 : vector<1x1x16xf32> to vector<16xf32>
        %parallel_loop3A_1233 = arith.constant 3 : i32
        %parallel_loop3A_1234 = arith.index_cast %parallel_loop3A_1233 : i32 to index
        %parallel_loop3A_1235 = arith.index_cast %parallel_loop3A_1184 : i32 to index
        %parallel_loop3A_1236 = arith.constant 0 : index
        %parallel_loop3A_1237 = tpu.vector_load %arg9[%parallel_loop3A_1234, %parallel_loop3A_1235, %parallel_loop3A_1236] {strides = array<i32>} : memref<4x128x16xf32, #tpu.memory_space<vmem>>, vector<1x1x16xf32>,
        %parallel_loop3A_1238 = vector.shape_cast %parallel_loop3A_1237 : vector<1x1x16xf32> to vector<16xf32>
        %parallel_loop3A_1239 = arith.addf %parallel_loop3A_1238, %parallel_loop3A_1232 : vector<16xf32>
        %parallel_loop3A_1240 = arith.constant 0.000000e+00 : f32
        %parallel_loop3A_1241 = vector.broadcast %parallel_loop3A_1240 : f32 to vector<16xf32>
        %parallel_loop3A_1242 = arith.maximumf %parallel_loop3A_1239, %parallel_loop3A_1241 : vector<16xf32>
        %parallel_loop3A_1243 = arith.constant 3 : i32
        %parallel_loop3A_1244 = arith.index_cast %parallel_loop3A_1243 : i32 to index
        %parallel_loop3A_1245 = arith.index_cast %parallel_loop3A_1184 : i32 to index
        %parallel_loop3A_1246 = arith.constant 0 : index
        %parallel_loop3A_1247 = tpu.vector_load %arg11[%parallel_loop3A_1244, %parallel_loop3A_1245, %parallel_loop3A_1246] {strides = array<i32>} : memref<4x128x16xf32, #tpu.memory_space<vmem>>, vector<1x1x16xf32>,
        %parallel_loop3A_1248 = vector.shape_cast %parallel_loop3A_1247 : vector<1x1x16xf32> to vector<16xf32>
        %parallel_loop3A_1249 = vector.shape_cast %parallel_loop3A_1242 : vector<16xf32> to vector<1x1x16xf32>
        tpu.vector_store %arg11[%parallel_loop3A_1244, %parallel_loop3A_1245, %parallel_loop3A_1246], %parallel_loop3A_1249 {strides = array<i32>} : memref<4x128x16xf32, #tpu.memory_space<vmem>>, vector<1x1x16xf32>,
      } {sc.loop_unroll_factor = 8 : i64, sc.parallel_access}
      %dma_start3A_758 = arith.constant 3 : i32
      %dma_start3A_759 = arith.constant 3 : i32
      %dma_start3A_760 = arith.constant 1 : i32
      %dma_start3A_761 = arith.constant 3 : i32
      %dma_start3A_762 = arith.constant 0 : i32
      %dma_start3A_763 = arith.constant 0 : i32
      %dma_start3A_764 = tpu.memref_slice %arg11[%dma_start3A_758, %dma_start3A_762, %dma_start3A_763] : memref<4x128x16xf32, #tpu.memory_space<vmem>> -> memref<1x128x16xf32, #tpu.memory_space<vmem>>
      %dma_start3A_765 = tpu.memref_squeeze %dma_start3A_764 : memref<1x128x16xf32, #tpu.memory_space<vmem>> -> memref<128x16xf32, #tpu.memory_space<vmem>>
      %dma_start3A_766 = arith.constant 0 : i32
      %dma_start3A_767 = tpu.memref_slice %arg8[%dma_start3A_759, %dma_start3A_760, %dma_start3A_766] : memref<8x2x128xi32, #tpu.memory_space<vmem>> -> memref<1x1x128xi32, #tpu.memory_space<vmem>>
      %dma_start3A_768 = tpu.memref_squeeze %dma_start3A_767 : memref<1x1x128xi32, #tpu.memory_space<vmem>> -> memref<128xi32, #tpu.memory_space<vmem>>
      %dma_start3A_769 = arith.constant 0 : i32
      %dma_start3A_770 = arith.constant 0 : i32
      %dma_start3A_771 = tpu.memref_slice %arg12[%dma_start3A_769, %dma_start3A_770] : memref<100352x16xf32, #tpu.memory_space<vmem_shared>> -> memref<100352x16xf32, #tpu.memory_space<vmem_shared>>
      %dma_start3A_772 = tpu.memref_slice %arg16[%dma_start3A_761] : memref<4x!tpu.dma_semaphore, #tpu.memory_space<semaphore_mem>> -> memref<1x!tpu.dma_semaphore, #tpu.memory_space<semaphore_mem>>
      %dma_start3A_773 = tpu.memref_squeeze %dma_start3A_772 : memref<1x!tpu.dma_semaphore, #tpu.memory_space<semaphore_mem>> -> memref<!tpu.dma_semaphore, #tpu.memory_space<semaphore_mem>>
      tpu.enqueue_indirect_dma source(%dma_start3A_765 : memref<128x16xf32, #tpu.memory_space<vmem>>) target(%dma_start3A_771 : memref<100352x16xf32, #tpu.memory_space<vmem_shared>>) offsets(%dma_start3A_768 : memref<128xi32, #tpu.memory_space<vmem>>) semaphore(%dma_start3A_773 : memref<!tpu.dma_semaphore, #tpu.memory_space<semaphore_mem>>) {add = true}
      %add3A_774 = arith.constant 4 : i32
      %add3A_775 = arith.addi %add3A_690, %add3A_774 : i32
      %lt3A_776 = arith.constant 392 : i32
      %lt3A_777 = arith.cmpi slt, %add3A_775, %lt3A_776 : i32
      %convert_element_type3A_778 = arith.extui %lt3A_777 : i1 to i32
      %cond3A_779 = arith.constant 0 : i32
      %cond3A_780 = arith.cmpi ne, %convert_element_type3A_778, %cond3A_779 : i32
      scf.if %cond3A_780 {
        %add3A_1184 = arith.constant 4 : i32
        %add3A_1185 = arith.addi %add3A_690, %add3A_1184 : i32
        %mul3A_1186 = arith.constant 128 : i32
        %mul3A_1187 = arith.muli %add3A_1185, %mul3A_1186 : i32
        %add3A_1188 = arith.addi %mul3A_4, %mul3A_1187 : i32
        %dma_start3A_1189 = arith.constant 7 : i32
        %dma_start3A_1190 = arith.constant 0 : i32
        %dma_start3A_1191 = arith.constant 7 : i32
        %dma_start3A_1192 = arith.constant 0 : i32
        %dma_start3A_1193 = tpu.memref_slice %arg8[%dma_start3A_1189, %dma_start3A_1190, %dma_start3A_1192] : memref<8x2x128xi32, #tpu.memory_space<vmem>> -> memref<1x1x128xi32, #tpu.memory_space<vmem>>
        %dma_start3A_1194 = tpu.memref_squeeze %dma_start3A_1193 : memref<1x1x128xi32, #tpu.memory_space<vmem>> -> memref<128xi32, #tpu.memory_space<vmem>>
        %dma_start3A_1195 = tpu.memref_slice %arg4[%add3A_1188] : memref<1605632xi32, #tpu.memory_space<hbm>> -> memref<128xi32, #tpu.memory_space<hbm>>
        %dma_start3A_1196 = tpu.memref_slice %arg13[%dma_start3A_1191] : memref<8x!tpu.dma_semaphore, #tpu.memory_space<semaphore_mem>> -> memref<1x!tpu.dma_semaphore, #tpu.memory_space<semaphore_mem>>
        %dma_start3A_1197 = tpu.memref_squeeze %dma_start3A_1196 : memref<1x!tpu.dma_semaphore, #tpu.memory_space<semaphore_mem>> -> memref<!tpu.dma_semaphore, #tpu.memory_space<semaphore_mem>>
        %dma_start3A_1198 = arith.constant 0 : i32
        %dma_start3A_1199 = tpu.memref_slice %arg8[%dma_start3A_1189, %dma_start3A_1190, %dma_start3A_1198] : memref<8x2x128xi32, #tpu.memory_space<vmem>> -> memref<1x1x128xi32, #tpu.memory_space<vmem>>
        %dma_start3A_1200 = tpu.memref_squeeze %dma_start3A_1199 : memref<1x1x128xi32, #tpu.memory_space<vmem>> -> memref<128xi32, #tpu.memory_space<vmem>>
        %dma_start3A_1201 = tpu.memref_slice %arg4[%add3A_1188] : memref<1605632xi32, #tpu.memory_space<hbm>> -> memref<128xi32, #tpu.memory_space<hbm>>
        tpu.enqueue_dma source(%dma_start3A_1201 : memref<128xi32, #tpu.memory_space<hbm>>) target(%dma_start3A_1200 : memref<128xi32, #tpu.memory_space<vmem>>) target_semaphore(%dma_start3A_1197 : memref<!tpu.dma_semaphore, #tpu.memory_space<semaphore_mem>>)
        %dma_start3A_1202 = arith.constant 7 : i32
        %dma_start3A_1203 = arith.constant 1 : i32
        %dma_start3A_1204 = arith.constant 7 : i32
        %dma_start3A_1205 = arith.constant 0 : i32
        %dma_start3A_1206 = tpu.memref_slice %arg8[%dma_start3A_1202, %dma_start3A_1203, %dma_start3A_1205] : memref<8x2x128xi32, #tpu.memory_space<vmem>> -> memref<1x1x128xi32, #tpu.memory_space<vmem>>
        %dma_start3A_1207 = tpu.memref_squeeze %dma_start3A_1206 : memref<1x1x128xi32, #tpu.memory_space<vmem>> -> memref<128xi32, #tpu.memory_space<vmem>>
        %dma_start3A_1208 = tpu.memref_slice %arg5[%add3A_1188] : memref<1605632xi32, #tpu.memory_space<hbm>> -> memref<128xi32, #tpu.memory_space<hbm>>
        %dma_start3A_1209 = tpu.memref_slice %arg13[%dma_start3A_1204] : memref<8x!tpu.dma_semaphore, #tpu.memory_space<semaphore_mem>> -> memref<1x!tpu.dma_semaphore, #tpu.memory_space<semaphore_mem>>
        %dma_start3A_1210 = tpu.memref_squeeze %dma_start3A_1209 : memref<1x!tpu.dma_semaphore, #tpu.memory_space<semaphore_mem>> -> memref<!tpu.dma_semaphore, #tpu.memory_space<semaphore_mem>>
        %dma_start3A_1211 = arith.constant 0 : i32
        %dma_start3A_1212 = tpu.memref_slice %arg8[%dma_start3A_1202, %dma_start3A_1203, %dma_start3A_1211] : memref<8x2x128xi32, #tpu.memory_space<vmem>> -> memref<1x1x128xi32, #tpu.memory_space<vmem>>
        %dma_start3A_1213 = tpu.memref_squeeze %dma_start3A_1212 : memref<1x1x128xi32, #tpu.memory_space<vmem>> -> memref<128xi32, #tpu.memory_space<vmem>>
        %dma_start3A_1214 = tpu.memref_slice %arg5[%add3A_1188] : memref<1605632xi32, #tpu.memory_space<hbm>> -> memref<128xi32, #tpu.memory_space<hbm>>
        tpu.enqueue_dma source(%dma_start3A_1214 : memref<128xi32, #tpu.memory_space<hbm>>) target(%dma_start3A_1213 : memref<128xi32, #tpu.memory_space<vmem>>) target_semaphore(%dma_start3A_1210 : memref<!tpu.dma_semaphore, #tpu.memory_space<semaphore_mem>>)
        %add3A_1215 = arith.constant 4 : i32
        %add3A_1216 = arith.addi %add3A_690, %add3A_1215 : i32
        %mul3A_1217 = arith.constant 128 : i32
        %mul3A_1218 = arith.muli %add3A_1216, %mul3A_1217 : i32
        %add3A_1219 = arith.addi %mul3A_4, %mul3A_1218 : i32
        %jit3A_1220 = arith.constant 8 : i32
        %div3A_1221 = arith.divsi %add3A_1219, %jit3A_1220 : i32
        %sign3A_1222 = arith.constant 0 : i32
        %sign3A_1223 = arith.cmpi sgt, %add3A_1219, %sign3A_1222 : i32
        %sign3A_1224 = arith.extui %sign3A_1223 : i1 to i32
        %sign3A_1225 = arith.constant 0 : i32
        %sign3A_1226 = arith.cmpi slt, %add3A_1219, %sign3A_1225 : i32
        %sign3A_1227 = arith.extui %sign3A_1226 : i1 to i32
        %sign3A_1228 = arith.subi %sign3A_1224, %sign3A_1227 : i32
        %sign3A_1229 = arith.constant 0 : i32
        %sign3A_1230 = arith.cmpi sgt, %jit3A_1220, %sign3A_1229 : i32
        %sign3A_1231 = arith.extui %sign3A_1230 : i1 to i32
        %sign3A_1232 = arith.constant 0 : i32
        %sign3A_1233 = arith.cmpi slt, %jit3A_1220, %sign3A_1232 : i32
        %sign3A_1234 = arith.extui %sign3A_1233 : i1 to i32
        %sign3A_1235 = arith.subi %sign3A_1231, %sign3A_1234 : i32
        %ne3A_1236 = arith.cmpi ne, %sign3A_1228, %sign3A_1235 : i32
        %rem3A_1237 = arith.remsi %add3A_1219, %jit3A_1220 : i32
        %ne3A_1238 = arith.constant 0 : i32
        %ne3A_1239 = arith.cmpi ne, %rem3A_1237, %ne3A_1238 : i32
        %and3A_1240 = arith.andi %ne3A_1236, %ne3A_1239 : i1
        %sub3A_1241 = arith.constant 1 : i32
        %sub3A_1242 = arith.subi %div3A_1221, %sub3A_1241 : i32
        %select_n3A_1243 = arith.select %and3A_1240, %sub3A_1242, %div3A_1221 : i32
        %dma_start3A_1244 = arith.constant 3 : i32
        %dma_start3A_1245 = arith.constant 3 : i32
        %dma_start3A_1246 = arith.constant 0 : i32
        %dma_start3A_1247 = arith.constant 0 : i32
        %dma_start3A_1248 = tpu.memref_slice %arg10[%dma_start3A_1244, %dma_start3A_1246, %dma_start3A_1247] : memref<4x16x128xf32, #tpu.memory_space<vmem>> -> memref<1x16x128xf32, #tpu.memory_space<vmem>>
        %dma_start3A_1249 = tpu.memref_squeeze %dma_start3A_1248 : memref<1x16x128xf32, #tpu.memory_space<vmem>> -> memref<16x128xf32, #tpu.memory_space<vmem>>
        %dma_start3A_1250 = arith.constant 0 : i32
        %dma_start3A_1251 = tpu.memref_slice %arg3[%select_n3A_1243, %dma_start3A_1250] : memref<200704x128xf32, #tpu.memory_space<hbm>> -> memref<16x128xf32, #tpu.memory_space<hbm>>
        %dma_start3A_1252 = tpu.memref_slice %arg15[%dma_start3A_1245] : memref<4x!tpu.dma_semaphore, #tpu.memory_space<semaphore_mem>> -> memref<1x!tpu.dma_semaphore, #tpu.memory_space<semaphore_mem>>
        %dma_start3A_1253 = tpu.memref_squeeze %dma_start3A_1252 : memref<1x!tpu.dma_semaphore, #tpu.memory_space<semaphore_mem>> -> memref<!tpu.dma_semaphore, #tpu.memory_space<semaphore_mem>>
        %dma_start3A_1254 = arith.constant 0 : i32
        %dma_start3A_1255 = arith.constant 0 : i32
        %dma_start3A_1256 = tpu.memref_slice %arg10[%dma_start3A_1244, %dma_start3A_1254, %dma_start3A_1255] : memref<4x16x128xf32, #tpu.memory_space<vmem>> -> memref<1x16x128xf32, #tpu.memory_space<vmem>>
        %dma_start3A_1257 = tpu.memref_squeeze %dma_start3A_1256 : memref<1x16x128xf32, #tpu.memory_space<vmem>> -> memref<16x128xf32, #tpu.memory_space<vmem>>
        %dma_start3A_1258 = arith.constant 0 : i32
        %dma_start3A_1259 = tpu.memref_slice %arg3[%select_n3A_1243, %dma_start3A_1258] : memref<200704x128xf32, #tpu.memory_space<hbm>> -> memref<16x128xf32, #tpu.memory_space<hbm>>
        tpu.enqueue_dma source(%dma_start3A_1259 : memref<16x128xf32, #tpu.memory_space<hbm>>) target(%dma_start3A_1257 : memref<16x128xf32, #tpu.memory_space<vmem>>) target_semaphore(%dma_start3A_1253 : memref<!tpu.dma_semaphore, #tpu.memory_space<semaphore_mem>>)
      } else {
      }
      %add3A_781 = arith.constant 1 : i32
      %add3A_782 = arith.addi %add3A_690, %add3A_781 : i32
      %lt3A_783 = arith.constant 392 : i32
      %lt3A_784 = arith.cmpi slt, %add3A_782, %lt3A_783 : i32
      %convert_element_type3A_785 = arith.extui %lt3A_784 : i1 to i32
      %cond3A_786 = arith.constant 0 : i32
      %cond3A_787 = arith.cmpi ne, %convert_element_type3A_785, %cond3A_786 : i32
      scf.if %cond3A_787 {
        %add3A_1184 = arith.constant 1 : i32
        %add3A_1185 = arith.addi %add3A_690, %add3A_1184 : i32
        %mul3A_1186 = arith.constant 128 : i32
        %mul3A_1187 = arith.muli %add3A_1185, %mul3A_1186 : i32
        %add3A_1188 = arith.addi %mul3A_4, %mul3A_1187 : i32
        %dma_wait3A_1189 = arith.constant 4 : i32
        %dma_wait3A_1190 = arith.constant 0 : i32
        %dma_wait3A_1191 = arith.constant 4 : i32
        %dma_wait3A_1192 = arith.constant 0 : i32
        %dma_wait3A_1193 = tpu.memref_slice %arg8[%dma_wait3A_1189, %dma_wait3A_1190, %dma_wait3A_1192] : memref<8x2x128xi32, #tpu.memory_space<vmem>> -> memref<1x1x128xi32, #tpu.memory_space<vmem>>
        %dma_wait3A_1194 = tpu.memref_squeeze %dma_wait3A_1193 : memref<1x1x128xi32, #tpu.memory_space<vmem>> -> memref<128xi32, #tpu.memory_space<vmem>>
        %dma_wait3A_1195 = tpu.memref_slice %arg4[%add3A_1188] : memref<1605632xi32, #tpu.memory_space<hbm>> -> memref<128xi32, #tpu.memory_space<hbm>>
        %dma_wait3A_1196 = tpu.memref_slice %arg13[%dma_wait3A_1191] : memref<8x!tpu.dma_semaphore, #tpu.memory_space<semaphore_mem>> -> memref<1x!tpu.dma_semaphore, #tpu.memory_space<semaphore_mem>>
        %dma_wait3A_1197 = tpu.memref_squeeze %dma_wait3A_1196 : memref<1x!tpu.dma_semaphore, #tpu.memory_space<semaphore_mem>> -> memref<!tpu.dma_semaphore, #tpu.memory_space<semaphore_mem>>
        %dma_wait3A_1198 = arith.constant 0 : i32
        %dma_wait3A_1199 = tpu.memref_slice %arg8[%dma_wait3A_1189, %dma_wait3A_1190, %dma_wait3A_1198] : memref<8x2x128xi32, #tpu.memory_space<vmem>> -> memref<1x1x128xi32, #tpu.memory_space<vmem>>
        %dma_wait3A_1200 = tpu.memref_squeeze %dma_wait3A_1199 : memref<1x1x128xi32, #tpu.memory_space<vmem>> -> memref<128xi32, #tpu.memory_space<vmem>>
        %dma_wait3A_1201 = tpu.memref_slice %arg4[%add3A_1188] : memref<1605632xi32, #tpu.memory_space<hbm>> -> memref<128xi32, #tpu.memory_space<hbm>>
        tpu.wait_dma2 semaphore(%dma_wait3A_1197 : memref<!tpu.dma_semaphore, #tpu.memory_space<semaphore_mem>>) src(%dma_wait3A_1201 : memref<128xi32, #tpu.memory_space<hbm>>) dst(%dma_wait3A_1200 : memref<128xi32, #tpu.memory_space<vmem>>)
        %dma_wait3A_1202 = arith.constant 4 : i32
        %dma_wait3A_1203 = arith.constant 1 : i32
        %dma_wait3A_1204 = arith.constant 4 : i32
        %dma_wait3A_1205 = arith.constant 0 : i32
        %dma_wait3A_1206 = tpu.memref_slice %arg8[%dma_wait3A_1202, %dma_wait3A_1203, %dma_wait3A_1205] : memref<8x2x128xi32, #tpu.memory_space<vmem>> -> memref<1x1x128xi32, #tpu.memory_space<vmem>>
        %dma_wait3A_1207 = tpu.memref_squeeze %dma_wait3A_1206 : memref<1x1x128xi32, #tpu.memory_space<vmem>> -> memref<128xi32, #tpu.memory_space<vmem>>
        %dma_wait3A_1208 = tpu.memref_slice %arg5[%add3A_1188] : memref<1605632xi32, #tpu.memory_space<hbm>> -> memref<128xi32, #tpu.memory_space<hbm>>
        %dma_wait3A_1209 = tpu.memref_slice %arg13[%dma_wait3A_1204] : memref<8x!tpu.dma_semaphore, #tpu.memory_space<semaphore_mem>> -> memref<1x!tpu.dma_semaphore, #tpu.memory_space<semaphore_mem>>
        %dma_wait3A_1210 = tpu.memref_squeeze %dma_wait3A_1209 : memref<1x!tpu.dma_semaphore, #tpu.memory_space<semaphore_mem>> -> memref<!tpu.dma_semaphore, #tpu.memory_space<semaphore_mem>>
        %dma_wait3A_1211 = arith.constant 0 : i32
        %dma_wait3A_1212 = tpu.memref_slice %arg8[%dma_wait3A_1202, %dma_wait3A_1203, %dma_wait3A_1211] : memref<8x2x128xi32, #tpu.memory_space<vmem>> -> memref<1x1x128xi32, #tpu.memory_space<vmem>>
        %dma_wait3A_1213 = tpu.memref_squeeze %dma_wait3A_1212 : memref<1x1x128xi32, #tpu.memory_space<vmem>> -> memref<128xi32, #tpu.memory_space<vmem>>
        %dma_wait3A_1214 = tpu.memref_slice %arg5[%add3A_1188] : memref<1605632xi32, #tpu.memory_space<hbm>> -> memref<128xi32, #tpu.memory_space<hbm>>
        tpu.wait_dma2 semaphore(%dma_wait3A_1210 : memref<!tpu.dma_semaphore, #tpu.memory_space<semaphore_mem>>) src(%dma_wait3A_1214 : memref<128xi32, #tpu.memory_space<hbm>>) dst(%dma_wait3A_1213 : memref<128xi32, #tpu.memory_space<vmem>>)
        %dma_start3A_1215 = arith.constant 4 : i32
        %dma_start3A_1216 = arith.constant 0 : i32
        %dma_start3A_1217 = arith.constant 0 : i32
        %dma_start3A_1218 = arith.constant 0 : i32
        %dma_start3A_1219 = arith.constant 0 : i32
        %dma_start3A_1220 = arith.constant 0 : i32
        %dma_start3A_1221 = tpu.memref_slice %arg9[%dma_start3A_1217, %dma_start3A_1219, %dma_start3A_1220] : memref<4x128x16xf32, #tpu.memory_space<vmem>> -> memref<1x128x16xf32, #tpu.memory_space<vmem>>
        %dma_start3A_1222 = tpu.memref_squeeze %dma_start3A_1221 : memref<1x128x16xf32, #tpu.memory_space<vmem>> -> memref<128x16xf32, #tpu.memory_space<vmem>>
        %dma_start3A_1223 = arith.constant 0 : i32
        %dma_start3A_1224 = tpu.memref_slice %arg8[%dma_start3A_1215, %dma_start3A_1216, %dma_start3A_1223] : memref<8x2x128xi32, #tpu.memory_space<vmem>> -> memref<1x1x128xi32, #tpu.memory_space<vmem>>
        %dma_start3A_1225 = tpu.memref_squeeze %dma_start3A_1224 : memref<1x1x128xi32, #tpu.memory_space<vmem>> -> memref<128xi32, #tpu.memory_space<vmem>>
        %dma_start3A_1226 = arith.constant 0 : i32
        %dma_start3A_1227 = arith.constant 0 : i32
        %dma_start3A_1228 = tpu.memref_slice %arg2[%dma_start3A_1226, %dma_start3A_1227] : memref<100000x16xf32, #tpu.memory_space<hbm>> -> memref<100000x16xf32, #tpu.memory_space<hbm>>
        %dma_start3A_1229 = tpu.memref_slice %arg14[%dma_start3A_1218] : memref<4x!tpu.dma_semaphore, #tpu.memory_space<semaphore_mem>> -> memref<1x!tpu.dma_semaphore, #tpu.memory_space<semaphore_mem>>
        %dma_start3A_1230 = tpu.memref_squeeze %dma_start3A_1229 : memref<1x!tpu.dma_semaphore, #tpu.memory_space<semaphore_mem>> -> memref<!tpu.dma_semaphore, #tpu.memory_space<semaphore_mem>>
        tpu.enqueue_indirect_dma source(%dma_start3A_1228 : memref<100000x16xf32, #tpu.memory_space<hbm>>) target(%dma_start3A_1222 : memref<128x16xf32, #tpu.memory_space<vmem>>) offsets(%dma_start3A_1225 : memref<128xi32, #tpu.memory_space<vmem>>) semaphore(%dma_start3A_1230 : memref<!tpu.dma_semaphore, #tpu.memory_space<semaphore_mem>>)
      } else {
      }
      %add3A_788 = arith.constant 4 : i32
      %add3A_789 = arith.addi %add3A_396, %add3A_788 : i32
      %ge3A_790 = arith.constant 4 : i32
      %ge3A_791 = arith.cmpi sge, %add3A_789, %ge3A_790 : i32
      %convert_element_type3A_792 = arith.extui %ge3A_791 : i1 to i32
      %cond3A_793 = arith.constant 0 : i32
      %cond3A_794 = arith.cmpi ne, %convert_element_type3A_792, %cond3A_793 : i32
      scf.if %cond3A_794 {
        %dma_wait3A_1184 = arith.constant 0 : i32
        %dma_wait3A_1185 = arith.constant 0 : i32
        %dma_wait3A_1186 = arith.constant 1 : i32
        %dma_wait3A_1187 = arith.constant 0 : i32
        %dma_wait3A_1188 = arith.constant 0 : i32
        %dma_wait3A_1189 = arith.constant 0 : i32
        %dma_wait3A_1190 = tpu.memref_slice %arg11[%dma_wait3A_1184, %dma_wait3A_1188, %dma_wait3A_1189] : memref<4x128x16xf32, #tpu.memory_space<vmem>> -> memref<1x128x16xf32, #tpu.memory_space<vmem>>
        %dma_wait3A_1191 = tpu.memref_squeeze %dma_wait3A_1190 : memref<1x128x16xf32, #tpu.memory_space<vmem>> -> memref<128x16xf32, #tpu.memory_space<vmem>>
        %dma_wait3A_1192 = arith.constant 0 : i32
        %dma_wait3A_1193 = tpu.memref_slice %arg8[%dma_wait3A_1185, %dma_wait3A_1186, %dma_wait3A_1192] : memref<8x2x128xi32, #tpu.memory_space<vmem>> -> memref<1x1x128xi32, #tpu.memory_space<vmem>>
        %dma_wait3A_1194 = tpu.memref_squeeze %dma_wait3A_1193 : memref<1x1x128xi32, #tpu.memory_space<vmem>> -> memref<128xi32, #tpu.memory_space<vmem>>
        %dma_wait3A_1195 = arith.constant 0 : i32
        %dma_wait3A_1196 = arith.constant 0 : i32
        %dma_wait3A_1197 = tpu.memref_slice %arg12[%dma_wait3A_1195, %dma_wait3A_1196] : memref<100352x16xf32, #tpu.memory_space<vmem_shared>> -> memref<100352x16xf32, #tpu.memory_space<vmem_shared>>
        %dma_wait3A_1198 = tpu.memref_slice %arg16[%dma_wait3A_1187] : memref<4x!tpu.dma_semaphore, #tpu.memory_space<semaphore_mem>> -> memref<1x!tpu.dma_semaphore, #tpu.memory_space<semaphore_mem>>
        %dma_wait3A_1199 = tpu.memref_squeeze %dma_wait3A_1198 : memref<1x!tpu.dma_semaphore, #tpu.memory_space<semaphore_mem>> -> memref<!tpu.dma_semaphore, #tpu.memory_space<semaphore_mem>>
        tpu.wait_indirect_dma semaphore(%dma_wait3A_1199 : memref<!tpu.dma_semaphore, #tpu.memory_space<semaphore_mem>>) src(%dma_wait3A_1191 : memref<128x16xf32, #tpu.memory_space<vmem>>) dst(%dma_wait3A_1197 : memref<100352x16xf32, #tpu.memory_space<vmem_shared>>)
      } else {
      }
      %dma_wait3A_795 = arith.constant 4 : i32
      %dma_wait3A_796 = arith.constant 0 : i32
      %dma_wait3A_797 = arith.constant 0 : i32
      %dma_wait3A_798 = arith.constant 0 : i32
      %dma_wait3A_799 = arith.constant 0 : i32
      %dma_wait3A_800 = arith.constant 0 : i32
      %dma_wait3A_801 = tpu.memref_slice %arg9[%dma_wait3A_797, %dma_wait3A_799, %dma_wait3A_800] : memref<4x128x16xf32, #tpu.memory_space<vmem>> -> memref<1x128x16xf32, #tpu.memory_space<vmem>>
      %dma_wait3A_802 = tpu.memref_squeeze %dma_wait3A_801 : memref<1x128x16xf32, #tpu.memory_space<vmem>> -> memref<128x16xf32, #tpu.memory_space<vmem>>
      %dma_wait3A_803 = arith.constant 0 : i32
      %dma_wait3A_804 = tpu.memref_slice %arg8[%dma_wait3A_795, %dma_wait3A_796, %dma_wait3A_803] : memref<8x2x128xi32, #tpu.memory_space<vmem>> -> memref<1x1x128xi32, #tpu.memory_space<vmem>>
      %dma_wait3A_805 = tpu.memref_squeeze %dma_wait3A_804 : memref<1x1x128xi32, #tpu.memory_space<vmem>> -> memref<128xi32, #tpu.memory_space<vmem>>
      %dma_wait3A_806 = arith.constant 0 : i32
      %dma_wait3A_807 = arith.constant 0 : i32
      %dma_wait3A_808 = tpu.memref_slice %arg2[%dma_wait3A_806, %dma_wait3A_807] : memref<100000x16xf32, #tpu.memory_space<hbm>> -> memref<100000x16xf32, #tpu.memory_space<hbm>>
      %dma_wait3A_809 = tpu.memref_slice %arg14[%dma_wait3A_798] : memref<4x!tpu.dma_semaphore, #tpu.memory_space<semaphore_mem>> -> memref<1x!tpu.dma_semaphore, #tpu.memory_space<semaphore_mem>>
      %dma_wait3A_810 = tpu.memref_squeeze %dma_wait3A_809 : memref<1x!tpu.dma_semaphore, #tpu.memory_space<semaphore_mem>> -> memref<!tpu.dma_semaphore, #tpu.memory_space<semaphore_mem>>
      tpu.wait_indirect_dma semaphore(%dma_wait3A_810 : memref<!tpu.dma_semaphore, #tpu.memory_space<semaphore_mem>>) src(%dma_wait3A_808 : memref<100000x16xf32, #tpu.memory_space<hbm>>) dst(%dma_wait3A_802 : memref<128x16xf32, #tpu.memory_space<vmem>>)
      %mul3A_811 = arith.constant 128 : i32
      %mul3A_812 = arith.muli %add3A_789, %mul3A_811 : i32
      %add3A_813 = arith.addi %mul3A_4, %mul3A_812 : i32
      %jit3A_814 = arith.constant 8 : i32
      %div3A_815 = arith.divsi %add3A_813, %jit3A_814 : i32
      %sign3A_816 = arith.constant 0 : i32
      %sign3A_817 = arith.cmpi sgt, %add3A_813, %sign3A_816 : i32
      %sign3A_818 = arith.extui %sign3A_817 : i1 to i32
      %sign3A_819 = arith.constant 0 : i32
      %sign3A_820 = arith.cmpi slt, %add3A_813, %sign3A_819 : i32
      %sign3A_821 = arith.extui %sign3A_820 : i1 to i32
      %sign3A_822 = arith.subi %sign3A_818, %sign3A_821 : i32
      %sign3A_823 = arith.constant 0 : i32
      %sign3A_824 = arith.cmpi sgt, %jit3A_814, %sign3A_823 : i32
      %sign3A_825 = arith.extui %sign3A_824 : i1 to i32
      %sign3A_826 = arith.constant 0 : i32
      %sign3A_827 = arith.cmpi slt, %jit3A_814, %sign3A_826 : i32
      %sign3A_828 = arith.extui %sign3A_827 : i1 to i32
      %sign3A_829 = arith.subi %sign3A_825, %sign3A_828 : i32
      %ne3A_830 = arith.cmpi ne, %sign3A_822, %sign3A_829 : i32
      %rem3A_831 = arith.remsi %add3A_813, %jit3A_814 : i32
      %ne3A_832 = arith.constant 0 : i32
      %ne3A_833 = arith.cmpi ne, %rem3A_831, %ne3A_832 : i32
      %and3A_834 = arith.andi %ne3A_830, %ne3A_833 : i1
      %sub3A_835 = arith.constant 1 : i32
      %sub3A_836 = arith.subi %div3A_815, %sub3A_835 : i32
      %select_n3A_837 = arith.select %and3A_834, %sub3A_836, %div3A_815 : i32
      %dma_wait3A_838 = arith.constant 0 : i32
      %dma_wait3A_839 = arith.constant 0 : i32
      %dma_wait3A_840 = arith.constant 0 : i32
      %dma_wait3A_841 = arith.constant 0 : i32
      %dma_wait3A_842 = tpu.memref_slice %arg10[%dma_wait3A_838, %dma_wait3A_840, %dma_wait3A_841] : memref<4x16x128xf32, #tpu.memory_space<vmem>> -> memref<1x16x128xf32, #tpu.memory_space<vmem>>
      %dma_wait3A_843 = tpu.memref_squeeze %dma_wait3A_842 : memref<1x16x128xf32, #tpu.memory_space<vmem>> -> memref<16x128xf32, #tpu.memory_space<vmem>>
      %dma_wait3A_844 = arith.constant 0 : i32
      %dma_wait3A_845 = tpu.memref_slice %arg3[%select_n3A_837, %dma_wait3A_844] : memref<200704x128xf32, #tpu.memory_space<hbm>> -> memref<16x128xf32, #tpu.memory_space<hbm>>
      %dma_wait3A_846 = tpu.memref_slice %arg15[%dma_wait3A_839] : memref<4x!tpu.dma_semaphore, #tpu.memory_space<semaphore_mem>> -> memref<1x!tpu.dma_semaphore, #tpu.memory_space<semaphore_mem>>
      %dma_wait3A_847 = tpu.memref_squeeze %dma_wait3A_846 : memref<1x!tpu.dma_semaphore, #tpu.memory_space<semaphore_mem>> -> memref<!tpu.dma_semaphore, #tpu.memory_space<semaphore_mem>>
      %dma_wait3A_848 = arith.constant 0 : i32
      %dma_wait3A_849 = arith.constant 0 : i32
      %dma_wait3A_850 = tpu.memref_slice %arg10[%dma_wait3A_838, %dma_wait3A_848, %dma_wait3A_849] : memref<4x16x128xf32, #tpu.memory_space<vmem>> -> memref<1x16x128xf32, #tpu.memory_space<vmem>>
      %dma_wait3A_851 = tpu.memref_squeeze %dma_wait3A_850 : memref<1x16x128xf32, #tpu.memory_space<vmem>> -> memref<16x128xf32, #tpu.memory_space<vmem>>
      %dma_wait3A_852 = arith.constant 0 : i32
      %dma_wait3A_853 = tpu.memref_slice %arg3[%select_n3A_837, %dma_wait3A_852] : memref<200704x128xf32, #tpu.memory_space<hbm>> -> memref<16x128xf32, #tpu.memory_space<hbm>>
      tpu.wait_dma2 semaphore(%dma_wait3A_847 : memref<!tpu.dma_semaphore, #tpu.memory_space<semaphore_mem>>) src(%dma_wait3A_853 : memref<16x128xf32, #tpu.memory_space<hbm>>) dst(%dma_wait3A_851 : memref<16x128xf32, #tpu.memory_space<vmem>>)
      %parallel_loop3A_854 = arith.constant 0 : i32
      %parallel_loop3A_855 = arith.constant 128 : i32
      %parallel_loop3A_856 = arith.constant 1 : i32
      scf.for %parallel_loop3A_1184 = %parallel_loop3A_854 to %parallel_loop3A_855 step %parallel_loop3A_856  : i32 {
        %parallel_loop3A_1185 = arith.constant 8 : i32
        %parallel_loop3A_1186 = arith.divsi %parallel_loop3A_1184, %parallel_loop3A_1185 : i32
        %parallel_loop3A_1187 = arith.constant 0 : i32
        %parallel_loop3A_1188 = arith.cmpi sgt, %parallel_loop3A_1184, %parallel_loop3A_1187 : i32
        %parallel_loop3A_1189 = arith.extui %parallel_loop3A_1188 : i1 to i32
        %parallel_loop3A_1190 = arith.constant 0 : i32
        %parallel_loop3A_1191 = arith.cmpi slt, %parallel_loop3A_1184, %parallel_loop3A_1190 : i32
        %parallel_loop3A_1192 = arith.extui %parallel_loop3A_1191 : i1 to i32
        %parallel_loop3A_1193 = arith.subi %parallel_loop3A_1189, %parallel_loop3A_1192 : i32
        %parallel_loop3A_1194 = arith.constant 0 : i32
        %parallel_loop3A_1195 = arith.cmpi sgt, %parallel_loop3A_1185, %parallel_loop3A_1194 : i32
        %parallel_loop3A_1196 = arith.extui %parallel_loop3A_1195 : i1 to i32
        %parallel_loop3A_1197 = arith.constant 0 : i32
        %parallel_loop3A_1198 = arith.cmpi slt, %parallel_loop3A_1185, %parallel_loop3A_1197 : i32
        %parallel_loop3A_1199 = arith.extui %parallel_loop3A_1198 : i1 to i32
        %parallel_loop3A_1200 = arith.subi %parallel_loop3A_1196, %parallel_loop3A_1199 : i32
        %parallel_loop3A_1201 = arith.cmpi ne, %parallel_loop3A_1193, %parallel_loop3A_1200 : i32
        %parallel_loop3A_1202 = arith.remsi %parallel_loop3A_1184, %parallel_loop3A_1185 : i32
        %parallel_loop3A_1203 = arith.constant 0 : i32
        %parallel_loop3A_1204 = arith.cmpi ne, %parallel_loop3A_1202, %parallel_loop3A_1203 : i32
        %parallel_loop3A_1205 = arith.andi %parallel_loop3A_1201, %parallel_loop3A_1204 : i1
        %parallel_loop3A_1206 = arith.constant 1 : i32
        %parallel_loop3A_1207 = arith.subi %parallel_loop3A_1186, %parallel_loop3A_1206 : i32
        %parallel_loop3A_1208 = arith.select %parallel_loop3A_1205, %parallel_loop3A_1207, %parallel_loop3A_1186 : i32
        %parallel_loop3A_1209 = arith.constant 8 : i32
        %parallel_loop3A_1210 = arith.constant 0 : i32
        %parallel_loop3A_1211 = arith.cmpi eq, %parallel_loop3A_1209, %parallel_loop3A_1210 : i32
        %parallel_loop3A_1212 = arith.constant 1 : i32
        %parallel_loop3A_1213 = arith.select %parallel_loop3A_1211, %parallel_loop3A_1212, %parallel_loop3A_1209 : i32
        %parallel_loop3A_1214 = arith.remsi %parallel_loop3A_1184, %parallel_loop3A_1213 : i32
        %parallel_loop3A_1215 = arith.constant 0 : i32
        %parallel_loop3A_1216 = arith.cmpi ne, %parallel_loop3A_1214, %parallel_loop3A_1215 : i32
        %parallel_loop3A_1217 = arith.constant 0 : i32
        %parallel_loop3A_1218 = arith.cmpi slt, %parallel_loop3A_1214, %parallel_loop3A_1217 : i32
        %parallel_loop3A_1219 = arith.constant 0 : i32
        %parallel_loop3A_1220 = arith.cmpi slt, %parallel_loop3A_1213, %parallel_loop3A_1219 : i32
        %parallel_loop3A_1221 = arith.xori %parallel_loop3A_1218, %parallel_loop3A_1220 : i1
        %parallel_loop3A_1222 = arith.andi %parallel_loop3A_1221, %parallel_loop3A_1216 : i1
        %parallel_loop3A_1223 = arith.addi %parallel_loop3A_1214, %parallel_loop3A_1213 : i32
        %parallel_loop3A_1224 = arith.select %parallel_loop3A_1222, %parallel_loop3A_1223, %parallel_loop3A_1214 : i32
        %parallel_loop3A_1225 = arith.constant 16 : i32
        %parallel_loop3A_1226 = arith.muli %parallel_loop3A_1224, %parallel_loop3A_1225 : i32
        %parallel_loop3A_1227 = arith.constant 0 : i32
        %parallel_loop3A_1228 = arith.index_cast %parallel_loop3A_1227 : i32 to index
        %parallel_loop3A_1229 = arith.index_cast %parallel_loop3A_1208 : i32 to index
        %parallel_loop3A_1230 = arith.index_cast %parallel_loop3A_1226 : i32 to index
        %parallel_loop3A_1231 = tpu.vector_load %arg10[%parallel_loop3A_1228, %parallel_loop3A_1229, %parallel_loop3A_1230] {strides = array<i32>} : memref<4x16x128xf32, #tpu.memory_space<vmem>>, vector<1x1x16xf32>,
        %parallel_loop3A_1232 = vector.shape_cast %parallel_loop3A_1231 : vector<1x1x16xf32> to vector<16xf32>
        %parallel_loop3A_1233 = arith.constant 0 : i32
        %parallel_loop3A_1234 = arith.index_cast %parallel_loop3A_1233 : i32 to index
        %parallel_loop3A_1235 = arith.index_cast %parallel_loop3A_1184 : i32 to index
        %parallel_loop3A_1236 = arith.constant 0 : index
        %parallel_loop3A_1237 = tpu.vector_load %arg9[%parallel_loop3A_1234, %parallel_loop3A_1235, %parallel_loop3A_1236] {strides = array<i32>} : memref<4x128x16xf32, #tpu.memory_space<vmem>>, vector<1x1x16xf32>,
        %parallel_loop3A_1238 = vector.shape_cast %parallel_loop3A_1237 : vector<1x1x16xf32> to vector<16xf32>
        %parallel_loop3A_1239 = arith.addf %parallel_loop3A_1238, %parallel_loop3A_1232 : vector<16xf32>
        %parallel_loop3A_1240 = arith.constant 0.000000e+00 : f32
        %parallel_loop3A_1241 = vector.broadcast %parallel_loop3A_1240 : f32 to vector<16xf32>
        %parallel_loop3A_1242 = arith.maximumf %parallel_loop3A_1239, %parallel_loop3A_1241 : vector<16xf32>
        %parallel_loop3A_1243 = arith.constant 0 : i32
        %parallel_loop3A_1244 = arith.index_cast %parallel_loop3A_1243 : i32 to index
        %parallel_loop3A_1245 = arith.index_cast %parallel_loop3A_1184 : i32 to index
        %parallel_loop3A_1246 = arith.constant 0 : index
        %parallel_loop3A_1247 = tpu.vector_load %arg11[%parallel_loop3A_1244, %parallel_loop3A_1245, %parallel_loop3A_1246] {strides = array<i32>} : memref<4x128x16xf32, #tpu.memory_space<vmem>>, vector<1x1x16xf32>,
        %parallel_loop3A_1248 = vector.shape_cast %parallel_loop3A_1247 : vector<1x1x16xf32> to vector<16xf32>
        %parallel_loop3A_1249 = vector.shape_cast %parallel_loop3A_1242 : vector<16xf32> to vector<1x1x16xf32>
        tpu.vector_store %arg11[%parallel_loop3A_1244, %parallel_loop3A_1245, %parallel_loop3A_1246], %parallel_loop3A_1249 {strides = array<i32>} : memref<4x128x16xf32, #tpu.memory_space<vmem>>, vector<1x1x16xf32>,
      } {sc.loop_unroll_factor = 8 : i64, sc.parallel_access}
      %dma_start3A_857 = arith.constant 0 : i32
      %dma_start3A_858 = arith.constant 4 : i32
      %dma_start3A_859 = arith.constant 1 : i32
      %dma_start3A_860 = arith.constant 0 : i32
      %dma_start3A_861 = arith.constant 0 : i32
      %dma_start3A_862 = arith.constant 0 : i32
      %dma_start3A_863 = tpu.memref_slice %arg11[%dma_start3A_857, %dma_start3A_861, %dma_start3A_862] : memref<4x128x16xf32, #tpu.memory_space<vmem>> -> memref<1x128x16xf32, #tpu.memory_space<vmem>>
      %dma_start3A_864 = tpu.memref_squeeze %dma_start3A_863 : memref<1x128x16xf32, #tpu.memory_space<vmem>> -> memref<128x16xf32, #tpu.memory_space<vmem>>
      %dma_start3A_865 = arith.constant 0 : i32
      %dma_start3A_866 = tpu.memref_slice %arg8[%dma_start3A_858, %dma_start3A_859, %dma_start3A_865] : memref<8x2x128xi32, #tpu.memory_space<vmem>> -> memref<1x1x128xi32, #tpu.memory_space<vmem>>
      %dma_start3A_867 = tpu.memref_squeeze %dma_start3A_866 : memref<1x1x128xi32, #tpu.memory_space<vmem>> -> memref<128xi32, #tpu.memory_space<vmem>>
      %dma_start3A_868 = arith.constant 0 : i32
      %dma_start3A_869 = arith.constant 0 : i32
      %dma_start3A_870 = tpu.memref_slice %arg12[%dma_start3A_868, %dma_start3A_869] : memref<100352x16xf32, #tpu.memory_space<vmem_shared>> -> memref<100352x16xf32, #tpu.memory_space<vmem_shared>>
      %dma_start3A_871 = tpu.memref_slice %arg16[%dma_start3A_860] : memref<4x!tpu.dma_semaphore, #tpu.memory_space<semaphore_mem>> -> memref<1x!tpu.dma_semaphore, #tpu.memory_space<semaphore_mem>>
      %dma_start3A_872 = tpu.memref_squeeze %dma_start3A_871 : memref<1x!tpu.dma_semaphore, #tpu.memory_space<semaphore_mem>> -> memref<!tpu.dma_semaphore, #tpu.memory_space<semaphore_mem>>
      tpu.enqueue_indirect_dma source(%dma_start3A_864 : memref<128x16xf32, #tpu.memory_space<vmem>>) target(%dma_start3A_870 : memref<100352x16xf32, #tpu.memory_space<vmem_shared>>) offsets(%dma_start3A_867 : memref<128xi32, #tpu.memory_space<vmem>>) semaphore(%dma_start3A_872 : memref<!tpu.dma_semaphore, #tpu.memory_space<semaphore_mem>>) {add = true}
      %add3A_873 = arith.constant 4 : i32
      %add3A_874 = arith.addi %add3A_789, %add3A_873 : i32
      %lt3A_875 = arith.constant 392 : i32
      %lt3A_876 = arith.cmpi slt, %add3A_874, %lt3A_875 : i32
      %convert_element_type3A_877 = arith.extui %lt3A_876 : i1 to i32
      %cond3A_878 = arith.constant 0 : i32
      %cond3A_879 = arith.cmpi ne, %convert_element_type3A_877, %cond3A_878 : i32
      scf.if %cond3A_879 {
        %add3A_1184 = arith.constant 4 : i32
        %add3A_1185 = arith.addi %add3A_789, %add3A_1184 : i32
        %mul3A_1186 = arith.constant 128 : i32
        %mul3A_1187 = arith.muli %add3A_1185, %mul3A_1186 : i32
        %add3A_1188 = arith.addi %mul3A_4, %mul3A_1187 : i32
        %dma_start3A_1189 = arith.constant 0 : i32
        %dma_start3A_1190 = arith.constant 0 : i32
        %dma_start3A_1191 = arith.constant 0 : i32
        %dma_start3A_1192 = arith.constant 0 : i32
        %dma_start3A_1193 = tpu.memref_slice %arg8[%dma_start3A_1189, %dma_start3A_1190, %dma_start3A_1192] : memref<8x2x128xi32, #tpu.memory_space<vmem>> -> memref<1x1x128xi32, #tpu.memory_space<vmem>>
        %dma_start3A_1194 = tpu.memref_squeeze %dma_start3A_1193 : memref<1x1x128xi32, #tpu.memory_space<vmem>> -> memref<128xi32, #tpu.memory_space<vmem>>
        %dma_start3A_1195 = tpu.memref_slice %arg4[%add3A_1188] : memref<1605632xi32, #tpu.memory_space<hbm>> -> memref<128xi32, #tpu.memory_space<hbm>>
        %dma_start3A_1196 = tpu.memref_slice %arg13[%dma_start3A_1191] : memref<8x!tpu.dma_semaphore, #tpu.memory_space<semaphore_mem>> -> memref<1x!tpu.dma_semaphore, #tpu.memory_space<semaphore_mem>>
        %dma_start3A_1197 = tpu.memref_squeeze %dma_start3A_1196 : memref<1x!tpu.dma_semaphore, #tpu.memory_space<semaphore_mem>> -> memref<!tpu.dma_semaphore, #tpu.memory_space<semaphore_mem>>
        %dma_start3A_1198 = arith.constant 0 : i32
        %dma_start3A_1199 = tpu.memref_slice %arg8[%dma_start3A_1189, %dma_start3A_1190, %dma_start3A_1198] : memref<8x2x128xi32, #tpu.memory_space<vmem>> -> memref<1x1x128xi32, #tpu.memory_space<vmem>>
        %dma_start3A_1200 = tpu.memref_squeeze %dma_start3A_1199 : memref<1x1x128xi32, #tpu.memory_space<vmem>> -> memref<128xi32, #tpu.memory_space<vmem>>
        %dma_start3A_1201 = tpu.memref_slice %arg4[%add3A_1188] : memref<1605632xi32, #tpu.memory_space<hbm>> -> memref<128xi32, #tpu.memory_space<hbm>>
        tpu.enqueue_dma source(%dma_start3A_1201 : memref<128xi32, #tpu.memory_space<hbm>>) target(%dma_start3A_1200 : memref<128xi32, #tpu.memory_space<vmem>>) target_semaphore(%dma_start3A_1197 : memref<!tpu.dma_semaphore, #tpu.memory_space<semaphore_mem>>)
        %dma_start3A_1202 = arith.constant 0 : i32
        %dma_start3A_1203 = arith.constant 1 : i32
        %dma_start3A_1204 = arith.constant 0 : i32
        %dma_start3A_1205 = arith.constant 0 : i32
        %dma_start3A_1206 = tpu.memref_slice %arg8[%dma_start3A_1202, %dma_start3A_1203, %dma_start3A_1205] : memref<8x2x128xi32, #tpu.memory_space<vmem>> -> memref<1x1x128xi32, #tpu.memory_space<vmem>>
        %dma_start3A_1207 = tpu.memref_squeeze %dma_start3A_1206 : memref<1x1x128xi32, #tpu.memory_space<vmem>> -> memref<128xi32, #tpu.memory_space<vmem>>
        %dma_start3A_1208 = tpu.memref_slice %arg5[%add3A_1188] : memref<1605632xi32, #tpu.memory_space<hbm>> -> memref<128xi32, #tpu.memory_space<hbm>>
        %dma_start3A_1209 = tpu.memref_slice %arg13[%dma_start3A_1204] : memref<8x!tpu.dma_semaphore, #tpu.memory_space<semaphore_mem>> -> memref<1x!tpu.dma_semaphore, #tpu.memory_space<semaphore_mem>>
        %dma_start3A_1210 = tpu.memref_squeeze %dma_start3A_1209 : memref<1x!tpu.dma_semaphore, #tpu.memory_space<semaphore_mem>> -> memref<!tpu.dma_semaphore, #tpu.memory_space<semaphore_mem>>
        %dma_start3A_1211 = arith.constant 0 : i32
        %dma_start3A_1212 = tpu.memref_slice %arg8[%dma_start3A_1202, %dma_start3A_1203, %dma_start3A_1211] : memref<8x2x128xi32, #tpu.memory_space<vmem>> -> memref<1x1x128xi32, #tpu.memory_space<vmem>>
        %dma_start3A_1213 = tpu.memref_squeeze %dma_start3A_1212 : memref<1x1x128xi32, #tpu.memory_space<vmem>> -> memref<128xi32, #tpu.memory_space<vmem>>
        %dma_start3A_1214 = tpu.memref_slice %arg5[%add3A_1188] : memref<1605632xi32, #tpu.memory_space<hbm>> -> memref<128xi32, #tpu.memory_space<hbm>>
        tpu.enqueue_dma source(%dma_start3A_1214 : memref<128xi32, #tpu.memory_space<hbm>>) target(%dma_start3A_1213 : memref<128xi32, #tpu.memory_space<vmem>>) target_semaphore(%dma_start3A_1210 : memref<!tpu.dma_semaphore, #tpu.memory_space<semaphore_mem>>)
        %add3A_1215 = arith.constant 4 : i32
        %add3A_1216 = arith.addi %add3A_789, %add3A_1215 : i32
        %mul3A_1217 = arith.constant 128 : i32
        %mul3A_1218 = arith.muli %add3A_1216, %mul3A_1217 : i32
        %add3A_1219 = arith.addi %mul3A_4, %mul3A_1218 : i32
        %jit3A_1220 = arith.constant 8 : i32
        %div3A_1221 = arith.divsi %add3A_1219, %jit3A_1220 : i32
        %sign3A_1222 = arith.constant 0 : i32
        %sign3A_1223 = arith.cmpi sgt, %add3A_1219, %sign3A_1222 : i32
        %sign3A_1224 = arith.extui %sign3A_1223 : i1 to i32
        %sign3A_1225 = arith.constant 0 : i32
        %sign3A_1226 = arith.cmpi slt, %add3A_1219, %sign3A_1225 : i32
        %sign3A_1227 = arith.extui %sign3A_1226 : i1 to i32
        %sign3A_1228 = arith.subi %sign3A_1224, %sign3A_1227 : i32
        %sign3A_1229 = arith.constant 0 : i32
        %sign3A_1230 = arith.cmpi sgt, %jit3A_1220, %sign3A_1229 : i32
        %sign3A_1231 = arith.extui %sign3A_1230 : i1 to i32
        %sign3A_1232 = arith.constant 0 : i32
        %sign3A_1233 = arith.cmpi slt, %jit3A_1220, %sign3A_1232 : i32
        %sign3A_1234 = arith.extui %sign3A_1233 : i1 to i32
        %sign3A_1235 = arith.subi %sign3A_1231, %sign3A_1234 : i32
        %ne3A_1236 = arith.cmpi ne, %sign3A_1228, %sign3A_1235 : i32
        %rem3A_1237 = arith.remsi %add3A_1219, %jit3A_1220 : i32
        %ne3A_1238 = arith.constant 0 : i32
        %ne3A_1239 = arith.cmpi ne, %rem3A_1237, %ne3A_1238 : i32
        %and3A_1240 = arith.andi %ne3A_1236, %ne3A_1239 : i1
        %sub3A_1241 = arith.constant 1 : i32
        %sub3A_1242 = arith.subi %div3A_1221, %sub3A_1241 : i32
        %select_n3A_1243 = arith.select %and3A_1240, %sub3A_1242, %div3A_1221 : i32
        %dma_start3A_1244 = arith.constant 0 : i32
        %dma_start3A_1245 = arith.constant 0 : i32
        %dma_start3A_1246 = arith.constant 0 : i32
        %dma_start3A_1247 = arith.constant 0 : i32
        %dma_start3A_1248 = tpu.memref_slice %arg10[%dma_start3A_1244, %dma_start3A_1246, %dma_start3A_1247] : memref<4x16x128xf32, #tpu.memory_space<vmem>> -> memref<1x16x128xf32, #tpu.memory_space<vmem>>
        %dma_start3A_1249 = tpu.memref_squeeze %dma_start3A_1248 : memref<1x16x128xf32, #tpu.memory_space<vmem>> -> memref<16x128xf32, #tpu.memory_space<vmem>>
        %dma_start3A_1250 = arith.constant 0 : i32
        %dma_start3A_1251 = tpu.memref_slice %arg3[%select_n3A_1243, %dma_start3A_1250] : memref<200704x128xf32, #tpu.memory_space<hbm>> -> memref<16x128xf32, #tpu.memory_space<hbm>>
        %dma_start3A_1252 = tpu.memref_slice %arg15[%dma_start3A_1245] : memref<4x!tpu.dma_semaphore, #tpu.memory_space<semaphore_mem>> -> memref<1x!tpu.dma_semaphore, #tpu.memory_space<semaphore_mem>>
        %dma_start3A_1253 = tpu.memref_squeeze %dma_start3A_1252 : memref<1x!tpu.dma_semaphore, #tpu.memory_space<semaphore_mem>> -> memref<!tpu.dma_semaphore, #tpu.memory_space<semaphore_mem>>
        %dma_start3A_1254 = arith.constant 0 : i32
        %dma_start3A_1255 = arith.constant 0 : i32
        %dma_start3A_1256 = tpu.memref_slice %arg10[%dma_start3A_1244, %dma_start3A_1254, %dma_start3A_1255] : memref<4x16x128xf32, #tpu.memory_space<vmem>> -> memref<1x16x128xf32, #tpu.memory_space<vmem>>
        %dma_start3A_1257 = tpu.memref_squeeze %dma_start3A_1256 : memref<1x16x128xf32, #tpu.memory_space<vmem>> -> memref<16x128xf32, #tpu.memory_space<vmem>>
        %dma_start3A_1258 = arith.constant 0 : i32
        %dma_start3A_1259 = tpu.memref_slice %arg3[%select_n3A_1243, %dma_start3A_1258] : memref<200704x128xf32, #tpu.memory_space<hbm>> -> memref<16x128xf32, #tpu.memory_space<hbm>>
        tpu.enqueue_dma source(%dma_start3A_1259 : memref<16x128xf32, #tpu.memory_space<hbm>>) target(%dma_start3A_1257 : memref<16x128xf32, #tpu.memory_space<vmem>>) target_semaphore(%dma_start3A_1253 : memref<!tpu.dma_semaphore, #tpu.memory_space<semaphore_mem>>)
      } else {
      }
      %add3A_880 = arith.constant 1 : i32
      %add3A_881 = arith.addi %add3A_789, %add3A_880 : i32
      %lt3A_882 = arith.constant 392 : i32
      %lt3A_883 = arith.cmpi slt, %add3A_881, %lt3A_882 : i32
      %convert_element_type3A_884 = arith.extui %lt3A_883 : i1 to i32
      %cond3A_885 = arith.constant 0 : i32
      %cond3A_886 = arith.cmpi ne, %convert_element_type3A_884, %cond3A_885 : i32
      scf.if %cond3A_886 {
        %add3A_1184 = arith.constant 1 : i32
        %add3A_1185 = arith.addi %add3A_789, %add3A_1184 : i32
        %mul3A_1186 = arith.constant 128 : i32
        %mul3A_1187 = arith.muli %add3A_1185, %mul3A_1186 : i32
        %add3A_1188 = arith.addi %mul3A_4, %mul3A_1187 : i32
        %dma_wait3A_1189 = arith.constant 5 : i32
        %dma_wait3A_1190 = arith.constant 0 : i32
        %dma_wait3A_1191 = arith.constant 5 : i32
        %dma_wait3A_1192 = arith.constant 0 : i32
        %dma_wait3A_1193 = tpu.memref_slice %arg8[%dma_wait3A_1189, %dma_wait3A_1190, %dma_wait3A_1192] : memref<8x2x128xi32, #tpu.memory_space<vmem>> -> memref<1x1x128xi32, #tpu.memory_space<vmem>>
        %dma_wait3A_1194 = tpu.memref_squeeze %dma_wait3A_1193 : memref<1x1x128xi32, #tpu.memory_space<vmem>> -> memref<128xi32, #tpu.memory_space<vmem>>
        %dma_wait3A_1195 = tpu.memref_slice %arg4[%add3A_1188] : memref<1605632xi32, #tpu.memory_space<hbm>> -> memref<128xi32, #tpu.memory_space<hbm>>
        %dma_wait3A_1196 = tpu.memref_slice %arg13[%dma_wait3A_1191] : memref<8x!tpu.dma_semaphore, #tpu.memory_space<semaphore_mem>> -> memref<1x!tpu.dma_semaphore, #tpu.memory_space<semaphore_mem>>
        %dma_wait3A_1197 = tpu.memref_squeeze %dma_wait3A_1196 : memref<1x!tpu.dma_semaphore, #tpu.memory_space<semaphore_mem>> -> memref<!tpu.dma_semaphore, #tpu.memory_space<semaphore_mem>>
        %dma_wait3A_1198 = arith.constant 0 : i32
        %dma_wait3A_1199 = tpu.memref_slice %arg8[%dma_wait3A_1189, %dma_wait3A_1190, %dma_wait3A_1198] : memref<8x2x128xi32, #tpu.memory_space<vmem>> -> memref<1x1x128xi32, #tpu.memory_space<vmem>>
        %dma_wait3A_1200 = tpu.memref_squeeze %dma_wait3A_1199 : memref<1x1x128xi32, #tpu.memory_space<vmem>> -> memref<128xi32, #tpu.memory_space<vmem>>
        %dma_wait3A_1201 = tpu.memref_slice %arg4[%add3A_1188] : memref<1605632xi32, #tpu.memory_space<hbm>> -> memref<128xi32, #tpu.memory_space<hbm>>
        tpu.wait_dma2 semaphore(%dma_wait3A_1197 : memref<!tpu.dma_semaphore, #tpu.memory_space<semaphore_mem>>) src(%dma_wait3A_1201 : memref<128xi32, #tpu.memory_space<hbm>>) dst(%dma_wait3A_1200 : memref<128xi32, #tpu.memory_space<vmem>>)
        %dma_wait3A_1202 = arith.constant 5 : i32
        %dma_wait3A_1203 = arith.constant 1 : i32
        %dma_wait3A_1204 = arith.constant 5 : i32
        %dma_wait3A_1205 = arith.constant 0 : i32
        %dma_wait3A_1206 = tpu.memref_slice %arg8[%dma_wait3A_1202, %dma_wait3A_1203, %dma_wait3A_1205] : memref<8x2x128xi32, #tpu.memory_space<vmem>> -> memref<1x1x128xi32, #tpu.memory_space<vmem>>
        %dma_wait3A_1207 = tpu.memref_squeeze %dma_wait3A_1206 : memref<1x1x128xi32, #tpu.memory_space<vmem>> -> memref<128xi32, #tpu.memory_space<vmem>>
        %dma_wait3A_1208 = tpu.memref_slice %arg5[%add3A_1188] : memref<1605632xi32, #tpu.memory_space<hbm>> -> memref<128xi32, #tpu.memory_space<hbm>>
        %dma_wait3A_1209 = tpu.memref_slice %arg13[%dma_wait3A_1204] : memref<8x!tpu.dma_semaphore, #tpu.memory_space<semaphore_mem>> -> memref<1x!tpu.dma_semaphore, #tpu.memory_space<semaphore_mem>>
        %dma_wait3A_1210 = tpu.memref_squeeze %dma_wait3A_1209 : memref<1x!tpu.dma_semaphore, #tpu.memory_space<semaphore_mem>> -> memref<!tpu.dma_semaphore, #tpu.memory_space<semaphore_mem>>
        %dma_wait3A_1211 = arith.constant 0 : i32
        %dma_wait3A_1212 = tpu.memref_slice %arg8[%dma_wait3A_1202, %dma_wait3A_1203, %dma_wait3A_1211] : memref<8x2x128xi32, #tpu.memory_space<vmem>> -> memref<1x1x128xi32, #tpu.memory_space<vmem>>
        %dma_wait3A_1213 = tpu.memref_squeeze %dma_wait3A_1212 : memref<1x1x128xi32, #tpu.memory_space<vmem>> -> memref<128xi32, #tpu.memory_space<vmem>>
        %dma_wait3A_1214 = tpu.memref_slice %arg5[%add3A_1188] : memref<1605632xi32, #tpu.memory_space<hbm>> -> memref<128xi32, #tpu.memory_space<hbm>>
        tpu.wait_dma2 semaphore(%dma_wait3A_1210 : memref<!tpu.dma_semaphore, #tpu.memory_space<semaphore_mem>>) src(%dma_wait3A_1214 : memref<128xi32, #tpu.memory_space<hbm>>) dst(%dma_wait3A_1213 : memref<128xi32, #tpu.memory_space<vmem>>)
        %dma_start3A_1215 = arith.constant 5 : i32
        %dma_start3A_1216 = arith.constant 0 : i32
        %dma_start3A_1217 = arith.constant 1 : i32
        %dma_start3A_1218 = arith.constant 1 : i32
        %dma_start3A_1219 = arith.constant 0 : i32
        %dma_start3A_1220 = arith.constant 0 : i32
        %dma_start3A_1221 = tpu.memref_slice %arg9[%dma_start3A_1217, %dma_start3A_1219, %dma_start3A_1220] : memref<4x128x16xf32, #tpu.memory_space<vmem>> -> memref<1x128x16xf32, #tpu.memory_space<vmem>>
        %dma_start3A_1222 = tpu.memref_squeeze %dma_start3A_1221 : memref<1x128x16xf32, #tpu.memory_space<vmem>> -> memref<128x16xf32, #tpu.memory_space<vmem>>
        %dma_start3A_1223 = arith.constant 0 : i32
        %dma_start3A_1224 = tpu.memref_slice %arg8[%dma_start3A_1215, %dma_start3A_1216, %dma_start3A_1223] : memref<8x2x128xi32, #tpu.memory_space<vmem>> -> memref<1x1x128xi32, #tpu.memory_space<vmem>>
        %dma_start3A_1225 = tpu.memref_squeeze %dma_start3A_1224 : memref<1x1x128xi32, #tpu.memory_space<vmem>> -> memref<128xi32, #tpu.memory_space<vmem>>
        %dma_start3A_1226 = arith.constant 0 : i32
        %dma_start3A_1227 = arith.constant 0 : i32
        %dma_start3A_1228 = tpu.memref_slice %arg2[%dma_start3A_1226, %dma_start3A_1227] : memref<100000x16xf32, #tpu.memory_space<hbm>> -> memref<100000x16xf32, #tpu.memory_space<hbm>>
        %dma_start3A_1229 = tpu.memref_slice %arg14[%dma_start3A_1218] : memref<4x!tpu.dma_semaphore, #tpu.memory_space<semaphore_mem>> -> memref<1x!tpu.dma_semaphore, #tpu.memory_space<semaphore_mem>>
        %dma_start3A_1230 = tpu.memref_squeeze %dma_start3A_1229 : memref<1x!tpu.dma_semaphore, #tpu.memory_space<semaphore_mem>> -> memref<!tpu.dma_semaphore, #tpu.memory_space<semaphore_mem>>
        tpu.enqueue_indirect_dma source(%dma_start3A_1228 : memref<100000x16xf32, #tpu.memory_space<hbm>>) target(%dma_start3A_1222 : memref<128x16xf32, #tpu.memory_space<vmem>>) offsets(%dma_start3A_1225 : memref<128xi32, #tpu.memory_space<vmem>>) semaphore(%dma_start3A_1230 : memref<!tpu.dma_semaphore, #tpu.memory_space<semaphore_mem>>)
      } else {
      }
      %add3A_887 = arith.constant 5 : i32
      %add3A_888 = arith.addi %add3A_396, %add3A_887 : i32
      %ge3A_889 = arith.constant 4 : i32
      %ge3A_890 = arith.cmpi sge, %add3A_888, %ge3A_889 : i32
      %convert_element_type3A_891 = arith.extui %ge3A_890 : i1 to i32
      %cond3A_892 = arith.constant 0 : i32
      %cond3A_893 = arith.cmpi ne, %convert_element_type3A_891, %cond3A_892 : i32
      scf.if %cond3A_893 {
        %dma_wait3A_1184 = arith.constant 1 : i32
        %dma_wait3A_1185 = arith.constant 1 : i32
        %dma_wait3A_1186 = arith.constant 1 : i32
        %dma_wait3A_1187 = arith.constant 1 : i32
        %dma_wait3A_1188 = arith.constant 0 : i32
        %dma_wait3A_1189 = arith.constant 0 : i32
        %dma_wait3A_1190 = tpu.memref_slice %arg11[%dma_wait3A_1184, %dma_wait3A_1188, %dma_wait3A_1189] : memref<4x128x16xf32, #tpu.memory_space<vmem>> -> memref<1x128x16xf32, #tpu.memory_space<vmem>>
        %dma_wait3A_1191 = tpu.memref_squeeze %dma_wait3A_1190 : memref<1x128x16xf32, #tpu.memory_space<vmem>> -> memref<128x16xf32, #tpu.memory_space<vmem>>
        %dma_wait3A_1192 = arith.constant 0 : i32
        %dma_wait3A_1193 = tpu.memref_slice %arg8[%dma_wait3A_1185, %dma_wait3A_1186, %dma_wait3A_1192] : memref<8x2x128xi32, #tpu.memory_space<vmem>> -> memref<1x1x128xi32, #tpu.memory_space<vmem>>
        %dma_wait3A_1194 = tpu.memref_squeeze %dma_wait3A_1193 : memref<1x1x128xi32, #tpu.memory_space<vmem>> -> memref<128xi32, #tpu.memory_space<vmem>>
        %dma_wait3A_1195 = arith.constant 0 : i32
        %dma_wait3A_1196 = arith.constant 0 : i32
        %dma_wait3A_1197 = tpu.memref_slice %arg12[%dma_wait3A_1195, %dma_wait3A_1196] : memref<100352x16xf32, #tpu.memory_space<vmem_shared>> -> memref<100352x16xf32, #tpu.memory_space<vmem_shared>>
        %dma_wait3A_1198 = tpu.memref_slice %arg16[%dma_wait3A_1187] : memref<4x!tpu.dma_semaphore, #tpu.memory_space<semaphore_mem>> -> memref<1x!tpu.dma_semaphore, #tpu.memory_space<semaphore_mem>>
        %dma_wait3A_1199 = tpu.memref_squeeze %dma_wait3A_1198 : memref<1x!tpu.dma_semaphore, #tpu.memory_space<semaphore_mem>> -> memref<!tpu.dma_semaphore, #tpu.memory_space<semaphore_mem>>
        tpu.wait_indirect_dma semaphore(%dma_wait3A_1199 : memref<!tpu.dma_semaphore, #tpu.memory_space<semaphore_mem>>) src(%dma_wait3A_1191 : memref<128x16xf32, #tpu.memory_space<vmem>>) dst(%dma_wait3A_1197 : memref<100352x16xf32, #tpu.memory_space<vmem_shared>>)
      } else {
      }
      %dma_wait3A_894 = arith.constant 5 : i32
      %dma_wait3A_895 = arith.constant 0 : i32
      %dma_wait3A_896 = arith.constant 1 : i32
      %dma_wait3A_897 = arith.constant 1 : i32
      %dma_wait3A_898 = arith.constant 0 : i32
      %dma_wait3A_899 = arith.constant 0 : i32
      %dma_wait3A_900 = tpu.memref_slice %arg9[%dma_wait3A_896, %dma_wait3A_898, %dma_wait3A_899] : memref<4x128x16xf32, #tpu.memory_space<vmem>> -> memref<1x128x16xf32, #tpu.memory_space<vmem>>
      %dma_wait3A_901 = tpu.memref_squeeze %dma_wait3A_900 : memref<1x128x16xf32, #tpu.memory_space<vmem>> -> memref<128x16xf32, #tpu.memory_space<vmem>>
      %dma_wait3A_902 = arith.constant 0 : i32
      %dma_wait3A_903 = tpu.memref_slice %arg8[%dma_wait3A_894, %dma_wait3A_895, %dma_wait3A_902] : memref<8x2x128xi32, #tpu.memory_space<vmem>> -> memref<1x1x128xi32, #tpu.memory_space<vmem>>
      %dma_wait3A_904 = tpu.memref_squeeze %dma_wait3A_903 : memref<1x1x128xi32, #tpu.memory_space<vmem>> -> memref<128xi32, #tpu.memory_space<vmem>>
      %dma_wait3A_905 = arith.constant 0 : i32
      %dma_wait3A_906 = arith.constant 0 : i32
      %dma_wait3A_907 = tpu.memref_slice %arg2[%dma_wait3A_905, %dma_wait3A_906] : memref<100000x16xf32, #tpu.memory_space<hbm>> -> memref<100000x16xf32, #tpu.memory_space<hbm>>
      %dma_wait3A_908 = tpu.memref_slice %arg14[%dma_wait3A_897] : memref<4x!tpu.dma_semaphore, #tpu.memory_space<semaphore_mem>> -> memref<1x!tpu.dma_semaphore, #tpu.memory_space<semaphore_mem>>
      %dma_wait3A_909 = tpu.memref_squeeze %dma_wait3A_908 : memref<1x!tpu.dma_semaphore, #tpu.memory_space<semaphore_mem>> -> memref<!tpu.dma_semaphore, #tpu.memory_space<semaphore_mem>>
      tpu.wait_indirect_dma semaphore(%dma_wait3A_909 : memref<!tpu.dma_semaphore, #tpu.memory_space<semaphore_mem>>) src(%dma_wait3A_907 : memref<100000x16xf32, #tpu.memory_space<hbm>>) dst(%dma_wait3A_901 : memref<128x16xf32, #tpu.memory_space<vmem>>)
      %mul3A_910 = arith.constant 128 : i32
      %mul3A_911 = arith.muli %add3A_888, %mul3A_910 : i32
      %add3A_912 = arith.addi %mul3A_4, %mul3A_911 : i32
      %jit3A_913 = arith.constant 8 : i32
      %div3A_914 = arith.divsi %add3A_912, %jit3A_913 : i32
      %sign3A_915 = arith.constant 0 : i32
      %sign3A_916 = arith.cmpi sgt, %add3A_912, %sign3A_915 : i32
      %sign3A_917 = arith.extui %sign3A_916 : i1 to i32
      %sign3A_918 = arith.constant 0 : i32
      %sign3A_919 = arith.cmpi slt, %add3A_912, %sign3A_918 : i32
      %sign3A_920 = arith.extui %sign3A_919 : i1 to i32
      %sign3A_921 = arith.subi %sign3A_917, %sign3A_920 : i32
      %sign3A_922 = arith.constant 0 : i32
      %sign3A_923 = arith.cmpi sgt, %jit3A_913, %sign3A_922 : i32
      %sign3A_924 = arith.extui %sign3A_923 : i1 to i32
      %sign3A_925 = arith.constant 0 : i32
      %sign3A_926 = arith.cmpi slt, %jit3A_913, %sign3A_925 : i32
      %sign3A_927 = arith.extui %sign3A_926 : i1 to i32
      %sign3A_928 = arith.subi %sign3A_924, %sign3A_927 : i32
      %ne3A_929 = arith.cmpi ne, %sign3A_921, %sign3A_928 : i32
      %rem3A_930 = arith.remsi %add3A_912, %jit3A_913 : i32
      %ne3A_931 = arith.constant 0 : i32
      %ne3A_932 = arith.cmpi ne, %rem3A_930, %ne3A_931 : i32
      %and3A_933 = arith.andi %ne3A_929, %ne3A_932 : i1
      %sub3A_934 = arith.constant 1 : i32
      %sub3A_935 = arith.subi %div3A_914, %sub3A_934 : i32
      %select_n3A_936 = arith.select %and3A_933, %sub3A_935, %div3A_914 : i32
      %dma_wait3A_937 = arith.constant 1 : i32
      %dma_wait3A_938 = arith.constant 1 : i32
      %dma_wait3A_939 = arith.constant 0 : i32
      %dma_wait3A_940 = arith.constant 0 : i32
      %dma_wait3A_941 = tpu.memref_slice %arg10[%dma_wait3A_937, %dma_wait3A_939, %dma_wait3A_940] : memref<4x16x128xf32, #tpu.memory_space<vmem>> -> memref<1x16x128xf32, #tpu.memory_space<vmem>>
      %dma_wait3A_942 = tpu.memref_squeeze %dma_wait3A_941 : memref<1x16x128xf32, #tpu.memory_space<vmem>> -> memref<16x128xf32, #tpu.memory_space<vmem>>
      %dma_wait3A_943 = arith.constant 0 : i32
      %dma_wait3A_944 = tpu.memref_slice %arg3[%select_n3A_936, %dma_wait3A_943] : memref<200704x128xf32, #tpu.memory_space<hbm>> -> memref<16x128xf32, #tpu.memory_space<hbm>>
      %dma_wait3A_945 = tpu.memref_slice %arg15[%dma_wait3A_938] : memref<4x!tpu.dma_semaphore, #tpu.memory_space<semaphore_mem>> -> memref<1x!tpu.dma_semaphore, #tpu.memory_space<semaphore_mem>>
      %dma_wait3A_946 = tpu.memref_squeeze %dma_wait3A_945 : memref<1x!tpu.dma_semaphore, #tpu.memory_space<semaphore_mem>> -> memref<!tpu.dma_semaphore, #tpu.memory_space<semaphore_mem>>
      %dma_wait3A_947 = arith.constant 0 : i32
      %dma_wait3A_948 = arith.constant 0 : i32
      %dma_wait3A_949 = tpu.memref_slice %arg10[%dma_wait3A_937, %dma_wait3A_947, %dma_wait3A_948] : memref<4x16x128xf32, #tpu.memory_space<vmem>> -> memref<1x16x128xf32, #tpu.memory_space<vmem>>
      %dma_wait3A_950 = tpu.memref_squeeze %dma_wait3A_949 : memref<1x16x128xf32, #tpu.memory_space<vmem>> -> memref<16x128xf32, #tpu.memory_space<vmem>>
      %dma_wait3A_951 = arith.constant 0 : i32
      %dma_wait3A_952 = tpu.memref_slice %arg3[%select_n3A_936, %dma_wait3A_951] : memref<200704x128xf32, #tpu.memory_space<hbm>> -> memref<16x128xf32, #tpu.memory_space<hbm>>
      tpu.wait_dma2 semaphore(%dma_wait3A_946 : memref<!tpu.dma_semaphore, #tpu.memory_space<semaphore_mem>>) src(%dma_wait3A_952 : memref<16x128xf32, #tpu.memory_space<hbm>>) dst(%dma_wait3A_950 : memref<16x128xf32, #tpu.memory_space<vmem>>)
      %parallel_loop3A_953 = arith.constant 0 : i32
      %parallel_loop3A_954 = arith.constant 128 : i32
      %parallel_loop3A_955 = arith.constant 1 : i32
      scf.for %parallel_loop3A_1184 = %parallel_loop3A_953 to %parallel_loop3A_954 step %parallel_loop3A_955  : i32 {
        %parallel_loop3A_1185 = arith.constant 8 : i32
        %parallel_loop3A_1186 = arith.divsi %parallel_loop3A_1184, %parallel_loop3A_1185 : i32
        %parallel_loop3A_1187 = arith.constant 0 : i32
        %parallel_loop3A_1188 = arith.cmpi sgt, %parallel_loop3A_1184, %parallel_loop3A_1187 : i32
        %parallel_loop3A_1189 = arith.extui %parallel_loop3A_1188 : i1 to i32
        %parallel_loop3A_1190 = arith.constant 0 : i32
        %parallel_loop3A_1191 = arith.cmpi slt, %parallel_loop3A_1184, %parallel_loop3A_1190 : i32
        %parallel_loop3A_1192 = arith.extui %parallel_loop3A_1191 : i1 to i32
        %parallel_loop3A_1193 = arith.subi %parallel_loop3A_1189, %parallel_loop3A_1192 : i32
        %parallel_loop3A_1194 = arith.constant 0 : i32
        %parallel_loop3A_1195 = arith.cmpi sgt, %parallel_loop3A_1185, %parallel_loop3A_1194 : i32
        %parallel_loop3A_1196 = arith.extui %parallel_loop3A_1195 : i1 to i32
        %parallel_loop3A_1197 = arith.constant 0 : i32
        %parallel_loop3A_1198 = arith.cmpi slt, %parallel_loop3A_1185, %parallel_loop3A_1197 : i32
        %parallel_loop3A_1199 = arith.extui %parallel_loop3A_1198 : i1 to i32
        %parallel_loop3A_1200 = arith.subi %parallel_loop3A_1196, %parallel_loop3A_1199 : i32
        %parallel_loop3A_1201 = arith.cmpi ne, %parallel_loop3A_1193, %parallel_loop3A_1200 : i32
        %parallel_loop3A_1202 = arith.remsi %parallel_loop3A_1184, %parallel_loop3A_1185 : i32
        %parallel_loop3A_1203 = arith.constant 0 : i32
        %parallel_loop3A_1204 = arith.cmpi ne, %parallel_loop3A_1202, %parallel_loop3A_1203 : i32
        %parallel_loop3A_1205 = arith.andi %parallel_loop3A_1201, %parallel_loop3A_1204 : i1
        %parallel_loop3A_1206 = arith.constant 1 : i32
        %parallel_loop3A_1207 = arith.subi %parallel_loop3A_1186, %parallel_loop3A_1206 : i32
        %parallel_loop3A_1208 = arith.select %parallel_loop3A_1205, %parallel_loop3A_1207, %parallel_loop3A_1186 : i32
        %parallel_loop3A_1209 = arith.constant 8 : i32
        %parallel_loop3A_1210 = arith.constant 0 : i32
        %parallel_loop3A_1211 = arith.cmpi eq, %parallel_loop3A_1209, %parallel_loop3A_1210 : i32
        %parallel_loop3A_1212 = arith.constant 1 : i32
        %parallel_loop3A_1213 = arith.select %parallel_loop3A_1211, %parallel_loop3A_1212, %parallel_loop3A_1209 : i32
        %parallel_loop3A_1214 = arith.remsi %parallel_loop3A_1184, %parallel_loop3A_1213 : i32
        %parallel_loop3A_1215 = arith.constant 0 : i32
        %parallel_loop3A_1216 = arith.cmpi ne, %parallel_loop3A_1214, %parallel_loop3A_1215 : i32
        %parallel_loop3A_1217 = arith.constant 0 : i32
        %parallel_loop3A_1218 = arith.cmpi slt, %parallel_loop3A_1214, %parallel_loop3A_1217 : i32
        %parallel_loop3A_1219 = arith.constant 0 : i32
        %parallel_loop3A_1220 = arith.cmpi slt, %parallel_loop3A_1213, %parallel_loop3A_1219 : i32
        %parallel_loop3A_1221 = arith.xori %parallel_loop3A_1218, %parallel_loop3A_1220 : i1
        %parallel_loop3A_1222 = arith.andi %parallel_loop3A_1221, %parallel_loop3A_1216 : i1
        %parallel_loop3A_1223 = arith.addi %parallel_loop3A_1214, %parallel_loop3A_1213 : i32
        %parallel_loop3A_1224 = arith.select %parallel_loop3A_1222, %parallel_loop3A_1223, %parallel_loop3A_1214 : i32
        %parallel_loop3A_1225 = arith.constant 16 : i32
        %parallel_loop3A_1226 = arith.muli %parallel_loop3A_1224, %parallel_loop3A_1225 : i32
        %parallel_loop3A_1227 = arith.constant 1 : i32
        %parallel_loop3A_1228 = arith.index_cast %parallel_loop3A_1227 : i32 to index
        %parallel_loop3A_1229 = arith.index_cast %parallel_loop3A_1208 : i32 to index
        %parallel_loop3A_1230 = arith.index_cast %parallel_loop3A_1226 : i32 to index
        %parallel_loop3A_1231 = tpu.vector_load %arg10[%parallel_loop3A_1228, %parallel_loop3A_1229, %parallel_loop3A_1230] {strides = array<i32>} : memref<4x16x128xf32, #tpu.memory_space<vmem>>, vector<1x1x16xf32>,
        %parallel_loop3A_1232 = vector.shape_cast %parallel_loop3A_1231 : vector<1x1x16xf32> to vector<16xf32>
        %parallel_loop3A_1233 = arith.constant 1 : i32
        %parallel_loop3A_1234 = arith.index_cast %parallel_loop3A_1233 : i32 to index
        %parallel_loop3A_1235 = arith.index_cast %parallel_loop3A_1184 : i32 to index
        %parallel_loop3A_1236 = arith.constant 0 : index
        %parallel_loop3A_1237 = tpu.vector_load %arg9[%parallel_loop3A_1234, %parallel_loop3A_1235, %parallel_loop3A_1236] {strides = array<i32>} : memref<4x128x16xf32, #tpu.memory_space<vmem>>, vector<1x1x16xf32>,
        %parallel_loop3A_1238 = vector.shape_cast %parallel_loop3A_1237 : vector<1x1x16xf32> to vector<16xf32>
        %parallel_loop3A_1239 = arith.addf %parallel_loop3A_1238, %parallel_loop3A_1232 : vector<16xf32>
        %parallel_loop3A_1240 = arith.constant 0.000000e+00 : f32
        %parallel_loop3A_1241 = vector.broadcast %parallel_loop3A_1240 : f32 to vector<16xf32>
        %parallel_loop3A_1242 = arith.maximumf %parallel_loop3A_1239, %parallel_loop3A_1241 : vector<16xf32>
        %parallel_loop3A_1243 = arith.constant 1 : i32
        %parallel_loop3A_1244 = arith.index_cast %parallel_loop3A_1243 : i32 to index
        %parallel_loop3A_1245 = arith.index_cast %parallel_loop3A_1184 : i32 to index
        %parallel_loop3A_1246 = arith.constant 0 : index
        %parallel_loop3A_1247 = tpu.vector_load %arg11[%parallel_loop3A_1244, %parallel_loop3A_1245, %parallel_loop3A_1246] {strides = array<i32>} : memref<4x128x16xf32, #tpu.memory_space<vmem>>, vector<1x1x16xf32>,
        %parallel_loop3A_1248 = vector.shape_cast %parallel_loop3A_1247 : vector<1x1x16xf32> to vector<16xf32>
        %parallel_loop3A_1249 = vector.shape_cast %parallel_loop3A_1242 : vector<16xf32> to vector<1x1x16xf32>
        tpu.vector_store %arg11[%parallel_loop3A_1244, %parallel_loop3A_1245, %parallel_loop3A_1246], %parallel_loop3A_1249 {strides = array<i32>} : memref<4x128x16xf32, #tpu.memory_space<vmem>>, vector<1x1x16xf32>,
      } {sc.loop_unroll_factor = 8 : i64, sc.parallel_access}
      %dma_start3A_956 = arith.constant 1 : i32
      %dma_start3A_957 = arith.constant 5 : i32
      %dma_start3A_958 = arith.constant 1 : i32
      %dma_start3A_959 = arith.constant 1 : i32
      %dma_start3A_960 = arith.constant 0 : i32
      %dma_start3A_961 = arith.constant 0 : i32
      %dma_start3A_962 = tpu.memref_slice %arg11[%dma_start3A_956, %dma_start3A_960, %dma_start3A_961] : memref<4x128x16xf32, #tpu.memory_space<vmem>> -> memref<1x128x16xf32, #tpu.memory_space<vmem>>
      %dma_start3A_963 = tpu.memref_squeeze %dma_start3A_962 : memref<1x128x16xf32, #tpu.memory_space<vmem>> -> memref<128x16xf32, #tpu.memory_space<vmem>>
      %dma_start3A_964 = arith.constant 0 : i32
      %dma_start3A_965 = tpu.memref_slice %arg8[%dma_start3A_957, %dma_start3A_958, %dma_start3A_964] : memref<8x2x128xi32, #tpu.memory_space<vmem>> -> memref<1x1x128xi32, #tpu.memory_space<vmem>>
      %dma_start3A_966 = tpu.memref_squeeze %dma_start3A_965 : memref<1x1x128xi32, #tpu.memory_space<vmem>> -> memref<128xi32, #tpu.memory_space<vmem>>
      %dma_start3A_967 = arith.constant 0 : i32
      %dma_start3A_968 = arith.constant 0 : i32
      %dma_start3A_969 = tpu.memref_slice %arg12[%dma_start3A_967, %dma_start3A_968] : memref<100352x16xf32, #tpu.memory_space<vmem_shared>> -> memref<100352x16xf32, #tpu.memory_space<vmem_shared>>
      %dma_start3A_970 = tpu.memref_slice %arg16[%dma_start3A_959] : memref<4x!tpu.dma_semaphore, #tpu.memory_space<semaphore_mem>> -> memref<1x!tpu.dma_semaphore, #tpu.memory_space<semaphore_mem>>
      %dma_start3A_971 = tpu.memref_squeeze %dma_start3A_970 : memref<1x!tpu.dma_semaphore, #tpu.memory_space<semaphore_mem>> -> memref<!tpu.dma_semaphore, #tpu.memory_space<semaphore_mem>>
      tpu.enqueue_indirect_dma source(%dma_start3A_963 : memref<128x16xf32, #tpu.memory_space<vmem>>) target(%dma_start3A_969 : memref<100352x16xf32, #tpu.memory_space<vmem_shared>>) offsets(%dma_start3A_966 : memref<128xi32, #tpu.memory_space<vmem>>) semaphore(%dma_start3A_971 : memref<!tpu.dma_semaphore, #tpu.memory_space<semaphore_mem>>) {add = true}
      %add3A_972 = arith.constant 4 : i32
      %add3A_973 = arith.addi %add3A_888, %add3A_972 : i32
      %lt3A_974 = arith.constant 392 : i32
      %lt3A_975 = arith.cmpi slt, %add3A_973, %lt3A_974 : i32
      %convert_element_type3A_976 = arith.extui %lt3A_975 : i1 to i32
      %cond3A_977 = arith.constant 0 : i32
      %cond3A_978 = arith.cmpi ne, %convert_element_type3A_976, %cond3A_977 : i32
      scf.if %cond3A_978 {
        %add3A_1184 = arith.constant 4 : i32
        %add3A_1185 = arith.addi %add3A_888, %add3A_1184 : i32
        %mul3A_1186 = arith.constant 128 : i32
        %mul3A_1187 = arith.muli %add3A_1185, %mul3A_1186 : i32
        %add3A_1188 = arith.addi %mul3A_4, %mul3A_1187 : i32
        %dma_start3A_1189 = arith.constant 1 : i32
        %dma_start3A_1190 = arith.constant 0 : i32
        %dma_start3A_1191 = arith.constant 1 : i32
        %dma_start3A_1192 = arith.constant 0 : i32
        %dma_start3A_1193 = tpu.memref_slice %arg8[%dma_start3A_1189, %dma_start3A_1190, %dma_start3A_1192] : memref<8x2x128xi32, #tpu.memory_space<vmem>> -> memref<1x1x128xi32, #tpu.memory_space<vmem>>
        %dma_start3A_1194 = tpu.memref_squeeze %dma_start3A_1193 : memref<1x1x128xi32, #tpu.memory_space<vmem>> -> memref<128xi32, #tpu.memory_space<vmem>>
        %dma_start3A_1195 = tpu.memref_slice %arg4[%add3A_1188] : memref<1605632xi32, #tpu.memory_space<hbm>> -> memref<128xi32, #tpu.memory_space<hbm>>
        %dma_start3A_1196 = tpu.memref_slice %arg13[%dma_start3A_1191] : memref<8x!tpu.dma_semaphore, #tpu.memory_space<semaphore_mem>> -> memref<1x!tpu.dma_semaphore, #tpu.memory_space<semaphore_mem>>
        %dma_start3A_1197 = tpu.memref_squeeze %dma_start3A_1196 : memref<1x!tpu.dma_semaphore, #tpu.memory_space<semaphore_mem>> -> memref<!tpu.dma_semaphore, #tpu.memory_space<semaphore_mem>>
        %dma_start3A_1198 = arith.constant 0 : i32
        %dma_start3A_1199 = tpu.memref_slice %arg8[%dma_start3A_1189, %dma_start3A_1190, %dma_start3A_1198] : memref<8x2x128xi32, #tpu.memory_space<vmem>> -> memref<1x1x128xi32, #tpu.memory_space<vmem>>
        %dma_start3A_1200 = tpu.memref_squeeze %dma_start3A_1199 : memref<1x1x128xi32, #tpu.memory_space<vmem>> -> memref<128xi32, #tpu.memory_space<vmem>>
        %dma_start3A_1201 = tpu.memref_slice %arg4[%add3A_1188] : memref<1605632xi32, #tpu.memory_space<hbm>> -> memref<128xi32, #tpu.memory_space<hbm>>
        tpu.enqueue_dma source(%dma_start3A_1201 : memref<128xi32, #tpu.memory_space<hbm>>) target(%dma_start3A_1200 : memref<128xi32, #tpu.memory_space<vmem>>) target_semaphore(%dma_start3A_1197 : memref<!tpu.dma_semaphore, #tpu.memory_space<semaphore_mem>>)
        %dma_start3A_1202 = arith.constant 1 : i32
        %dma_start3A_1203 = arith.constant 1 : i32
        %dma_start3A_1204 = arith.constant 1 : i32
        %dma_start3A_1205 = arith.constant 0 : i32
        %dma_start3A_1206 = tpu.memref_slice %arg8[%dma_start3A_1202, %dma_start3A_1203, %dma_start3A_1205] : memref<8x2x128xi32, #tpu.memory_space<vmem>> -> memref<1x1x128xi32, #tpu.memory_space<vmem>>
        %dma_start3A_1207 = tpu.memref_squeeze %dma_start3A_1206 : memref<1x1x128xi32, #tpu.memory_space<vmem>> -> memref<128xi32, #tpu.memory_space<vmem>>
        %dma_start3A_1208 = tpu.memref_slice %arg5[%add3A_1188] : memref<1605632xi32, #tpu.memory_space<hbm>> -> memref<128xi32, #tpu.memory_space<hbm>>
        %dma_start3A_1209 = tpu.memref_slice %arg13[%dma_start3A_1204] : memref<8x!tpu.dma_semaphore, #tpu.memory_space<semaphore_mem>> -> memref<1x!tpu.dma_semaphore, #tpu.memory_space<semaphore_mem>>
        %dma_start3A_1210 = tpu.memref_squeeze %dma_start3A_1209 : memref<1x!tpu.dma_semaphore, #tpu.memory_space<semaphore_mem>> -> memref<!tpu.dma_semaphore, #tpu.memory_space<semaphore_mem>>
        %dma_start3A_1211 = arith.constant 0 : i32
        %dma_start3A_1212 = tpu.memref_slice %arg8[%dma_start3A_1202, %dma_start3A_1203, %dma_start3A_1211] : memref<8x2x128xi32, #tpu.memory_space<vmem>> -> memref<1x1x128xi32, #tpu.memory_space<vmem>>
        %dma_start3A_1213 = tpu.memref_squeeze %dma_start3A_1212 : memref<1x1x128xi32, #tpu.memory_space<vmem>> -> memref<128xi32, #tpu.memory_space<vmem>>
        %dma_start3A_1214 = tpu.memref_slice %arg5[%add3A_1188] : memref<1605632xi32, #tpu.memory_space<hbm>> -> memref<128xi32, #tpu.memory_space<hbm>>
        tpu.enqueue_dma source(%dma_start3A_1214 : memref<128xi32, #tpu.memory_space<hbm>>) target(%dma_start3A_1213 : memref<128xi32, #tpu.memory_space<vmem>>) target_semaphore(%dma_start3A_1210 : memref<!tpu.dma_semaphore, #tpu.memory_space<semaphore_mem>>)
        %add3A_1215 = arith.constant 4 : i32
        %add3A_1216 = arith.addi %add3A_888, %add3A_1215 : i32
        %mul3A_1217 = arith.constant 128 : i32
        %mul3A_1218 = arith.muli %add3A_1216, %mul3A_1217 : i32
        %add3A_1219 = arith.addi %mul3A_4, %mul3A_1218 : i32
        %jit3A_1220 = arith.constant 8 : i32
        %div3A_1221 = arith.divsi %add3A_1219, %jit3A_1220 : i32
        %sign3A_1222 = arith.constant 0 : i32
        %sign3A_1223 = arith.cmpi sgt, %add3A_1219, %sign3A_1222 : i32
        %sign3A_1224 = arith.extui %sign3A_1223 : i1 to i32
        %sign3A_1225 = arith.constant 0 : i32
        %sign3A_1226 = arith.cmpi slt, %add3A_1219, %sign3A_1225 : i32
        %sign3A_1227 = arith.extui %sign3A_1226 : i1 to i32
        %sign3A_1228 = arith.subi %sign3A_1224, %sign3A_1227 : i32
        %sign3A_1229 = arith.constant 0 : i32
        %sign3A_1230 = arith.cmpi sgt, %jit3A_1220, %sign3A_1229 : i32
        %sign3A_1231 = arith.extui %sign3A_1230 : i1 to i32
        %sign3A_1232 = arith.constant 0 : i32
        %sign3A_1233 = arith.cmpi slt, %jit3A_1220, %sign3A_1232 : i32
        %sign3A_1234 = arith.extui %sign3A_1233 : i1 to i32
        %sign3A_1235 = arith.subi %sign3A_1231, %sign3A_1234 : i32
        %ne3A_1236 = arith.cmpi ne, %sign3A_1228, %sign3A_1235 : i32
        %rem3A_1237 = arith.remsi %add3A_1219, %jit3A_1220 : i32
        %ne3A_1238 = arith.constant 0 : i32
        %ne3A_1239 = arith.cmpi ne, %rem3A_1237, %ne3A_1238 : i32
        %and3A_1240 = arith.andi %ne3A_1236, %ne3A_1239 : i1
        %sub3A_1241 = arith.constant 1 : i32
        %sub3A_1242 = arith.subi %div3A_1221, %sub3A_1241 : i32
        %select_n3A_1243 = arith.select %and3A_1240, %sub3A_1242, %div3A_1221 : i32
        %dma_start3A_1244 = arith.constant 1 : i32
        %dma_start3A_1245 = arith.constant 1 : i32
        %dma_start3A_1246 = arith.constant 0 : i32
        %dma_start3A_1247 = arith.constant 0 : i32
        %dma_start3A_1248 = tpu.memref_slice %arg10[%dma_start3A_1244, %dma_start3A_1246, %dma_start3A_1247] : memref<4x16x128xf32, #tpu.memory_space<vmem>> -> memref<1x16x128xf32, #tpu.memory_space<vmem>>
        %dma_start3A_1249 = tpu.memref_squeeze %dma_start3A_1248 : memref<1x16x128xf32, #tpu.memory_space<vmem>> -> memref<16x128xf32, #tpu.memory_space<vmem>>
        %dma_start3A_1250 = arith.constant 0 : i32
        %dma_start3A_1251 = tpu.memref_slice %arg3[%select_n3A_1243, %dma_start3A_1250] : memref<200704x128xf32, #tpu.memory_space<hbm>> -> memref<16x128xf32, #tpu.memory_space<hbm>>
        %dma_start3A_1252 = tpu.memref_slice %arg15[%dma_start3A_1245] : memref<4x!tpu.dma_semaphore, #tpu.memory_space<semaphore_mem>> -> memref<1x!tpu.dma_semaphore, #tpu.memory_space<semaphore_mem>>
        %dma_start3A_1253 = tpu.memref_squeeze %dma_start3A_1252 : memref<1x!tpu.dma_semaphore, #tpu.memory_space<semaphore_mem>> -> memref<!tpu.dma_semaphore, #tpu.memory_space<semaphore_mem>>
        %dma_start3A_1254 = arith.constant 0 : i32
        %dma_start3A_1255 = arith.constant 0 : i32
        %dma_start3A_1256 = tpu.memref_slice %arg10[%dma_start3A_1244, %dma_start3A_1254, %dma_start3A_1255] : memref<4x16x128xf32, #tpu.memory_space<vmem>> -> memref<1x16x128xf32, #tpu.memory_space<vmem>>
        %dma_start3A_1257 = tpu.memref_squeeze %dma_start3A_1256 : memref<1x16x128xf32, #tpu.memory_space<vmem>> -> memref<16x128xf32, #tpu.memory_space<vmem>>
        %dma_start3A_1258 = arith.constant 0 : i32
        %dma_start3A_1259 = tpu.memref_slice %arg3[%select_n3A_1243, %dma_start3A_1258] : memref<200704x128xf32, #tpu.memory_space<hbm>> -> memref<16x128xf32, #tpu.memory_space<hbm>>
        tpu.enqueue_dma source(%dma_start3A_1259 : memref<16x128xf32, #tpu.memory_space<hbm>>) target(%dma_start3A_1257 : memref<16x128xf32, #tpu.memory_space<vmem>>) target_semaphore(%dma_start3A_1253 : memref<!tpu.dma_semaphore, #tpu.memory_space<semaphore_mem>>)
      } else {
      }
      %add3A_979 = arith.constant 1 : i32
      %add3A_980 = arith.addi %add3A_888, %add3A_979 : i32
      %lt3A_981 = arith.constant 392 : i32
      %lt3A_982 = arith.cmpi slt, %add3A_980, %lt3A_981 : i32
      %convert_element_type3A_983 = arith.extui %lt3A_982 : i1 to i32
      %cond3A_984 = arith.constant 0 : i32
      %cond3A_985 = arith.cmpi ne, %convert_element_type3A_983, %cond3A_984 : i32
      scf.if %cond3A_985 {
        %add3A_1184 = arith.constant 1 : i32
        %add3A_1185 = arith.addi %add3A_888, %add3A_1184 : i32
        %mul3A_1186 = arith.constant 128 : i32
        %mul3A_1187 = arith.muli %add3A_1185, %mul3A_1186 : i32
        %add3A_1188 = arith.addi %mul3A_4, %mul3A_1187 : i32
        %dma_wait3A_1189 = arith.constant 6 : i32
        %dma_wait3A_1190 = arith.constant 0 : i32
        %dma_wait3A_1191 = arith.constant 6 : i32
        %dma_wait3A_1192 = arith.constant 0 : i32
        %dma_wait3A_1193 = tpu.memref_slice %arg8[%dma_wait3A_1189, %dma_wait3A_1190, %dma_wait3A_1192] : memref<8x2x128xi32, #tpu.memory_space<vmem>> -> memref<1x1x128xi32, #tpu.memory_space<vmem>>
        %dma_wait3A_1194 = tpu.memref_squeeze %dma_wait3A_1193 : memref<1x1x128xi32, #tpu.memory_space<vmem>> -> memref<128xi32, #tpu.memory_space<vmem>>
        %dma_wait3A_1195 = tpu.memref_slice %arg4[%add3A_1188] : memref<1605632xi32, #tpu.memory_space<hbm>> -> memref<128xi32, #tpu.memory_space<hbm>>
        %dma_wait3A_1196 = tpu.memref_slice %arg13[%dma_wait3A_1191] : memref<8x!tpu.dma_semaphore, #tpu.memory_space<semaphore_mem>> -> memref<1x!tpu.dma_semaphore, #tpu.memory_space<semaphore_mem>>
        %dma_wait3A_1197 = tpu.memref_squeeze %dma_wait3A_1196 : memref<1x!tpu.dma_semaphore, #tpu.memory_space<semaphore_mem>> -> memref<!tpu.dma_semaphore, #tpu.memory_space<semaphore_mem>>
        %dma_wait3A_1198 = arith.constant 0 : i32
        %dma_wait3A_1199 = tpu.memref_slice %arg8[%dma_wait3A_1189, %dma_wait3A_1190, %dma_wait3A_1198] : memref<8x2x128xi32, #tpu.memory_space<vmem>> -> memref<1x1x128xi32, #tpu.memory_space<vmem>>
        %dma_wait3A_1200 = tpu.memref_squeeze %dma_wait3A_1199 : memref<1x1x128xi32, #tpu.memory_space<vmem>> -> memref<128xi32, #tpu.memory_space<vmem>>
        %dma_wait3A_1201 = tpu.memref_slice %arg4[%add3A_1188] : memref<1605632xi32, #tpu.memory_space<hbm>> -> memref<128xi32, #tpu.memory_space<hbm>>
        tpu.wait_dma2 semaphore(%dma_wait3A_1197 : memref<!tpu.dma_semaphore, #tpu.memory_space<semaphore_mem>>) src(%dma_wait3A_1201 : memref<128xi32, #tpu.memory_space<hbm>>) dst(%dma_wait3A_1200 : memref<128xi32, #tpu.memory_space<vmem>>)
        %dma_wait3A_1202 = arith.constant 6 : i32
        %dma_wait3A_1203 = arith.constant 1 : i32
        %dma_wait3A_1204 = arith.constant 6 : i32
        %dma_wait3A_1205 = arith.constant 0 : i32
        %dma_wait3A_1206 = tpu.memref_slice %arg8[%dma_wait3A_1202, %dma_wait3A_1203, %dma_wait3A_1205] : memref<8x2x128xi32, #tpu.memory_space<vmem>> -> memref<1x1x128xi32, #tpu.memory_space<vmem>>
        %dma_wait3A_1207 = tpu.memref_squeeze %dma_wait3A_1206 : memref<1x1x128xi32, #tpu.memory_space<vmem>> -> memref<128xi32, #tpu.memory_space<vmem>>
        %dma_wait3A_1208 = tpu.memref_slice %arg5[%add3A_1188] : memref<1605632xi32, #tpu.memory_space<hbm>> -> memref<128xi32, #tpu.memory_space<hbm>>
        %dma_wait3A_1209 = tpu.memref_slice %arg13[%dma_wait3A_1204] : memref<8x!tpu.dma_semaphore, #tpu.memory_space<semaphore_mem>> -> memref<1x!tpu.dma_semaphore, #tpu.memory_space<semaphore_mem>>
        %dma_wait3A_1210 = tpu.memref_squeeze %dma_wait3A_1209 : memref<1x!tpu.dma_semaphore, #tpu.memory_space<semaphore_mem>> -> memref<!tpu.dma_semaphore, #tpu.memory_space<semaphore_mem>>
        %dma_wait3A_1211 = arith.constant 0 : i32
        %dma_wait3A_1212 = tpu.memref_slice %arg8[%dma_wait3A_1202, %dma_wait3A_1203, %dma_wait3A_1211] : memref<8x2x128xi32, #tpu.memory_space<vmem>> -> memref<1x1x128xi32, #tpu.memory_space<vmem>>
        %dma_wait3A_1213 = tpu.memref_squeeze %dma_wait3A_1212 : memref<1x1x128xi32, #tpu.memory_space<vmem>> -> memref<128xi32, #tpu.memory_space<vmem>>
        %dma_wait3A_1214 = tpu.memref_slice %arg5[%add3A_1188] : memref<1605632xi32, #tpu.memory_space<hbm>> -> memref<128xi32, #tpu.memory_space<hbm>>
        tpu.wait_dma2 semaphore(%dma_wait3A_1210 : memref<!tpu.dma_semaphore, #tpu.memory_space<semaphore_mem>>) src(%dma_wait3A_1214 : memref<128xi32, #tpu.memory_space<hbm>>) dst(%dma_wait3A_1213 : memref<128xi32, #tpu.memory_space<vmem>>)
        %dma_start3A_1215 = arith.constant 6 : i32
        %dma_start3A_1216 = arith.constant 0 : i32
        %dma_start3A_1217 = arith.constant 2 : i32
        %dma_start3A_1218 = arith.constant 2 : i32
        %dma_start3A_1219 = arith.constant 0 : i32
        %dma_start3A_1220 = arith.constant 0 : i32
        %dma_start3A_1221 = tpu.memref_slice %arg9[%dma_start3A_1217, %dma_start3A_1219, %dma_start3A_1220] : memref<4x128x16xf32, #tpu.memory_space<vmem>> -> memref<1x128x16xf32, #tpu.memory_space<vmem>>
        %dma_start3A_1222 = tpu.memref_squeeze %dma_start3A_1221 : memref<1x128x16xf32, #tpu.memory_space<vmem>> -> memref<128x16xf32, #tpu.memory_space<vmem>>
        %dma_start3A_1223 = arith.constant 0 : i32
        %dma_start3A_1224 = tpu.memref_slice %arg8[%dma_start3A_1215, %dma_start3A_1216, %dma_start3A_1223] : memref<8x2x128xi32, #tpu.memory_space<vmem>> -> memref<1x1x128xi32, #tpu.memory_space<vmem>>
        %dma_start3A_1225 = tpu.memref_squeeze %dma_start3A_1224 : memref<1x1x128xi32, #tpu.memory_space<vmem>> -> memref<128xi32, #tpu.memory_space<vmem>>
        %dma_start3A_1226 = arith.constant 0 : i32
        %dma_start3A_1227 = arith.constant 0 : i32
        %dma_start3A_1228 = tpu.memref_slice %arg2[%dma_start3A_1226, %dma_start3A_1227] : memref<100000x16xf32, #tpu.memory_space<hbm>> -> memref<100000x16xf32, #tpu.memory_space<hbm>>
        %dma_start3A_1229 = tpu.memref_slice %arg14[%dma_start3A_1218] : memref<4x!tpu.dma_semaphore, #tpu.memory_space<semaphore_mem>> -> memref<1x!tpu.dma_semaphore, #tpu.memory_space<semaphore_mem>>
        %dma_start3A_1230 = tpu.memref_squeeze %dma_start3A_1229 : memref<1x!tpu.dma_semaphore, #tpu.memory_space<semaphore_mem>> -> memref<!tpu.dma_semaphore, #tpu.memory_space<semaphore_mem>>
        tpu.enqueue_indirect_dma source(%dma_start3A_1228 : memref<100000x16xf32, #tpu.memory_space<hbm>>) target(%dma_start3A_1222 : memref<128x16xf32, #tpu.memory_space<vmem>>) offsets(%dma_start3A_1225 : memref<128xi32, #tpu.memory_space<vmem>>) semaphore(%dma_start3A_1230 : memref<!tpu.dma_semaphore, #tpu.memory_space<semaphore_mem>>)
      } else {
      }
      %add3A_986 = arith.constant 6 : i32
      %add3A_987 = arith.addi %add3A_396, %add3A_986 : i32
      %ge3A_988 = arith.constant 4 : i32
      %ge3A_989 = arith.cmpi sge, %add3A_987, %ge3A_988 : i32
      %convert_element_type3A_990 = arith.extui %ge3A_989 : i1 to i32
      %cond3A_991 = arith.constant 0 : i32
      %cond3A_992 = arith.cmpi ne, %convert_element_type3A_990, %cond3A_991 : i32
      scf.if %cond3A_992 {
        %dma_wait3A_1184 = arith.constant 2 : i32
        %dma_wait3A_1185 = arith.constant 2 : i32
        %dma_wait3A_1186 = arith.constant 1 : i32
        %dma_wait3A_1187 = arith.constant 2 : i32
        %dma_wait3A_1188 = arith.constant 0 : i32
        %dma_wait3A_1189 = arith.constant 0 : i32
        %dma_wait3A_1190 = tpu.memref_slice %arg11[%dma_wait3A_1184, %dma_wait3A_1188, %dma_wait3A_1189] : memref<4x128x16xf32, #tpu.memory_space<vmem>> -> memref<1x128x16xf32, #tpu.memory_space<vmem>>
        %dma_wait3A_1191 = tpu.memref_squeeze %dma_wait3A_1190 : memref<1x128x16xf32, #tpu.memory_space<vmem>> -> memref<128x16xf32, #tpu.memory_space<vmem>>
        %dma_wait3A_1192 = arith.constant 0 : i32
        %dma_wait3A_1193 = tpu.memref_slice %arg8[%dma_wait3A_1185, %dma_wait3A_1186, %dma_wait3A_1192] : memref<8x2x128xi32, #tpu.memory_space<vmem>> -> memref<1x1x128xi32, #tpu.memory_space<vmem>>
        %dma_wait3A_1194 = tpu.memref_squeeze %dma_wait3A_1193 : memref<1x1x128xi32, #tpu.memory_space<vmem>> -> memref<128xi32, #tpu.memory_space<vmem>>
        %dma_wait3A_1195 = arith.constant 0 : i32
        %dma_wait3A_1196 = arith.constant 0 : i32
        %dma_wait3A_1197 = tpu.memref_slice %arg12[%dma_wait3A_1195, %dma_wait3A_1196] : memref<100352x16xf32, #tpu.memory_space<vmem_shared>> -> memref<100352x16xf32, #tpu.memory_space<vmem_shared>>
        %dma_wait3A_1198 = tpu.memref_slice %arg16[%dma_wait3A_1187] : memref<4x!tpu.dma_semaphore, #tpu.memory_space<semaphore_mem>> -> memref<1x!tpu.dma_semaphore, #tpu.memory_space<semaphore_mem>>
        %dma_wait3A_1199 = tpu.memref_squeeze %dma_wait3A_1198 : memref<1x!tpu.dma_semaphore, #tpu.memory_space<semaphore_mem>> -> memref<!tpu.dma_semaphore, #tpu.memory_space<semaphore_mem>>
        tpu.wait_indirect_dma semaphore(%dma_wait3A_1199 : memref<!tpu.dma_semaphore, #tpu.memory_space<semaphore_mem>>) src(%dma_wait3A_1191 : memref<128x16xf32, #tpu.memory_space<vmem>>) dst(%dma_wait3A_1197 : memref<100352x16xf32, #tpu.memory_space<vmem_shared>>)
      } else {
      }
      %dma_wait3A_993 = arith.constant 6 : i32
      %dma_wait3A_994 = arith.constant 0 : i32
      %dma_wait3A_995 = arith.constant 2 : i32
      %dma_wait3A_996 = arith.constant 2 : i32
      %dma_wait3A_997 = arith.constant 0 : i32
      %dma_wait3A_998 = arith.constant 0 : i32
      %dma_wait3A_999 = tpu.memref_slice %arg9[%dma_wait3A_995, %dma_wait3A_997, %dma_wait3A_998] : memref<4x128x16xf32, #tpu.memory_space<vmem>> -> memref<1x128x16xf32, #tpu.memory_space<vmem>>
      %dma_wait3A_1000 = tpu.memref_squeeze %dma_wait3A_999 : memref<1x128x16xf32, #tpu.memory_space<vmem>> -> memref<128x16xf32, #tpu.memory_space<vmem>>
      %dma_wait3A_1001 = arith.constant 0 : i32
      %dma_wait3A_1002 = tpu.memref_slice %arg8[%dma_wait3A_993, %dma_wait3A_994, %dma_wait3A_1001] : memref<8x2x128xi32, #tpu.memory_space<vmem>> -> memref<1x1x128xi32, #tpu.memory_space<vmem>>
      %dma_wait3A_1003 = tpu.memref_squeeze %dma_wait3A_1002 : memref<1x1x128xi32, #tpu.memory_space<vmem>> -> memref<128xi32, #tpu.memory_space<vmem>>
      %dma_wait3A_1004 = arith.constant 0 : i32
      %dma_wait3A_1005 = arith.constant 0 : i32
      %dma_wait3A_1006 = tpu.memref_slice %arg2[%dma_wait3A_1004, %dma_wait3A_1005] : memref<100000x16xf32, #tpu.memory_space<hbm>> -> memref<100000x16xf32, #tpu.memory_space<hbm>>
      %dma_wait3A_1007 = tpu.memref_slice %arg14[%dma_wait3A_996] : memref<4x!tpu.dma_semaphore, #tpu.memory_space<semaphore_mem>> -> memref<1x!tpu.dma_semaphore, #tpu.memory_space<semaphore_mem>>
      %dma_wait3A_1008 = tpu.memref_squeeze %dma_wait3A_1007 : memref<1x!tpu.dma_semaphore, #tpu.memory_space<semaphore_mem>> -> memref<!tpu.dma_semaphore, #tpu.memory_space<semaphore_mem>>
      tpu.wait_indirect_dma semaphore(%dma_wait3A_1008 : memref<!tpu.dma_semaphore, #tpu.memory_space<semaphore_mem>>) src(%dma_wait3A_1006 : memref<100000x16xf32, #tpu.memory_space<hbm>>) dst(%dma_wait3A_1000 : memref<128x16xf32, #tpu.memory_space<vmem>>)
      %mul3A_1009 = arith.constant 128 : i32
      %mul3A_1010 = arith.muli %add3A_987, %mul3A_1009 : i32
      %add3A_1011 = arith.addi %mul3A_4, %mul3A_1010 : i32
      %jit3A_1012 = arith.constant 8 : i32
      %div3A_1013 = arith.divsi %add3A_1011, %jit3A_1012 : i32
      %sign3A_1014 = arith.constant 0 : i32
      %sign3A_1015 = arith.cmpi sgt, %add3A_1011, %sign3A_1014 : i32
      %sign3A_1016 = arith.extui %sign3A_1015 : i1 to i32
      %sign3A_1017 = arith.constant 0 : i32
      %sign3A_1018 = arith.cmpi slt, %add3A_1011, %sign3A_1017 : i32
      %sign3A_1019 = arith.extui %sign3A_1018 : i1 to i32
      %sign3A_1020 = arith.subi %sign3A_1016, %sign3A_1019 : i32
      %sign3A_1021 = arith.constant 0 : i32
      %sign3A_1022 = arith.cmpi sgt, %jit3A_1012, %sign3A_1021 : i32
      %sign3A_1023 = arith.extui %sign3A_1022 : i1 to i32
      %sign3A_1024 = arith.constant 0 : i32
      %sign3A_1025 = arith.cmpi slt, %jit3A_1012, %sign3A_1024 : i32
      %sign3A_1026 = arith.extui %sign3A_1025 : i1 to i32
      %sign3A_1027 = arith.subi %sign3A_1023, %sign3A_1026 : i32
      %ne3A_1028 = arith.cmpi ne, %sign3A_1020, %sign3A_1027 : i32
      %rem3A_1029 = arith.remsi %add3A_1011, %jit3A_1012 : i32
      %ne3A_1030 = arith.constant 0 : i32
      %ne3A_1031 = arith.cmpi ne, %rem3A_1029, %ne3A_1030 : i32
      %and3A_1032 = arith.andi %ne3A_1028, %ne3A_1031 : i1
      %sub3A_1033 = arith.constant 1 : i32
      %sub3A_1034 = arith.subi %div3A_1013, %sub3A_1033 : i32
      %select_n3A_1035 = arith.select %and3A_1032, %sub3A_1034, %div3A_1013 : i32
      %dma_wait3A_1036 = arith.constant 2 : i32
      %dma_wait3A_1037 = arith.constant 2 : i32
      %dma_wait3A_1038 = arith.constant 0 : i32
      %dma_wait3A_1039 = arith.constant 0 : i32
      %dma_wait3A_1040 = tpu.memref_slice %arg10[%dma_wait3A_1036, %dma_wait3A_1038, %dma_wait3A_1039] : memref<4x16x128xf32, #tpu.memory_space<vmem>> -> memref<1x16x128xf32, #tpu.memory_space<vmem>>
      %dma_wait3A_1041 = tpu.memref_squeeze %dma_wait3A_1040 : memref<1x16x128xf32, #tpu.memory_space<vmem>> -> memref<16x128xf32, #tpu.memory_space<vmem>>
      %dma_wait3A_1042 = arith.constant 0 : i32
      %dma_wait3A_1043 = tpu.memref_slice %arg3[%select_n3A_1035, %dma_wait3A_1042] : memref<200704x128xf32, #tpu.memory_space<hbm>> -> memref<16x128xf32, #tpu.memory_space<hbm>>
      %dma_wait3A_1044 = tpu.memref_slice %arg15[%dma_wait3A_1037] : memref<4x!tpu.dma_semaphore, #tpu.memory_space<semaphore_mem>> -> memref<1x!tpu.dma_semaphore, #tpu.memory_space<semaphore_mem>>
      %dma_wait3A_1045 = tpu.memref_squeeze %dma_wait3A_1044 : memref<1x!tpu.dma_semaphore, #tpu.memory_space<semaphore_mem>> -> memref<!tpu.dma_semaphore, #tpu.memory_space<semaphore_mem>>
      %dma_wait3A_1046 = arith.constant 0 : i32
      %dma_wait3A_1047 = arith.constant 0 : i32
      %dma_wait3A_1048 = tpu.memref_slice %arg10[%dma_wait3A_1036, %dma_wait3A_1046, %dma_wait3A_1047] : memref<4x16x128xf32, #tpu.memory_space<vmem>> -> memref<1x16x128xf32, #tpu.memory_space<vmem>>
      %dma_wait3A_1049 = tpu.memref_squeeze %dma_wait3A_1048 : memref<1x16x128xf32, #tpu.memory_space<vmem>> -> memref<16x128xf32, #tpu.memory_space<vmem>>
      %dma_wait3A_1050 = arith.constant 0 : i32
      %dma_wait3A_1051 = tpu.memref_slice %arg3[%select_n3A_1035, %dma_wait3A_1050] : memref<200704x128xf32, #tpu.memory_space<hbm>> -> memref<16x128xf32, #tpu.memory_space<hbm>>
      tpu.wait_dma2 semaphore(%dma_wait3A_1045 : memref<!tpu.dma_semaphore, #tpu.memory_space<semaphore_mem>>) src(%dma_wait3A_1051 : memref<16x128xf32, #tpu.memory_space<hbm>>) dst(%dma_wait3A_1049 : memref<16x128xf32, #tpu.memory_space<vmem>>)
      %parallel_loop3A_1052 = arith.constant 0 : i32
      %parallel_loop3A_1053 = arith.constant 128 : i32
      %parallel_loop3A_1054 = arith.constant 1 : i32
      scf.for %parallel_loop3A_1184 = %parallel_loop3A_1052 to %parallel_loop3A_1053 step %parallel_loop3A_1054  : i32 {
        %parallel_loop3A_1185 = arith.constant 8 : i32
        %parallel_loop3A_1186 = arith.divsi %parallel_loop3A_1184, %parallel_loop3A_1185 : i32
        %parallel_loop3A_1187 = arith.constant 0 : i32
        %parallel_loop3A_1188 = arith.cmpi sgt, %parallel_loop3A_1184, %parallel_loop3A_1187 : i32
        %parallel_loop3A_1189 = arith.extui %parallel_loop3A_1188 : i1 to i32
        %parallel_loop3A_1190 = arith.constant 0 : i32
        %parallel_loop3A_1191 = arith.cmpi slt, %parallel_loop3A_1184, %parallel_loop3A_1190 : i32
        %parallel_loop3A_1192 = arith.extui %parallel_loop3A_1191 : i1 to i32
        %parallel_loop3A_1193 = arith.subi %parallel_loop3A_1189, %parallel_loop3A_1192 : i32
        %parallel_loop3A_1194 = arith.constant 0 : i32
        %parallel_loop3A_1195 = arith.cmpi sgt, %parallel_loop3A_1185, %parallel_loop3A_1194 : i32
        %parallel_loop3A_1196 = arith.extui %parallel_loop3A_1195 : i1 to i32
        %parallel_loop3A_1197 = arith.constant 0 : i32
        %parallel_loop3A_1198 = arith.cmpi slt, %parallel_loop3A_1185, %parallel_loop3A_1197 : i32
        %parallel_loop3A_1199 = arith.extui %parallel_loop3A_1198 : i1 to i32
        %parallel_loop3A_1200 = arith.subi %parallel_loop3A_1196, %parallel_loop3A_1199 : i32
        %parallel_loop3A_1201 = arith.cmpi ne, %parallel_loop3A_1193, %parallel_loop3A_1200 : i32
        %parallel_loop3A_1202 = arith.remsi %parallel_loop3A_1184, %parallel_loop3A_1185 : i32
        %parallel_loop3A_1203 = arith.constant 0 : i32
        %parallel_loop3A_1204 = arith.cmpi ne, %parallel_loop3A_1202, %parallel_loop3A_1203 : i32
        %parallel_loop3A_1205 = arith.andi %parallel_loop3A_1201, %parallel_loop3A_1204 : i1
        %parallel_loop3A_1206 = arith.constant 1 : i32
        %parallel_loop3A_1207 = arith.subi %parallel_loop3A_1186, %parallel_loop3A_1206 : i32
        %parallel_loop3A_1208 = arith.select %parallel_loop3A_1205, %parallel_loop3A_1207, %parallel_loop3A_1186 : i32
        %parallel_loop3A_1209 = arith.constant 8 : i32
        %parallel_loop3A_1210 = arith.constant 0 : i32
        %parallel_loop3A_1211 = arith.cmpi eq, %parallel_loop3A_1209, %parallel_loop3A_1210 : i32
        %parallel_loop3A_1212 = arith.constant 1 : i32
        %parallel_loop3A_1213 = arith.select %parallel_loop3A_1211, %parallel_loop3A_1212, %parallel_loop3A_1209 : i32
        %parallel_loop3A_1214 = arith.remsi %parallel_loop3A_1184, %parallel_loop3A_1213 : i32
        %parallel_loop3A_1215 = arith.constant 0 : i32
        %parallel_loop3A_1216 = arith.cmpi ne, %parallel_loop3A_1214, %parallel_loop3A_1215 : i32
        %parallel_loop3A_1217 = arith.constant 0 : i32
        %parallel_loop3A_1218 = arith.cmpi slt, %parallel_loop3A_1214, %parallel_loop3A_1217 : i32
        %parallel_loop3A_1219 = arith.constant 0 : i32
        %parallel_loop3A_1220 = arith.cmpi slt, %parallel_loop3A_1213, %parallel_loop3A_1219 : i32
        %parallel_loop3A_1221 = arith.xori %parallel_loop3A_1218, %parallel_loop3A_1220 : i1
        %parallel_loop3A_1222 = arith.andi %parallel_loop3A_1221, %parallel_loop3A_1216 : i1
        %parallel_loop3A_1223 = arith.addi %parallel_loop3A_1214, %parallel_loop3A_1213 : i32
        %parallel_loop3A_1224 = arith.select %parallel_loop3A_1222, %parallel_loop3A_1223, %parallel_loop3A_1214 : i32
        %parallel_loop3A_1225 = arith.constant 16 : i32
        %parallel_loop3A_1226 = arith.muli %parallel_loop3A_1224, %parallel_loop3A_1225 : i32
        %parallel_loop3A_1227 = arith.constant 2 : i32
        %parallel_loop3A_1228 = arith.index_cast %parallel_loop3A_1227 : i32 to index
        %parallel_loop3A_1229 = arith.index_cast %parallel_loop3A_1208 : i32 to index
        %parallel_loop3A_1230 = arith.index_cast %parallel_loop3A_1226 : i32 to index
        %parallel_loop3A_1231 = tpu.vector_load %arg10[%parallel_loop3A_1228, %parallel_loop3A_1229, %parallel_loop3A_1230] {strides = array<i32>} : memref<4x16x128xf32, #tpu.memory_space<vmem>>, vector<1x1x16xf32>,
        %parallel_loop3A_1232 = vector.shape_cast %parallel_loop3A_1231 : vector<1x1x16xf32> to vector<16xf32>
        %parallel_loop3A_1233 = arith.constant 2 : i32
        %parallel_loop3A_1234 = arith.index_cast %parallel_loop3A_1233 : i32 to index
        %parallel_loop3A_1235 = arith.index_cast %parallel_loop3A_1184 : i32 to index
        %parallel_loop3A_1236 = arith.constant 0 : index
        %parallel_loop3A_1237 = tpu.vector_load %arg9[%parallel_loop3A_1234, %parallel_loop3A_1235, %parallel_loop3A_1236] {strides = array<i32>} : memref<4x128x16xf32, #tpu.memory_space<vmem>>, vector<1x1x16xf32>,
        %parallel_loop3A_1238 = vector.shape_cast %parallel_loop3A_1237 : vector<1x1x16xf32> to vector<16xf32>
        %parallel_loop3A_1239 = arith.addf %parallel_loop3A_1238, %parallel_loop3A_1232 : vector<16xf32>
        %parallel_loop3A_1240 = arith.constant 0.000000e+00 : f32
        %parallel_loop3A_1241 = vector.broadcast %parallel_loop3A_1240 : f32 to vector<16xf32>
        %parallel_loop3A_1242 = arith.maximumf %parallel_loop3A_1239, %parallel_loop3A_1241 : vector<16xf32>
        %parallel_loop3A_1243 = arith.constant 2 : i32
        %parallel_loop3A_1244 = arith.index_cast %parallel_loop3A_1243 : i32 to index
        %parallel_loop3A_1245 = arith.index_cast %parallel_loop3A_1184 : i32 to index
        %parallel_loop3A_1246 = arith.constant 0 : index
        %parallel_loop3A_1247 = tpu.vector_load %arg11[%parallel_loop3A_1244, %parallel_loop3A_1245, %parallel_loop3A_1246] {strides = array<i32>} : memref<4x128x16xf32, #tpu.memory_space<vmem>>, vector<1x1x16xf32>,
        %parallel_loop3A_1248 = vector.shape_cast %parallel_loop3A_1247 : vector<1x1x16xf32> to vector<16xf32>
        %parallel_loop3A_1249 = vector.shape_cast %parallel_loop3A_1242 : vector<16xf32> to vector<1x1x16xf32>
        tpu.vector_store %arg11[%parallel_loop3A_1244, %parallel_loop3A_1245, %parallel_loop3A_1246], %parallel_loop3A_1249 {strides = array<i32>} : memref<4x128x16xf32, #tpu.memory_space<vmem>>, vector<1x1x16xf32>,
      } {sc.loop_unroll_factor = 8 : i64, sc.parallel_access}
      %dma_start3A_1055 = arith.constant 2 : i32
      %dma_start3A_1056 = arith.constant 6 : i32
      %dma_start3A_1057 = arith.constant 1 : i32
      %dma_start3A_1058 = arith.constant 2 : i32
      %dma_start3A_1059 = arith.constant 0 : i32
      %dma_start3A_1060 = arith.constant 0 : i32
      %dma_start3A_1061 = tpu.memref_slice %arg11[%dma_start3A_1055, %dma_start3A_1059, %dma_start3A_1060] : memref<4x128x16xf32, #tpu.memory_space<vmem>> -> memref<1x128x16xf32, #tpu.memory_space<vmem>>
      %dma_start3A_1062 = tpu.memref_squeeze %dma_start3A_1061 : memref<1x128x16xf32, #tpu.memory_space<vmem>> -> memref<128x16xf32, #tpu.memory_space<vmem>>
      %dma_start3A_1063 = arith.constant 0 : i32
      %dma_start3A_1064 = tpu.memref_slice %arg8[%dma_start3A_1056, %dma_start3A_1057, %dma_start3A_1063] : memref<8x2x128xi32, #tpu.memory_space<vmem>> -> memref<1x1x128xi32, #tpu.memory_space<vmem>>
      %dma_start3A_1065 = tpu.memref_squeeze %dma_start3A_1064 : memref<1x1x128xi32, #tpu.memory_space<vmem>> -> memref<128xi32, #tpu.memory_space<vmem>>
      %dma_start3A_1066 = arith.constant 0 : i32
      %dma_start3A_1067 = arith.constant 0 : i32
      %dma_start3A_1068 = tpu.memref_slice %arg12[%dma_start3A_1066, %dma_start3A_1067] : memref<100352x16xf32, #tpu.memory_space<vmem_shared>> -> memref<100352x16xf32, #tpu.memory_space<vmem_shared>>
      %dma_start3A_1069 = tpu.memref_slice %arg16[%dma_start3A_1058] : memref<4x!tpu.dma_semaphore, #tpu.memory_space<semaphore_mem>> -> memref<1x!tpu.dma_semaphore, #tpu.memory_space<semaphore_mem>>
      %dma_start3A_1070 = tpu.memref_squeeze %dma_start3A_1069 : memref<1x!tpu.dma_semaphore, #tpu.memory_space<semaphore_mem>> -> memref<!tpu.dma_semaphore, #tpu.memory_space<semaphore_mem>>
      tpu.enqueue_indirect_dma source(%dma_start3A_1062 : memref<128x16xf32, #tpu.memory_space<vmem>>) target(%dma_start3A_1068 : memref<100352x16xf32, #tpu.memory_space<vmem_shared>>) offsets(%dma_start3A_1065 : memref<128xi32, #tpu.memory_space<vmem>>) semaphore(%dma_start3A_1070 : memref<!tpu.dma_semaphore, #tpu.memory_space<semaphore_mem>>) {add = true}
      %add3A_1071 = arith.constant 4 : i32
      %add3A_1072 = arith.addi %add3A_987, %add3A_1071 : i32
      %lt3A_1073 = arith.constant 392 : i32
      %lt3A_1074 = arith.cmpi slt, %add3A_1072, %lt3A_1073 : i32
      %convert_element_type3A_1075 = arith.extui %lt3A_1074 : i1 to i32
      %cond3A_1076 = arith.constant 0 : i32
      %cond3A_1077 = arith.cmpi ne, %convert_element_type3A_1075, %cond3A_1076 : i32
      scf.if %cond3A_1077 {
        %add3A_1184 = arith.constant 4 : i32
        %add3A_1185 = arith.addi %add3A_987, %add3A_1184 : i32
        %mul3A_1186 = arith.constant 128 : i32
        %mul3A_1187 = arith.muli %add3A_1185, %mul3A_1186 : i32
        %add3A_1188 = arith.addi %mul3A_4, %mul3A_1187 : i32
        %dma_start3A_1189 = arith.constant 2 : i32
        %dma_start3A_1190 = arith.constant 0 : i32
        %dma_start3A_1191 = arith.constant 2 : i32
        %dma_start3A_1192 = arith.constant 0 : i32
        %dma_start3A_1193 = tpu.memref_slice %arg8[%dma_start3A_1189, %dma_start3A_1190, %dma_start3A_1192] : memref<8x2x128xi32, #tpu.memory_space<vmem>> -> memref<1x1x128xi32, #tpu.memory_space<vmem>>
        %dma_start3A_1194 = tpu.memref_squeeze %dma_start3A_1193 : memref<1x1x128xi32, #tpu.memory_space<vmem>> -> memref<128xi32, #tpu.memory_space<vmem>>
        %dma_start3A_1195 = tpu.memref_slice %arg4[%add3A_1188] : memref<1605632xi32, #tpu.memory_space<hbm>> -> memref<128xi32, #tpu.memory_space<hbm>>
        %dma_start3A_1196 = tpu.memref_slice %arg13[%dma_start3A_1191] : memref<8x!tpu.dma_semaphore, #tpu.memory_space<semaphore_mem>> -> memref<1x!tpu.dma_semaphore, #tpu.memory_space<semaphore_mem>>
        %dma_start3A_1197 = tpu.memref_squeeze %dma_start3A_1196 : memref<1x!tpu.dma_semaphore, #tpu.memory_space<semaphore_mem>> -> memref<!tpu.dma_semaphore, #tpu.memory_space<semaphore_mem>>
        %dma_start3A_1198 = arith.constant 0 : i32
        %dma_start3A_1199 = tpu.memref_slice %arg8[%dma_start3A_1189, %dma_start3A_1190, %dma_start3A_1198] : memref<8x2x128xi32, #tpu.memory_space<vmem>> -> memref<1x1x128xi32, #tpu.memory_space<vmem>>
        %dma_start3A_1200 = tpu.memref_squeeze %dma_start3A_1199 : memref<1x1x128xi32, #tpu.memory_space<vmem>> -> memref<128xi32, #tpu.memory_space<vmem>>
        %dma_start3A_1201 = tpu.memref_slice %arg4[%add3A_1188] : memref<1605632xi32, #tpu.memory_space<hbm>> -> memref<128xi32, #tpu.memory_space<hbm>>
        tpu.enqueue_dma source(%dma_start3A_1201 : memref<128xi32, #tpu.memory_space<hbm>>) target(%dma_start3A_1200 : memref<128xi32, #tpu.memory_space<vmem>>) target_semaphore(%dma_start3A_1197 : memref<!tpu.dma_semaphore, #tpu.memory_space<semaphore_mem>>)
        %dma_start3A_1202 = arith.constant 2 : i32
        %dma_start3A_1203 = arith.constant 1 : i32
        %dma_start3A_1204 = arith.constant 2 : i32
        %dma_start3A_1205 = arith.constant 0 : i32
        %dma_start3A_1206 = tpu.memref_slice %arg8[%dma_start3A_1202, %dma_start3A_1203, %dma_start3A_1205] : memref<8x2x128xi32, #tpu.memory_space<vmem>> -> memref<1x1x128xi32, #tpu.memory_space<vmem>>
        %dma_start3A_1207 = tpu.memref_squeeze %dma_start3A_1206 : memref<1x1x128xi32, #tpu.memory_space<vmem>> -> memref<128xi32, #tpu.memory_space<vmem>>
        %dma_start3A_1208 = tpu.memref_slice %arg5[%add3A_1188] : memref<1605632xi32, #tpu.memory_space<hbm>> -> memref<128xi32, #tpu.memory_space<hbm>>
        %dma_start3A_1209 = tpu.memref_slice %arg13[%dma_start3A_1204] : memref<8x!tpu.dma_semaphore, #tpu.memory_space<semaphore_mem>> -> memref<1x!tpu.dma_semaphore, #tpu.memory_space<semaphore_mem>>
        %dma_start3A_1210 = tpu.memref_squeeze %dma_start3A_1209 : memref<1x!tpu.dma_semaphore, #tpu.memory_space<semaphore_mem>> -> memref<!tpu.dma_semaphore, #tpu.memory_space<semaphore_mem>>
        %dma_start3A_1211 = arith.constant 0 : i32
        %dma_start3A_1212 = tpu.memref_slice %arg8[%dma_start3A_1202, %dma_start3A_1203, %dma_start3A_1211] : memref<8x2x128xi32, #tpu.memory_space<vmem>> -> memref<1x1x128xi32, #tpu.memory_space<vmem>>
        %dma_start3A_1213 = tpu.memref_squeeze %dma_start3A_1212 : memref<1x1x128xi32, #tpu.memory_space<vmem>> -> memref<128xi32, #tpu.memory_space<vmem>>
        %dma_start3A_1214 = tpu.memref_slice %arg5[%add3A_1188] : memref<1605632xi32, #tpu.memory_space<hbm>> -> memref<128xi32, #tpu.memory_space<hbm>>
        tpu.enqueue_dma source(%dma_start3A_1214 : memref<128xi32, #tpu.memory_space<hbm>>) target(%dma_start3A_1213 : memref<128xi32, #tpu.memory_space<vmem>>) target_semaphore(%dma_start3A_1210 : memref<!tpu.dma_semaphore, #tpu.memory_space<semaphore_mem>>)
        %add3A_1215 = arith.constant 4 : i32
        %add3A_1216 = arith.addi %add3A_987, %add3A_1215 : i32
        %mul3A_1217 = arith.constant 128 : i32
        %mul3A_1218 = arith.muli %add3A_1216, %mul3A_1217 : i32
        %add3A_1219 = arith.addi %mul3A_4, %mul3A_1218 : i32
        %jit3A_1220 = arith.constant 8 : i32
        %div3A_1221 = arith.divsi %add3A_1219, %jit3A_1220 : i32
        %sign3A_1222 = arith.constant 0 : i32
        %sign3A_1223 = arith.cmpi sgt, %add3A_1219, %sign3A_1222 : i32
        %sign3A_1224 = arith.extui %sign3A_1223 : i1 to i32
        %sign3A_1225 = arith.constant 0 : i32
        %sign3A_1226 = arith.cmpi slt, %add3A_1219, %sign3A_1225 : i32
        %sign3A_1227 = arith.extui %sign3A_1226 : i1 to i32
        %sign3A_1228 = arith.subi %sign3A_1224, %sign3A_1227 : i32
        %sign3A_1229 = arith.constant 0 : i32
        %sign3A_1230 = arith.cmpi sgt, %jit3A_1220, %sign3A_1229 : i32
        %sign3A_1231 = arith.extui %sign3A_1230 : i1 to i32
        %sign3A_1232 = arith.constant 0 : i32
        %sign3A_1233 = arith.cmpi slt, %jit3A_1220, %sign3A_1232 : i32
        %sign3A_1234 = arith.extui %sign3A_1233 : i1 to i32
        %sign3A_1235 = arith.subi %sign3A_1231, %sign3A_1234 : i32
        %ne3A_1236 = arith.cmpi ne, %sign3A_1228, %sign3A_1235 : i32
        %rem3A_1237 = arith.remsi %add3A_1219, %jit3A_1220 : i32
        %ne3A_1238 = arith.constant 0 : i32
        %ne3A_1239 = arith.cmpi ne, %rem3A_1237, %ne3A_1238 : i32
        %and3A_1240 = arith.andi %ne3A_1236, %ne3A_1239 : i1
        %sub3A_1241 = arith.constant 1 : i32
        %sub3A_1242 = arith.subi %div3A_1221, %sub3A_1241 : i32
        %select_n3A_1243 = arith.select %and3A_1240, %sub3A_1242, %div3A_1221 : i32
        %dma_start3A_1244 = arith.constant 2 : i32
        %dma_start3A_1245 = arith.constant 2 : i32
        %dma_start3A_1246 = arith.constant 0 : i32
        %dma_start3A_1247 = arith.constant 0 : i32
        %dma_start3A_1248 = tpu.memref_slice %arg10[%dma_start3A_1244, %dma_start3A_1246, %dma_start3A_1247] : memref<4x16x128xf32, #tpu.memory_space<vmem>> -> memref<1x16x128xf32, #tpu.memory_space<vmem>>
        %dma_start3A_1249 = tpu.memref_squeeze %dma_start3A_1248 : memref<1x16x128xf32, #tpu.memory_space<vmem>> -> memref<16x128xf32, #tpu.memory_space<vmem>>
        %dma_start3A_1250 = arith.constant 0 : i32
        %dma_start3A_1251 = tpu.memref_slice %arg3[%select_n3A_1243, %dma_start3A_1250] : memref<200704x128xf32, #tpu.memory_space<hbm>> -> memref<16x128xf32, #tpu.memory_space<hbm>>
        %dma_start3A_1252 = tpu.memref_slice %arg15[%dma_start3A_1245] : memref<4x!tpu.dma_semaphore, #tpu.memory_space<semaphore_mem>> -> memref<1x!tpu.dma_semaphore, #tpu.memory_space<semaphore_mem>>
        %dma_start3A_1253 = tpu.memref_squeeze %dma_start3A_1252 : memref<1x!tpu.dma_semaphore, #tpu.memory_space<semaphore_mem>> -> memref<!tpu.dma_semaphore, #tpu.memory_space<semaphore_mem>>
        %dma_start3A_1254 = arith.constant 0 : i32
        %dma_start3A_1255 = arith.constant 0 : i32
        %dma_start3A_1256 = tpu.memref_slice %arg10[%dma_start3A_1244, %dma_start3A_1254, %dma_start3A_1255] : memref<4x16x128xf32, #tpu.memory_space<vmem>> -> memref<1x16x128xf32, #tpu.memory_space<vmem>>
        %dma_start3A_1257 = tpu.memref_squeeze %dma_start3A_1256 : memref<1x16x128xf32, #tpu.memory_space<vmem>> -> memref<16x128xf32, #tpu.memory_space<vmem>>
        %dma_start3A_1258 = arith.constant 0 : i32
        %dma_start3A_1259 = tpu.memref_slice %arg3[%select_n3A_1243, %dma_start3A_1258] : memref<200704x128xf32, #tpu.memory_space<hbm>> -> memref<16x128xf32, #tpu.memory_space<hbm>>
        tpu.enqueue_dma source(%dma_start3A_1259 : memref<16x128xf32, #tpu.memory_space<hbm>>) target(%dma_start3A_1257 : memref<16x128xf32, #tpu.memory_space<vmem>>) target_semaphore(%dma_start3A_1253 : memref<!tpu.dma_semaphore, #tpu.memory_space<semaphore_mem>>)
      } else {
      }
      %add3A_1078 = arith.constant 1 : i32
      %add3A_1079 = arith.addi %add3A_987, %add3A_1078 : i32
      %lt3A_1080 = arith.constant 392 : i32
      %lt3A_1081 = arith.cmpi slt, %add3A_1079, %lt3A_1080 : i32
      %convert_element_type3A_1082 = arith.extui %lt3A_1081 : i1 to i32
      %cond3A_1083 = arith.constant 0 : i32
      %cond3A_1084 = arith.cmpi ne, %convert_element_type3A_1082, %cond3A_1083 : i32
      scf.if %cond3A_1084 {
        %add3A_1184 = arith.constant 1 : i32
        %add3A_1185 = arith.addi %add3A_987, %add3A_1184 : i32
        %mul3A_1186 = arith.constant 128 : i32
        %mul3A_1187 = arith.muli %add3A_1185, %mul3A_1186 : i32
        %add3A_1188 = arith.addi %mul3A_4, %mul3A_1187 : i32
        %dma_wait3A_1189 = arith.constant 7 : i32
        %dma_wait3A_1190 = arith.constant 0 : i32
        %dma_wait3A_1191 = arith.constant 7 : i32
        %dma_wait3A_1192 = arith.constant 0 : i32
        %dma_wait3A_1193 = tpu.memref_slice %arg8[%dma_wait3A_1189, %dma_wait3A_1190, %dma_wait3A_1192] : memref<8x2x128xi32, #tpu.memory_space<vmem>> -> memref<1x1x128xi32, #tpu.memory_space<vmem>>
        %dma_wait3A_1194 = tpu.memref_squeeze %dma_wait3A_1193 : memref<1x1x128xi32, #tpu.memory_space<vmem>> -> memref<128xi32, #tpu.memory_space<vmem>>
        %dma_wait3A_1195 = tpu.memref_slice %arg4[%add3A_1188] : memref<1605632xi32, #tpu.memory_space<hbm>> -> memref<128xi32, #tpu.memory_space<hbm>>
        %dma_wait3A_1196 = tpu.memref_slice %arg13[%dma_wait3A_1191] : memref<8x!tpu.dma_semaphore, #tpu.memory_space<semaphore_mem>> -> memref<1x!tpu.dma_semaphore, #tpu.memory_space<semaphore_mem>>
        %dma_wait3A_1197 = tpu.memref_squeeze %dma_wait3A_1196 : memref<1x!tpu.dma_semaphore, #tpu.memory_space<semaphore_mem>> -> memref<!tpu.dma_semaphore, #tpu.memory_space<semaphore_mem>>
        %dma_wait3A_1198 = arith.constant 0 : i32
        %dma_wait3A_1199 = tpu.memref_slice %arg8[%dma_wait3A_1189, %dma_wait3A_1190, %dma_wait3A_1198] : memref<8x2x128xi32, #tpu.memory_space<vmem>> -> memref<1x1x128xi32, #tpu.memory_space<vmem>>
        %dma_wait3A_1200 = tpu.memref_squeeze %dma_wait3A_1199 : memref<1x1x128xi32, #tpu.memory_space<vmem>> -> memref<128xi32, #tpu.memory_space<vmem>>
        %dma_wait3A_1201 = tpu.memref_slice %arg4[%add3A_1188] : memref<1605632xi32, #tpu.memory_space<hbm>> -> memref<128xi32, #tpu.memory_space<hbm>>
        tpu.wait_dma2 semaphore(%dma_wait3A_1197 : memref<!tpu.dma_semaphore, #tpu.memory_space<semaphore_mem>>) src(%dma_wait3A_1201 : memref<128xi32, #tpu.memory_space<hbm>>) dst(%dma_wait3A_1200 : memref<128xi32, #tpu.memory_space<vmem>>)
        %dma_wait3A_1202 = arith.constant 7 : i32
        %dma_wait3A_1203 = arith.constant 1 : i32
        %dma_wait3A_1204 = arith.constant 7 : i32
        %dma_wait3A_1205 = arith.constant 0 : i32
        %dma_wait3A_1206 = tpu.memref_slice %arg8[%dma_wait3A_1202, %dma_wait3A_1203, %dma_wait3A_1205] : memref<8x2x128xi32, #tpu.memory_space<vmem>> -> memref<1x1x128xi32, #tpu.memory_space<vmem>>
        %dma_wait3A_1207 = tpu.memref_squeeze %dma_wait3A_1206 : memref<1x1x128xi32, #tpu.memory_space<vmem>> -> memref<128xi32, #tpu.memory_space<vmem>>
        %dma_wait3A_1208 = tpu.memref_slice %arg5[%add3A_1188] : memref<1605632xi32, #tpu.memory_space<hbm>> -> memref<128xi32, #tpu.memory_space<hbm>>
        %dma_wait3A_1209 = tpu.memref_slice %arg13[%dma_wait3A_1204] : memref<8x!tpu.dma_semaphore, #tpu.memory_space<semaphore_mem>> -> memref<1x!tpu.dma_semaphore, #tpu.memory_space<semaphore_mem>>
        %dma_wait3A_1210 = tpu.memref_squeeze %dma_wait3A_1209 : memref<1x!tpu.dma_semaphore, #tpu.memory_space<semaphore_mem>> -> memref<!tpu.dma_semaphore, #tpu.memory_space<semaphore_mem>>
        %dma_wait3A_1211 = arith.constant 0 : i32
        %dma_wait3A_1212 = tpu.memref_slice %arg8[%dma_wait3A_1202, %dma_wait3A_1203, %dma_wait3A_1211] : memref<8x2x128xi32, #tpu.memory_space<vmem>> -> memref<1x1x128xi32, #tpu.memory_space<vmem>>
        %dma_wait3A_1213 = tpu.memref_squeeze %dma_wait3A_1212 : memref<1x1x128xi32, #tpu.memory_space<vmem>> -> memref<128xi32, #tpu.memory_space<vmem>>
        %dma_wait3A_1214 = tpu.memref_slice %arg5[%add3A_1188] : memref<1605632xi32, #tpu.memory_space<hbm>> -> memref<128xi32, #tpu.memory_space<hbm>>
        tpu.wait_dma2 semaphore(%dma_wait3A_1210 : memref<!tpu.dma_semaphore, #tpu.memory_space<semaphore_mem>>) src(%dma_wait3A_1214 : memref<128xi32, #tpu.memory_space<hbm>>) dst(%dma_wait3A_1213 : memref<128xi32, #tpu.memory_space<vmem>>)
        %dma_start3A_1215 = arith.constant 7 : i32
        %dma_start3A_1216 = arith.constant 0 : i32
        %dma_start3A_1217 = arith.constant 3 : i32
        %dma_start3A_1218 = arith.constant 3 : i32
        %dma_start3A_1219 = arith.constant 0 : i32
        %dma_start3A_1220 = arith.constant 0 : i32
        %dma_start3A_1221 = tpu.memref_slice %arg9[%dma_start3A_1217, %dma_start3A_1219, %dma_start3A_1220] : memref<4x128x16xf32, #tpu.memory_space<vmem>> -> memref<1x128x16xf32, #tpu.memory_space<vmem>>
        %dma_start3A_1222 = tpu.memref_squeeze %dma_start3A_1221 : memref<1x128x16xf32, #tpu.memory_space<vmem>> -> memref<128x16xf32, #tpu.memory_space<vmem>>
        %dma_start3A_1223 = arith.constant 0 : i32
        %dma_start3A_1224 = tpu.memref_slice %arg8[%dma_start3A_1215, %dma_start3A_1216, %dma_start3A_1223] : memref<8x2x128xi32, #tpu.memory_space<vmem>> -> memref<1x1x128xi32, #tpu.memory_space<vmem>>
        %dma_start3A_1225 = tpu.memref_squeeze %dma_start3A_1224 : memref<1x1x128xi32, #tpu.memory_space<vmem>> -> memref<128xi32, #tpu.memory_space<vmem>>
        %dma_start3A_1226 = arith.constant 0 : i32
        %dma_start3A_1227 = arith.constant 0 : i32
        %dma_start3A_1228 = tpu.memref_slice %arg2[%dma_start3A_1226, %dma_start3A_1227] : memref<100000x16xf32, #tpu.memory_space<hbm>> -> memref<100000x16xf32, #tpu.memory_space<hbm>>
        %dma_start3A_1229 = tpu.memref_slice %arg14[%dma_start3A_1218] : memref<4x!tpu.dma_semaphore, #tpu.memory_space<semaphore_mem>> -> memref<1x!tpu.dma_semaphore, #tpu.memory_space<semaphore_mem>>
        %dma_start3A_1230 = tpu.memref_squeeze %dma_start3A_1229 : memref<1x!tpu.dma_semaphore, #tpu.memory_space<semaphore_mem>> -> memref<!tpu.dma_semaphore, #tpu.memory_space<semaphore_mem>>
        tpu.enqueue_indirect_dma source(%dma_start3A_1228 : memref<100000x16xf32, #tpu.memory_space<hbm>>) target(%dma_start3A_1222 : memref<128x16xf32, #tpu.memory_space<vmem>>) offsets(%dma_start3A_1225 : memref<128xi32, #tpu.memory_space<vmem>>) semaphore(%dma_start3A_1230 : memref<!tpu.dma_semaphore, #tpu.memory_space<semaphore_mem>>)
      } else {
      }
      %add3A_1085 = arith.constant 7 : i32
      %add3A_1086 = arith.addi %add3A_396, %add3A_1085 : i32
      %ge3A_1087 = arith.constant 4 : i32
      %ge3A_1088 = arith.cmpi sge, %add3A_1086, %ge3A_1087 : i32
      %convert_element_type3A_1089 = arith.extui %ge3A_1088 : i1 to i32
      %cond3A_1090 = arith.constant 0 : i32
      %cond3A_1091 = arith.cmpi ne, %convert_element_type3A_1089, %cond3A_1090 : i32
      scf.if %cond3A_1091 {
        %dma_wait3A_1184 = arith.constant 3 : i32
        %dma_wait3A_1185 = arith.constant 3 : i32
        %dma_wait3A_1186 = arith.constant 1 : i32
        %dma_wait3A_1187 = arith.constant 3 : i32
        %dma_wait3A_1188 = arith.constant 0 : i32
        %dma_wait3A_1189 = arith.constant 0 : i32
        %dma_wait3A_1190 = tpu.memref_slice %arg11[%dma_wait3A_1184, %dma_wait3A_1188, %dma_wait3A_1189] : memref<4x128x16xf32, #tpu.memory_space<vmem>> -> memref<1x128x16xf32, #tpu.memory_space<vmem>>
        %dma_wait3A_1191 = tpu.memref_squeeze %dma_wait3A_1190 : memref<1x128x16xf32, #tpu.memory_space<vmem>> -> memref<128x16xf32, #tpu.memory_space<vmem>>
        %dma_wait3A_1192 = arith.constant 0 : i32
        %dma_wait3A_1193 = tpu.memref_slice %arg8[%dma_wait3A_1185, %dma_wait3A_1186, %dma_wait3A_1192] : memref<8x2x128xi32, #tpu.memory_space<vmem>> -> memref<1x1x128xi32, #tpu.memory_space<vmem>>
        %dma_wait3A_1194 = tpu.memref_squeeze %dma_wait3A_1193 : memref<1x1x128xi32, #tpu.memory_space<vmem>> -> memref<128xi32, #tpu.memory_space<vmem>>
        %dma_wait3A_1195 = arith.constant 0 : i32
        %dma_wait3A_1196 = arith.constant 0 : i32
        %dma_wait3A_1197 = tpu.memref_slice %arg12[%dma_wait3A_1195, %dma_wait3A_1196] : memref<100352x16xf32, #tpu.memory_space<vmem_shared>> -> memref<100352x16xf32, #tpu.memory_space<vmem_shared>>
        %dma_wait3A_1198 = tpu.memref_slice %arg16[%dma_wait3A_1187] : memref<4x!tpu.dma_semaphore, #tpu.memory_space<semaphore_mem>> -> memref<1x!tpu.dma_semaphore, #tpu.memory_space<semaphore_mem>>
        %dma_wait3A_1199 = tpu.memref_squeeze %dma_wait3A_1198 : memref<1x!tpu.dma_semaphore, #tpu.memory_space<semaphore_mem>> -> memref<!tpu.dma_semaphore, #tpu.memory_space<semaphore_mem>>
        tpu.wait_indirect_dma semaphore(%dma_wait3A_1199 : memref<!tpu.dma_semaphore, #tpu.memory_space<semaphore_mem>>) src(%dma_wait3A_1191 : memref<128x16xf32, #tpu.memory_space<vmem>>) dst(%dma_wait3A_1197 : memref<100352x16xf32, #tpu.memory_space<vmem_shared>>)
      } else {
      }
      %dma_wait3A_1092 = arith.constant 7 : i32
      %dma_wait3A_1093 = arith.constant 0 : i32
      %dma_wait3A_1094 = arith.constant 3 : i32
      %dma_wait3A_1095 = arith.constant 3 : i32
      %dma_wait3A_1096 = arith.constant 0 : i32
      %dma_wait3A_1097 = arith.constant 0 : i32
      %dma_wait3A_1098 = tpu.memref_slice %arg9[%dma_wait3A_1094, %dma_wait3A_1096, %dma_wait3A_1097] : memref<4x128x16xf32, #tpu.memory_space<vmem>> -> memref<1x128x16xf32, #tpu.memory_space<vmem>>
      %dma_wait3A_1099 = tpu.memref_squeeze %dma_wait3A_1098 : memref<1x128x16xf32, #tpu.memory_space<vmem>> -> memref<128x16xf32, #tpu.memory_space<vmem>>
      %dma_wait3A_1100 = arith.constant 0 : i32
      %dma_wait3A_1101 = tpu.memref_slice %arg8[%dma_wait3A_1092, %dma_wait3A_1093, %dma_wait3A_1100] : memref<8x2x128xi32, #tpu.memory_space<vmem>> -> memref<1x1x128xi32, #tpu.memory_space<vmem>>
      %dma_wait3A_1102 = tpu.memref_squeeze %dma_wait3A_1101 : memref<1x1x128xi32, #tpu.memory_space<vmem>> -> memref<128xi32, #tpu.memory_space<vmem>>
      %dma_wait3A_1103 = arith.constant 0 : i32
      %dma_wait3A_1104 = arith.constant 0 : i32
      %dma_wait3A_1105 = tpu.memref_slice %arg2[%dma_wait3A_1103, %dma_wait3A_1104] : memref<100000x16xf32, #tpu.memory_space<hbm>> -> memref<100000x16xf32, #tpu.memory_space<hbm>>
      %dma_wait3A_1106 = tpu.memref_slice %arg14[%dma_wait3A_1095] : memref<4x!tpu.dma_semaphore, #tpu.memory_space<semaphore_mem>> -> memref<1x!tpu.dma_semaphore, #tpu.memory_space<semaphore_mem>>
      %dma_wait3A_1107 = tpu.memref_squeeze %dma_wait3A_1106 : memref<1x!tpu.dma_semaphore, #tpu.memory_space<semaphore_mem>> -> memref<!tpu.dma_semaphore, #tpu.memory_space<semaphore_mem>>
      tpu.wait_indirect_dma semaphore(%dma_wait3A_1107 : memref<!tpu.dma_semaphore, #tpu.memory_space<semaphore_mem>>) src(%dma_wait3A_1105 : memref<100000x16xf32, #tpu.memory_space<hbm>>) dst(%dma_wait3A_1099 : memref<128x16xf32, #tpu.memory_space<vmem>>)
      %mul3A_1108 = arith.constant 128 : i32
      %mul3A_1109 = arith.muli %add3A_1086, %mul3A_1108 : i32
      %add3A_1110 = arith.addi %mul3A_4, %mul3A_1109 : i32
      %jit3A_1111 = arith.constant 8 : i32
      %div3A_1112 = arith.divsi %add3A_1110, %jit3A_1111 : i32
      %sign3A_1113 = arith.constant 0 : i32
      %sign3A_1114 = arith.cmpi sgt, %add3A_1110, %sign3A_1113 : i32
      %sign3A_1115 = arith.extui %sign3A_1114 : i1 to i32
      %sign3A_1116 = arith.constant 0 : i32
      %sign3A_1117 = arith.cmpi slt, %add3A_1110, %sign3A_1116 : i32
      %sign3A_1118 = arith.extui %sign3A_1117 : i1 to i32
      %sign3A_1119 = arith.subi %sign3A_1115, %sign3A_1118 : i32
      %sign3A_1120 = arith.constant 0 : i32
      %sign3A_1121 = arith.cmpi sgt, %jit3A_1111, %sign3A_1120 : i32
      %sign3A_1122 = arith.extui %sign3A_1121 : i1 to i32
      %sign3A_1123 = arith.constant 0 : i32
      %sign3A_1124 = arith.cmpi slt, %jit3A_1111, %sign3A_1123 : i32
      %sign3A_1125 = arith.extui %sign3A_1124 : i1 to i32
      %sign3A_1126 = arith.subi %sign3A_1122, %sign3A_1125 : i32
      %ne3A_1127 = arith.cmpi ne, %sign3A_1119, %sign3A_1126 : i32
      %rem3A_1128 = arith.remsi %add3A_1110, %jit3A_1111 : i32
      %ne3A_1129 = arith.constant 0 : i32
      %ne3A_1130 = arith.cmpi ne, %rem3A_1128, %ne3A_1129 : i32
      %and3A_1131 = arith.andi %ne3A_1127, %ne3A_1130 : i1
      %sub3A_1132 = arith.constant 1 : i32
      %sub3A_1133 = arith.subi %div3A_1112, %sub3A_1132 : i32
      %select_n3A_1134 = arith.select %and3A_1131, %sub3A_1133, %div3A_1112 : i32
      %dma_wait3A_1135 = arith.constant 3 : i32
      %dma_wait3A_1136 = arith.constant 3 : i32
      %dma_wait3A_1137 = arith.constant 0 : i32
      %dma_wait3A_1138 = arith.constant 0 : i32
      %dma_wait3A_1139 = tpu.memref_slice %arg10[%dma_wait3A_1135, %dma_wait3A_1137, %dma_wait3A_1138] : memref<4x16x128xf32, #tpu.memory_space<vmem>> -> memref<1x16x128xf32, #tpu.memory_space<vmem>>
      %dma_wait3A_1140 = tpu.memref_squeeze %dma_wait3A_1139 : memref<1x16x128xf32, #tpu.memory_space<vmem>> -> memref<16x128xf32, #tpu.memory_space<vmem>>
      %dma_wait3A_1141 = arith.constant 0 : i32
      %dma_wait3A_1142 = tpu.memref_slice %arg3[%select_n3A_1134, %dma_wait3A_1141] : memref<200704x128xf32, #tpu.memory_space<hbm>> -> memref<16x128xf32, #tpu.memory_space<hbm>>
      %dma_wait3A_1143 = tpu.memref_slice %arg15[%dma_wait3A_1136] : memref<4x!tpu.dma_semaphore, #tpu.memory_space<semaphore_mem>> -> memref<1x!tpu.dma_semaphore, #tpu.memory_space<semaphore_mem>>
      %dma_wait3A_1144 = tpu.memref_squeeze %dma_wait3A_1143 : memref<1x!tpu.dma_semaphore, #tpu.memory_space<semaphore_mem>> -> memref<!tpu.dma_semaphore, #tpu.memory_space<semaphore_mem>>
      %dma_wait3A_1145 = arith.constant 0 : i32
      %dma_wait3A_1146 = arith.constant 0 : i32
      %dma_wait3A_1147 = tpu.memref_slice %arg10[%dma_wait3A_1135, %dma_wait3A_1145, %dma_wait3A_1146] : memref<4x16x128xf32, #tpu.memory_space<vmem>> -> memref<1x16x128xf32, #tpu.memory_space<vmem>>
      %dma_wait3A_1148 = tpu.memref_squeeze %dma_wait3A_1147 : memref<1x16x128xf32, #tpu.memory_space<vmem>> -> memref<16x128xf32, #tpu.memory_space<vmem>>
      %dma_wait3A_1149 = arith.constant 0 : i32
      %dma_wait3A_1150 = tpu.memref_slice %arg3[%select_n3A_1134, %dma_wait3A_1149] : memref<200704x128xf32, #tpu.memory_space<hbm>> -> memref<16x128xf32, #tpu.memory_space<hbm>>
      tpu.wait_dma2 semaphore(%dma_wait3A_1144 : memref<!tpu.dma_semaphore, #tpu.memory_space<semaphore_mem>>) src(%dma_wait3A_1150 : memref<16x128xf32, #tpu.memory_space<hbm>>) dst(%dma_wait3A_1148 : memref<16x128xf32, #tpu.memory_space<vmem>>)
      %parallel_loop3A_1151 = arith.constant 0 : i32
      %parallel_loop3A_1152 = arith.constant 128 : i32
      %parallel_loop3A_1153 = arith.constant 1 : i32
      scf.for %parallel_loop3A_1184 = %parallel_loop3A_1151 to %parallel_loop3A_1152 step %parallel_loop3A_1153  : i32 {
        %parallel_loop3A_1185 = arith.constant 8 : i32
        %parallel_loop3A_1186 = arith.divsi %parallel_loop3A_1184, %parallel_loop3A_1185 : i32
        %parallel_loop3A_1187 = arith.constant 0 : i32
        %parallel_loop3A_1188 = arith.cmpi sgt, %parallel_loop3A_1184, %parallel_loop3A_1187 : i32
        %parallel_loop3A_1189 = arith.extui %parallel_loop3A_1188 : i1 to i32
        %parallel_loop3A_1190 = arith.constant 0 : i32
        %parallel_loop3A_1191 = arith.cmpi slt, %parallel_loop3A_1184, %parallel_loop3A_1190 : i32
        %parallel_loop3A_1192 = arith.extui %parallel_loop3A_1191 : i1 to i32
        %parallel_loop3A_1193 = arith.subi %parallel_loop3A_1189, %parallel_loop3A_1192 : i32
        %parallel_loop3A_1194 = arith.constant 0 : i32
        %parallel_loop3A_1195 = arith.cmpi sgt, %parallel_loop3A_1185, %parallel_loop3A_1194 : i32
        %parallel_loop3A_1196 = arith.extui %parallel_loop3A_1195 : i1 to i32
        %parallel_loop3A_1197 = arith.constant 0 : i32
        %parallel_loop3A_1198 = arith.cmpi slt, %parallel_loop3A_1185, %parallel_loop3A_1197 : i32
        %parallel_loop3A_1199 = arith.extui %parallel_loop3A_1198 : i1 to i32
        %parallel_loop3A_1200 = arith.subi %parallel_loop3A_1196, %parallel_loop3A_1199 : i32
        %parallel_loop3A_1201 = arith.cmpi ne, %parallel_loop3A_1193, %parallel_loop3A_1200 : i32
        %parallel_loop3A_1202 = arith.remsi %parallel_loop3A_1184, %parallel_loop3A_1185 : i32
        %parallel_loop3A_1203 = arith.constant 0 : i32
        %parallel_loop3A_1204 = arith.cmpi ne, %parallel_loop3A_1202, %parallel_loop3A_1203 : i32
        %parallel_loop3A_1205 = arith.andi %parallel_loop3A_1201, %parallel_loop3A_1204 : i1
        %parallel_loop3A_1206 = arith.constant 1 : i32
        %parallel_loop3A_1207 = arith.subi %parallel_loop3A_1186, %parallel_loop3A_1206 : i32
        %parallel_loop3A_1208 = arith.select %parallel_loop3A_1205, %parallel_loop3A_1207, %parallel_loop3A_1186 : i32
        %parallel_loop3A_1209 = arith.constant 8 : i32
        %parallel_loop3A_1210 = arith.constant 0 : i32
        %parallel_loop3A_1211 = arith.cmpi eq, %parallel_loop3A_1209, %parallel_loop3A_1210 : i32
        %parallel_loop3A_1212 = arith.constant 1 : i32
        %parallel_loop3A_1213 = arith.select %parallel_loop3A_1211, %parallel_loop3A_1212, %parallel_loop3A_1209 : i32
        %parallel_loop3A_1214 = arith.remsi %parallel_loop3A_1184, %parallel_loop3A_1213 : i32
        %parallel_loop3A_1215 = arith.constant 0 : i32
        %parallel_loop3A_1216 = arith.cmpi ne, %parallel_loop3A_1214, %parallel_loop3A_1215 : i32
        %parallel_loop3A_1217 = arith.constant 0 : i32
        %parallel_loop3A_1218 = arith.cmpi slt, %parallel_loop3A_1214, %parallel_loop3A_1217 : i32
        %parallel_loop3A_1219 = arith.constant 0 : i32
        %parallel_loop3A_1220 = arith.cmpi slt, %parallel_loop3A_1213, %parallel_loop3A_1219 : i32
        %parallel_loop3A_1221 = arith.xori %parallel_loop3A_1218, %parallel_loop3A_1220 : i1
        %parallel_loop3A_1222 = arith.andi %parallel_loop3A_1221, %parallel_loop3A_1216 : i1
        %parallel_loop3A_1223 = arith.addi %parallel_loop3A_1214, %parallel_loop3A_1213 : i32
        %parallel_loop3A_1224 = arith.select %parallel_loop3A_1222, %parallel_loop3A_1223, %parallel_loop3A_1214 : i32
        %parallel_loop3A_1225 = arith.constant 16 : i32
        %parallel_loop3A_1226 = arith.muli %parallel_loop3A_1224, %parallel_loop3A_1225 : i32
        %parallel_loop3A_1227 = arith.constant 3 : i32
        %parallel_loop3A_1228 = arith.index_cast %parallel_loop3A_1227 : i32 to index
        %parallel_loop3A_1229 = arith.index_cast %parallel_loop3A_1208 : i32 to index
        %parallel_loop3A_1230 = arith.index_cast %parallel_loop3A_1226 : i32 to index
        %parallel_loop3A_1231 = tpu.vector_load %arg10[%parallel_loop3A_1228, %parallel_loop3A_1229, %parallel_loop3A_1230] {strides = array<i32>} : memref<4x16x128xf32, #tpu.memory_space<vmem>>, vector<1x1x16xf32>,
        %parallel_loop3A_1232 = vector.shape_cast %parallel_loop3A_1231 : vector<1x1x16xf32> to vector<16xf32>
        %parallel_loop3A_1233 = arith.constant 3 : i32
        %parallel_loop3A_1234 = arith.index_cast %parallel_loop3A_1233 : i32 to index
        %parallel_loop3A_1235 = arith.index_cast %parallel_loop3A_1184 : i32 to index
        %parallel_loop3A_1236 = arith.constant 0 : index
        %parallel_loop3A_1237 = tpu.vector_load %arg9[%parallel_loop3A_1234, %parallel_loop3A_1235, %parallel_loop3A_1236] {strides = array<i32>} : memref<4x128x16xf32, #tpu.memory_space<vmem>>, vector<1x1x16xf32>,
        %parallel_loop3A_1238 = vector.shape_cast %parallel_loop3A_1237 : vector<1x1x16xf32> to vector<16xf32>
        %parallel_loop3A_1239 = arith.addf %parallel_loop3A_1238, %parallel_loop3A_1232 : vector<16xf32>
        %parallel_loop3A_1240 = arith.constant 0.000000e+00 : f32
        %parallel_loop3A_1241 = vector.broadcast %parallel_loop3A_1240 : f32 to vector<16xf32>
        %parallel_loop3A_1242 = arith.maximumf %parallel_loop3A_1239, %parallel_loop3A_1241 : vector<16xf32>
        %parallel_loop3A_1243 = arith.constant 3 : i32
        %parallel_loop3A_1244 = arith.index_cast %parallel_loop3A_1243 : i32 to index
        %parallel_loop3A_1245 = arith.index_cast %parallel_loop3A_1184 : i32 to index
        %parallel_loop3A_1246 = arith.constant 0 : index
        %parallel_loop3A_1247 = tpu.vector_load %arg11[%parallel_loop3A_1244, %parallel_loop3A_1245, %parallel_loop3A_1246] {strides = array<i32>} : memref<4x128x16xf32, #tpu.memory_space<vmem>>, vector<1x1x16xf32>,
        %parallel_loop3A_1248 = vector.shape_cast %parallel_loop3A_1247 : vector<1x1x16xf32> to vector<16xf32>
        %parallel_loop3A_1249 = vector.shape_cast %parallel_loop3A_1242 : vector<16xf32> to vector<1x1x16xf32>
        tpu.vector_store %arg11[%parallel_loop3A_1244, %parallel_loop3A_1245, %parallel_loop3A_1246], %parallel_loop3A_1249 {strides = array<i32>} : memref<4x128x16xf32, #tpu.memory_space<vmem>>, vector<1x1x16xf32>,
      } {sc.loop_unroll_factor = 8 : i64, sc.parallel_access}
      %dma_start3A_1154 = arith.constant 3 : i32
      %dma_start3A_1155 = arith.constant 7 : i32
      %dma_start3A_1156 = arith.constant 1 : i32
      %dma_start3A_1157 = arith.constant 3 : i32
      %dma_start3A_1158 = arith.constant 0 : i32
      %dma_start3A_1159 = arith.constant 0 : i32
      %dma_start3A_1160 = tpu.memref_slice %arg11[%dma_start3A_1154, %dma_start3A_1158, %dma_start3A_1159] : memref<4x128x16xf32, #tpu.memory_space<vmem>> -> memref<1x128x16xf32, #tpu.memory_space<vmem>>
      %dma_start3A_1161 = tpu.memref_squeeze %dma_start3A_1160 : memref<1x128x16xf32, #tpu.memory_space<vmem>> -> memref<128x16xf32, #tpu.memory_space<vmem>>
      %dma_start3A_1162 = arith.constant 0 : i32
      %dma_start3A_1163 = tpu.memref_slice %arg8[%dma_start3A_1155, %dma_start3A_1156, %dma_start3A_1162] : memref<8x2x128xi32, #tpu.memory_space<vmem>> -> memref<1x1x128xi32, #tpu.memory_space<vmem>>
      %dma_start3A_1164 = tpu.memref_squeeze %dma_start3A_1163 : memref<1x1x128xi32, #tpu.memory_space<vmem>> -> memref<128xi32, #tpu.memory_space<vmem>>
      %dma_start3A_1165 = arith.constant 0 : i32
      %dma_start3A_1166 = arith.constant 0 : i32
      %dma_start3A_1167 = tpu.memref_slice %arg12[%dma_start3A_1165, %dma_start3A_1166] : memref<100352x16xf32, #tpu.memory_space<vmem_shared>> -> memref<100352x16xf32, #tpu.memory_space<vmem_shared>>
      %dma_start3A_1168 = tpu.memref_slice %arg16[%dma_start3A_1157] : memref<4x!tpu.dma_semaphore, #tpu.memory_space<semaphore_mem>> -> memref<1x!tpu.dma_semaphore, #tpu.memory_space<semaphore_mem>>
      %dma_start3A_1169 = tpu.memref_squeeze %dma_start3A_1168 : memref<1x!tpu.dma_semaphore, #tpu.memory_space<semaphore_mem>> -> memref<!tpu.dma_semaphore, #tpu.memory_space<semaphore_mem>>
      tpu.enqueue_indirect_dma source(%dma_start3A_1161 : memref<128x16xf32, #tpu.memory_space<vmem>>) target(%dma_start3A_1167 : memref<100352x16xf32, #tpu.memory_space<vmem_shared>>) offsets(%dma_start3A_1164 : memref<128xi32, #tpu.memory_space<vmem>>) semaphore(%dma_start3A_1169 : memref<!tpu.dma_semaphore, #tpu.memory_space<semaphore_mem>>) {add = true}
      %add3A_1170 = arith.constant 4 : i32
      %add3A_1171 = arith.addi %add3A_1086, %add3A_1170 : i32
      %lt3A_1172 = arith.constant 392 : i32
      %lt3A_1173 = arith.cmpi slt, %add3A_1171, %lt3A_1172 : i32
      %convert_element_type3A_1174 = arith.extui %lt3A_1173 : i1 to i32
      %cond3A_1175 = arith.constant 0 : i32
      %cond3A_1176 = arith.cmpi ne, %convert_element_type3A_1174, %cond3A_1175 : i32
      scf.if %cond3A_1176 {
        %add3A_1184 = arith.constant 4 : i32
        %add3A_1185 = arith.addi %add3A_1086, %add3A_1184 : i32
        %mul3A_1186 = arith.constant 128 : i32
        %mul3A_1187 = arith.muli %add3A_1185, %mul3A_1186 : i32
        %add3A_1188 = arith.addi %mul3A_4, %mul3A_1187 : i32
        %dma_start3A_1189 = arith.constant 3 : i32
        %dma_start3A_1190 = arith.constant 0 : i32
        %dma_start3A_1191 = arith.constant 3 : i32
        %dma_start3A_1192 = arith.constant 0 : i32
        %dma_start3A_1193 = tpu.memref_slice %arg8[%dma_start3A_1189, %dma_start3A_1190, %dma_start3A_1192] : memref<8x2x128xi32, #tpu.memory_space<vmem>> -> memref<1x1x128xi32, #tpu.memory_space<vmem>>
        %dma_start3A_1194 = tpu.memref_squeeze %dma_start3A_1193 : memref<1x1x128xi32, #tpu.memory_space<vmem>> -> memref<128xi32, #tpu.memory_space<vmem>>
        %dma_start3A_1195 = tpu.memref_slice %arg4[%add3A_1188] : memref<1605632xi32, #tpu.memory_space<hbm>> -> memref<128xi32, #tpu.memory_space<hbm>>
        %dma_start3A_1196 = tpu.memref_slice %arg13[%dma_start3A_1191] : memref<8x!tpu.dma_semaphore, #tpu.memory_space<semaphore_mem>> -> memref<1x!tpu.dma_semaphore, #tpu.memory_space<semaphore_mem>>
        %dma_start3A_1197 = tpu.memref_squeeze %dma_start3A_1196 : memref<1x!tpu.dma_semaphore, #tpu.memory_space<semaphore_mem>> -> memref<!tpu.dma_semaphore, #tpu.memory_space<semaphore_mem>>
        %dma_start3A_1198 = arith.constant 0 : i32
        %dma_start3A_1199 = tpu.memref_slice %arg8[%dma_start3A_1189, %dma_start3A_1190, %dma_start3A_1198] : memref<8x2x128xi32, #tpu.memory_space<vmem>> -> memref<1x1x128xi32, #tpu.memory_space<vmem>>
        %dma_start3A_1200 = tpu.memref_squeeze %dma_start3A_1199 : memref<1x1x128xi32, #tpu.memory_space<vmem>> -> memref<128xi32, #tpu.memory_space<vmem>>
        %dma_start3A_1201 = tpu.memref_slice %arg4[%add3A_1188] : memref<1605632xi32, #tpu.memory_space<hbm>> -> memref<128xi32, #tpu.memory_space<hbm>>
        tpu.enqueue_dma source(%dma_start3A_1201 : memref<128xi32, #tpu.memory_space<hbm>>) target(%dma_start3A_1200 : memref<128xi32, #tpu.memory_space<vmem>>) target_semaphore(%dma_start3A_1197 : memref<!tpu.dma_semaphore, #tpu.memory_space<semaphore_mem>>)
        %dma_start3A_1202 = arith.constant 3 : i32
        %dma_start3A_1203 = arith.constant 1 : i32
        %dma_start3A_1204 = arith.constant 3 : i32
        %dma_start3A_1205 = arith.constant 0 : i32
        %dma_start3A_1206 = tpu.memref_slice %arg8[%dma_start3A_1202, %dma_start3A_1203, %dma_start3A_1205] : memref<8x2x128xi32, #tpu.memory_space<vmem>> -> memref<1x1x128xi32, #tpu.memory_space<vmem>>
        %dma_start3A_1207 = tpu.memref_squeeze %dma_start3A_1206 : memref<1x1x128xi32, #tpu.memory_space<vmem>> -> memref<128xi32, #tpu.memory_space<vmem>>
        %dma_start3A_1208 = tpu.memref_slice %arg5[%add3A_1188] : memref<1605632xi32, #tpu.memory_space<hbm>> -> memref<128xi32, #tpu.memory_space<hbm>>
        %dma_start3A_1209 = tpu.memref_slice %arg13[%dma_start3A_1204] : memref<8x!tpu.dma_semaphore, #tpu.memory_space<semaphore_mem>> -> memref<1x!tpu.dma_semaphore, #tpu.memory_space<semaphore_mem>>
        %dma_start3A_1210 = tpu.memref_squeeze %dma_start3A_1209 : memref<1x!tpu.dma_semaphore, #tpu.memory_space<semaphore_mem>> -> memref<!tpu.dma_semaphore, #tpu.memory_space<semaphore_mem>>
        %dma_start3A_1211 = arith.constant 0 : i32
        %dma_start3A_1212 = tpu.memref_slice %arg8[%dma_start3A_1202, %dma_start3A_1203, %dma_start3A_1211] : memref<8x2x128xi32, #tpu.memory_space<vmem>> -> memref<1x1x128xi32, #tpu.memory_space<vmem>>
        %dma_start3A_1213 = tpu.memref_squeeze %dma_start3A_1212 : memref<1x1x128xi32, #tpu.memory_space<vmem>> -> memref<128xi32, #tpu.memory_space<vmem>>
        %dma_start3A_1214 = tpu.memref_slice %arg5[%add3A_1188] : memref<1605632xi32, #tpu.memory_space<hbm>> -> memref<128xi32, #tpu.memory_space<hbm>>
        tpu.enqueue_dma source(%dma_start3A_1214 : memref<128xi32, #tpu.memory_space<hbm>>) target(%dma_start3A_1213 : memref<128xi32, #tpu.memory_space<vmem>>) target_semaphore(%dma_start3A_1210 : memref<!tpu.dma_semaphore, #tpu.memory_space<semaphore_mem>>)
        %add3A_1215 = arith.constant 4 : i32
        %add3A_1216 = arith.addi %add3A_1086, %add3A_1215 : i32
        %mul3A_1217 = arith.constant 128 : i32
        %mul3A_1218 = arith.muli %add3A_1216, %mul3A_1217 : i32
        %add3A_1219 = arith.addi %mul3A_4, %mul3A_1218 : i32
        %jit3A_1220 = arith.constant 8 : i32
        %div3A_1221 = arith.divsi %add3A_1219, %jit3A_1220 : i32
        %sign3A_1222 = arith.constant 0 : i32
        %sign3A_1223 = arith.cmpi sgt, %add3A_1219, %sign3A_1222 : i32
        %sign3A_1224 = arith.extui %sign3A_1223 : i1 to i32
        %sign3A_1225 = arith.constant 0 : i32
        %sign3A_1226 = arith.cmpi slt, %add3A_1219, %sign3A_1225 : i32
        %sign3A_1227 = arith.extui %sign3A_1226 : i1 to i32
        %sign3A_1228 = arith.subi %sign3A_1224, %sign3A_1227 : i32
        %sign3A_1229 = arith.constant 0 : i32
        %sign3A_1230 = arith.cmpi sgt, %jit3A_1220, %sign3A_1229 : i32
        %sign3A_1231 = arith.extui %sign3A_1230 : i1 to i32
        %sign3A_1232 = arith.constant 0 : i32
        %sign3A_1233 = arith.cmpi slt, %jit3A_1220, %sign3A_1232 : i32
        %sign3A_1234 = arith.extui %sign3A_1233 : i1 to i32
        %sign3A_1235 = arith.subi %sign3A_1231, %sign3A_1234 : i32
        %ne3A_1236 = arith.cmpi ne, %sign3A_1228, %sign3A_1235 : i32
        %rem3A_1237 = arith.remsi %add3A_1219, %jit3A_1220 : i32
        %ne3A_1238 = arith.constant 0 : i32
        %ne3A_1239 = arith.cmpi ne, %rem3A_1237, %ne3A_1238 : i32
        %and3A_1240 = arith.andi %ne3A_1236, %ne3A_1239 : i1
        %sub3A_1241 = arith.constant 1 : i32
        %sub3A_1242 = arith.subi %div3A_1221, %sub3A_1241 : i32
        %select_n3A_1243 = arith.select %and3A_1240, %sub3A_1242, %div3A_1221 : i32
        %dma_start3A_1244 = arith.constant 3 : i32
        %dma_start3A_1245 = arith.constant 3 : i32
        %dma_start3A_1246 = arith.constant 0 : i32
        %dma_start3A_1247 = arith.constant 0 : i32
        %dma_start3A_1248 = tpu.memref_slice %arg10[%dma_start3A_1244, %dma_start3A_1246, %dma_start3A_1247] : memref<4x16x128xf32, #tpu.memory_space<vmem>> -> memref<1x16x128xf32, #tpu.memory_space<vmem>>
        %dma_start3A_1249 = tpu.memref_squeeze %dma_start3A_1248 : memref<1x16x128xf32, #tpu.memory_space<vmem>> -> memref<16x128xf32, #tpu.memory_space<vmem>>
        %dma_start3A_1250 = arith.constant 0 : i32
        %dma_start3A_1251 = tpu.memref_slice %arg3[%select_n3A_1243, %dma_start3A_1250] : memref<200704x128xf32, #tpu.memory_space<hbm>> -> memref<16x128xf32, #tpu.memory_space<hbm>>
        %dma_start3A_1252 = tpu.memref_slice %arg15[%dma_start3A_1245] : memref<4x!tpu.dma_semaphore, #tpu.memory_space<semaphore_mem>> -> memref<1x!tpu.dma_semaphore, #tpu.memory_space<semaphore_mem>>
        %dma_start3A_1253 = tpu.memref_squeeze %dma_start3A_1252 : memref<1x!tpu.dma_semaphore, #tpu.memory_space<semaphore_mem>> -> memref<!tpu.dma_semaphore, #tpu.memory_space<semaphore_mem>>
        %dma_start3A_1254 = arith.constant 0 : i32
        %dma_start3A_1255 = arith.constant 0 : i32
        %dma_start3A_1256 = tpu.memref_slice %arg10[%dma_start3A_1244, %dma_start3A_1254, %dma_start3A_1255] : memref<4x16x128xf32, #tpu.memory_space<vmem>> -> memref<1x16x128xf32, #tpu.memory_space<vmem>>
        %dma_start3A_1257 = tpu.memref_squeeze %dma_start3A_1256 : memref<1x16x128xf32, #tpu.memory_space<vmem>> -> memref<16x128xf32, #tpu.memory_space<vmem>>
        %dma_start3A_1258 = arith.constant 0 : i32
        %dma_start3A_1259 = tpu.memref_slice %arg3[%select_n3A_1243, %dma_start3A_1258] : memref<200704x128xf32, #tpu.memory_space<hbm>> -> memref<16x128xf32, #tpu.memory_space<hbm>>
        tpu.enqueue_dma source(%dma_start3A_1259 : memref<16x128xf32, #tpu.memory_space<hbm>>) target(%dma_start3A_1257 : memref<16x128xf32, #tpu.memory_space<vmem>>) target_semaphore(%dma_start3A_1253 : memref<!tpu.dma_semaphore, #tpu.memory_space<semaphore_mem>>)
      } else {
      }
      %add3A_1177 = arith.constant 1 : i32
      %add3A_1178 = arith.addi %add3A_1086, %add3A_1177 : i32
      %lt3A_1179 = arith.constant 392 : i32
      %lt3A_1180 = arith.cmpi slt, %add3A_1178, %lt3A_1179 : i32
      %convert_element_type3A_1181 = arith.extui %lt3A_1180 : i1 to i32
      %cond3A_1182 = arith.constant 0 : i32
      %cond3A_1183 = arith.cmpi ne, %convert_element_type3A_1181, %cond3A_1182 : i32
      scf.if %cond3A_1183 {
        %add3A_1184 = arith.constant 1 : i32
        %add3A_1185 = arith.addi %add3A_1086, %add3A_1184 : i32
        %mul3A_1186 = arith.constant 128 : i32
        %mul3A_1187 = arith.muli %add3A_1185, %mul3A_1186 : i32
        %add3A_1188 = arith.addi %mul3A_4, %mul3A_1187 : i32
        %dma_wait3A_1189 = arith.constant 0 : i32
        %dma_wait3A_1190 = arith.constant 0 : i32
        %dma_wait3A_1191 = arith.constant 0 : i32
        %dma_wait3A_1192 = arith.constant 0 : i32
        %dma_wait3A_1193 = tpu.memref_slice %arg8[%dma_wait3A_1189, %dma_wait3A_1190, %dma_wait3A_1192] : memref<8x2x128xi32, #tpu.memory_space<vmem>> -> memref<1x1x128xi32, #tpu.memory_space<vmem>>
        %dma_wait3A_1194 = tpu.memref_squeeze %dma_wait3A_1193 : memref<1x1x128xi32, #tpu.memory_space<vmem>> -> memref<128xi32, #tpu.memory_space<vmem>>
        %dma_wait3A_1195 = tpu.memref_slice %arg4[%add3A_1188] : memref<1605632xi32, #tpu.memory_space<hbm>> -> memref<128xi32, #tpu.memory_space<hbm>>
        %dma_wait3A_1196 = tpu.memref_slice %arg13[%dma_wait3A_1191] : memref<8x!tpu.dma_semaphore, #tpu.memory_space<semaphore_mem>> -> memref<1x!tpu.dma_semaphore, #tpu.memory_space<semaphore_mem>>
        %dma_wait3A_1197 = tpu.memref_squeeze %dma_wait3A_1196 : memref<1x!tpu.dma_semaphore, #tpu.memory_space<semaphore_mem>> -> memref<!tpu.dma_semaphore, #tpu.memory_space<semaphore_mem>>
        %dma_wait3A_1198 = arith.constant 0 : i32
        %dma_wait3A_1199 = tpu.memref_slice %arg8[%dma_wait3A_1189, %dma_wait3A_1190, %dma_wait3A_1198] : memref<8x2x128xi32, #tpu.memory_space<vmem>> -> memref<1x1x128xi32, #tpu.memory_space<vmem>>
        %dma_wait3A_1200 = tpu.memref_squeeze %dma_wait3A_1199 : memref<1x1x128xi32, #tpu.memory_space<vmem>> -> memref<128xi32, #tpu.memory_space<vmem>>
        %dma_wait3A_1201 = tpu.memref_slice %arg4[%add3A_1188] : memref<1605632xi32, #tpu.memory_space<hbm>> -> memref<128xi32, #tpu.memory_space<hbm>>
        tpu.wait_dma2 semaphore(%dma_wait3A_1197 : memref<!tpu.dma_semaphore, #tpu.memory_space<semaphore_mem>>) src(%dma_wait3A_1201 : memref<128xi32, #tpu.memory_space<hbm>>) dst(%dma_wait3A_1200 : memref<128xi32, #tpu.memory_space<vmem>>)
        %dma_wait3A_1202 = arith.constant 0 : i32
        %dma_wait3A_1203 = arith.constant 1 : i32
        %dma_wait3A_1204 = arith.constant 0 : i32
        %dma_wait3A_1205 = arith.constant 0 : i32
        %dma_wait3A_1206 = tpu.memref_slice %arg8[%dma_wait3A_1202, %dma_wait3A_1203, %dma_wait3A_1205] : memref<8x2x128xi32, #tpu.memory_space<vmem>> -> memref<1x1x128xi32, #tpu.memory_space<vmem>>
        %dma_wait3A_1207 = tpu.memref_squeeze %dma_wait3A_1206 : memref<1x1x128xi32, #tpu.memory_space<vmem>> -> memref<128xi32, #tpu.memory_space<vmem>>
        %dma_wait3A_1208 = tpu.memref_slice %arg5[%add3A_1188] : memref<1605632xi32, #tpu.memory_space<hbm>> -> memref<128xi32, #tpu.memory_space<hbm>>
        %dma_wait3A_1209 = tpu.memref_slice %arg13[%dma_wait3A_1204] : memref<8x!tpu.dma_semaphore, #tpu.memory_space<semaphore_mem>> -> memref<1x!tpu.dma_semaphore, #tpu.memory_space<semaphore_mem>>
        %dma_wait3A_1210 = tpu.memref_squeeze %dma_wait3A_1209 : memref<1x!tpu.dma_semaphore, #tpu.memory_space<semaphore_mem>> -> memref<!tpu.dma_semaphore, #tpu.memory_space<semaphore_mem>>
        %dma_wait3A_1211 = arith.constant 0 : i32
        %dma_wait3A_1212 = tpu.memref_slice %arg8[%dma_wait3A_1202, %dma_wait3A_1203, %dma_wait3A_1211] : memref<8x2x128xi32, #tpu.memory_space<vmem>> -> memref<1x1x128xi32, #tpu.memory_space<vmem>>
        %dma_wait3A_1213 = tpu.memref_squeeze %dma_wait3A_1212 : memref<1x1x128xi32, #tpu.memory_space<vmem>> -> memref<128xi32, #tpu.memory_space<vmem>>
        %dma_wait3A_1214 = tpu.memref_slice %arg5[%add3A_1188] : memref<1605632xi32, #tpu.memory_space<hbm>> -> memref<128xi32, #tpu.memory_space<hbm>>
        tpu.wait_dma2 semaphore(%dma_wait3A_1210 : memref<!tpu.dma_semaphore, #tpu.memory_space<semaphore_mem>>) src(%dma_wait3A_1214 : memref<128xi32, #tpu.memory_space<hbm>>) dst(%dma_wait3A_1213 : memref<128xi32, #tpu.memory_space<vmem>>)
        %dma_start3A_1215 = arith.constant 0 : i32
        %dma_start3A_1216 = arith.constant 0 : i32
        %dma_start3A_1217 = arith.constant 0 : i32
        %dma_start3A_1218 = arith.constant 0 : i32
        %dma_start3A_1219 = arith.constant 0 : i32
        %dma_start3A_1220 = arith.constant 0 : i32
        %dma_start3A_1221 = tpu.memref_slice %arg9[%dma_start3A_1217, %dma_start3A_1219, %dma_start3A_1220] : memref<4x128x16xf32, #tpu.memory_space<vmem>> -> memref<1x128x16xf32, #tpu.memory_space<vmem>>
        %dma_start3A_1222 = tpu.memref_squeeze %dma_start3A_1221 : memref<1x128x16xf32, #tpu.memory_space<vmem>> -> memref<128x16xf32, #tpu.memory_space<vmem>>
        %dma_start3A_1223 = arith.constant 0 : i32
        %dma_start3A_1224 = tpu.memref_slice %arg8[%dma_start3A_1215, %dma_start3A_1216, %dma_start3A_1223] : memref<8x2x128xi32, #tpu.memory_space<vmem>> -> memref<1x1x128xi32, #tpu.memory_space<vmem>>
        %dma_start3A_1225 = tpu.memref_squeeze %dma_start3A_1224 : memref<1x1x128xi32, #tpu.memory_space<vmem>> -> memref<128xi32, #tpu.memory_space<vmem>>
        %dma_start3A_1226 = arith.constant 0 : i32
        %dma_start3A_1227 = arith.constant 0 : i32
        %dma_start3A_1228 = tpu.memref_slice %arg2[%dma_start3A_1226, %dma_start3A_1227] : memref<100000x16xf32, #tpu.memory_space<hbm>> -> memref<100000x16xf32, #tpu.memory_space<hbm>>
        %dma_start3A_1229 = tpu.memref_slice %arg14[%dma_start3A_1218] : memref<4x!tpu.dma_semaphore, #tpu.memory_space<semaphore_mem>> -> memref<1x!tpu.dma_semaphore, #tpu.memory_space<semaphore_mem>>
        %dma_start3A_1230 = tpu.memref_squeeze %dma_start3A_1229 : memref<1x!tpu.dma_semaphore, #tpu.memory_space<semaphore_mem>> -> memref<!tpu.dma_semaphore, #tpu.memory_space<semaphore_mem>>
        tpu.enqueue_indirect_dma source(%dma_start3A_1228 : memref<100000x16xf32, #tpu.memory_space<hbm>>) target(%dma_start3A_1222 : memref<128x16xf32, #tpu.memory_space<vmem>>) offsets(%dma_start3A_1225 : memref<128xi32, #tpu.memory_space<vmem>>) semaphore(%dma_start3A_1230 : memref<!tpu.dma_semaphore, #tpu.memory_space<semaphore_mem>>)
      } else {
      }
    }
    %scan3A_322 = arith.constant 49 : i32
    %dma_wait3A_323 = arith.constant 0 : i32
    %dma_wait3A_324 = arith.constant 4 : i32
    %dma_wait3A_325 = arith.constant 1 : i32
    %dma_wait3A_326 = arith.constant 0 : i32
    %dma_wait3A_327 = arith.constant 0 : i32
    %dma_wait3A_328 = arith.constant 0 : i32
    %dma_wait3A_329 = tpu.memref_slice %arg11[%dma_wait3A_323, %dma_wait3A_327, %dma_wait3A_328] : memref<4x128x16xf32, #tpu.memory_space<vmem>> -> memref<1x128x16xf32, #tpu.memory_space<vmem>>
    %dma_wait3A_330 = tpu.memref_squeeze %dma_wait3A_329 : memref<1x128x16xf32, #tpu.memory_space<vmem>> -> memref<128x16xf32, #tpu.memory_space<vmem>>
    %dma_wait3A_331 = arith.constant 0 : i32
    %dma_wait3A_332 = tpu.memref_slice %arg8[%dma_wait3A_324, %dma_wait3A_325, %dma_wait3A_331] : memref<8x2x128xi32, #tpu.memory_space<vmem>> -> memref<1x1x128xi32, #tpu.memory_space<vmem>>
    %dma_wait3A_333 = tpu.memref_squeeze %dma_wait3A_332 : memref<1x1x128xi32, #tpu.memory_space<vmem>> -> memref<128xi32, #tpu.memory_space<vmem>>
    %dma_wait3A_334 = arith.constant 0 : i32
    %dma_wait3A_335 = arith.constant 0 : i32
    %dma_wait3A_336 = tpu.memref_slice %arg12[%dma_wait3A_334, %dma_wait3A_335] : memref<100352x16xf32, #tpu.memory_space<vmem_shared>> -> memref<100352x16xf32, #tpu.memory_space<vmem_shared>>
    %dma_wait3A_337 = tpu.memref_slice %arg16[%dma_wait3A_326] : memref<4x!tpu.dma_semaphore, #tpu.memory_space<semaphore_mem>> -> memref<1x!tpu.dma_semaphore, #tpu.memory_space<semaphore_mem>>
    %dma_wait3A_338 = tpu.memref_squeeze %dma_wait3A_337 : memref<1x!tpu.dma_semaphore, #tpu.memory_space<semaphore_mem>> -> memref<!tpu.dma_semaphore, #tpu.memory_space<semaphore_mem>>
    tpu.wait_indirect_dma semaphore(%dma_wait3A_338 : memref<!tpu.dma_semaphore, #tpu.memory_space<semaphore_mem>>) src(%dma_wait3A_330 : memref<128x16xf32, #tpu.memory_space<vmem>>) dst(%dma_wait3A_336 : memref<100352x16xf32, #tpu.memory_space<vmem_shared>>)
    %dma_wait3A_339 = arith.constant 1 : i32
    %dma_wait3A_340 = arith.constant 5 : i32
    %dma_wait3A_341 = arith.constant 1 : i32
    %dma_wait3A_342 = arith.constant 1 : i32
    %dma_wait3A_343 = arith.constant 0 : i32
    %dma_wait3A_344 = arith.constant 0 : i32
    %dma_wait3A_345 = tpu.memref_slice %arg11[%dma_wait3A_339, %dma_wait3A_343, %dma_wait3A_344] : memref<4x128x16xf32, #tpu.memory_space<vmem>> -> memref<1x128x16xf32, #tpu.memory_space<vmem>>
    %dma_wait3A_346 = tpu.memref_squeeze %dma_wait3A_345 : memref<1x128x16xf32, #tpu.memory_space<vmem>> -> memref<128x16xf32, #tpu.memory_space<vmem>>
    %dma_wait3A_347 = arith.constant 0 : i32
    %dma_wait3A_348 = tpu.memref_slice %arg8[%dma_wait3A_340, %dma_wait3A_341, %dma_wait3A_347] : memref<8x2x128xi32, #tpu.memory_space<vmem>> -> memref<1x1x128xi32, #tpu.memory_space<vmem>>
    %dma_wait3A_349 = tpu.memref_squeeze %dma_wait3A_348 : memref<1x1x128xi32, #tpu.memory_space<vmem>> -> memref<128xi32, #tpu.memory_space<vmem>>
    %dma_wait3A_350 = arith.constant 0 : i32
    %dma_wait3A_351 = arith.constant 0 : i32
    %dma_wait3A_352 = tpu.memref_slice %arg12[%dma_wait3A_350, %dma_wait3A_351] : memref<100352x16xf32, #tpu.memory_space<vmem_shared>> -> memref<100352x16xf32, #tpu.memory_space<vmem_shared>>
    %dma_wait3A_353 = tpu.memref_slice %arg16[%dma_wait3A_342] : memref<4x!tpu.dma_semaphore, #tpu.memory_space<semaphore_mem>> -> memref<1x!tpu.dma_semaphore, #tpu.memory_space<semaphore_mem>>
    %dma_wait3A_354 = tpu.memref_squeeze %dma_wait3A_353 : memref<1x!tpu.dma_semaphore, #tpu.memory_space<semaphore_mem>> -> memref<!tpu.dma_semaphore, #tpu.memory_space<semaphore_mem>>
    tpu.wait_indirect_dma semaphore(%dma_wait3A_354 : memref<!tpu.dma_semaphore, #tpu.memory_space<semaphore_mem>>) src(%dma_wait3A_346 : memref<128x16xf32, #tpu.memory_space<vmem>>) dst(%dma_wait3A_352 : memref<100352x16xf32, #tpu.memory_space<vmem_shared>>)
    %dma_wait3A_355 = arith.constant 2 : i32
    %dma_wait3A_356 = arith.constant 6 : i32
    %dma_wait3A_357 = arith.constant 1 : i32
    %dma_wait3A_358 = arith.constant 2 : i32
    %dma_wait3A_359 = arith.constant 0 : i32
    %dma_wait3A_360 = arith.constant 0 : i32
    %dma_wait3A_361 = tpu.memref_slice %arg11[%dma_wait3A_355, %dma_wait3A_359, %dma_wait3A_360] : memref<4x128x16xf32, #tpu.memory_space<vmem>> -> memref<1x128x16xf32, #tpu.memory_space<vmem>>
    %dma_wait3A_362 = tpu.memref_squeeze %dma_wait3A_361 : memref<1x128x16xf32, #tpu.memory_space<vmem>> -> memref<128x16xf32, #tpu.memory_space<vmem>>
    %dma_wait3A_363 = arith.constant 0 : i32
    %dma_wait3A_364 = tpu.memref_slice %arg8[%dma_wait3A_356, %dma_wait3A_357, %dma_wait3A_363] : memref<8x2x128xi32, #tpu.memory_space<vmem>> -> memref<1x1x128xi32, #tpu.memory_space<vmem>>
    %dma_wait3A_365 = tpu.memref_squeeze %dma_wait3A_364 : memref<1x1x128xi32, #tpu.memory_space<vmem>> -> memref<128xi32, #tpu.memory_space<vmem>>
    %dma_wait3A_366 = arith.constant 0 : i32
    %dma_wait3A_367 = arith.constant 0 : i32
    %dma_wait3A_368 = tpu.memref_slice %arg12[%dma_wait3A_366, %dma_wait3A_367] : memref<100352x16xf32, #tpu.memory_space<vmem_shared>> -> memref<100352x16xf32, #tpu.memory_space<vmem_shared>>
    %dma_wait3A_369 = tpu.memref_slice %arg16[%dma_wait3A_358] : memref<4x!tpu.dma_semaphore, #tpu.memory_space<semaphore_mem>> -> memref<1x!tpu.dma_semaphore, #tpu.memory_space<semaphore_mem>>
    %dma_wait3A_370 = tpu.memref_squeeze %dma_wait3A_369 : memref<1x!tpu.dma_semaphore, #tpu.memory_space<semaphore_mem>> -> memref<!tpu.dma_semaphore, #tpu.memory_space<semaphore_mem>>
    tpu.wait_indirect_dma semaphore(%dma_wait3A_370 : memref<!tpu.dma_semaphore, #tpu.memory_space<semaphore_mem>>) src(%dma_wait3A_362 : memref<128x16xf32, #tpu.memory_space<vmem>>) dst(%dma_wait3A_368 : memref<100352x16xf32, #tpu.memory_space<vmem_shared>>)
    %dma_wait3A_371 = arith.constant 3 : i32
    %dma_wait3A_372 = arith.constant 7 : i32
    %dma_wait3A_373 = arith.constant 1 : i32
    %dma_wait3A_374 = arith.constant 3 : i32
    %dma_wait3A_375 = arith.constant 0 : i32
    %dma_wait3A_376 = arith.constant 0 : i32
    %dma_wait3A_377 = tpu.memref_slice %arg11[%dma_wait3A_371, %dma_wait3A_375, %dma_wait3A_376] : memref<4x128x16xf32, #tpu.memory_space<vmem>> -> memref<1x128x16xf32, #tpu.memory_space<vmem>>
    %dma_wait3A_378 = tpu.memref_squeeze %dma_wait3A_377 : memref<1x128x16xf32, #tpu.memory_space<vmem>> -> memref<128x16xf32, #tpu.memory_space<vmem>>
    %dma_wait3A_379 = arith.constant 0 : i32
    %dma_wait3A_380 = tpu.memref_slice %arg8[%dma_wait3A_372, %dma_wait3A_373, %dma_wait3A_379] : memref<8x2x128xi32, #tpu.memory_space<vmem>> -> memref<1x1x128xi32, #tpu.memory_space<vmem>>
    %dma_wait3A_381 = tpu.memref_squeeze %dma_wait3A_380 : memref<1x1x128xi32, #tpu.memory_space<vmem>> -> memref<128xi32, #tpu.memory_space<vmem>>
    %dma_wait3A_382 = arith.constant 0 : i32
    %dma_wait3A_383 = arith.constant 0 : i32
    %dma_wait3A_384 = tpu.memref_slice %arg12[%dma_wait3A_382, %dma_wait3A_383] : memref<100352x16xf32, #tpu.memory_space<vmem_shared>> -> memref<100352x16xf32, #tpu.memory_space<vmem_shared>>
    %dma_wait3A_385 = tpu.memref_slice %arg16[%dma_wait3A_374] : memref<4x!tpu.dma_semaphore, #tpu.memory_space<semaphore_mem>> -> memref<1x!tpu.dma_semaphore, #tpu.memory_space<semaphore_mem>>
    %dma_wait3A_386 = tpu.memref_squeeze %dma_wait3A_385 : memref<1x!tpu.dma_semaphore, #tpu.memory_space<semaphore_mem>> -> memref<!tpu.dma_semaphore, #tpu.memory_space<semaphore_mem>>
    tpu.wait_indirect_dma semaphore(%dma_wait3A_386 : memref<!tpu.dma_semaphore, #tpu.memory_space<semaphore_mem>>) src(%dma_wait3A_378 : memref<128x16xf32, #tpu.memory_space<vmem>>) dst(%dma_wait3A_384 : memref<100352x16xf32, #tpu.memory_space<vmem_shared>>)
    %barrier3A_387 = arith.constant 0 : index
    tpu.barrier barrier_id(%barrier3A_387)
    %mul3A_388 = arith.constant 6272 : i32
    %mul3A_389 = arith.muli %arg1, %mul3A_388 : i32
    %mul3A_390 = arith.constant 6272 : i32
    %mul3A_391 = arith.muli %arg1, %mul3A_390 : i32
    "tpu.region"() ({
      %run_scoped3A = tpu.sem_alloc : memref<!tpu.dma_semaphore, #tpu.memory_space<semaphore_mem>>
      %dma_start3A_392 = arith.constant 0 : i32
      %dma_start3A_393 = tpu.memref_slice %arg7[%arg0, %mul3A_391, %dma_start3A_392] : memref<2x100352x16xf32, #tpu.memory_space<hbm>> -> memref<1x6272x16xf32, #tpu.memory_space<hbm>>
      %dma_start3A_394 = tpu.memref_squeeze %dma_start3A_393 : memref<1x6272x16xf32, #tpu.memory_space<hbm>> -> memref<6272x16xf32, #tpu.memory_space<hbm>>
      %dma_start3A_395 = arith.constant 0 : i32
      %dma_start3A_396 = tpu.memref_slice %arg12[%mul3A_389, %dma_start3A_395] : memref<100352x16xf32, #tpu.memory_space<vmem_shared>> -> memref<6272x16xf32, #tpu.memory_space<vmem_shared>>
      tpu.enqueue_dma source(%dma_start3A_396 : memref<6272x16xf32, #tpu.memory_space<vmem_shared>>) target(%dma_start3A_394 : memref<6272x16xf32, #tpu.memory_space<hbm>>) target_semaphore(%run_scoped3A : memref<!tpu.dma_semaphore, #tpu.memory_space<semaphore_mem>>)
      %dma_wait3A_397 = arith.constant 0 : i32
      %dma_wait3A_398 = tpu.memref_slice %arg7[%arg0, %mul3A_391, %dma_wait3A_397] : memref<2x100352x16xf32, #tpu.memory_space<hbm>> -> memref<1x6272x16xf32, #tpu.memory_space<hbm>>
      %dma_wait3A_399 = tpu.memref_squeeze %dma_wait3A_398 : memref<1x6272x16xf32, #tpu.memory_space<hbm>> -> memref<6272x16xf32, #tpu.memory_space<hbm>>
      %dma_wait3A_400 = arith.constant 0 : i32
      %dma_wait3A_401 = tpu.memref_slice %arg12[%mul3A_389, %dma_wait3A_400] : memref<100352x16xf32, #tpu.memory_space<vmem_shared>> -> memref<6272x16xf32, #tpu.memory_space<vmem_shared>>
      tpu.wait_dma2 semaphore(%run_scoped3A : memref<!tpu.dma_semaphore, #tpu.memory_space<semaphore_mem>>) src(%dma_wait3A_401 : memref<6272x16xf32, #tpu.memory_space<vmem_shared>>) dst(%dma_wait3A_399 : memref<6272x16xf32, #tpu.memory_space<hbm>>)
      tpu.yield
    }) : () -> ()
    return
  }
}

</mosaic_0001>

<sc_bundles>
// kernel: gin_message_passing.3.cloned.1.call-start
scs
__scs_entry_jumppad:
0x0: {  	(pc) =	sbr.rel $0x88, $3  }
0x1: {  	(tag) =	ssettag $0x0;
	lr =	simm.s32 $0x1  }
0x2: {  	[smem:$0x3F9C] =	sst lr;
	_ =	strace $0xD0000000  }
0x3: {  	_ = 	snop  }
0x4: {  	_ = 	snop  }
0x5: {  	_ = 	snop  }
0x6: {  	_ = 	snop  }
0x7: {  	_ = 	snop  }
__scs_overlays_trampoline_lowered:
0x8: {  	[smem:$0x3FAB] =	sst s0  }
0x9: {  	[smem:$0x3FAC] =	sst s1  }
0xa: {  	[smem:$0x3FAD] =	sst s2  }
0xb: {  	[smem:$0x3FAE] =	sst s3  }
0xc: {  	[smem:$0x3FAF] =	sst s4  }
0xd: {  	[smem:$0x3FB0] =	sst s5  }
0xe: {  	[smem:$0x3FB1] =	sst s6  }
0xf: {  	[smem:$0x3FB2] =	sst s7  }
0x10: {  	[smem:$0x3FB3] =	sst s8  }
0x11: {  	[smem:$0x3FB4] =	sst s9;
	s0 =	simm.s32 @!p0 $0x0  }
0x12: {  	s1 =	sld [smem:$0x3F9A];
	s0 =	simm.s32 @p0 $0x1  }
0x13: {  	[smem:$0x3FB5] =	sst s0;
	s0 =	simm.s32 @!p1 $0x0  }
0x14: {  	s2 =	sld [smem:$0x3F99];
	s0 =	simm.s32 @p1 $0x1  }
0x15: {  	[smem:$0x3FB6] =	sst s0;
	s0 =	simm.s32 @!p2 $0x0  }
0x16: {  	s3 =	sld [smem:$0x3FDB];
	s0 =	simm.s32 @p2 $0x1  }
0x17: {  	s4 =	simm.s32 $0x1BF5;
	[smem:$0x3FB8] =	sst s0  }
0x18: {  	s0 =	sld [smem:$0x3F9B];
	_ =	swait.ge [sflag:s4], $0x0  }
0x19: {  	s7 =	sld [smem:$0x3F9C]  }
0x1a: {  	s8 =	sadd.s32 $0xFFFFE003, lr  }
0x1b: {  	s9 =	sadd.s32 $0xFFFFFEF7, lr;
	s5 =	simm.s32 $0xFFFFFFFF;
	p2 =	slt.u32 s8, $0xFFFFF086  }
0x1c: {  	p1 =	slt.u32 s9, $0xF7A;
	s5 =	simm.s32 @!p2 $0x0  }
0x1d: {  	s5 =	simm.s32 @p1 $0x1;
	p0 =	seq.s32 s7, s2  }
0x1e: {  	s7 =	smul.u32 @!p0 $0xF7A, s2;
	p2 =	seq.s32 @!p0 s5, $0x0  }
0x1f: {  	s9 =	smul.u32 $0xF7A, s1;
	s8 =	simm.s32 @!p0 $0x1BF5;
	p2 =	por !p2, p0  }
0x20: {  	[sflag:s8] =	ssyncset.s32 @!p0 $0xFFFFF086;
	s6 =	sadd.s32 @!p0 s3, s7;
	s7 =	simm.s32 @!p0 $0x108  }
0x21: {  	s3 =	sadd.s32 s3, s9;
	s6 =	sadd.s32 @!p0 $0x88, s6;
	s7 =	simm.s32 @p2 $0x1082  }
0x22: {  	[simem:s7], [sflag:s8] =	dma.local @!p0 [hbm:s6], $0xF7A  }
0x23: {  	s9 =	sor.u32 $0xD0000000, s2;
	s6 =	simm.s32 $0x108;
	_ =	swait.ge @!p0 [sflag:s8], $0x0  }
0x24: {  	s3 =	sadd.s32 $0x88, s3;
	s6 =	simm.s32 @!p1 $0x1082;
	[sflag:s4] =	ssyncset.s32 $0xFFFFF086  }
0x25: {  	[simem:s6], [sflag:s4] =	dma.local [hbm:s3], $0xF7A  }
0x26: {  	[smem:$0x3F9C] =	sst s1;
	(tag) =	ssettag s2;
	_ =	strace s9  }
0x27: {  	s1 =	sld [smem:$0x3FAC]  }
0x28: {  	s2 =	sld [smem:$0x3FAD]  }
0x29: {  	s4 =	sld [smem:$0x3FAF]  }
0x2a: {  	p0 =	seq.s32 s5, $0x0;
	s5 =	sld [smem:$0x3FB0]  }
0x2b: {  	s6 =	sld [smem:$0x3FB1]  }
0x2c: {  	s7 =	sld [smem:$0x3FB2]  }
0x2d: {  	s3 =	simm.s32 $0x108;
	s8 =	sld [smem:$0x3FB3]  }
0x2e: {  	s3 =	simm.s32 @!p0 $0x1082;
	s9 =	sld [smem:$0x3FB4]  }
0x2f: {  	lr =	sadd.s32 s0, s3;
	s0 =	sld [smem:$0x3FAB]  }
0x30: {  	s3 =	sld [smem:$0x3FAE]  }
0x31: {  	[smem:$0x3FB7] =	sst s10  }
0x32: {  	s10 =	sld [smem:$0x3FB5];
	_ =	sdelay $0x3  }
0x33: {  	p0 =	seq.s32 s10, $0x1;
	s10 =	sld [smem:$0x3FB7];
	_ =	sdelay $0x3  }
0x34: {  	[smem:$0x3FB7] =	sst s10  }
0x35: {  	s10 =	sld [smem:$0x3FB6];
	_ =	sdelay $0x3  }
0x36: {  	p1 =	seq.s32 s10, $0x1;
	s10 =	sld [smem:$0x3FB7];
	_ =	sdelay $0x3  }
0x37: {  	[smem:$0x3FB7] =	sst s10  }
0x38: {  	s10 =	sld [smem:$0x3FB8]  }
0x39: {  	_ = 	snop;
	(pc) =	sbr.ind lr, $3  }
0x3a: {  	_ = 	snop  }
0x3b: {  	_ = 	snop  }
0x3c: {  	p2 =	seq.s32 s10, $0x1;
	s10 =	sld [smem:$0x3FB7]  }
0x3d: {  	_ =	shalt  }
0x3e: {  	_ =	shalt  }
0x3f: {  	_ =	shalt  }
0x40: {  	_ =	shalt  }
0x41: {  	_ =	shalt  }
0x42: {  	_ =	shalt  }
0x43: {  	_ =	shalt  }
0x44: {  	_ =	shalt  }
0x45: {  	_ =	shalt  }
0x46: {  	_ =	shalt  }
0x47: {  	_ =	shalt  }
0x48: {  	_ =	shalt  }
0x49: {  	_ =	shalt  }
0x4a: {  	_ =	shalt  }
0x4b: {  	_ =	shalt  }
0x4c: {  	_ =	shalt  }
0x4d: {  	_ =	shalt  }
0x4e: {  	_ =	shalt  }
0x4f: {  	_ =	shalt  }
0x50: {  	_ =	shalt  }
0x51: {  	_ =	shalt  }
0x52: {  	_ =	shalt  }
0x53: {  	_ =	shalt  }
0x54: {  	_ =	shalt  }
0x55: {  	_ =	shalt  }
0x56: {  	_ =	shalt  }
0x57: {  	_ =	shalt  }
0x58: {  	_ =	shalt  }
0x59: {  	_ =	shalt  }
0x5a: {  	_ =	shalt  }
0x5b: {  	_ =	shalt  }
0x5c: {  	_ =	shalt  }
0x5d: {  	_ =	shalt  }
0x5e: {  	_ =	shalt  }
0x5f: {  	_ =	shalt  }
0x60: {  	_ =	shalt  }
0x61: {  	_ =	shalt  }
0x62: {  	_ =	shalt  }
0x63: {  	_ =	shalt  }
0x64: {  	_ =	shalt  }
0x65: {  	_ =	shalt  }
0x66: {  	_ =	shalt  }
0x67: {  	_ =	shalt  }
0x68: {  	_ =	shalt  }
0x69: {  	_ =	shalt  }
0x6a: {  	_ =	shalt  }
0x6b: {  	_ =	shalt  }
0x6c: {  	_ =	shalt  }
0x6d: {  	_ =	shalt  }
0x6e: {  	_ =	shalt  }
0x6f: {  	_ =	shalt  }
0x70: {  	_ =	shalt  }
0x71: {  	_ =	shalt  }
0x72: {  	_ =	shalt  }
0x73: {  	_ =	shalt  }
0x74: {  	_ =	shalt  }
0x75: {  	_ =	shalt  }
0x76: {  	_ =	shalt  }
0x77: {  	_ =	shalt  }
0x78: {  	_ =	shalt  }
0x79: {  	_ =	shalt  }
0x7a: {  	_ =	shalt  }
0x7b: {  	_ =	shalt  }
0x7c: {  	_ =	shalt  }
0x7d: {  	_ =	shalt  }
0x7e: {  	_ =	shalt  }
0x7f: {  	_ =	shalt  }
0x80: {  	_ =	shalt  }
0x81: {  	_ =	shalt  }
0x82: {  	_ =	shalt  }
0x83: {  	_ =	shalt  }
0x84: {  	_ =	shalt  }
0x85: {  	_ =	shalt  }
0x86: {  	_ =	shalt  }
0x87: {  	_ =	shalt  }
.Lfunc_end0:
.L_simem_size_0:
called_computation_lowered:
.L_overlay_start_0:
0x88: {  	s2 =	sld [smem:$0x3FD9]  }
0x89: {  	s3 =	sld [smem:$0x3FFE];
	_ =	sdelay $0x1  }
0x8a: {  	s1 =	srdreg.scid  }
0x8b: {  	s0 =	sand.u32 $0x1, s1  }
0x8c: {  	s17 =	sshll.u32 s0, $0xA;
	s2 =	sadd.s32 s3, s2  }
0x8d: {  	s2 =	sadd.s32 s2, s17  }
0x8e: {  	[smem:$0x3FC3] =	sst s2  }
0x8f: {  	_ = 	snop  }
0x90: {  	s2 =	sld [smem:$0x3FC8]  }
0x91: {  	s18 =	sld [smem:$0x3FC7]  }
0x92: {  	s4 =	sld [smem:$0x3FC6]  }
0x93: {  	s5 =	sld [smem:$0x3FD0];
	(tm) =	ssettm $0x1  }
0x94: {  	s6 =	sld [smem:$0x3FFB];
	_ =	sdelay $0x3  }
0x95: {  	_ =	strace s6  }
0x96: {  	s6 =	sld [smem:$0x3FFC];
	_ =	sdelay $0x3  }
0x97: {  	_ =	strace s6  }
0x98: {  	s6 =	sld [smem:$0x3FFD];
	_ =	sdelay $0x3  }
0x99: {  	_ =	strace s6  }
0x9a: {  	_ =	strace $0x8FFFFFFF  }
0x9b: {  	s19 =	sld [smem:$0x3FDB];
	_ =	sdelay $0x1  }
0x9c: {  	s7 =	simm.s32 $_scs_section_size  }
0x9d: {  	s8 =	simm.s32 $_size__tile_overlayer_lowered;
	s9 =	simm.s32 $_tile_overlayer_lowered  }
0x9e: {  	s22 =	simm.s32 $0x1BFF;
	s21 =	sshll.u32 s9, $0x1;
	s6 =	sadd.s32 s7, s19  }
0x9f: {  	s10 =	simm.s32 $0x0;
	s20 =	sshll.u32 s8, $0x1;
	s8 =	sadd.s32 s21, s6  }
0xa0: {  	[timem:s10], [sflag:s22] =	dma.local [hbm:s8], s20  }
0xa1: {  	_ =	swait.ge [sflag:s22], s20  }
0xa2: {  	s7 =	ssub.s32 $0x0, s20;
	[sflag:s22] =	ssyncset.done $0x0  }
0xa3: {  	[sflag:s22] =	ssyncadd.s32 s7;
	_ =	sdelay $0x1  }
0xa4: {  	s23 =	simm.s32 $0x1B8B  }
0xa5: {  	_ =	swait.ge [sflag:s23], $0x1  }
0xa6: {  	[sflag:s23] =	ssyncset.done $0x0  }
0xa7: {  	s25 =	simm.s32 $0x1B8E;
	s24 =	sld [smem:$0x3FFE];
	[sflag:s23] =	ssyncadd.s32 $0xFFFFFFFF  }
0xa8: {  	s26 =	simm.s32 $execute0_lowered;
	[smem:$0x3FD2] =	sst s25  }
0xa9: {  	s8 =	sshll.u32 s26, $0x1;
	_ =	strace $0x80000046;
	[dreg:$0x1] =	wrdreg $0xFFFFFFFF  }
0xaa: {  	s28 =	simm.s32 $_size_execute0_lowered;
	s6 =	sadd.s32 s6, s8;
	[dreg:$0x0] =	wrdreg $0x0  }
0xab: {  	s8 =	sshll.u32 s28, $0x1;
	[dreg:$0x2] =	wrdreg s6  }
0xac: {  	[dreg:$0x3] =	wrdreg s8  }
0xad: {  	[dreg:$0x4] =	wrdreg $0xC0  }
0xae: {  	_ =	task [dreg:s10], $0x5FFFF  }
0xaf: {  	[dreg:$0x1] =	wrdreg $0xFFFFFFFF  }
0xb0: {  	[dreg:$0x0] =	wrdreg $0x60  }
0xb1: {  	[dreg:$0x2] =	wrdreg s24  }
0xb2: {  	[dreg:$0x3] =	wrdreg s2  }
0xb3: {  	[dreg:$0x4] =	wrdreg s18  }
0xb4: {  	[dreg:$0x5] =	wrdreg s4  }
0xb5: {  	[dreg:$0x6] =	wrdreg s5  }
0xb6: {  	[dreg:$0x7] =	wrdreg $0x68000  }
0xb7: {  	[dreg:$0x8] =	wrdreg $0x9  }
0xb8: {  	_ =	task.clear_ibuf [dreg:s10], $0x9FFFF;
	_ =	strace $0x90000046  }
0xb9: {  	s29 =	simm.s32 $0x9;
	_ =	strace $0x80000048  }
0xba: {  	_ =	swait.ge [sflag:s29], $0x1  }
0xbb: {  	[sflag:s29] =	ssyncadd.s32 $0xFFFFFFFF  }
0xbc: {  	_ =	strace $0x90000048  }
0xbd: {  	_ =	sfence  }
0xbe: {  	s30 =	sld [smem:$0x0];
	_ =	sdelay $0x2  }
0xbf: {  	s31 =	sshll.u32 s1, $0xD;
	s1 =	sshrl.u32 s1, $0x2  }
0xc0: {  	s3 =	sand.u32 $0x4000, s31;
	s1 =	sadd.s32 s1, s30  }
0xc1: {  	s0 =	sor.u32 s3, s0;
	s1 =	sshll.u32 s1, $0x11  }
0xc2: {  	s0 =	sor.u32 s1, s0  }
0xc3: {  	s0 =	sadd.s32 $0x8F2B, s0  }
0xc4: {  	[sflag:s0] =	ssyncadd.remote.s32 $0x1  }
0xc5: {  	_ =	sfence.sel $0xFFFF  }
0xc6: {  	[dreg:$0x0] =	wrdreg $0xFFFFFFFF;
	(pc) =	sbr.abs _section_cstart, $3  }
0xc7: {  	[dreg:$0x1] =	wrdreg $0xFFFFFFFF  }
0xc8: {  	_ =	task.clear_ibuf [dreg:s10], $0x2FFFF;
	_ =	strace $0x9FFFFFFF  }
0xc9: {  	(tm) =	ssettm $0x7FFFFFFF  }
tec
execute0_lowered:
.L_overlay_start_1:
0x0: {  	(tag) =	ssettag $0x1  }
0x1: {  	s0 =	rddreg [dreg:$0x0]  }
0x2: {  	s1 =	rddreg [dreg:$0x1]  }
0x3: {  	s2 =	rddreg [dreg:$0x2]  }
0x4: {  	s3 =	rddreg [dreg:$0x3]  }
0x5: {  	s6 =	rddreg [dreg:$0x4]  }
0x6: {  	s4 =	rddreg [dreg:$0x5]  }
0x7: {  	s5 =	simm.s32 $0x0;
	s8 =	srdreg.scid;
	s12 =	stileid.u32  }
0x8: {  	s30 =	simm.s32 $0xB;
	s31 =	simm.s32 $0x5;
	s28 =	simm.s32 $0x8  }
0x9: {  	s29 =	simm.s32 $0x14;
	[smem:$0x7FF] =	sst s5;
	s7 =	sadd.s32 $0x18A000, s0  }
0xa: {  	s8 =	sand.u32 $0x1, s8;
	s0 =	sadd.s32 $0x400, s0;
	s10 =	smul.u32 $0x18800, s12  }
0xb: {  	_ =	strace $0x80000047;
	[dreg:$0x7] =	wrdreg s0;
	s19 =	sshll.u32 s8, $0x4  }
0xc: {  	s9 =	ssub.s32 $0x2, s8;
	s8 =	smul.u32 $0x188000, s8;
	s0 =	sor.u32 s12, s19  }
0xd: {  	s11 =	sshrl.u32 s9, $0x1;
	s12 =	sshll.u32 s12, $0x6;
	s20 =	sadd.s32 s10, s4  }
0xe: {  	s14 =	smul.u32 $0xC400, s0;
	s9 =	ssub.s32 s9, s11;
	[dreg:$0x9] =	wrdreg s20  }
0xf: {  	s17 =	sor.u32 $0x1C15, s12;
	s0 =	smul.u32 $0x18800, s0;
	s8 =	sadd.s32 s10, s8  }
0x10: {  	s8 =	sshrl.u32 s8, $0x3;
	[dreg:$0xa] =	wrdreg s17;
	s21 =	sshrl.u32 s14, $0x3  }
0x11: {  	s22 =	sor.u32 $0x80, s14;
	s0 =	sadd.s32 s1, s0;
	[dreg:$0x8] =	wrdreg s14  }
0x12: {  	s25 =	sor.u32 $0x100, s14;
	s6 =	sadd.s32 s6, s8;
	[dreg:$0xd] =	wrdreg s0  }
0x13: {  	s13 =	sadd.s32 s2, s21;
	s11 =	sadd.s32 s3, s21;
	[dreg:$0x14] =	wrdreg s6  }
0x14: {  	s23 =	sshrl.u32 s22, $0x3;
	s12 =	sshll.u32 s22, $0x1;
	[dreg:$0xb] =	wrdreg s13  }
0x15: {  	s26 =	sshrl.u32 s25, $0x3;
	s22 =	smax.u32 s9, $0x1;
	[dreg:$0xc] =	wrdreg s11  }
0x16: {  	s0 =	sshll.u32 s25, $0x1;
	s25 =	sadd.s32 $0x500, s14;
	[dreg:$0x18] =	wrdreg s22  }
0x17: {  	s18 =	sor.u32 $0x180, s14;
	s24 =	sadd.s32 s2, s23;
	[dreg:$0x1b] =	wrdreg s25  }
0x18: {  	s8 =	simm.s32 $0xE;
	s11 =	sadd.s32 s3, s23;
	[dreg:$0xe] =	wrdreg s24  }
0x19: {  	s19 =	sshrl.u32 s18, $0x3;
	s12 =	sadd.s32 s1, s12;
	[dreg:$0xf] =	wrdreg s11  }
0x1a: {  	s6 =	simm.s32 $0xA;
	s15 =	sadd.s32 s2, s26;
	[dreg:$0x10] =	wrdreg s12  }
0x1b: {  	s9 =	simm.s32 $0xF;
	s16 =	sadd.s32 s3, s26;
	[dreg:$0x11] =	wrdreg s15  }
0x1c: {  	s0 =	sadd.s32 s1, s0;
	s20 =	sadd.s32 s2, s19;
	[dreg:$0x12] =	wrdreg s16  }
0x1d: {  	s21 =	sadd.s32 s3, s19;
	s23 =	sadd.s32 $0x400, s14;
	[dreg:$0x13] =	wrdreg s0  }
0x1e: {  	s26 =	sadd.s32 $0x580, s14;
	s13 =	simm.s32 $0x15;
	[dreg:$0x15] =	wrdreg s20  }
0x1f: {  	s19 =	simm.s32 $0x1;
	s22 =	simm.s32 $0xD;
	[dreg:$0x16] =	wrdreg s21  }
0x20: {  	s0 =	sshll.u32 s18, $0x1;
	[dreg:$0x19] =	wrdreg s23;
	s24 =	sadd.s32 $0x480, s14  }
.Ltmp0:
0x21: {  	[dreg:$0x1c] =	wrdreg s26;
	s21 =	simm.s32 $0x9;
	(pc) =	sbr.rel .LBB2_1-.Ltmp0, $4  }
0x22: {  	s11 =	simm.s32 $0x2;
	s14 =	simm.s32 $0x3;
	s16 =	simm.s32 $0x4  }
0x23: {  	s18 =	simm.s32 $0xC;
	s20 =	simm.s32 $0x10;
	s12 =	simm.s32 $0x6  }
0x24: {  	s15 =	simm.s32 $0x7;
	s0 =	sadd.s32 s1, s0;
	[dreg:$0x1a] =	wrdreg s24  }
0x25: {  	s23 =	simm.s32 $0x0;
	[dreg:$0x17] =	wrdreg s0;
	s0 =	simm.s32 $0x80  }
.LBB2_20:
0x26: {  	s10 =	simm.s32 $0x11  }
0x27: {  	_ =	swait.ge [sflag:s10], $0x800  }
0x28: {  	[sflag:s10] =	ssyncset.done $0x0  }
0x29: {  	s23 =	simm.s32 $0x12;
	[sflag:s10] =	ssyncadd.s32 $0xFFFFF800  }
0x2a: {  	_ =	swait.ge [sflag:s23], $0x800  }
0x2b: {  	[sflag:s23] =	ssyncset.done $0x0  }
0x2c: {  	s24 =	simm.s32 $0x13;
	[sflag:s23] =	ssyncadd.s32 $0xFFFFF800  }
0x2d: {  	_ =	swait.ge [sflag:s24], $0x800  }
0x2e: {  	[sflag:s24] =	ssyncset.done $0x0  }
0x2f: {  	[sflag:s24] =	ssyncadd.s32 $0xFFFFF800  }
0x30: {  	_ =	swait.ge [sflag:s29], $0x800  }
0x31: {  	[sflag:s29] =	ssyncset.done $0x0  }
0x32: {  	[sflag:s29] =	ssyncadd.s32 $0xFFFFF800  }
0x33: {  	[bflag:$0x0] =	sbarrier.arrive $0xFFFF  }
0x34: {  	s17 =	rddreg [dreg:$0xa]  }
0x35: {  	s25 =	rddreg [dreg:$0x14]  }
0x36: {  	s13 =	rddreg [dreg:$0x1e]  }
0x37: {  	[hbm:s25], [sflag:s17] =	dma.local [spmem:s13], $0x3100  }
0x38: {  	s13 =	simm.s32 $0x15  }
0x39: {  	_ =	swait.ge [sflag:s13], $0x3100  }
0x3a: {  	s23 =	rddreg [dreg:$0x1d]  }
0x3b: {  	s26 =	rddreg [dreg:$0x18];
	s23 =	sadd.s32 $0x1, s23  }
0x3c: {  	p0 =	sne.s32 s23, s26  }
.Ltmp1:
0x3d: {  	_ = 	snop;
	(pc) =	sbr.rel @!p0 .LBB2_21-.Ltmp1, $3  }
0x3e: {  	_ =	sdelay $0x1  }
0x3f: {  	[sflag:s13] =	ssyncset.done $0x0  }
0x40: {  	[sflag:s13] =	ssyncadd.s32 $0xFFFFCF00  }
.LBB2_1:
0x41: {  	[dreg:$0x1d] =	wrdreg s23  }
0x42: {  	s10 =	rddreg [dreg:$0x9]  }
0x43: {  	s26 =	rddreg [dreg:$0x7];
	s25 =	sshrl.u32 s10, $0x3  }
0x44: {  	[dreg:$0x1e] =	wrdreg s25  }
0x45: {  	[spmem:s25], [sflag:s17] =	dma.local [hbm:s26], $0x3100  }
0x46: {  	_ =	swait.ge [sflag:s13], $0x3100  }
0x47: {  	[sflag:s13] =	ssyncset.done $0x0  }
0x48: {  	[sflag:s13] =	ssyncadd.s32 $0xFFFFCF00  }
0x49: {  	[bflag:$0x0] =	sbarrier.arrive $0xFFFF  }
0x4a: {  	s13 =	rddreg [dreg:$0xb]  }
0x4b: {  	[tilespmem:s5], [sflag:$0x1] =	stream.linear.gather [hbm4b:s13+s5], $0x80, $0x38;
	[tilespmem:$0x1F000] =	vst v63  }
0x4c: {  	s17 =	rddreg [dreg:$0xc]  }
0x4d: {  	[tilespmem:s0], [sflag:$0x1] =	stream.linear.gather [hbm4b:s17+s5], $0x80, $0x38;
	[tilespmem:$0x1F000] =	vst v63  }
0x4e: {  	s24 =	simm.s32 $0x2800;
	s23 =	rddreg [dreg:$0xd]  }
0x4f: {  	[tilespmem:s24], [sflag:$0xD] =	stream.linear.gather [hbm4b:s23+s5], $0x800, $0x38;
	[tilespmem:$0x1F000] =	vst v63  }
0x50: {  	s26 =	simm.s32 $0x100;
	s25 =	rddreg [dreg:$0xe]  }
0x51: {  	[tilespmem:s26], [sflag:$0x2] =	stream.linear.gather [hbm4b:s25+s5], $0x80, $0x38;
	[tilespmem:$0x1F000] =	vst v63  }
0x52: {  	s13 =	rddreg [dreg:$0xf];
	s17 =	simm.s32 $0x180  }
0x53: {  	[tilespmem:s17], [sflag:$0x2] =	stream.linear.gather [hbm4b:s13+s5], $0x80, $0x38;
	[tilespmem:$0x1F000] =	vst v63  }
0x54: {  	s23 =	rddreg [dreg:$0x10];
	s24 =	simm.s32 $0x3000  }
0x55: {  	[tilespmem:s24], [sflag:$0xE] =	stream.linear.gather [hbm4b:s23+s5], $0x800, $0x38;
	[tilespmem:$0x1F000] =	vst v63  }
0x56: {  	s25 =	rddreg [dreg:$0x11];
	s26 =	simm.s32 $0x200  }
0x57: {  	[tilespmem:s26], [sflag:$0x3] =	stream.linear.gather [hbm4b:s25+s5], $0x80, $0x38;
	[tilespmem:$0x1F000] =	vst v63  }
0x58: {  	s13 =	rddreg [dreg:$0x12];
	s17 =	simm.s32 $0x280  }
0x59: {  	[tilespmem:s17], [sflag:$0x3] =	stream.linear.gather [hbm4b:s13+s5], $0x80, $0x38;
	[tilespmem:$0x1F000] =	vst v63  }
0x5a: {  	s23 =	rddreg [dreg:$0x13];
	s24 =	simm.s32 $0x3800  }
0x5b: {  	[tilespmem:s24], [sflag:$0xF] =	stream.linear.gather [hbm4b:s23+s5], $0x800, $0x38;
	[tilespmem:$0x1F000] =	vst v63  }
0x5c: {  	s25 =	rddreg [dreg:$0x15];
	s26 =	simm.s32 $0x300  }
0x5d: {  	[tilespmem:s26], [sflag:$0x4] =	stream.linear.gather [hbm4b:s25+s5], $0x80, $0x38;
	[tilespmem:$0x1F000] =	vst v63  }
0x5e: {  	s17 =	rddreg [dreg:$0x16];
	s23 =	simm.s32 $0x380  }
0x5f: {  	[tilespmem:s23], [sflag:$0x4] =	stream.linear.gather [hbm4b:s17+s5], $0x80, $0x38;
	[tilespmem:$0x1F000] =	vst v63  }
0x60: {  	s24 =	rddreg [dreg:$0x17];
	s25 =	simm.s32 $0x4000  }
0x61: {  	[tilespmem:s25], [sflag:$0x10] =	stream.linear.gather [hbm4b:s24+s5], $0x800, $0x38;
	[tilespmem:$0x1F000] =	vst v63  }
0x62: {  	_ =	swait.ge [sflag:s19], $0x80  }
0x63: {  	[sflag:s19] =	ssyncset.done $0x0  }
0x64: {  	[sflag:s19] =	ssyncadd.s32 $0xFFFFFF80  }
0x65: {  	_ =	swait.ge [sflag:s19], $0x80  }
0x66: {  	[sflag:s19] =	ssyncset.done $0x0  }
0x67: {  	s26 =	simm.s32 $0x800;
	s17 =	simm.s32 $0x0;
	[sflag:s19] =	ssyncadd.s32 $0xFFFFFF80  }
0x68: {  	[tilespmem:s26], [sflag:$0x9] =	stream.indirect.gather [hbm4b:s7+s0], $0x10, s5, s0, $0xb8;
	[tilespmem:$0x1F000] =	vst v63  }
.LBB2_2:
0x69: {  	p0 =	seq.s32 s17, $0x0  }
0x6a: {  	s10 =	simm.s32 @!p0 $0x11  }
0x6b: {  	_ =	swait.ge @!p0 [sflag:s10], $0x800  }
0x6c: {  	[sflag:s10] =	ssyncset.done @!p0 $0x0  }
0x6d: {  	[sflag:s10] =	ssyncadd.s32 @!p0 $0xFFFFF800  }
0x6e: {  	_ =	swait.ge [sflag:s21], $0x800  }
0x6f: {  	[sflag:s21] =	ssyncset.done $0x0  }
0x70: {  	[sflag:s21] =	ssyncadd.s32 $0xFFFFF800  }
0x71: {  	_ =	swait.ge [sflag:s22], $0x800  }
0x72: {  	[sflag:s22] =	ssyncset.done $0x0  }
0x73: {  	s13 =	simm.s32 $0x2840;
	[sflag:s22] =	ssyncadd.s32 $0xFFFFF800  }
0x74: {  	s24 =	simm.s32 $0x840;
	v1 =	vld [tilespmem:s13+$0x30]  }
0x75: {  	v2 =	vld [tilespmem:s24+$0x30]  }
0x76: {  	v0 =	vld [tilespmem:s24+$0xFFFFFFC0]  }
0x77: {  	v3 =	vld [tilespmem:s13+$0xFFFFFFD0]  }
0x78: {  	v4 =	vld [tilespmem:s24+$0xFFFFFFD0]  }
0x79: {  	v5 =	vld [tilespmem:s13+$0xFFFFFFE0]  }
0x7a: {  	v6 =	vld [tilespmem:s24+$0xFFFFFFE0]  }
0x7b: {  	v7 =	vld [tilespmem:s13+$0xFFFFFFF0]  }
0x7c: {  	v8 =	vld [tilespmem:s24+$0xFFFFFFF0]  }
0x7d: {  	v9 =	vld [tilespmem:s13+$0x0]  }
0x7e: {  	v10 =	vld [tilespmem:s24+$0x0];
	v2 =	vadd.f32 v2, v1  }
0x7f: {  	v4 =	vadd.f32 v4, v3;
	v1 =	vld [tilespmem:s13+$0x10]  }
0x80: {  	s25 =	simm.s32 $0x4840;
	v5 =	vadd.f32 v6, v5;
	v3 =	vld [tilespmem:s24+$0x10];
	v2 =	vmax.f32 v2, $0.0e+00  }
0x81: {  	v6 =	vadd.f32 v8, v7;
	v4 =	vmax.f32 v4, $0.0e+00;
	[tilespmem:s25+$0x30] =	vst v2;
	v2 =	vld [tilespmem:s13+$0x20]  }
0x82: {  	v5 =	vmax.f32 v5, $0.0e+00;
	[tilespmem:s25+$0xFFFFFFD0] =	vst v4;
	v4 =	vld [tilespmem:s24+$0x20]  }
0x83: {  	s23 =	sshll.u32 s17, $0xA;
	s10 =	simm.s32 $0x0;
	v7 =	vmax.f32 v6, $0.0e+00;
	v6 =	vadd.f32 v10, v9;
	[tilespmem:s25+$0xFFFFFFE0] =	vst v5;
	v5 =	vld [tilespmem:s13+$0xFFFFFFC0];
	s13 =	simm.s32 $0x28C0  }
.LBB2_3:
0x84: {  	v8 =	vld [tilespmem:s13+$0x30];
	[tilespmem:s25+$0xFFFFFFF0] =	vst v7;
	s24 =	sadd.s32 $0x80, s24  }
0x85: {  	s10 =	sadd.s32 $0x8, s10;
	v7 =	vld [tilespmem:s24+$0x30];
	v6 =	vmax.f32 v6, $0.0e+00;
	v1 =	vadd.f32 v3, v1  }
0x86: {  	p1 =	slt.u32 s10, $0x78;
	v3 =	vld [tilespmem:s24+$0xFFFFFFC0];
	[tilespmem:s25+$0x0] =	vst v6  }
0x87: {  	v6 =	vld [tilespmem:s13+$0xFFFFFFD0];
	v1 =	vmax.f32 v1, $0.0e+00;
	v2 =	vadd.f32 v4, v2  }
0x88: {  	v4 =	vld [tilespmem:s24+$0xFFFFFFD0];
	v9 =	vadd.f32 v0, v5;
	[tilespmem:s25+$0x10] =	vst v1  }
0x89: {  	v1 =	vld [tilespmem:s13+$0xFFFFFFE0];
	v2 =	vmax.f32 v2, $0.0e+00  }
0x8a: {  	v5 =	vld [tilespmem:s24+$0xFFFFFFE0];
	v7 =	vadd.f32 v7, v8;
	v8 =	vmax.f32 v9, $0.0e+00;
	[tilespmem:s25+$0x20] =	vst v2  }
0x8b: {  	v2 =	vld [tilespmem:s13+$0xFFFFFFF0];
	[tilespmem:s25+$0xFFFFFFC0] =	vst v8;
	v0 =	vmov v3  }
0x8c: {  	s25 =	sadd.s32 $0x80, s25;
	v8 =	vld [tilespmem:s24+$0xFFFFFFF0];
	v3 =	vmax.f32 v7, $0.0e+00  }
0x8d: {  	v4 =	vadd.f32 v4, v6;
	v6 =	vld [tilespmem:s13+$0x0];
	[tilespmem:s25+$0x30] =	vst v3  }
0x8e: {  	v9 =	vld [tilespmem:s24+$0x0]  }
.Ltmp2:
0x8f: {  	v3 =	vmax.f32 v4, $0.0e+00;
	v4 =	vadd.f32 v5, v1;
	v1 =	vld [tilespmem:s13+$0x10];
	(pc) =	sbr.rel @p1 .LBB2_3-.Ltmp2, $4  }
0x90: {  	[tilespmem:s25+$0xFFFFFFD0] =	vst v3;
	v3 =	vld [tilespmem:s24+$0x10]  }
0x91: {  	v4 =	vmax.f32 v4, $0.0e+00;
	v7 =	vadd.f32 v8, v2;
	v2 =	vld [tilespmem:s13+$0x20]  }
0x92: {  	[tilespmem:s25+$0xFFFFFFE0] =	vst v4;
	v4 =	vld [tilespmem:s24+$0x20]  }
0x93: {  	v5 =	vld [tilespmem:s13+$0xFFFFFFC0];
	v7 =	vmax.f32 v7, $0.0e+00;
	v6 =	vadd.f32 v9, v6;
	s13 =	sadd.s32 $0x80, s13  }
0x94: {  	_ =	sdelay $0x1  }
0x95: {  	v1 =	vadd.f32 v3, v1  }
0x96: {  	[tilespmem:s25+$0xFFFFFFF0] =	vst v7;
	v3 =	vmax.f32 v6, $0.0e+00;
	v2 =	vadd.f32 v4, v2  }
0x97: {  	[tilespmem:s25+$0x0] =	vst v3;
	v1 =	vmax.f32 v1, $0.0e+00;
	v0 =	vadd.f32 v0, v5  }
0x98: {  	[tilespmem:s25+$0x10] =	vst v1;
	v1 =	vmax.f32 v2, $0.0e+00  }
0x99: {  	v0 =	vmax.f32 v0, $0.0e+00;
	[tilespmem:s25+$0x20] =	vst v1  }
0x9a: {  	s10 =	simm.s32 $0x4800;
	[tilespmem:s25+$0xFFFFFFC0] =	vst v0  }
0x9b: {  	[spmem:s4] =	stream.indirect.scatter.add.f32 [tilespmem:s10], [sflag:$0x11], $0x10, s0, s0, $0xb8;
	[tilespmem:$0x1F000] =	vst v63  }
0x9c: {  	s25 =	rddreg [dreg:$0x8]  }
0x9d: {  	s24 =	sadd.s32 s23, s25  }
0x9e: {  	s10 =	sadd.s32 $0x200, s24  }
0x9f: {  	s13 =	sshrl.u32 s10, $0x3  }
0xa0: {  	s26 =	simm.s32 $0x400;
	s10 =	sshll.u32 s10, $0x1;
	s25 =	sadd.s32 s2, s13  }
0xa1: {  	[tilespmem:s26], [sflag:$0x5] =	stream.linear.gather [hbm4b:s25+s5], $0x80, $0x38;
	[tilespmem:$0x1F000] =	vst v63  }
0xa2: {  	s13 =	sadd.s32 s3, s13;
	s10 =	sand.u32 $0x1FFFFC00, s10;
	s26 =	simm.s32 $0x480  }
0xa3: {  	[tilespmem:s26], [sflag:$0x5] =	stream.linear.gather [hbm4b:s13+s5], $0x80, $0x38;
	[tilespmem:$0x1F000] =	vst v63  }
0xa4: {  	s10 =	sadd.s32 s1, s10;
	s26 =	simm.s32 $0x2800  }
0xa5: {  	[tilespmem:s26], [sflag:$0xD] =	stream.linear.gather [hbm4b:s10+s5], $0x800, $0x38;
	[tilespmem:$0x1F000] =	vst v63  }
0xa6: {  	_ =	swait.ge [sflag:s11], $0x80  }
0xa7: {  	[sflag:s11] =	ssyncset.done $0x0  }
0xa8: {  	[sflag:s11] =	ssyncadd.s32 $0xFFFFFF80  }
0xa9: {  	_ =	swait.ge [sflag:s11], $0x80  }
0xaa: {  	s25 =	simm.s32 $0x100;
	[sflag:s11] =	ssyncset.done $0x0  }
0xab: {  	s26 =	simm.s32 $0x1000;
	s10 =	simm.s32 @!p0 $0x12;
	[sflag:s11] =	ssyncadd.s32 $0xFFFFFF80  }
0xac: {  	[tilespmem:s26], [sflag:$0xA] =	stream.indirect.gather [hbm4b:s7+s0], $0x10, s25, s0, $0xb8;
	[tilespmem:$0x1F000] =	vst v63  }
0xad: {  	_ =	swait.ge @!p0 [sflag:s10], $0x800  }
0xae: {  	[sflag:s10] =	ssyncset.done @!p0 $0x0  }
0xaf: {  	[sflag:s10] =	ssyncadd.s32 @!p0 $0xFFFFF800  }
0xb0: {  	_ =	swait.ge [sflag:s6], $0x800  }
0xb1: {  	[sflag:s6] =	ssyncset.done $0x0  }
0xb2: {  	[sflag:s6] =	ssyncadd.s32 $0xFFFFF800  }
0xb3: {  	_ =	swait.ge [sflag:s8], $0x800  }
0xb4: {  	[sflag:s8] =	ssyncset.done $0x0  }
0xb5: {  	s26 =	simm.s32 $0x3070;
	[sflag:s8] =	ssyncadd.s32 $0xFFFFF800  }
0xb6: {  	s25 =	simm.s32 $0x1070;
	v1 =	vld [tilespmem:s26+$0x0]  }
0xb7: {  	v2 =	vld [tilespmem:s25+$0x0]  }
0xb8: {  	v0 =	vld [tilespmem:s25+$0xFFFFFF90]  }
0xb9: {  	v3 =	vld [tilespmem:s26+$0xFFFFFFA0]  }
0xba: {  	v4 =	vld [tilespmem:s25+$0xFFFFFFA0]  }
0xbb: {  	v5 =	vld [tilespmem:s26+$0xFFFFFFB0]  }
0xbc: {  	v6 =	vld [tilespmem:s25+$0xFFFFFFB0]  }
0xbd: {  	v7 =	vld [tilespmem:s26+$0xFFFFFFC0]  }
0xbe: {  	v8 =	vld [tilespmem:s25+$0xFFFFFFC0]  }
0xbf: {  	v9 =	vld [tilespmem:s26+$0xFFFFFFD0]  }
0xc0: {  	v10 =	vld [tilespmem:s25+$0xFFFFFFD0];
	v2 =	vadd.f32 v2, v1  }
0xc1: {  	v4 =	vadd.f32 v4, v3;
	v1 =	vld [tilespmem:s26+$0xFFFFFFE0]  }
0xc2: {  	s10 =	simm.s32 $0x5070;
	v5 =	vadd.f32 v6, v5;
	v3 =	vld [tilespmem:s25+$0xFFFFFFE0];
	v2 =	vmax.f32 v2, $0.0e+00  }
0xc3: {  	v6 =	vadd.f32 v8, v7;
	v4 =	vmax.f32 v4, $0.0e+00;
	[tilespmem:s10+$0x0] =	vst v2;
	v2 =	vld [tilespmem:s26+$0xFFFFFFF0]  }
0xc4: {  	[tilespmem:s10+$0xFFFFFFA0] =	vst v4;
	v4 =	vmax.f32 v5, $0.0e+00;
	v5 =	vld [tilespmem:s25+$0xFFFFFFF0]  }
0xc5: {  	s13 =	simm.s32 $0x0;
	v7 =	vmax.f32 v6, $0.0e+00;
	v6 =	vadd.f32 v10, v9;
	[tilespmem:s10+$0xFFFFFFB0] =	vst v4;
	v4 =	vld [tilespmem:s26+$0xFFFFFF90];
	s26 =	simm.s32 $0x30F0  }
.LBB2_5:
0xc6: {  	v8 =	vld [tilespmem:s26+$0x0];
	[tilespmem:s10+$0xFFFFFFC0] =	vst v7;
	s25 =	sadd.s32 $0x80, s25  }
0xc7: {  	s13 =	sadd.s32 $0x8, s13;
	v7 =	vld [tilespmem:s25+$0x0];
	v6 =	vmax.f32 v6, $0.0e+00;
	v1 =	vadd.f32 v3, v1  }
0xc8: {  	p1 =	slt.u32 s13, $0x78;
	v3 =	vld [tilespmem:s25+$0xFFFFFF90];
	[tilespmem:s10+$0xFFFFFFD0] =	vst v6  }
0xc9: {  	v6 =	vld [tilespmem:s26+$0xFFFFFFA0];
	v1 =	vmax.f32 v1, $0.0e+00;
	v2 =	vadd.f32 v5, v2  }
0xca: {  	v5 =	vld [tilespmem:s25+$0xFFFFFFA0];
	v9 =	vadd.f32 v0, v4;
	[tilespmem:s10+$0xFFFFFFE0] =	vst v1  }
0xcb: {  	v1 =	vld [tilespmem:s26+$0xFFFFFFB0];
	v2 =	vmax.f32 v2, $0.0e+00  }
0xcc: {  	v4 =	vld [tilespmem:s25+$0xFFFFFFB0];
	v7 =	vadd.f32 v7, v8;
	v8 =	vmax.f32 v9, $0.0e+00;
	[tilespmem:s10+$0xFFFFFFF0] =	vst v2  }
0xcd: {  	v2 =	vld [tilespmem:s26+$0xFFFFFFC0];
	[tilespmem:s10+$0xFFFFFF90] =	vst v8;
	v0 =	vmov v3  }
0xce: {  	s10 =	sadd.s32 $0x80, s10;
	v8 =	vld [tilespmem:s25+$0xFFFFFFC0];
	v3 =	vmax.f32 v7, $0.0e+00  }
0xcf: {  	v5 =	vadd.f32 v5, v6;
	v6 =	vld [tilespmem:s26+$0xFFFFFFD0];
	[tilespmem:s10+$0x0] =	vst v3  }
0xd0: {  	v9 =	vld [tilespmem:s25+$0xFFFFFFD0]  }
.Ltmp3:
0xd1: {  	v3 =	vmax.f32 v5, $0.0e+00;
	v4 =	vadd.f32 v4, v1;
	v1 =	vld [tilespmem:s26+$0xFFFFFFE0];
	(pc) =	sbr.rel @p1 .LBB2_5-.Ltmp3, $4  }
0xd2: {  	[tilespmem:s10+$0xFFFFFFA0] =	vst v3;
	v3 =	vld [tilespmem:s25+$0xFFFFFFE0]  }
0xd3: {  	v4 =	vmax.f32 v4, $0.0e+00;
	v7 =	vadd.f32 v8, v2;
	v2 =	vld [tilespmem:s26+$0xFFFFFFF0]  }
0xd4: {  	[tilespmem:s10+$0xFFFFFFB0] =	vst v4;
	v5 =	vld [tilespmem:s25+$0xFFFFFFF0]  }
0xd5: {  	v4 =	vld [tilespmem:s26+$0xFFFFFF90];
	v7 =	vmax.f32 v7, $0.0e+00;
	v6 =	vadd.f32 v9, v6;
	s26 =	sadd.s32 $0x80, s26  }
0xd6: {  	_ =	sdelay $0x1  }
0xd7: {  	v1 =	vadd.f32 v3, v1  }
0xd8: {  	[tilespmem:s10+$0xFFFFFFC0] =	vst v7;
	v3 =	vmax.f32 v6, $0.0e+00;
	v2 =	vadd.f32 v5, v2  }
0xd9: {  	[tilespmem:s10+$0xFFFFFFD0] =	vst v3;
	v1 =	vmax.f32 v1, $0.0e+00;
	v0 =	vadd.f32 v0, v4  }
0xda: {  	[tilespmem:s10+$0xFFFFFFE0] =	vst v1;
	v1 =	vmax.f32 v2, $0.0e+00  }
0xdb: {  	v0 =	vmax.f32 v0, $0.0e+00;
	[tilespmem:s10+$0xFFFFFFF0] =	vst v1  }
0xdc: {  	s25 =	simm.s32 $0x180;
	s13 =	simm.s32 $0x5000;
	[tilespmem:s10+$0xFFFFFF90] =	vst v0;
	s10 =	sadd.s32 $0x280, s24  }
0xdd: {  	[spmem:s4] =	stream.indirect.scatter.add.f32 [tilespmem:s13], [sflag:$0x12], $0x10, s25, s0, $0xb8;
	[tilespmem:$0x1F000] =	vst v63  }
0xde: {  	s13 =	sshrl.u32 s10, $0x3  }
0xdf: {  	s26 =	simm.s32 $0x500;
	s10 =	sshll.u32 s10, $0x1;
	s25 =	sadd.s32 s2, s13  }
0xe0: {  	[tilespmem:s26], [sflag:$0x6] =	stream.linear.gather [hbm4b:s25+s5], $0x80, $0x38;
	[tilespmem:$0x1F000] =	vst v63  }
0xe1: {  	s13 =	sadd.s32 s3, s13;
	s10 =	sand.u32 $0x1FFFFD00, s10;
	s26 =	simm.s32 $0x580  }
0xe2: {  	[tilespmem:s26], [sflag:$0x6] =	stream.linear.gather [hbm4b:s13+s5], $0x80, $0x38;
	[tilespmem:$0x1F000] =	vst v63  }
0xe3: {  	s10 =	sadd.s32 s1, s10;
	s26 =	simm.s32 $0x3000  }
0xe4: {  	[tilespmem:s26], [sflag:$0xE] =	stream.linear.gather [hbm4b:s10+s5], $0x800, $0x38;
	[tilespmem:$0x1F000] =	vst v63  }
0xe5: {  	_ =	swait.ge [sflag:s14], $0x80  }
0xe6: {  	[sflag:s14] =	ssyncset.done $0x0  }
0xe7: {  	[sflag:s14] =	ssyncadd.s32 $0xFFFFFF80  }
0xe8: {  	_ =	swait.ge [sflag:s14], $0x80  }
0xe9: {  	s25 =	simm.s32 $0x200;
	[sflag:s14] =	ssyncset.done $0x0  }
0xea: {  	s26 =	simm.s32 $0x1800;
	s10 =	simm.s32 @!p0 $0x13;
	[sflag:s14] =	ssyncadd.s32 $0xFFFFFF80  }
0xeb: {  	[tilespmem:s26], [sflag:$0xB] =	stream.indirect.gather [hbm4b:s7+s0], $0x10, s25, s0, $0xb8;
	[tilespmem:$0x1F000] =	vst v63  }
0xec: {  	_ =	swait.ge @!p0 [sflag:s10], $0x800  }
0xed: {  	[sflag:s10] =	ssyncset.done @!p0 $0x0  }
0xee: {  	[sflag:s10] =	ssyncadd.s32 @!p0 $0xFFFFF800  }
0xef: {  	_ =	swait.ge [sflag:s30], $0x800  }
0xf0: {  	[sflag:s30] =	ssyncset.done $0x0  }
0xf1: {  	[sflag:s30] =	ssyncadd.s32 $0xFFFFF800  }
0xf2: {  	_ =	swait.ge [sflag:s9], $0x800  }
0xf3: {  	[sflag:s9] =	ssyncset.done $0x0  }
0xf4: {  	s26 =	simm.s32 $0x3870;
	[sflag:s9] =	ssyncadd.s32 $0xFFFFF800  }
0xf5: {  	s25 =	simm.s32 $0x1870;
	v1 =	vld [tilespmem:s26+$0x0]  }
0xf6: {  	v2 =	vld [tilespmem:s25+$0x0]  }
0xf7: {  	v0 =	vld [tilespmem:s25+$0xFFFFFF90]  }
0xf8: {  	v3 =	vld [tilespmem:s26+$0xFFFFFFA0]  }
0xf9: {  	v4 =	vld [tilespmem:s25+$0xFFFFFFA0]  }
0xfa: {  	v5 =	vld [tilespmem:s26+$0xFFFFFFB0]  }
0xfb: {  	v6 =	vld [tilespmem:s25+$0xFFFFFFB0]  }
0xfc: {  	v7 =	vld [tilespmem:s26+$0xFFFFFFC0]  }
0xfd: {  	v8 =	vld [tilespmem:s25+$0xFFFFFFC0]  }
0xfe: {  	v9 =	vld [tilespmem:s26+$0xFFFFFFD0]  }
0xff: {  	v10 =	vld [tilespmem:s25+$0xFFFFFFD0];
	v2 =	vadd.f32 v2, v1  }
0x100: {  	v4 =	vadd.f32 v4, v3;
	v1 =	vld [tilespmem:s26+$0xFFFFFFE0]  }
0x101: {  	s10 =	simm.s32 $0x5870;
	v5 =	vadd.f32 v6, v5;
	v3 =	vld [tilespmem:s25+$0xFFFFFFE0];
	v2 =	vmax.f32 v2, $0.0e+00  }
0x102: {  	v6 =	vadd.f32 v8, v7;
	v4 =	vmax.f32 v4, $0.0e+00;
	[tilespmem:s10+$0x0] =	vst v2;
	v2 =	vld [tilespmem:s26+$0xFFFFFFF0]  }
0x103: {  	[tilespmem:s10+$0xFFFFFFA0] =	vst v4;
	v4 =	vmax.f32 v5, $0.0e+00;
	v5 =	vld [tilespmem:s25+$0xFFFFFFF0]  }
0x104: {  	s13 =	simm.s32 $0x0;
	v7 =	vmax.f32 v6, $0.0e+00;
	v6 =	vadd.f32 v10, v9;
	[tilespmem:s10+$0xFFFFFFB0] =	vst v4;
	v4 =	vld [tilespmem:s26+$0xFFFFFF90];
	s26 =	simm.s32 $0x38F0  }
.LBB2_7:
0x105: {  	v8 =	vld [tilespmem:s26+$0x0];
	[tilespmem:s10+$0xFFFFFFC0] =	vst v7;
	s25 =	sadd.s32 $0x80, s25  }
0x106: {  	s13 =	sadd.s32 $0x8, s13;
	v7 =	vld [tilespmem:s25+$0x0];
	v6 =	vmax.f32 v6, $0.0e+00;
	v1 =	vadd.f32 v3, v1  }
0x107: {  	p1 =	slt.u32 s13, $0x78;
	v3 =	vld [tilespmem:s25+$0xFFFFFF90];
	[tilespmem:s10+$0xFFFFFFD0] =	vst v6  }
0x108: {  	v6 =	vld [tilespmem:s26+$0xFFFFFFA0];
	v1 =	vmax.f32 v1, $0.0e+00;
	v2 =	vadd.f32 v5, v2  }
0x109: {  	v5 =	vld [tilespmem:s25+$0xFFFFFFA0];
	v9 =	vadd.f32 v0, v4;
	[tilespmem:s10+$0xFFFFFFE0] =	vst v1  }
0x10a: {  	v1 =	vld [tilespmem:s26+$0xFFFFFFB0];
	v2 =	vmax.f32 v2, $0.0e+00  }
0x10b: {  	v4 =	vld [tilespmem:s25+$0xFFFFFFB0];
	v7 =	vadd.f32 v7, v8;
	v8 =	vmax.f32 v9, $0.0e+00;
	[tilespmem:s10+$0xFFFFFFF0] =	vst v2  }
0x10c: {  	v2 =	vld [tilespmem:s26+$0xFFFFFFC0];
	[tilespmem:s10+$0xFFFFFF90] =	vst v8;
	v0 =	vmov v3  }
0x10d: {  	s10 =	sadd.s32 $0x80, s10;
	v8 =	vld [tilespmem:s25+$0xFFFFFFC0];
	v3 =	vmax.f32 v7, $0.0e+00  }
0x10e: {  	v5 =	vadd.f32 v5, v6;
	v6 =	vld [tilespmem:s26+$0xFFFFFFD0];
	[tilespmem:s10+$0x0] =	vst v3  }
0x10f: {  	v9 =	vld [tilespmem:s25+$0xFFFFFFD0]  }
.Ltmp4:
0x110: {  	v3 =	vmax.f32 v5, $0.0e+00;
	v4 =	vadd.f32 v4, v1;
	v1 =	vld [tilespmem:s26+$0xFFFFFFE0];
	(pc) =	sbr.rel @p1 .LBB2_7-.Ltmp4, $4  }
0x111: {  	[tilespmem:s10+$0xFFFFFFA0] =	vst v3;
	v3 =	vld [tilespmem:s25+$0xFFFFFFE0]  }
0x112: {  	v4 =	vmax.f32 v4, $0.0e+00;
	v7 =	vadd.f32 v8, v2;
	v2 =	vld [tilespmem:s26+$0xFFFFFFF0]  }
0x113: {  	[tilespmem:s10+$0xFFFFFFB0] =	vst v4;
	v5 =	vld [tilespmem:s25+$0xFFFFFFF0]  }
0x114: {  	v4 =	vld [tilespmem:s26+$0xFFFFFF90];
	v7 =	vmax.f32 v7, $0.0e+00;
	v6 =	vadd.f32 v9, v6;
	s26 =	sadd.s32 $0x80, s26  }
0x115: {  	_ =	sdelay $0x1  }
0x116: {  	v1 =	vadd.f32 v3, v1  }
0x117: {  	[tilespmem:s10+$0xFFFFFFC0] =	vst v7;
	v3 =	vmax.f32 v6, $0.0e+00;
	v2 =	vadd.f32 v5, v2  }
0x118: {  	[tilespmem:s10+$0xFFFFFFD0] =	vst v3;
	v1 =	vmax.f32 v1, $0.0e+00;
	v0 =	vadd.f32 v0, v4  }
0x119: {  	[tilespmem:s10+$0xFFFFFFE0] =	vst v1;
	v1 =	vmax.f32 v2, $0.0e+00  }
0x11a: {  	v0 =	vmax.f32 v0, $0.0e+00;
	[tilespmem:s10+$0xFFFFFFF0] =	vst v1  }
0x11b: {  	s25 =	simm.s32 $0x280;
	s13 =	simm.s32 $0x5800;
	[tilespmem:s10+$0xFFFFFF90] =	vst v0;
	s10 =	sadd.s32 $0x300, s24  }
0x11c: {  	[spmem:s4] =	stream.indirect.scatter.add.f32 [tilespmem:s13], [sflag:$0x13], $0x10, s25, s0, $0xb8;
	[tilespmem:$0x1F000] =	vst v63  }
0x11d: {  	s13 =	sshrl.u32 s10, $0x3  }
0x11e: {  	s26 =	simm.s32 $0x600;
	s10 =	sshll.u32 s10, $0x1;
	s25 =	sadd.s32 s2, s13  }
0x11f: {  	[tilespmem:s26], [sflag:$0x7] =	stream.linear.gather [hbm4b:s25+s5], $0x80, $0x38;
	[tilespmem:$0x1F000] =	vst v63  }
0x120: {  	s13 =	sadd.s32 s3, s13;
	s10 =	sand.u32 $0x1FFFFE00, s10;
	s26 =	simm.s32 $0x680  }
0x121: {  	[tilespmem:s26], [sflag:$0x7] =	stream.linear.gather [hbm4b:s13+s5], $0x80, $0x38;
	[tilespmem:$0x1F000] =	vst v63  }
0x122: {  	s10 =	sadd.s32 s1, s10;
	s26 =	simm.s32 $0x3800  }
0x123: {  	[tilespmem:s26], [sflag:$0xF] =	stream.linear.gather [hbm4b:s10+s5], $0x800, $0x38;
	[tilespmem:$0x1F000] =	vst v63  }
0x124: {  	_ =	swait.ge [sflag:s16], $0x80  }
0x125: {  	[sflag:s16] =	ssyncset.done $0x0  }
0x126: {  	[sflag:s16] =	ssyncadd.s32 $0xFFFFFF80  }
0x127: {  	_ =	swait.ge [sflag:s16], $0x80  }
0x128: {  	s25 =	simm.s32 $0x300;
	[sflag:s16] =	ssyncset.done $0x0  }
0x129: {  	s26 =	simm.s32 $0x2000;
	s10 =	simm.s32 @!p0 $0x14;
	[sflag:s16] =	ssyncadd.s32 $0xFFFFFF80  }
0x12a: {  	[tilespmem:s26], [sflag:$0xC] =	stream.indirect.gather [hbm4b:s7+s0], $0x10, s25, s0, $0xb8;
	[tilespmem:$0x1F000] =	vst v63  }
0x12b: {  	_ =	swait.ge @!p0 [sflag:s10], $0x800  }
0x12c: {  	[sflag:s10] =	ssyncset.done @!p0 $0x0  }
0x12d: {  	[sflag:s10] =	ssyncadd.s32 @!p0 $0xFFFFF800  }
0x12e: {  	_ =	swait.ge [sflag:s18], $0x800  }
0x12f: {  	[sflag:s18] =	ssyncset.done $0x0  }
0x130: {  	[sflag:s18] =	ssyncadd.s32 $0xFFFFF800  }
0x131: {  	_ =	swait.ge [sflag:s20], $0x800  }
0x132: {  	[sflag:s20] =	ssyncset.done $0x0  }
0x133: {  	s26 =	simm.s32 $0x4070;
	[sflag:s20] =	ssyncadd.s32 $0xFFFFF800  }
0x134: {  	s25 =	simm.s32 $0x2070;
	v1 =	vld [tilespmem:s26+$0x0]  }
0x135: {  	v2 =	vld [tilespmem:s25+$0x0]  }
0x136: {  	v0 =	vld [tilespmem:s25+$0xFFFFFF90]  }
0x137: {  	v3 =	vld [tilespmem:s26+$0xFFFFFFA0]  }
0x138: {  	v4 =	vld [tilespmem:s25+$0xFFFFFFA0]  }
0x139: {  	v5 =	vld [tilespmem:s26+$0xFFFFFFB0]  }
0x13a: {  	v6 =	vld [tilespmem:s25+$0xFFFFFFB0]  }
0x13b: {  	v7 =	vld [tilespmem:s26+$0xFFFFFFC0]  }
0x13c: {  	v8 =	vld [tilespmem:s25+$0xFFFFFFC0]  }
0x13d: {  	v9 =	vld [tilespmem:s26+$0xFFFFFFD0]  }
0x13e: {  	v10 =	vld [tilespmem:s25+$0xFFFFFFD0];
	v2 =	vadd.f32 v2, v1  }
0x13f: {  	v4 =	vadd.f32 v4, v3;
	v1 =	vld [tilespmem:s26+$0xFFFFFFE0]  }
0x140: {  	s10 =	simm.s32 $0x6070;
	v5 =	vadd.f32 v6, v5;
	v3 =	vld [tilespmem:s25+$0xFFFFFFE0];
	v2 =	vmax.f32 v2, $0.0e+00  }
0x141: {  	v6 =	vadd.f32 v8, v7;
	v4 =	vmax.f32 v4, $0.0e+00;
	[tilespmem:s10+$0x0] =	vst v2;
	v2 =	vld [tilespmem:s26+$0xFFFFFFF0]  }
0x142: {  	[tilespmem:s10+$0xFFFFFFA0] =	vst v4;
	v4 =	vmax.f32 v5, $0.0e+00;
	v5 =	vld [tilespmem:s25+$0xFFFFFFF0]  }
0x143: {  	s13 =	simm.s32 $0x0;
	v7 =	vmax.f32 v6, $0.0e+00;
	v6 =	vadd.f32 v10, v9;
	[tilespmem:s10+$0xFFFFFFB0] =	vst v4;
	v4 =	vld [tilespmem:s26+$0xFFFFFF90];
	s26 =	simm.s32 $0x40F0  }
.LBB2_9:
0x144: {  	v8 =	vld [tilespmem:s26+$0x0];
	[tilespmem:s10+$0xFFFFFFC0] =	vst v7;
	s25 =	sadd.s32 $0x80, s25  }
0x145: {  	s13 =	sadd.s32 $0x8, s13;
	v7 =	vld [tilespmem:s25+$0x0];
	v6 =	vmax.f32 v6, $0.0e+00;
	v1 =	vadd.f32 v3, v1  }
0x146: {  	p0 =	slt.u32 s13, $0x78;
	v3 =	vld [tilespmem:s25+$0xFFFFFF90];
	[tilespmem:s10+$0xFFFFFFD0] =	vst v6  }
0x147: {  	v6 =	vld [tilespmem:s26+$0xFFFFFFA0];
	v1 =	vmax.f32 v1, $0.0e+00;
	v2 =	vadd.f32 v5, v2  }
0x148: {  	v5 =	vld [tilespmem:s25+$0xFFFFFFA0];
	v9 =	vadd.f32 v0, v4;
	[tilespmem:s10+$0xFFFFFFE0] =	vst v1  }
0x149: {  	v1 =	vld [tilespmem:s26+$0xFFFFFFB0];
	v2 =	vmax.f32 v2, $0.0e+00  }
0x14a: {  	v4 =	vld [tilespmem:s25+$0xFFFFFFB0];
	v7 =	vadd.f32 v7, v8;
	v8 =	vmax.f32 v9, $0.0e+00;
	[tilespmem:s10+$0xFFFFFFF0] =	vst v2  }
0x14b: {  	v2 =	vld [tilespmem:s26+$0xFFFFFFC0];
	[tilespmem:s10+$0xFFFFFF90] =	vst v8;
	v0 =	vmov v3  }
0x14c: {  	s10 =	sadd.s32 $0x80, s10;
	v8 =	vld [tilespmem:s25+$0xFFFFFFC0];
	v3 =	vmax.f32 v7, $0.0e+00  }
0x14d: {  	v5 =	vadd.f32 v5, v6;
	v6 =	vld [tilespmem:s26+$0xFFFFFFD0];
	[tilespmem:s10+$0x0] =	vst v3  }
0x14e: {  	v9 =	vld [tilespmem:s25+$0xFFFFFFD0]  }
.Ltmp5:
0x14f: {  	v3 =	vmax.f32 v5, $0.0e+00;
	v4 =	vadd.f32 v4, v1;
	v1 =	vld [tilespmem:s26+$0xFFFFFFE0];
	(pc) =	sbr.rel @p0 .LBB2_9-.Ltmp5, $4  }
0x150: {  	[tilespmem:s10+$0xFFFFFFA0] =	vst v3;
	v3 =	vld [tilespmem:s25+$0xFFFFFFE0]  }
0x151: {  	v4 =	vmax.f32 v4, $0.0e+00;
	v7 =	vadd.f32 v8, v2;
	v2 =	vld [tilespmem:s26+$0xFFFFFFF0]  }
0x152: {  	[tilespmem:s10+$0xFFFFFFB0] =	vst v4;
	v5 =	vld [tilespmem:s25+$0xFFFFFFF0]  }
0x153: {  	v4 =	vld [tilespmem:s26+$0xFFFFFF90];
	v7 =	vmax.f32 v7, $0.0e+00;
	v6 =	vadd.f32 v9, v6;
	s26 =	sadd.s32 $0x80, s26  }
0x154: {  	_ =	sdelay $0x1  }
0x155: {  	v1 =	vadd.f32 v3, v1  }
0x156: {  	[tilespmem:s10+$0xFFFFFFC0] =	vst v7;
	v3 =	vmax.f32 v6, $0.0e+00;
	v2 =	vadd.f32 v5, v2  }
0x157: {  	[tilespmem:s10+$0xFFFFFFD0] =	vst v3;
	v1 =	vmax.f32 v1, $0.0e+00;
	v0 =	vadd.f32 v0, v4  }
0x158: {  	[tilespmem:s10+$0xFFFFFFE0] =	vst v1;
	v1 =	vmax.f32 v2, $0.0e+00  }
0x159: {  	v0 =	vmax.f32 v0, $0.0e+00;
	[tilespmem:s10+$0xFFFFFFF0] =	vst v1  }
0x15a: {  	s25 =	simm.s32 $0x380;
	s13 =	simm.s32 $0x6000;
	[tilespmem:s10+$0xFFFFFF90] =	vst v0;
	s10 =	sadd.s32 $0x380, s24  }
0x15b: {  	[spmem:s4] =	stream.indirect.scatter.add.f32 [tilespmem:s13], [sflag:$0x14], $0x10, s25, s0, $0xb8;
	[tilespmem:$0x1F000] =	vst v63  }
0x15c: {  	s13 =	sshrl.u32 s10, $0x3  }
0x15d: {  	s25 =	simm.s32 $0x700;
	s10 =	sshll.u32 s10, $0x1;
	s26 =	sadd.s32 s2, s13  }
0x15e: {  	[tilespmem:s25], [sflag:$0x8] =	stream.linear.gather [hbm4b:s26+s5], $0x80, $0x38;
	[tilespmem:$0x1F000] =	vst v63  }
0x15f: {  	s13 =	sadd.s32 s3, s13;
	s10 =	sand.u32 $0x1FFFFF00, s10;
	s25 =	simm.s32 $0x780  }
0x160: {  	[tilespmem:s25], [sflag:$0x8] =	stream.linear.gather [hbm4b:s13+s5], $0x80, $0x38;
	[tilespmem:$0x1F000] =	vst v63  }
0x161: {  	s10 =	sadd.s32 s1, s10;
	s26 =	simm.s32 $0x4000  }
0x162: {  	[tilespmem:s26], [sflag:$0x10] =	stream.linear.gather [hbm4b:s10+s5], $0x800, $0x38;
	[tilespmem:$0x1F000] =	vst v63  }
0x163: {  	_ =	swait.ge [sflag:s31], $0x80  }
0x164: {  	[sflag:s31] =	ssyncset.done $0x0  }
0x165: {  	[sflag:s31] =	ssyncadd.s32 $0xFFFFFF80  }
0x166: {  	_ =	swait.ge [sflag:s31], $0x80  }
0x167: {  	s24 =	simm.s32 $0x400;
	[sflag:s31] =	ssyncset.done $0x0  }
0x168: {  	s13 =	simm.s32 $0x800;
	s25 =	simm.s32 $0x11;
	[sflag:s31] =	ssyncadd.s32 $0xFFFFFF80  }
0x169: {  	[tilespmem:s13], [sflag:$0x9] =	stream.indirect.gather [hbm4b:s7+s0], $0x10, s24, s0, $0xb8;
	[tilespmem:$0x1F000] =	vst v63  }
0x16a: {  	_ =	swait.ge [sflag:s25], $0x800  }
0x16b: {  	[sflag:s25] =	ssyncset.done $0x0  }
0x16c: {  	[sflag:s25] =	ssyncadd.s32 $0xFFFFF800  }
0x16d: {  	_ =	swait.ge [sflag:s21], $0x800  }
0x16e: {  	[sflag:s21] =	ssyncset.done $0x0  }
0x16f: {  	[sflag:s21] =	ssyncadd.s32 $0xFFFFF800  }
0x170: {  	_ =	swait.ge [sflag:s22], $0x800  }
0x171: {  	[sflag:s22] =	ssyncset.done $0x0  }
0x172: {  	s26 =	simm.s32 $0x2840;
	[sflag:s22] =	ssyncadd.s32 $0xFFFFF800  }
0x173: {  	s24 =	simm.s32 $0x840;
	v1 =	vld [tilespmem:s26+$0x30]  }
0x174: {  	v2 =	vld [tilespmem:s24+$0x30]  }
0x175: {  	v0 =	vld [tilespmem:s24+$0xFFFFFFC0]  }
0x176: {  	v3 =	vld [tilespmem:s26+$0xFFFFFFD0]  }
0x177: {  	v4 =	vld [tilespmem:s24+$0xFFFFFFD0]  }
0x178: {  	v5 =	vld [tilespmem:s26+$0xFFFFFFE0]  }
0x179: {  	v6 =	vld [tilespmem:s24+$0xFFFFFFE0]  }
0x17a: {  	v7 =	vld [tilespmem:s26+$0xFFFFFFF0]  }
0x17b: {  	v8 =	vld [tilespmem:s24+$0xFFFFFFF0]  }
0x17c: {  	v9 =	vld [tilespmem:s26+$0x0]  }
0x17d: {  	v10 =	vld [tilespmem:s24+$0x0];
	v2 =	vadd.f32 v2, v1  }
0x17e: {  	v4 =	vadd.f32 v4, v3;
	v1 =	vld [tilespmem:s26+$0x10]  }
0x17f: {  	s10 =	simm.s32 $0x4840;
	v5 =	vadd.f32 v6, v5;
	v3 =	vld [tilespmem:s24+$0x10];
	v2 =	vmax.f32 v2, $0.0e+00  }
0x180: {  	v6 =	vadd.f32 v8, v7;
	v4 =	vmax.f32 v4, $0.0e+00;
	[tilespmem:s10+$0x30] =	vst v2;
	v2 =	vld [tilespmem:s26+$0x20]  }
0x181: {  	[tilespmem:s10+$0xFFFFFFD0] =	vst v4;
	v4 =	vmax.f32 v5, $0.0e+00;
	v5 =	vld [tilespmem:s24+$0x20]  }
0x182: {  	s13 =	simm.s32 $0x0;
	s25 =	simm.s32 $0x28C0;
	v7 =	vmax.f32 v6, $0.0e+00;
	v6 =	vadd.f32 v10, v9;
	[tilespmem:s10+$0xFFFFFFE0] =	vst v4;
	v4 =	vld [tilespmem:s26+$0xFFFFFFC0]  }
.LBB2_11:
0x183: {  	v8 =	vld [tilespmem:s25+$0x30];
	[tilespmem:s10+$0xFFFFFFF0] =	vst v7;
	s24 =	sadd.s32 $0x80, s24  }
0x184: {  	s13 =	sadd.s32 $0x8, s13;
	v7 =	vld [tilespmem:s24+$0x30];
	v6 =	vmax.f32 v6, $0.0e+00;
	v1 =	vadd.f32 v3, v1  }
0x185: {  	p0 =	slt.u32 s13, $0x78;
	v3 =	vld [tilespmem:s24+$0xFFFFFFC0];
	[tilespmem:s10+$0x0] =	vst v6  }
0x186: {  	v6 =	vld [tilespmem:s25+$0xFFFFFFD0];
	v1 =	vmax.f32 v1, $0.0e+00;
	v2 =	vadd.f32 v5, v2  }
0x187: {  	v5 =	vld [tilespmem:s24+$0xFFFFFFD0];
	v9 =	vadd.f32 v0, v4;
	[tilespmem:s10+$0x10] =	vst v1  }
0x188: {  	v1 =	vld [tilespmem:s25+$0xFFFFFFE0];
	v2 =	vmax.f32 v2, $0.0e+00  }
0x189: {  	v4 =	vld [tilespmem:s24+$0xFFFFFFE0];
	v7 =	vadd.f32 v7, v8;
	v8 =	vmax.f32 v9, $0.0e+00;
	[tilespmem:s10+$0x20] =	vst v2  }
0x18a: {  	v2 =	vld [tilespmem:s25+$0xFFFFFFF0];
	[tilespmem:s10+$0xFFFFFFC0] =	vst v8;
	v0 =	vmov v3  }
0x18b: {  	s10 =	sadd.s32 $0x80, s10;
	v8 =	vld [tilespmem:s24+$0xFFFFFFF0];
	v3 =	vmax.f32 v7, $0.0e+00  }
0x18c: {  	v5 =	vadd.f32 v5, v6;
	v6 =	vld [tilespmem:s25+$0x0];
	[tilespmem:s10+$0x30] =	vst v3  }
0x18d: {  	v9 =	vld [tilespmem:s24+$0x0]  }
.Ltmp6:
0x18e: {  	v3 =	vmax.f32 v5, $0.0e+00;
	v4 =	vadd.f32 v4, v1;
	v1 =	vld [tilespmem:s25+$0x10];
	(pc) =	sbr.rel @p0 .LBB2_11-.Ltmp6, $4  }
0x18f: {  	[tilespmem:s10+$0xFFFFFFD0] =	vst v3;
	v3 =	vld [tilespmem:s24+$0x10]  }
0x190: {  	v4 =	vmax.f32 v4, $0.0e+00;
	v7 =	vadd.f32 v8, v2;
	v2 =	vld [tilespmem:s25+$0x20]  }
0x191: {  	[tilespmem:s10+$0xFFFFFFE0] =	vst v4;
	v5 =	vld [tilespmem:s24+$0x20]  }
0x192: {  	v4 =	vld [tilespmem:s25+$0xFFFFFFC0];
	v7 =	vmax.f32 v7, $0.0e+00;
	v6 =	vadd.f32 v9, v6;
	s25 =	sadd.s32 $0x80, s25  }
0x193: {  	_ =	sdelay $0x1  }
0x194: {  	v1 =	vadd.f32 v3, v1  }
0x195: {  	[tilespmem:s10+$0xFFFFFFF0] =	vst v7;
	v3 =	vmax.f32 v6, $0.0e+00;
	v2 =	vadd.f32 v5, v2  }
0x196: {  	[tilespmem:s10+$0x0] =	vst v3;
	v1 =	vmax.f32 v1, $0.0e+00;
	v0 =	vadd.f32 v0, v4  }
0x197: {  	[tilespmem:s10+$0x10] =	vst v1;
	v1 =	vmax.f32 v2, $0.0e+00  }
0x198: {  	v0 =	vmax.f32 v0, $0.0e+00;
	[tilespmem:s10+$0x20] =	vst v1  }
0x199: {  	s26 =	simm.s32 $0x4800;
	s13 =	simm.s32 $0x480;
	[tilespmem:s10+$0xFFFFFFC0] =	vst v0  }
0x19a: {  	[spmem:s4] =	stream.indirect.scatter.add.f32 [tilespmem:s26], [sflag:$0x11], $0x10, s13, s0, $0xb8;
	[tilespmem:$0x1F000] =	vst v63  }
0x19b: {  	p0 =	seq.s32 s17, $0x30;
	s10 =	rddreg [dreg:$0x19]  }
0x19c: {  	s10 =	sadd.s32 @!p0 s23, s10  }
0x19d: {  	s13 =	sshrl.u32 @!p0 s10, $0x3  }
0x19e: {  	s25 =	simm.s32 @!p0 $0x0;
	s10 =	sshll.u32 @!p0 s10, $0x1;
	s24 =	sadd.s32 @!p0 s2, s13  }
0x19f: {  	[tilespmem:s25], [sflag:$0x1] =	stream.linear.gather @!p0 [hbm4b:s24+s25], $0x80, $0x38;
	[tilespmem:$0x1F000] =	vst v63  }
0x1a0: {  	s13 =	sadd.s32 @!p0 s3, s13;
	s10 =	sand.u32 @!p0 $0x1FFFF800, s10;
	s24 =	simm.s32 @!p0 $0x80  }
0x1a1: {  	[tilespmem:s24], [sflag:$0x1] =	stream.linear.gather @!p0 [hbm4b:s13+s25], $0x80, $0x38;
	[tilespmem:$0x1F000] =	vst v63  }
0x1a2: {  	s10 =	sadd.s32 @!p0 s1, s10;
	s13 =	simm.s32 @!p0 $0x2800  }
0x1a3: {  	[tilespmem:s13], [sflag:$0xD] =	stream.linear.gather @!p0 [hbm4b:s10+s25], $0x800, $0x38;
	[tilespmem:$0x1F000] =	vst v63  }
0x1a4: {  	_ =	swait.ge [sflag:s12], $0x80  }
0x1a5: {  	[sflag:s12] =	ssyncset.done $0x0  }
0x1a6: {  	[sflag:s12] =	ssyncadd.s32 $0xFFFFFF80  }
0x1a7: {  	_ =	swait.ge [sflag:s12], $0x80  }
0x1a8: {  	s24 =	simm.s32 $0x500;
	[sflag:s12] =	ssyncset.done $0x0  }
0x1a9: {  	s13 =	simm.s32 $0x1000;
	s25 =	simm.s32 $0x12;
	[sflag:s12] =	ssyncadd.s32 $0xFFFFFF80  }
0x1aa: {  	[tilespmem:s13], [sflag:$0xA] =	stream.indirect.gather [hbm4b:s7+s0], $0x10, s24, s0, $0xb8;
	[tilespmem:$0x1F000] =	vst v63  }
0x1ab: {  	_ =	swait.ge [sflag:s25], $0x800  }
0x1ac: {  	[sflag:s25] =	ssyncset.done $0x0  }
0x1ad: {  	[sflag:s25] =	ssyncadd.s32 $0xFFFFF800  }
0x1ae: {  	_ =	swait.ge [sflag:s6], $0x800  }
0x1af: {  	[sflag:s6] =	ssyncset.done $0x0  }
0x1b0: {  	[sflag:s6] =	ssyncadd.s32 $0xFFFFF800  }
0x1b1: {  	_ =	swait.ge [sflag:s8], $0x800  }
0x1b2: {  	[sflag:s8] =	ssyncset.done $0x0  }
0x1b3: {  	s26 =	simm.s32 $0x3070;
	[sflag:s8] =	ssyncadd.s32 $0xFFFFF800  }
0x1b4: {  	s24 =	simm.s32 $0x1070;
	v1 =	vld [tilespmem:s26+$0x0]  }
0x1b5: {  	v2 =	vld [tilespmem:s24+$0x0]  }
0x1b6: {  	v0 =	vld [tilespmem:s24+$0xFFFFFF90]  }
0x1b7: {  	v3 =	vld [tilespmem:s26+$0xFFFFFFA0]  }
0x1b8: {  	v4 =	vld [tilespmem:s24+$0xFFFFFFA0]  }
0x1b9: {  	v5 =	vld [tilespmem:s26+$0xFFFFFFB0]  }
0x1ba: {  	v6 =	vld [tilespmem:s24+$0xFFFFFFB0]  }
0x1bb: {  	v7 =	vld [tilespmem:s26+$0xFFFFFFC0]  }
0x1bc: {  	v8 =	vld [tilespmem:s24+$0xFFFFFFC0]  }
0x1bd: {  	v9 =	vld [tilespmem:s26+$0xFFFFFFD0]  }
0x1be: {  	v10 =	vld [tilespmem:s24+$0xFFFFFFD0];
	v2 =	vadd.f32 v2, v1  }
0x1bf: {  	v4 =	vadd.f32 v4, v3;
	v1 =	vld [tilespmem:s26+$0xFFFFFFE0]  }
0x1c0: {  	s10 =	simm.s32 $0x5070;
	v5 =	vadd.f32 v6, v5;
	v3 =	vld [tilespmem:s24+$0xFFFFFFE0];
	v2 =	vmax.f32 v2, $0.0e+00  }
0x1c1: {  	v6 =	vadd.f32 v8, v7;
	v4 =	vmax.f32 v4, $0.0e+00;
	[tilespmem:s10+$0x0] =	vst v2;
	v2 =	vld [tilespmem:s26+$0xFFFFFFF0]  }
0x1c2: {  	[tilespmem:s10+$0xFFFFFFA0] =	vst v4;
	v4 =	vmax.f32 v5, $0.0e+00;
	v5 =	vld [tilespmem:s24+$0xFFFFFFF0]  }
0x1c3: {  	s13 =	simm.s32 $0x0;
	s25 =	simm.s32 $0x30F0;
	v7 =	vmax.f32 v6, $0.0e+00;
	v6 =	vadd.f32 v10, v9;
	[tilespmem:s10+$0xFFFFFFB0] =	vst v4;
	v4 =	vld [tilespmem:s26+$0xFFFFFF90]  }
.LBB2_13:
0x1c4: {  	v8 =	vld [tilespmem:s25+$0x0];
	[tilespmem:s10+$0xFFFFFFC0] =	vst v7;
	s24 =	sadd.s32 $0x80, s24  }
0x1c5: {  	s13 =	sadd.s32 $0x8, s13;
	v7 =	vld [tilespmem:s24+$0x0];
	v6 =	vmax.f32 v6, $0.0e+00;
	v1 =	vadd.f32 v3, v1  }
0x1c6: {  	p1 =	slt.u32 s13, $0x78;
	v3 =	vld [tilespmem:s24+$0xFFFFFF90];
	[tilespmem:s10+$0xFFFFFFD0] =	vst v6  }
0x1c7: {  	v6 =	vld [tilespmem:s25+$0xFFFFFFA0];
	v1 =	vmax.f32 v1, $0.0e+00;
	v2 =	vadd.f32 v5, v2  }
0x1c8: {  	v5 =	vld [tilespmem:s24+$0xFFFFFFA0];
	v9 =	vadd.f32 v0, v4;
	[tilespmem:s10+$0xFFFFFFE0] =	vst v1  }
0x1c9: {  	v1 =	vld [tilespmem:s25+$0xFFFFFFB0];
	v2 =	vmax.f32 v2, $0.0e+00  }
0x1ca: {  	v4 =	vld [tilespmem:s24+$0xFFFFFFB0];
	v7 =	vadd.f32 v7, v8;
	v8 =	vmax.f32 v9, $0.0e+00;
	[tilespmem:s10+$0xFFFFFFF0] =	vst v2  }
0x1cb: {  	v2 =	vld [tilespmem:s25+$0xFFFFFFC0];
	[tilespmem:s10+$0xFFFFFF90] =	vst v8;
	v0 =	vmov v3  }
0x1cc: {  	s10 =	sadd.s32 $0x80, s10;
	v8 =	vld [tilespmem:s24+$0xFFFFFFC0];
	v3 =	vmax.f32 v7, $0.0e+00  }
0x1cd: {  	v5 =	vadd.f32 v5, v6;
	v6 =	vld [tilespmem:s25+$0xFFFFFFD0];
	[tilespmem:s10+$0x0] =	vst v3  }
0x1ce: {  	v9 =	vld [tilespmem:s24+$0xFFFFFFD0]  }
.Ltmp7:
0x1cf: {  	v3 =	vmax.f32 v5, $0.0e+00;
	v4 =	vadd.f32 v4, v1;
	v1 =	vld [tilespmem:s25+$0xFFFFFFE0];
	(pc) =	sbr.rel @p1 .LBB2_13-.Ltmp7, $4  }
0x1d0: {  	[tilespmem:s10+$0xFFFFFFA0] =	vst v3;
	v3 =	vld [tilespmem:s24+$0xFFFFFFE0]  }
0x1d1: {  	v4 =	vmax.f32 v4, $0.0e+00;
	v7 =	vadd.f32 v8, v2;
	v2 =	vld [tilespmem:s25+$0xFFFFFFF0]  }
0x1d2: {  	[tilespmem:s10+$0xFFFFFFB0] =	vst v4;
	v5 =	vld [tilespmem:s24+$0xFFFFFFF0]  }
0x1d3: {  	v4 =	vld [tilespmem:s25+$0xFFFFFF90];
	v7 =	vmax.f32 v7, $0.0e+00;
	v6 =	vadd.f32 v9, v6;
	s25 =	sadd.s32 $0x80, s25  }
0x1d4: {  	_ =	sdelay $0x1  }
0x1d5: {  	v1 =	vadd.f32 v3, v1  }
0x1d6: {  	[tilespmem:s10+$0xFFFFFFC0] =	vst v7;
	v3 =	vmax.f32 v6, $0.0e+00;
	v2 =	vadd.f32 v5, v2  }
0x1d7: {  	[tilespmem:s10+$0xFFFFFFD0] =	vst v3;
	v1 =	vmax.f32 v1, $0.0e+00;
	v0 =	vadd.f32 v0, v4  }
0x1d8: {  	[tilespmem:s10+$0xFFFFFFE0] =	vst v1;
	v1 =	vmax.f32 v2, $0.0e+00  }
0x1d9: {  	v0 =	vmax.f32 v0, $0.0e+00;
	[tilespmem:s10+$0xFFFFFFF0] =	vst v1  }
0x1da: {  	s26 =	simm.s32 $0x5000;
	s13 =	simm.s32 $0x580;
	[tilespmem:s10+$0xFFFFFF90] =	vst v0  }
0x1db: {  	[spmem:s4] =	stream.indirect.scatter.add.f32 [tilespmem:s26], [sflag:$0x12], $0x10, s13, s0, $0xb8;
	[tilespmem:$0x1F000] =	vst v63  }
0x1dc: {  	s10 =	rddreg [dreg:$0x1a]  }
0x1dd: {  	s10 =	sadd.s32 @!p0 s23, s10  }
0x1de: {  	s25 =	simm.s32 @!p0 $0x0;
	s13 =	sshrl.u32 @!p0 s10, $0x3  }
0x1df: {  	s26 =	simm.s32 @!p0 $0x100;
	s10 =	sshll.u32 @!p0 s10, $0x1;
	s24 =	sadd.s32 @!p0 s2, s13  }
0x1e0: {  	[tilespmem:s26], [sflag:$0x2] =	stream.linear.gather @!p0 [hbm4b:s24+s25], $0x80, $0x38;
	[tilespmem:$0x1F000] =	vst v63  }
0x1e1: {  	s13 =	sadd.s32 @!p0 s3, s13;
	s10 =	sand.u32 @!p0 $0x1FFFF900, s10;
	s24 =	simm.s32 @!p0 $0x180  }
0x1e2: {  	[tilespmem:s24], [sflag:$0x2] =	stream.linear.gather @!p0 [hbm4b:s13+s25], $0x80, $0x38;
	[tilespmem:$0x1F000] =	vst v63  }
0x1e3: {  	s10 =	sadd.s32 @!p0 s1, s10;
	s13 =	simm.s32 @!p0 $0x3000  }
0x1e4: {  	[tilespmem:s13], [sflag:$0xE] =	stream.linear.gather @!p0 [hbm4b:s10+s25], $0x800, $0x38;
	[tilespmem:$0x1F000] =	vst v63  }
0x1e5: {  	_ =	swait.ge [sflag:s15], $0x80  }
0x1e6: {  	[sflag:s15] =	ssyncset.done $0x0  }
0x1e7: {  	[sflag:s15] =	ssyncadd.s32 $0xFFFFFF80  }
0x1e8: {  	_ =	swait.ge [sflag:s15], $0x80  }
0x1e9: {  	s24 =	simm.s32 $0x600;
	[sflag:s15] =	ssyncset.done $0x0  }
0x1ea: {  	s13 =	simm.s32 $0x1800;
	s25 =	simm.s32 $0x13;
	[sflag:s15] =	ssyncadd.s32 $0xFFFFFF80  }
0x1eb: {  	[tilespmem:s13], [sflag:$0xB] =	stream.indirect.gather [hbm4b:s7+s0], $0x10, s24, s0, $0xb8;
	[tilespmem:$0x1F000] =	vst v63  }
0x1ec: {  	_ =	swait.ge [sflag:s25], $0x800  }
0x1ed: {  	[sflag:s25] =	ssyncset.done $0x0  }
0x1ee: {  	[sflag:s25] =	ssyncadd.s32 $0xFFFFF800  }
0x1ef: {  	_ =	swait.ge [sflag:s30], $0x800  }
0x1f0: {  	[sflag:s30] =	ssyncset.done $0x0  }
0x1f1: {  	[sflag:s30] =	ssyncadd.s32 $0xFFFFF800  }
0x1f2: {  	_ =	swait.ge [sflag:s9], $0x800  }
0x1f3: {  	[sflag:s9] =	ssyncset.done $0x0  }
0x1f4: {  	s26 =	simm.s32 $0x3870;
	[sflag:s9] =	ssyncadd.s32 $0xFFFFF800  }
0x1f5: {  	s24 =	simm.s32 $0x1870;
	v1 =	vld [tilespmem:s26+$0x0]  }
0x1f6: {  	v2 =	vld [tilespmem:s24+$0x0]  }
0x1f7: {  	v0 =	vld [tilespmem:s24+$0xFFFFFF90]  }
0x1f8: {  	v3 =	vld [tilespmem:s26+$0xFFFFFFA0]  }
0x1f9: {  	v4 =	vld [tilespmem:s24+$0xFFFFFFA0]  }
0x1fa: {  	v5 =	vld [tilespmem:s26+$0xFFFFFFB0]  }
0x1fb: {  	v6 =	vld [tilespmem:s24+$0xFFFFFFB0]  }
0x1fc: {  	v7 =	vld [tilespmem:s26+$0xFFFFFFC0]  }
0x1fd: {  	v8 =	vld [tilespmem:s24+$0xFFFFFFC0]  }
0x1fe: {  	v9 =	vld [tilespmem:s26+$0xFFFFFFD0]  }
0x1ff: {  	v10 =	vld [tilespmem:s24+$0xFFFFFFD0];
	v2 =	vadd.f32 v2, v1  }
0x200: {  	v4 =	vadd.f32 v4, v3;
	v1 =	vld [tilespmem:s26+$0xFFFFFFE0]  }
0x201: {  	s10 =	simm.s32 $0x5870;
	v5 =	vadd.f32 v6, v5;
	v3 =	vld [tilespmem:s24+$0xFFFFFFE0];
	v2 =	vmax.f32 v2, $0.0e+00  }
0x202: {  	v6 =	vadd.f32 v8, v7;
	v4 =	vmax.f32 v4, $0.0e+00;
	[tilespmem:s10+$0x0] =	vst v2;
	v2 =	vld [tilespmem:s26+$0xFFFFFFF0]  }
0x203: {  	[tilespmem:s10+$0xFFFFFFA0] =	vst v4;
	v4 =	vmax.f32 v5, $0.0e+00;
	v5 =	vld [tilespmem:s24+$0xFFFFFFF0]  }
0x204: {  	s13 =	simm.s32 $0x0;
	s25 =	simm.s32 $0x38F0;
	v7 =	vmax.f32 v6, $0.0e+00;
	v6 =	vadd.f32 v10, v9;
	[tilespmem:s10+$0xFFFFFFB0] =	vst v4;
	v4 =	vld [tilespmem:s26+$0xFFFFFF90]  }
.LBB2_15:
0x205: {  	v8 =	vld [tilespmem:s25+$0x0];
	[tilespmem:s10+$0xFFFFFFC0] =	vst v7;
	s24 =	sadd.s32 $0x80, s24  }
0x206: {  	s13 =	sadd.s32 $0x8, s13;
	v7 =	vld [tilespmem:s24+$0x0];
	v6 =	vmax.f32 v6, $0.0e+00;
	v1 =	vadd.f32 v3, v1  }
0x207: {  	p1 =	slt.u32 s13, $0x78;
	v3 =	vld [tilespmem:s24+$0xFFFFFF90];
	[tilespmem:s10+$0xFFFFFFD0] =	vst v6  }
0x208: {  	v6 =	vld [tilespmem:s25+$0xFFFFFFA0];
	v1 =	vmax.f32 v1, $0.0e+00;
	v2 =	vadd.f32 v5, v2  }
0x209: {  	v5 =	vld [tilespmem:s24+$0xFFFFFFA0];
	v9 =	vadd.f32 v0, v4;
	[tilespmem:s10+$0xFFFFFFE0] =	vst v1  }
0x20a: {  	v1 =	vld [tilespmem:s25+$0xFFFFFFB0];
	v2 =	vmax.f32 v2, $0.0e+00  }
0x20b: {  	v4 =	vld [tilespmem:s24+$0xFFFFFFB0];
	v7 =	vadd.f32 v7, v8;
	v8 =	vmax.f32 v9, $0.0e+00;
	[tilespmem:s10+$0xFFFFFFF0] =	vst v2  }
0x20c: {  	v2 =	vld [tilespmem:s25+$0xFFFFFFC0];
	[tilespmem:s10+$0xFFFFFF90] =	vst v8;
	v0 =	vmov v3  }
0x20d: {  	s10 =	sadd.s32 $0x80, s10;
	v8 =	vld [tilespmem:s24+$0xFFFFFFC0];
	v3 =	vmax.f32 v7, $0.0e+00  }
0x20e: {  	v5 =	vadd.f32 v5, v6;
	v6 =	vld [tilespmem:s25+$0xFFFFFFD0];
	[tilespmem:s10+$0x0] =	vst v3  }
0x20f: {  	v9 =	vld [tilespmem:s24+$0xFFFFFFD0]  }
.Ltmp8:
0x210: {  	v3 =	vmax.f32 v5, $0.0e+00;
	v4 =	vadd.f32 v4, v1;
	v1 =	vld [tilespmem:s25+$0xFFFFFFE0];
	(pc) =	sbr.rel @p1 .LBB2_15-.Ltmp8, $4  }
0x211: {  	[tilespmem:s10+$0xFFFFFFA0] =	vst v3;
	v3 =	vld [tilespmem:s24+$0xFFFFFFE0]  }
0x212: {  	v4 =	vmax.f32 v4, $0.0e+00;
	v7 =	vadd.f32 v8, v2;
	v2 =	vld [tilespmem:s25+$0xFFFFFFF0]  }
0x213: {  	[tilespmem:s10+$0xFFFFFFB0] =	vst v4;
	v5 =	vld [tilespmem:s24+$0xFFFFFFF0]  }
0x214: {  	v4 =	vld [tilespmem:s25+$0xFFFFFF90];
	v7 =	vmax.f32 v7, $0.0e+00;
	v6 =	vadd.f32 v9, v6;
	s25 =	sadd.s32 $0x80, s25  }
0x215: {  	_ =	sdelay $0x1  }
0x216: {  	v1 =	vadd.f32 v3, v1  }
0x217: {  	[tilespmem:s10+$0xFFFFFFC0] =	vst v7;
	v3 =	vmax.f32 v6, $0.0e+00;
	v2 =	vadd.f32 v5, v2  }
0x218: {  	[tilespmem:s10+$0xFFFFFFD0] =	vst v3;
	v1 =	vmax.f32 v1, $0.0e+00;
	v0 =	vadd.f32 v0, v4  }
0x219: {  	[tilespmem:s10+$0xFFFFFFE0] =	vst v1;
	v1 =	vmax.f32 v2, $0.0e+00  }
0x21a: {  	v0 =	vmax.f32 v0, $0.0e+00;
	[tilespmem:s10+$0xFFFFFFF0] =	vst v1  }
0x21b: {  	s26 =	simm.s32 $0x5800;
	s13 =	simm.s32 $0x680;
	[tilespmem:s10+$0xFFFFFF90] =	vst v0  }
0x21c: {  	[spmem:s4] =	stream.indirect.scatter.add.f32 [tilespmem:s26], [sflag:$0x13], $0x10, s13, s0, $0xb8;
	[tilespmem:$0x1F000] =	vst v63  }
0x21d: {  	s10 =	rddreg [dreg:$0x1b]  }
0x21e: {  	s10 =	sadd.s32 @!p0 s23, s10  }
0x21f: {  	s25 =	simm.s32 @!p0 $0x0;
	s13 =	sshrl.u32 @!p0 s10, $0x3  }
0x220: {  	s26 =	simm.s32 @!p0 $0x200;
	s10 =	sshll.u32 @!p0 s10, $0x1;
	s24 =	sadd.s32 @!p0 s2, s13  }
0x221: {  	[tilespmem:s26], [sflag:$0x3] =	stream.linear.gather @!p0 [hbm4b:s24+s25], $0x80, $0x38;
	[tilespmem:$0x1F000] =	vst v63  }
0x222: {  	s13 =	sadd.s32 @!p0 s3, s13;
	s10 =	sand.u32 @!p0 $0x1FFFFA00, s10;
	s24 =	simm.s32 @!p0 $0x280  }
0x223: {  	[tilespmem:s24], [sflag:$0x3] =	stream.linear.gather @!p0 [hbm4b:s13+s25], $0x80, $0x38;
	[tilespmem:$0x1F000] =	vst v63  }
0x224: {  	s10 =	sadd.s32 @!p0 s1, s10;
	s13 =	simm.s32 @!p0 $0x3800  }
0x225: {  	[tilespmem:s13], [sflag:$0xF] =	stream.linear.gather @!p0 [hbm4b:s10+s25], $0x800, $0x38;
	[tilespmem:$0x1F000] =	vst v63  }
0x226: {  	_ =	swait.ge [sflag:s28], $0x80  }
0x227: {  	[sflag:s28] =	ssyncset.done $0x0  }
0x228: {  	[sflag:s28] =	ssyncadd.s32 $0xFFFFFF80  }
0x229: {  	_ =	swait.ge [sflag:s28], $0x80  }
0x22a: {  	[sflag:s28] =	ssyncset.done $0x0  }
0x22b: {  	s24 =	simm.s32 $0x2000;
	s25 =	simm.s32 $0x700;
	[sflag:s28] =	ssyncadd.s32 $0xFFFFFF80  }
0x22c: {  	[tilespmem:s24], [sflag:$0xC] =	stream.indirect.gather [hbm4b:s7+s0], $0x10, s25, s0, $0xb8;
	[tilespmem:$0x1F000] =	vst v63  }
0x22d: {  	_ =	swait.ge [sflag:s29], $0x800  }
0x22e: {  	[sflag:s29] =	ssyncset.done $0x0  }
0x22f: {  	[sflag:s29] =	ssyncadd.s32 $0xFFFFF800  }
0x230: {  	_ =	swait.ge [sflag:s18], $0x800  }
0x231: {  	[sflag:s18] =	ssyncset.done $0x0  }
0x232: {  	[sflag:s18] =	ssyncadd.s32 $0xFFFFF800  }
0x233: {  	_ =	swait.ge [sflag:s20], $0x800  }
0x234: {  	[sflag:s20] =	ssyncset.done $0x0  }
0x235: {  	s26 =	simm.s32 $0x4070;
	[sflag:s20] =	ssyncadd.s32 $0xFFFFF800  }
0x236: {  	s24 =	simm.s32 $0x2070;
	v1 =	vld [tilespmem:s26+$0x0]  }
0x237: {  	v2 =	vld [tilespmem:s24+$0x0]  }
0x238: {  	v0 =	vld [tilespmem:s24+$0xFFFFFF90]  }
0x239: {  	v3 =	vld [tilespmem:s26+$0xFFFFFFA0]  }
0x23a: {  	v4 =	vld [tilespmem:s24+$0xFFFFFFA0]  }
0x23b: {  	v5 =	vld [tilespmem:s26+$0xFFFFFFB0]  }
0x23c: {  	v6 =	vld [tilespmem:s24+$0xFFFFFFB0]  }
0x23d: {  	v7 =	vld [tilespmem:s26+$0xFFFFFFC0]  }
0x23e: {  	v8 =	vld [tilespmem:s24+$0xFFFFFFC0]  }
0x23f: {  	v9 =	vld [tilespmem:s26+$0xFFFFFFD0]  }
0x240: {  	v10 =	vld [tilespmem:s24+$0xFFFFFFD0];
	v2 =	vadd.f32 v2, v1  }
0x241: {  	v4 =	vadd.f32 v4, v3;
	v1 =	vld [tilespmem:s26+$0xFFFFFFE0]  }
0x242: {  	s10 =	simm.s32 $0x6070;
	v5 =	vadd.f32 v6, v5;
	v3 =	vld [tilespmem:s24+$0xFFFFFFE0];
	v2 =	vmax.f32 v2, $0.0e+00  }
0x243: {  	v6 =	vadd.f32 v8, v7;
	v4 =	vmax.f32 v4, $0.0e+00;
	[tilespmem:s10+$0x0] =	vst v2;
	v2 =	vld [tilespmem:s26+$0xFFFFFFF0]  }
0x244: {  	[tilespmem:s10+$0xFFFFFFA0] =	vst v4;
	v4 =	vmax.f32 v5, $0.0e+00;
	v5 =	vld [tilespmem:s24+$0xFFFFFFF0]  }
0x245: {  	s13 =	simm.s32 $0x0;
	s25 =	simm.s32 $0x40F0;
	v7 =	vmax.f32 v6, $0.0e+00;
	v6 =	vadd.f32 v10, v9;
	[tilespmem:s10+$0xFFFFFFB0] =	vst v4;
	v4 =	vld [tilespmem:s26+$0xFFFFFF90]  }
.LBB2_17:
0x246: {  	v8 =	vld [tilespmem:s25+$0x0];
	[tilespmem:s10+$0xFFFFFFC0] =	vst v7;
	s24 =	sadd.s32 $0x80, s24  }
0x247: {  	s13 =	sadd.s32 $0x8, s13;
	v7 =	vld [tilespmem:s24+$0x0];
	v6 =	vmax.f32 v6, $0.0e+00;
	v1 =	vadd.f32 v3, v1  }
0x248: {  	p1 =	slt.u32 s13, $0x78;
	v3 =	vld [tilespmem:s24+$0xFFFFFF90];
	[tilespmem:s10+$0xFFFFFFD0] =	vst v6  }
0x249: {  	v6 =	vld [tilespmem:s25+$0xFFFFFFA0];
	v1 =	vmax.f32 v1, $0.0e+00;
	v2 =	vadd.f32 v5, v2  }
0x24a: {  	v5 =	vld [tilespmem:s24+$0xFFFFFFA0];
	v9 =	vadd.f32 v0, v4;
	[tilespmem:s10+$0xFFFFFFE0] =	vst v1  }
0x24b: {  	v1 =	vld [tilespmem:s25+$0xFFFFFFB0];
	v2 =	vmax.f32 v2, $0.0e+00  }
0x24c: {  	v4 =	vld [tilespmem:s24+$0xFFFFFFB0];
	v7 =	vadd.f32 v7, v8;
	v8 =	vmax.f32 v9, $0.0e+00;
	[tilespmem:s10+$0xFFFFFFF0] =	vst v2  }
0x24d: {  	v2 =	vld [tilespmem:s25+$0xFFFFFFC0];
	[tilespmem:s10+$0xFFFFFF90] =	vst v8;
	v0 =	vmov v3  }
0x24e: {  	s10 =	sadd.s32 $0x80, s10;
	v8 =	vld [tilespmem:s24+$0xFFFFFFC0];
	v3 =	vmax.f32 v7, $0.0e+00  }
0x24f: {  	v5 =	vadd.f32 v5, v6;
	v6 =	vld [tilespmem:s25+$0xFFFFFFD0];
	[tilespmem:s10+$0x0] =	vst v3  }
0x250: {  	v9 =	vld [tilespmem:s24+$0xFFFFFFD0]  }
.Ltmp9:
0x251: {  	v3 =	vmax.f32 v5, $0.0e+00;
	v4 =	vadd.f32 v4, v1;
	v1 =	vld [tilespmem:s25+$0xFFFFFFE0];
	(pc) =	sbr.rel @p1 .LBB2_17-.Ltmp9, $4  }
0x252: {  	[tilespmem:s10+$0xFFFFFFA0] =	vst v3;
	v3 =	vld [tilespmem:s24+$0xFFFFFFE0]  }
0x253: {  	v4 =	vmax.f32 v4, $0.0e+00;
	v7 =	vadd.f32 v8, v2;
	v2 =	vld [tilespmem:s25+$0xFFFFFFF0]  }
0x254: {  	[tilespmem:s10+$0xFFFFFFB0] =	vst v4;
	v5 =	vld [tilespmem:s24+$0xFFFFFFF0]  }
0x255: {  	v4 =	vld [tilespmem:s25+$0xFFFFFF90];
	v7 =	vmax.f32 v7, $0.0e+00;
	v6 =	vadd.f32 v9, v6;
	s25 =	sadd.s32 $0x80, s25  }
0x256: {  	_ =	sdelay $0x1  }
0x257: {  	v1 =	vadd.f32 v3, v1  }
0x258: {  	[tilespmem:s10+$0xFFFFFFC0] =	vst v7;
	v62 =	vmax.f32 v6, $0.0e+00;
	v2 =	vadd.f32 v5, v2  }
.Ltmp10:
0x259: {  	[tilespmem:s10+$0xFFFFFFD0] =	vst v62;
	v1 =	vmax.f32 v1, $0.0e+00;
	v0 =	vadd.f32 v0, v4;
	(pc) =	sbr.rel @p0 .LBB2_20-.Ltmp10, $4  }
0x25a: {  	[tilespmem:s10+$0xFFFFFFE0] =	vst v1;
	v63 =	vmax.f32 v2, $0.0e+00  }
0x25b: {  	v0 =	vmax.f32 v0, $0.0e+00;
	[tilespmem:s10+$0xFFFFFFF0] =	vst v63  }
0x25c: {  	s26 =	simm.s32 $0x6000;
	s13 =	simm.s32 $0x780;
	[tilespmem:s10+$0xFFFFFF90] =	vst v0  }
0x25d: {  	[spmem:s4] =	stream.indirect.scatter.add.f32 [tilespmem:s26], [sflag:$0x14], $0x10, s13, s0, $0xb8;
	[tilespmem:$0x1F000] =	vst v63  }
0x25e: {  	s10 =	rddreg [dreg:$0x1c]  }
0x25f: {  	s10 =	sadd.s32 s23, s10  }
0x260: {  	s13 =	sshrl.u32 s10, $0x3  }
0x261: {  	s24 =	simm.s32 $0x300;
	s10 =	sshll.u32 s10, $0x1;
	s26 =	sadd.s32 s2, s13  }
0x262: {  	[tilespmem:s24], [sflag:$0x4] =	stream.linear.gather [hbm4b:s26+s5], $0x80, $0x38;
	[tilespmem:$0x1F000] =	vst v63  }
0x263: {  	s13 =	sadd.s32 s3, s13;
	s10 =	sand.u32 $0x1FFFFB00, s10;
	s24 =	simm.s32 $0x380  }
0x264: {  	[tilespmem:s24], [sflag:$0x4] =	stream.linear.gather [hbm4b:s13+s5], $0x80, $0x38;
	[tilespmem:$0x1F000] =	vst v63  }
0x265: {  	s25 =	simm.s32 $0x4000;
	s10 =	sadd.s32 s1, s10  }
0x266: {  	[tilespmem:s25], [sflag:$0x10] =	stream.linear.gather [hbm4b:s10+s5], $0x800, $0x38;
	[tilespmem:$0x1F000] =	vst v63  }
0x267: {  	_ =	swait.ge [sflag:s19], $0x80  }
0x268: {  	[sflag:s19] =	ssyncset.done $0x0  }
.Ltmp11:
0x269: {  	[sflag:s19] =	ssyncadd.s32 $0xFFFFFF80;
	(pc) =	sbr.rel .LBB2_2-.Ltmp11, $4  }
0x26a: {  	_ =	swait.ge [sflag:s19], $0x80  }
0x26b: {  	[sflag:s19] =	ssyncset.done $0x0  }
0x26c: {  	s17 =	sadd.s32 $0x1, s17;
	s26 =	simm.s32 $0x800;
	[sflag:s19] =	ssyncadd.s32 $0xFFFFFF80  }
0x26d: {  	[tilespmem:s26], [sflag:$0x9] =	stream.indirect.gather [hbm4b:s7+s0], $0x10, s5, s0, $0xb8;
	[tilespmem:$0x1F000] =	vst v63  }
.LBB2_21:
0x26e: {  	_ =	sfence.sel $0x180000  }
0x26f: {  	[bflag:$0x0] =	sbarrier.arrive $0xFFFF  }
0x270: {  	_ =	strace $0x90000047  }
0x271: {  	s0 =	stileid.u32;
	[bflag:$0x2] =	sbarrier.arrive $0xFFFF  }
0x272: {  	p0 =	sne.s32 s0, $0x0;
	s0 =	rddreg [dreg:$0x6]  }
0x273: {  	s0 =	sadd.s32 @!p0 $0x100000, s0  }
0x274: {  	[sflag:s0] =	ssyncadd.tile.s32 @!p0 $0x1;
	_ =	shalt  }
.Lfunc_end2:
_tile_overlayer_lowered:
.L_overlay_start_2:
0x275: {  	(tag) =	ssettag $0x2  }
0x276: {  	s0 =	rddreg [dreg:$0x0];
	s2 =	stileid.u32  }
0x277: {  	s1 =	rddreg [dreg:$0x1];
	p0 =	sne.s32 s2, $0x0  }
0x278: {  	s3 =	rddreg [dreg:$0x2];
	[bflag:$0x3] =	sbarrier.arrive $0xFFFF;
	s2 =	simm.s32 @!p0 $0x1C15  }
0x279: {  	[timem:s3], [sflag:s2] =	dma.local @!p0 [hbm:s0], s1  }
0x27a: {  	s0 =	simm.s32 @!p0 $0x15  }
0x27b: {  	_ =	swait.ge @!p0 [sflag:s0], s1  }
0x27c: {  	s1 =	ssub.s32 @!p0 $0x0, s1;
	[sflag:s0] =	ssyncset.done @!p0 $0x0  }
0x27d: {  	[sflag:s0] =	ssyncadd.s32 @!p0 s1  }
0x27e: {  	[bflag:$0x3] =	sbarrier.arrive $0xFFFF  }
0x27f: {  	_ =	shalt  }

</sc_bundles>
